<compile_context>
chip_gen: v7x
topology: tpu7x:2x2x1
jax: 0.10.2.dev20260603
libtpu: 0.0.44.dev20260713+nightly
codegen_flags: <defaults>
</compile_context>

<pallas_src>
import jax
import jax.numpy as jnp
from jax import lax
from jax.experimental import pallas as pl
from jax.experimental.pallas import tpu as pltpu
from jax.experimental.pallas import tpu_sc as plsc

N = 10000
D = 128
E = 160000
C = 96
NT = 16
EPT = E // NT
EPTP = 10176
NCH = EPTP // C
HALF = NCH // 2
NP = 10240
SL = NP // NT
RPT = N // NT
RZ = 125
NZ = RPT // RZ
NBLK = 10
RB = N // NBLK


def _logits_body(fs_ref, fd_ref, w_ref, al_ref, ar_ref, out_ref):
    rows1, rows2, vrows = [], [], []
    z = jnp.zeros((1, D), jnp.float32)
    for k in range(8):
        u = lax.dot_general(al_ref[k:k + 1, :], w_ref[k],
                            (((1,), (1,)), ((), ())),
                            preferred_element_type=jnp.float32)
        v = lax.dot_general(ar_ref[k:k + 1, :], w_ref[k],
                            (((1,), (1,)), ((), ())),
                            preferred_element_type=jnp.float32)
        if k in (0, 1, 4, 5):
            rows1.append(u)
            rows2.append(z)
        else:
            rows1.append(z)
            rows2.append(u)
        vrows.append(v)
    u1 = jnp.concatenate(rows1 + [jnp.zeros((8, D), jnp.float32)], axis=0)
    u2 = jnp.concatenate(rows2 + vrows, axis=0)
    fs = fs_ref[...]
    fd = fd_ref[...]
    out_ref[...] = (
        lax.dot_general(u1, fs, (((1,), (1,)), ((), ())),
                        preferred_element_type=jnp.float32)
        + lax.dot_general(u2, fd, (((1,), (1,)), ((), ())),
                          preferred_element_type=jnp.float32))


def _sc_edge_body(ftab, edges, eler, zrows, zvec, out_num, out_s,
                  acc, s0_sh, s1_sh, el0_sh, el1_sh, er0_sh, er1_sh,
                  sidx, didx, rows0, rows1,
                  elg00, elg01, elg10, elg11, erg00, erg01, erg10, erg11,
                  exv00, exv01, exv10, exv11,
                  semr0, semr1, seme0, seme1, semf0, semf1,
                  sems0, sems1, semx0, semx1):
    cid = lax.axis_index("c")
    sid = lax.axis_index("s")
    rows_b = (rows0, rows1)
    elg0_b = (elg00, elg01)
    elg1_b = (elg10, elg11)
    erg0_b = (erg00, erg01)
    erg1_b = (erg10, erg11)
    exv0_b = (exv00, exv01)
    exv1_b = (exv10, exv11)
    semr = (semr0, semr1)
    seme = (seme0, seme1)
    semf = (semf0, semf1)
    sems = (sems0, sems1)
    semx = (semx0, semx1)

    for p in range(2):
        l0 = cid + 4 * p
        l1 = cid + 2 + 4 * p
        slot = p * 2 + cid
        srow = p
        drow = 1 - srow
        sbase = (cid * 2 + srow) * (NT * EPTP) + sid * EPTP
        dbase = (cid * 2 + drow) * (NT * EPTP) + sid * EPTP

        pltpu.sync_copy(edges.at[pl.ds(sbase, EPTP)], sidx)
        pltpu.sync_copy(edges.at[pl.ds(dbase, EPTP)], didx)
        sl0 = pl.ds(sid * SL, SL)
        pltpu.sync_copy(eler.at[pl.ds(l0 * NP + sid * SL, SL)],
                        el0_sh.at[sl0])
        pltpu.sync_copy(eler.at[pl.ds(l1 * NP + sid * SL, SL)],
                        el1_sh.at[sl0])
        pltpu.sync_copy(eler.at[pl.ds((8 + l0) * NP + sid * SL, SL)],
                        er0_sh.at[sl0])
        pltpu.sync_copy(eler.at[pl.ds((8 + l1) * NP + sid * SL, SL)],
                        er1_sh.at[sl0])
        for j in range(NZ):
            pltpu.sync_copy(zrows, acc.at[pl.ds(sid * RPT + j * RZ, RZ)])
        pltpu.sync_copy(zvec, s0_sh.at[sl0])
        pltpu.sync_copy(zvec, s1_sh.at[sl0])

        @pl.when(sid == 0)
        def _():
            pltpu.sync_copy(zrows.at[pl.ds(0, 8)], acc.at[pl.ds(N, 8)])

        plsc.subcore_barrier()

        def issue(b, ci):
            svw = sidx.at[pl.ds(ci * C, C)]
            dvw = didx.at[pl.ds(ci * C, C)]
            pltpu.async_copy(el0_sh.at[svw], elg0_b[b], seme[b])
            pltpu.async_copy(el1_sh.at[svw], elg1_b[b], seme[b])
            pltpu.async_copy(er0_sh.at[dvw], erg0_b[b], semf[b])
            pltpu.async_copy(er1_sh.at[dvw], erg1_b[b], semf[b])
            pltpu.async_copy(ftab.at[svw], rows_b[b], semr[b])

        def wait_gathers(b, ci):
            svw = sidx.at[pl.ds(ci * C, C)]
            dvw = didx.at[pl.ds(ci * C, C)]
            pltpu.make_async_copy(el0_sh.at[svw], elg0_b[b], seme[b]).wait()
            pltpu.make_async_copy(el1_sh.at[svw], elg1_b[b], seme[b]).wait()
            pltpu.make_async_copy(er0_sh.at[dvw], erg0_b[b], semf[b]).wait()
            pltpu.make_async_copy(er1_sh.at[dvw], erg1_b[b], semf[b]).wait()
            pltpu.make_async_copy(ftab.at[svw], rows_b[b], semr[b]).wait()

        def compute(b):
            for j in range(C // 16):
                jj = pl.ds(j * 16, 16)
                e0 = elg0_b[b][jj] + erg0_b[b][jj]
                e0 = jnp.where(e0 >= 0.0, e0, 0.2 * e0)
                exv0_b[b][jj] = jnp.exp(e0)
                e1 = elg1_b[b][jj] + erg1_b[b][jj]
                e1 = jnp.where(e1 >= 0.0, e1, 0.2 * e1)
                exv1_b[b][jj] = jnp.exp(e1)

            @plsc.parallel_loop(0, C, unroll=2)
            def _(ei):
                bc = jnp.broadcast_to(ei, (16,))
                exb0 = plsc.load_gather(exv0_b[b], [bc])
                exb1 = plsc.load_gather(exv1_b[b], [bc])
                pk0 = plsc.pack(exb0, exb0, format=plsc.PackFormat.INTERLEAVED)
                pk1 = plsc.pack(exb1, exb1, format=plsc.PackFormat.INTERLEAVED)
                xs = [rows_b[b][ei, pl.ds(j * 32, 32)] for j in range(8)]
                for j in range(8):
                    pk = pk0 if j < 4 else pk1
                    rows_b[b][ei, pl.ds(j * 32, 32)] = xs[j] * pk

        def start_scatter(b, ci):
            dvw = didx.at[pl.ds(ci * C, C)]
            pltpu.async_copy(rows_b[b], acc.at[dvw], sems[b], add=True)
            pltpu.async_copy(exv0_b[b], s0_sh.at[dvw], semx[b], add=True)
            pltpu.async_copy(exv1_b[b], s1_sh.at[dvw], semx[b], add=True)

        def wait_scatter(b, ci):
            dvw = didx.at[pl.ds(ci * C, C)]
            pltpu.make_async_copy(rows_b[b], acc.at[dvw], sems[b]).wait()
            pltpu.make_async_copy(exv0_b[b], s0_sh.at[dvw], semx[b]).wait()
            pltpu.make_async_copy(exv1_b[b], s1_sh.at[dvw], semx[b]).wait()

        issue(0, 0)

        def pair(q, carry):
            ci0 = 2 * q
            wait_gathers(0, ci0)

            @pl.when(q > 0)
            def _():
                wait_scatter(1, ci0 - 1)

            issue(1, ci0 + 1)
            compute(0)
            start_scatter(0, ci0)

            wait_gathers(1, ci0 + 1)
            wait_scatter(0, ci0)

            @pl.when(q < HALF - 1)
            def _():
                issue(0, ci0 + 2)

            compute(1)
            start_scatter(1, ci0 + 1)
            return carry

        lax.fori_loop(0, HALF, pair, 0)
        wait_scatter(1, NCH - 1)
        plsc.subcore_barrier()

        for j in range(NZ):
            r0 = sid * RPT + j * RZ
            pltpu.sync_copy(acc.at[pl.ds(r0, RZ)],
                            out_num.at[pl.ds(slot * N + r0, RZ)])
        pltpu.sync_copy(s0_sh.at[sl0],
                        out_s.at[pl.ds((slot * 2) * NP + sid * SL, SL)])
        pltpu.sync_copy(s1_sh.at[sl0],
                        out_s.at[pl.ds((slot * 2 + 1) * NP + sid * SL, SL)])


def _combine_body(acc_ref, s_ref, fd_ref, w_ref, b_ref, lam_ref, out_ref):
    lam = [lam_ref[0], lam_ref[1], lam_ref[2], lam_ref[3]]
    sb = s_ref[...]
    total = fd_ref[...] * (2.0 * (lam[0] + lam[1] + lam[2] + lam[3]))
    for k in range(8):
        inv = 1.0 / (sb[:, k:k + 1] + 1e-9)
        rst = lax.dot_general(acc_ref[k].astype(jnp.float32) * inv, w_ref[k],
                              (((1,), (0,)), ((), ())),
                              preferred_element_type=jnp.float32)
        total = total + (rst + b_ref[k:k + 1, :]) * lam[k // 2]
    out_ref[...] = total


def kernel(feat_src, feat_dst, edge_intra, edge_inter,
           W1i, al1i, ar1i, b1i, W1e, al1e, ar1e, b1e,
           W2i, al2i, ar2i, b2i, W2e, al2e, ar2e, b2e,
           W3i, al3i, ar3i, b3i, W3e, al3e, ar3e, b3e,
           W4i, al4i, ar4i, b4i, W4e, al4e, ar4e, b4e,
           lamda1, lamda2, lamda3, lamda4):
    f32 = jnp.float32
    zpad8 = jnp.zeros((8, D), f32)
    ftab = jnp.concatenate(
        [jnp.concatenate([feat_src, zpad8], axis=0),
         jnp.concatenate([feat_dst, zpad8], axis=0)],
        axis=1).astype(jnp.bfloat16)
    wstack = jnp.stack([W1i, W1e, W2i, W2e, W3i, W3e, W4i, W4e])
    alstack = jnp.stack([al1i, al1e, al2i, al2e, al3i, al3e, al4i, al4e])
    arstack = jnp.stack([ar1i, ar1e, ar2i, ar2e, ar3i, ar3e, ar4i, ar4e])
    bstack = jnp.stack([b1i, b1e, b2i, b2e, b3i, b3e, b4i, b4e])
    lam = jnp.concatenate([lamda1, lamda2, lamda3, lamda4]).astype(f32)
    e4 = jnp.stack([edge_intra[0], edge_intra[1],
                    edge_inter[0], edge_inter[1]]).astype(jnp.int32)
    e4 = e4.reshape(4, NT, EPT)
    e4 = jnp.concatenate(
        [e4, jnp.full((4, NT, EPTP - EPT), N, jnp.int32)], axis=2)
    edges = e4.reshape(-1)

    eler = pl.pallas_call(
        _logits_body,
        out_shape=jax.ShapeDtypeStruct((16, N), f32),
    )(feat_src, feat_dst, wstack, alstack, arstack)
    eler = jnp.pad(eler, ((0, 0), (0, NP - N))).reshape(-1)

    mesh = plsc.VectorSubcoreMesh(core_axis_name="c", subcore_axis_name="s")
    bf16 = jnp.bfloat16
    acc, s_out = pl.kernel(
        _sc_edge_body,
        mesh=mesh,
        compiler_params=pltpu.CompilerParams(use_tc_tiling_on_sc=False,
                                             needs_layout_passes=False),
        out_type=(jax.ShapeDtypeStruct((4 * N, 2 * D), bf16),
                  jax.ShapeDtypeStruct((8 * NP,), f32)),
        scratch_types=[
            pltpu.VMEM_SHARED((N + 8, 2 * D), bf16),
            pltpu.VMEM_SHARED((NP,), f32),
            pltpu.VMEM_SHARED((NP,), f32),
            pltpu.VMEM_SHARED((NP,), f32),
            pltpu.VMEM_SHARED((NP,), f32),
            pltpu.VMEM_SHARED((NP,), f32),
            pltpu.VMEM_SHARED((NP,), f32),
            pltpu.VMEM((EPTP,), jnp.int32),
            pltpu.VMEM((EPTP,), jnp.int32),
            pltpu.VMEM((C, 2 * D), bf16),
            pltpu.VMEM((C, 2 * D), bf16),
            pltpu.VMEM((C,), f32),
            pltpu.VMEM((C,), f32),
            pltpu.VMEM((C,), f32),
            pltpu.VMEM((C,), f32),
            pltpu.VMEM((C,), f32),
            pltpu.VMEM((C,), f32),
            pltpu.VMEM((C,), f32),
            pltpu.VMEM((C,), f32),
            pltpu.VMEM((C,), f32),
            pltpu.VMEM((C,), f32),
            pltpu.VMEM((C,), f32),
            pltpu.VMEM((C,), f32),
            pltpu.SemaphoreType.DMA,
            pltpu.SemaphoreType.DMA,
            pltpu.SemaphoreType.DMA,
            pltpu.SemaphoreType.DMA,
            pltpu.SemaphoreType.DMA,
            pltpu.SemaphoreType.DMA,
            pltpu.SemaphoreType.DMA,
            pltpu.SemaphoreType.DMA,
            pltpu.SemaphoreType.DMA,
            pltpu.SemaphoreType.DMA,
        ],
    )(ftab, edges, eler,
      jnp.zeros((RZ, 2 * D), bf16), jnp.zeros((SL,), f32))
    acc = acc.reshape(2, 2, N, 2, D).transpose(0, 3, 1, 2, 4).reshape(
        8, N, D)
    s_t = s_out.reshape(2, 2, 2, NP).transpose(0, 2, 1, 3).reshape(
        8, NP)[:, :N].T

    out = pl.pallas_call(
        _combine_body,
        grid=(NBLK,),
        in_specs=[
            pl.BlockSpec((8, RB, D), lambda i: (0, i, 0)),
            pl.BlockSpec((RB, 8), lambda i: (i, 0)),
            pl.BlockSpec((RB, D), lambda i: (i, 0)),
            pl.BlockSpec((8, D, D), lambda i: (0, 0, 0)),
            pl.BlockSpec((8, D), lambda i: (0, 0)),
            pl.BlockSpec(memory_space=pltpu.SMEM),
        ],
        out_specs=pl.BlockSpec((RB, D), lambda i: (i, 0)),
        out_shape=jax.ShapeDtypeStruct((N, D), f32),
    )(acc, s_t, feat_dst, wstack, bstack, lam)
    return out

# --- scband reference (transcript-rebuilt; emitter-appended) ---
"""Pipeline reference for scband-mshgnn-26096221290896 (READ-ONLY COPY).

The authoritative reference and input builder live on the scoring server;
editing this copy changes nothing except your own understanding.
"""

import jax, jax.numpy as jnp
import numpy as np

N = 10000
D = 128
E = 160000

def _gat(W, al, ar, b, feat_s, feat_d, src, dst, n):
    # DGL GATConv, 1 head, residual=True (identity since in==out), no activation
    zs = feat_s @ W
    zd = feat_d @ W
    el = zs @ al
    er = zd @ ar
    e = jax.nn.leaky_relu(el[src] + er[dst], negative_slope=0.2)
    m = jax.ops.segment_max(e, dst, num_segments=n)
    m = jax.lax.stop_gradient(jnp.where(jnp.isfinite(m), m, 0.0))
    ex = jnp.exp(e - m[dst])
    s = jax.ops.segment_sum(ex, dst, num_segments=n)
    alpha = ex / (s[dst] + 1e-9)
    rst = jax.ops.segment_sum(alpha[:, None] * zs[src], dst, num_segments=n)
    return rst + feat_d + b

def _forward(p, edge_intra, edge_inter):
    fs, fd = p['feat_src'], p['feat_dst']
    si, di = edge_intra[0], edge_intra[1]
    se, de = edge_inter[0], edge_inter[1]
    def block(c, f_s, f_d, s_i, d_i, s_e, d_e):
        hi = _gat(p['W%di' % c], p['al%di' % c], p['ar%di' % c], p['b%di' % c], f_s, f_d, s_i, d_i, N)
        he = _gat(p['W%de' % c], p['al%de' % c], p['ar%de' % c], p['b%de' % c], f_s, f_d, s_e, d_e, N)
        return hi + he  # HeteroGraphConv aggregate='sum'
    h10 = block(1, fs, fd, si, di, se, de)           # conv1(g, (feat_src, feat_dst))
    h11 = block(2, fd, fd, si, di, se, de)           # conv2(g, (feat_dst, feat_dst))
    h20 = block(3, fs, fd, di, si, de, se)           # conv3(g.reverse(), (feat_src, feat_dst))
    h21 = block(4, fd, fd, di, si, de, se)           # conv4(g.reverse(), (feat_dst, feat_dst))
    hl = p['lamda1'] * h10 + p['lamda2'] * h11       # hybrid granularity
    hr = p['lamda3'] * h20 + p['lamda4'] * h21
    h = hl + hr                                      # head dim is 1 so .max(1)[0] is a no-op squeeze
    return h

def setup_inputs(seed: int = 0):
    key = jax.random.key(seed)
    ks = jax.random.split(key, 40)
    inp = {}
    inp['feat_src'] = jax.random.normal(ks[0], (N, D), jnp.float32)
    inp['feat_dst'] = jax.random.normal(ks[1], (N, D), jnp.float32)
    inp['edge_intra'] = jax.random.randint(ks[2], (2, E), 0, N, dtype=jnp.int32)
    inp['edge_inter'] = jax.random.randint(ks[3], (2, E), 0, N, dtype=jnp.int32)
    k = 4
    for c in range(1, 5):
        for r in ('i', 'e'):
            inp['W%d%s' % (c, r)] = jax.random.normal(ks[k], (D, D), jnp.float32) * (1.0 / np.sqrt(D)); k += 1
            inp['al%d%s' % (c, r)] = jax.random.normal(ks[k], (D,), jnp.float32) * 0.1; k += 1
            inp['ar%d%s' % (c, r)] = jax.random.normal(ks[k], (D,), jnp.float32) * 0.1; k += 1
            inp['b%d%s' % (c, r)] = jnp.zeros((D,), jnp.float32)
    for i in range(1, 5):
        inp['lamda%d' % i] = jnp.full((1,), 0.5, jnp.float32)
    return inp

def reference(feat_src, feat_dst, edge_intra, edge_inter,
              W1i, al1i, ar1i, b1i, W1e, al1e, ar1e, b1e,
              W2i, al2i, ar2i, b2i, W2e, al2e, ar2e, b2e,
              W3i, al3i, ar3i, b3i, W3e, al3e, ar3e, b3e,
              W4i, al4i, ar4i, b4i, W4e, al4e, ar4e, b4e,
              lamda1, lamda2, lamda3, lamda4):
    p = {
        'feat_src': feat_src, 'feat_dst': feat_dst,
        'W1i': W1i, 'al1i': al1i, 'ar1i': ar1i, 'b1i': b1i,
        'W1e': W1e, 'al1e': al1e, 'ar1e': ar1e, 'b1e': b1e,
        'W2i': W2i, 'al2i': al2i, 'ar2i': ar2i, 'b2i': b2i,
        'W2e': W2e, 'al2e': al2e, 'ar2e': ar2e, 'b2e': b2e,
        'W3i': W3i, 'al3i': al3i, 'ar3i': ar3i, 'b3i': b3i,
        'W3e': W3e, 'al3e': al3e, 'ar3e': ar3e, 'b3e': b3e,
        'W4i': W4i, 'al4i': al4i, 'ar4i': ar4i, 'b4i': b4i,
        'W4e': W4e, 'al4e': al4e, 'ar4e': ar4e, 'b4e': b4e,
        'lamda1': lamda1, 'lamda2': lamda2, 'lamda3': lamda3, 'lamda4': lamda4,
    }
    return _forward(p, edge_intra, edge_inter)

if __name__ == "__main__":
    import jax
    _d = setup_inputs()
    print(jax.jit(kernel)(*tuple(_d.values())))

</pallas_src>

<mosaic_0001>
#map = affine_map<(d0, d1) -> (0, 0)>
#map1 = affine_map<(d0, d1) -> (0)>
module attributes {stable_mosaic.version = 14 : i64} {
  func.func @_sc_edge_body(%arg0: i32, %arg1: i32, %arg2: memref<10008x256xbf16, #tpu.memory_space<hbm>>, %arg3: memref<651264xi32, #tpu.memory_space<hbm>>, %arg4: memref<163840xf32, #tpu.memory_space<hbm>>, %arg5: memref<125x256xbf16, #tpu.memory_space<hbm>>, %arg6: memref<640xf32, #tpu.memory_space<hbm>>, %arg7: memref<40000x256xbf16, #tpu.memory_space<hbm>>, %arg8: memref<81920xf32, #tpu.memory_space<hbm>>, %arg9: memref<10008x256xbf16, #tpu.memory_space<vmem_shared>>, %arg10: memref<10240xf32, #tpu.memory_space<vmem_shared>>, %arg11: memref<10240xf32, #tpu.memory_space<vmem_shared>>, %arg12: memref<10240xf32, #tpu.memory_space<vmem_shared>>, %arg13: memref<10240xf32, #tpu.memory_space<vmem_shared>>, %arg14: memref<10240xf32, #tpu.memory_space<vmem_shared>>, %arg15: memref<10240xf32, #tpu.memory_space<vmem_shared>>, %arg16: memref<10176xi32, #tpu.memory_space<vmem>>, %arg17: memref<10176xi32, #tpu.memory_space<vmem>>, %arg18: memref<96x256xbf16, #tpu.memory_space<vmem>>, %arg19: memref<96x256xbf16, #tpu.memory_space<vmem>>, %arg20: memref<96xf32, #tpu.memory_space<vmem>>, %arg21: memref<96xf32, #tpu.memory_space<vmem>>, %arg22: memref<96xf32, #tpu.memory_space<vmem>>, %arg23: memref<96xf32, #tpu.memory_space<vmem>>, %arg24: memref<96xf32, #tpu.memory_space<vmem>>, %arg25: memref<96xf32, #tpu.memory_space<vmem>>, %arg26: memref<96xf32, #tpu.memory_space<vmem>>, %arg27: memref<96xf32, #tpu.memory_space<vmem>>, %arg28: memref<96xf32, #tpu.memory_space<vmem>>, %arg29: memref<96xf32, #tpu.memory_space<vmem>>, %arg30: memref<96xf32, #tpu.memory_space<vmem>>, %arg31: memref<96xf32, #tpu.memory_space<vmem>>, %arg32: memref<!tpu.dma_semaphore, #tpu.memory_space<semaphore_mem>>, %arg33: memref<!tpu.dma_semaphore, #tpu.memory_space<semaphore_mem>>, %arg34: memref<!tpu.dma_semaphore, #tpu.memory_space<semaphore_mem>>, %arg35: memref<!tpu.dma_semaphore, #tpu.memory_space<semaphore_mem>>, %arg36: memref<!tpu.dma_semaphore, #tpu.memory_space<semaphore_mem>>, %arg37: memref<!tpu.dma_semaphore, #tpu.memory_space<semaphore_mem>>, %arg38: memref<!tpu.dma_semaphore, #tpu.memory_space<semaphore_mem>>, %arg39: memref<!tpu.dma_semaphore, #tpu.memory_space<semaphore_mem>>, %arg40: memref<!tpu.dma_semaphore, #tpu.memory_space<semaphore_mem>>, %arg41: memref<!tpu.dma_semaphore, #tpu.memory_space<semaphore_mem>>) attributes {dimension_semantics = [#tpu.dimension_semantics<core_parallel>, #tpu.dimension_semantics<subcore_parallel>], iteration_bounds = array<i64: 2, 16>, scalar_prefetch = 0 : i64, scratch_operands = 33 : i64, tpu.core_type = #tpu.core_type<sc_vector_subcore>, window_params = [{transform_indices = #map}, {transform_indices = #map1}, {transform_indices = #map1}, {transform_indices = #map}, {transform_indices = #map1}, {transform_indices = #map}, {transform_indices = #map1}]} {
    %add3A = arith.constant 0 : i32
    %add3A_0 = arith.addi %arg0, %add3A : i32
    %add3A_1 = arith.constant 2 : i32
    %add3A_2 = arith.addi %arg0, %add3A_1 : i32
    %add3A_3 = arith.constant 0 : i32
    %add3A_4 = arith.addi %add3A_2, %add3A_3 : i32
    %add3A_5 = arith.constant 0 : i32
    %add3A_6 = arith.addi %add3A_5, %arg0 : i32
    %mul3A = arith.constant 2 : i32
    %mul3A_7 = arith.muli %arg0, %mul3A : i32
    %add3A_8 = arith.constant 0 : i32
    %add3A_9 = arith.addi %mul3A_7, %add3A_8 : i32
    %mul3A_10 = arith.constant 162816 : i32
    %mul3A_11 = arith.muli %add3A_9, %mul3A_10 : i32
    %mul3A_12 = arith.constant 10176 : i32
    %mul3A_13 = arith.muli %arg1, %mul3A_12 : i32
    %add3A_14 = arith.addi %mul3A_11, %mul3A_13 : i32
    %mul3A_15 = arith.constant 2 : i32
    %mul3A_16 = arith.muli %arg0, %mul3A_15 : i32
    %add3A_17 = arith.constant 1 : i32
    %add3A_18 = arith.addi %mul3A_16, %add3A_17 : i32
    %mul3A_19 = arith.constant 162816 : i32
    %mul3A_20 = arith.muli %add3A_18, %mul3A_19 : i32
    %mul3A_21 = arith.constant 10176 : i32
    %mul3A_22 = arith.muli %arg1, %mul3A_21 : i32
    %add3A_23 = arith.addi %mul3A_20, %mul3A_22 : i32
    "tpu.region"() ({
      %run_scoped3A = tpu.sem_alloc : memref<!tpu.dma_semaphore, #tpu.memory_space<semaphore_mem>>
      %dma_start3A_331 = tpu.memref_slice %arg3[%add3A_14] : memref<651264xi32, #tpu.memory_space<hbm>> -> memref<10176xi32, #tpu.memory_space<hbm>>
      %dma_start3A_332 = tpu.memref_slice %arg3[%add3A_14] : memref<651264xi32, #tpu.memory_space<hbm>> -> memref<10176xi32, #tpu.memory_space<hbm>>
      tpu.enqueue_dma source(%dma_start3A_332 : memref<10176xi32, #tpu.memory_space<hbm>>) target(%arg16 : memref<10176xi32, #tpu.memory_space<vmem>>) target_semaphore(%run_scoped3A : memref<!tpu.dma_semaphore, #tpu.memory_space<semaphore_mem>>)
      %dma_wait3A_333 = tpu.memref_slice %arg3[%add3A_14] : memref<651264xi32, #tpu.memory_space<hbm>> -> memref<10176xi32, #tpu.memory_space<hbm>>
      %dma_wait3A_334 = tpu.memref_slice %arg3[%add3A_14] : memref<651264xi32, #tpu.memory_space<hbm>> -> memref<10176xi32, #tpu.memory_space<hbm>>
      tpu.wait_dma2 semaphore(%run_scoped3A : memref<!tpu.dma_semaphore, #tpu.memory_space<semaphore_mem>>) src(%dma_wait3A_334 : memref<10176xi32, #tpu.memory_space<hbm>>) dst(%arg16 : memref<10176xi32, #tpu.memory_space<vmem>>)
      tpu.yield
    }) : () -> ()
    "tpu.region"() ({
      %run_scoped3A = tpu.sem_alloc : memref<!tpu.dma_semaphore, #tpu.memory_space<semaphore_mem>>
      %dma_start3A_331 = tpu.memref_slice %arg3[%add3A_23] : memref<651264xi32, #tpu.memory_space<hbm>> -> memref<10176xi32, #tpu.memory_space<hbm>>
      %dma_start3A_332 = tpu.memref_slice %arg3[%add3A_23] : memref<651264xi32, #tpu.memory_space<hbm>> -> memref<10176xi32, #tpu.memory_space<hbm>>
      tpu.enqueue_dma source(%dma_start3A_332 : memref<10176xi32, #tpu.memory_space<hbm>>) target(%arg17 : memref<10176xi32, #tpu.memory_space<vmem>>) target_semaphore(%run_scoped3A : memref<!tpu.dma_semaphore, #tpu.memory_space<semaphore_mem>>)
      %dma_wait3A_333 = tpu.memref_slice %arg3[%add3A_23] : memref<651264xi32, #tpu.memory_space<hbm>> -> memref<10176xi32, #tpu.memory_space<hbm>>
      %dma_wait3A_334 = tpu.memref_slice %arg3[%add3A_23] : memref<651264xi32, #tpu.memory_space<hbm>> -> memref<10176xi32, #tpu.memory_space<hbm>>
      tpu.wait_dma2 semaphore(%run_scoped3A : memref<!tpu.dma_semaphore, #tpu.memory_space<semaphore_mem>>) src(%dma_wait3A_334 : memref<10176xi32, #tpu.memory_space<hbm>>) dst(%arg17 : memref<10176xi32, #tpu.memory_space<vmem>>)
      tpu.yield
    }) : () -> ()
    %mul3A_24 = arith.constant 640 : i32
    %mul3A_25 = arith.muli %arg1, %mul3A_24 : i32
    %mul3A_26 = arith.constant 10240 : i32
    %mul3A_27 = arith.muli %add3A_0, %mul3A_26 : i32
    %mul3A_28 = arith.constant 640 : i32
    %mul3A_29 = arith.muli %arg1, %mul3A_28 : i32
    %add3A_30 = arith.addi %mul3A_27, %mul3A_29 : i32
    "tpu.region"() ({
      %run_scoped3A = tpu.sem_alloc : memref<!tpu.dma_semaphore, #tpu.memory_space<semaphore_mem>>
      %dma_start3A_331 = tpu.memref_slice %arg12[%mul3A_25] : memref<10240xf32, #tpu.memory_space<vmem_shared>> -> memref<640xf32, #tpu.memory_space<vmem_shared>>
      %dma_start3A_332 = tpu.memref_slice %arg4[%add3A_30] : memref<163840xf32, #tpu.memory_space<hbm>> -> memref<640xf32, #tpu.memory_space<hbm>>
      tpu.enqueue_dma source(%dma_start3A_332 : memref<640xf32, #tpu.memory_space<hbm>>) target(%dma_start3A_331 : memref<640xf32, #tpu.memory_space<vmem_shared>>) target_semaphore(%run_scoped3A : memref<!tpu.dma_semaphore, #tpu.memory_space<semaphore_mem>>)
      %dma_wait3A_333 = tpu.memref_slice %arg12[%mul3A_25] : memref<10240xf32, #tpu.memory_space<vmem_shared>> -> memref<640xf32, #tpu.memory_space<vmem_shared>>
      %dma_wait3A_334 = tpu.memref_slice %arg4[%add3A_30] : memref<163840xf32, #tpu.memory_space<hbm>> -> memref<640xf32, #tpu.memory_space<hbm>>
      tpu.wait_dma2 semaphore(%run_scoped3A : memref<!tpu.dma_semaphore, #tpu.memory_space<semaphore_mem>>) src(%dma_wait3A_334 : memref<640xf32, #tpu.memory_space<hbm>>) dst(%dma_wait3A_333 : memref<640xf32, #tpu.memory_space<vmem_shared>>)
      tpu.yield
    }) : () -> ()
    %mul3A_31 = arith.constant 10240 : i32
    %mul3A_32 = arith.muli %add3A_4, %mul3A_31 : i32
    %mul3A_33 = arith.constant 640 : i32
    %mul3A_34 = arith.muli %arg1, %mul3A_33 : i32
    %add3A_35 = arith.addi %mul3A_32, %mul3A_34 : i32
    "tpu.region"() ({
      %run_scoped3A = tpu.sem_alloc : memref<!tpu.dma_semaphore, #tpu.memory_space<semaphore_mem>>
      %dma_start3A_331 = tpu.memref_slice %arg13[%mul3A_25] : memref<10240xf32, #tpu.memory_space<vmem_shared>> -> memref<640xf32, #tpu.memory_space<vmem_shared>>
      %dma_start3A_332 = tpu.memref_slice %arg4[%add3A_35] : memref<163840xf32, #tpu.memory_space<hbm>> -> memref<640xf32, #tpu.memory_space<hbm>>
      tpu.enqueue_dma source(%dma_start3A_332 : memref<640xf32, #tpu.memory_space<hbm>>) target(%dma_start3A_331 : memref<640xf32, #tpu.memory_space<vmem_shared>>) target_semaphore(%run_scoped3A : memref<!tpu.dma_semaphore, #tpu.memory_space<semaphore_mem>>)
      %dma_wait3A_333 = tpu.memref_slice %arg13[%mul3A_25] : memref<10240xf32, #tpu.memory_space<vmem_shared>> -> memref<640xf32, #tpu.memory_space<vmem_shared>>
      %dma_wait3A_334 = tpu.memref_slice %arg4[%add3A_35] : memref<163840xf32, #tpu.memory_space<hbm>> -> memref<640xf32, #tpu.memory_space<hbm>>
      tpu.wait_dma2 semaphore(%run_scoped3A : memref<!tpu.dma_semaphore, #tpu.memory_space<semaphore_mem>>) src(%dma_wait3A_334 : memref<640xf32, #tpu.memory_space<hbm>>) dst(%dma_wait3A_333 : memref<640xf32, #tpu.memory_space<vmem_shared>>)
      tpu.yield
    }) : () -> ()
    %add3A_36 = arith.constant 8 : i32
    %add3A_37 = arith.addi %add3A_36, %add3A_0 : i32
    %mul3A_38 = arith.constant 10240 : i32
    %mul3A_39 = arith.muli %add3A_37, %mul3A_38 : i32
    %mul3A_40 = arith.constant 640 : i32
    %mul3A_41 = arith.muli %arg1, %mul3A_40 : i32
    %add3A_42 = arith.addi %mul3A_39, %mul3A_41 : i32
    "tpu.region"() ({
      %run_scoped3A = tpu.sem_alloc : memref<!tpu.dma_semaphore, #tpu.memory_space<semaphore_mem>>
      %dma_start3A_331 = tpu.memref_slice %arg14[%mul3A_25] : memref<10240xf32, #tpu.memory_space<vmem_shared>> -> memref<640xf32, #tpu.memory_space<vmem_shared>>
      %dma_start3A_332 = tpu.memref_slice %arg4[%add3A_42] : memref<163840xf32, #tpu.memory_space<hbm>> -> memref<640xf32, #tpu.memory_space<hbm>>
      tpu.enqueue_dma source(%dma_start3A_332 : memref<640xf32, #tpu.memory_space<hbm>>) target(%dma_start3A_331 : memref<640xf32, #tpu.memory_space<vmem_shared>>) target_semaphore(%run_scoped3A : memref<!tpu.dma_semaphore, #tpu.memory_space<semaphore_mem>>)
      %dma_wait3A_333 = tpu.memref_slice %arg14[%mul3A_25] : memref<10240xf32, #tpu.memory_space<vmem_shared>> -> memref<640xf32, #tpu.memory_space<vmem_shared>>
      %dma_wait3A_334 = tpu.memref_slice %arg4[%add3A_42] : memref<163840xf32, #tpu.memory_space<hbm>> -> memref<640xf32, #tpu.memory_space<hbm>>
      tpu.wait_dma2 semaphore(%run_scoped3A : memref<!tpu.dma_semaphore, #tpu.memory_space<semaphore_mem>>) src(%dma_wait3A_334 : memref<640xf32, #tpu.memory_space<hbm>>) dst(%dma_wait3A_333 : memref<640xf32, #tpu.memory_space<vmem_shared>>)
      tpu.yield
    }) : () -> ()
    %add3A_43 = arith.constant 8 : i32
    %add3A_44 = arith.addi %add3A_43, %add3A_4 : i32
    %mul3A_45 = arith.constant 10240 : i32
    %mul3A_46 = arith.muli %add3A_44, %mul3A_45 : i32
    %mul3A_47 = arith.constant 640 : i32
    %mul3A_48 = arith.muli %arg1, %mul3A_47 : i32
    %add3A_49 = arith.addi %mul3A_46, %mul3A_48 : i32
    "tpu.region"() ({
      %run_scoped3A = tpu.sem_alloc : memref<!tpu.dma_semaphore, #tpu.memory_space<semaphore_mem>>
      %dma_start3A_331 = tpu.memref_slice %arg15[%mul3A_25] : memref<10240xf32, #tpu.memory_space<vmem_shared>> -> memref<640xf32, #tpu.memory_space<vmem_shared>>
      %dma_start3A_332 = tpu.memref_slice %arg4[%add3A_49] : memref<163840xf32, #tpu.memory_space<hbm>> -> memref<640xf32, #tpu.memory_space<hbm>>
      tpu.enqueue_dma source(%dma_start3A_332 : memref<640xf32, #tpu.memory_space<hbm>>) target(%dma_start3A_331 : memref<640xf32, #tpu.memory_space<vmem_shared>>) target_semaphore(%run_scoped3A : memref<!tpu.dma_semaphore, #tpu.memory_space<semaphore_mem>>)
      %dma_wait3A_333 = tpu.memref_slice %arg15[%mul3A_25] : memref<10240xf32, #tpu.memory_space<vmem_shared>> -> memref<640xf32, #tpu.memory_space<vmem_shared>>
      %dma_wait3A_334 = tpu.memref_slice %arg4[%add3A_49] : memref<163840xf32, #tpu.memory_space<hbm>> -> memref<640xf32, #tpu.memory_space<hbm>>
      tpu.wait_dma2 semaphore(%run_scoped3A : memref<!tpu.dma_semaphore, #tpu.memory_space<semaphore_mem>>) src(%dma_wait3A_334 : memref<640xf32, #tpu.memory_space<hbm>>) dst(%dma_wait3A_333 : memref<640xf32, #tpu.memory_space<vmem_shared>>)
      tpu.yield
    }) : () -> ()
    %mul3A_50 = arith.constant 625 : i32
    %mul3A_51 = arith.muli %arg1, %mul3A_50 : i32
    %add3A_52 = arith.constant 0 : i32
    %add3A_53 = arith.addi %mul3A_51, %add3A_52 : i32
    "tpu.region"() ({
      %run_scoped3A = tpu.sem_alloc : memref<!tpu.dma_semaphore, #tpu.memory_space<semaphore_mem>>
      %dma_start3A_331 = arith.constant 0 : i32
      %dma_start3A_332 = tpu.memref_slice %arg9[%add3A_53, %dma_start3A_331] : memref<10008x256xbf16, #tpu.memory_space<vmem_shared>> -> memref<125x256xbf16, #tpu.memory_space<vmem_shared>>
      tpu.enqueue_dma source(%arg5 : memref<125x256xbf16, #tpu.memory_space<hbm>>) target(%dma_start3A_332 : memref<125x256xbf16, #tpu.memory_space<vmem_shared>>) target_semaphore(%run_scoped3A : memref<!tpu.dma_semaphore, #tpu.memory_space<semaphore_mem>>)
      %dma_wait3A_333 = arith.constant 0 : i32
      %dma_wait3A_334 = tpu.memref_slice %arg9[%add3A_53, %dma_wait3A_333] : memref<10008x256xbf16, #tpu.memory_space<vmem_shared>> -> memref<125x256xbf16, #tpu.memory_space<vmem_shared>>
      tpu.wait_dma2 semaphore(%run_scoped3A : memref<!tpu.dma_semaphore, #tpu.memory_space<semaphore_mem>>) src(%arg5 : memref<125x256xbf16, #tpu.memory_space<hbm>>) dst(%dma_wait3A_334 : memref<125x256xbf16, #tpu.memory_space<vmem_shared>>)
      tpu.yield
    }) : () -> ()
    %mul3A_54 = arith.constant 625 : i32
    %mul3A_55 = arith.muli %arg1, %mul3A_54 : i32
    %add3A_56 = arith.constant 125 : i32
    %add3A_57 = arith.addi %mul3A_55, %add3A_56 : i32
    "tpu.region"() ({
      %run_scoped3A = tpu.sem_alloc : memref<!tpu.dma_semaphore, #tpu.memory_space<semaphore_mem>>
      %dma_start3A_331 = arith.constant 0 : i32
      %dma_start3A_332 = tpu.memref_slice %arg9[%add3A_57, %dma_start3A_331] : memref<10008x256xbf16, #tpu.memory_space<vmem_shared>> -> memref<125x256xbf16, #tpu.memory_space<vmem_shared>>
      tpu.enqueue_dma source(%arg5 : memref<125x256xbf16, #tpu.memory_space<hbm>>) target(%dma_start3A_332 : memref<125x256xbf16, #tpu.memory_space<vmem_shared>>) target_semaphore(%run_scoped3A : memref<!tpu.dma_semaphore, #tpu.memory_space<semaphore_mem>>)
      %dma_wait3A_333 = arith.constant 0 : i32
      %dma_wait3A_334 = tpu.memref_slice %arg9[%add3A_57, %dma_wait3A_333] : memref<10008x256xbf16, #tpu.memory_space<vmem_shared>> -> memref<125x256xbf16, #tpu.memory_space<vmem_shared>>
      tpu.wait_dma2 semaphore(%run_scoped3A : memref<!tpu.dma_semaphore, #tpu.memory_space<semaphore_mem>>) src(%arg5 : memref<125x256xbf16, #tpu.memory_space<hbm>>) dst(%dma_wait3A_334 : memref<125x256xbf16, #tpu.memory_space<vmem_shared>>)
      tpu.yield
    }) : () -> ()
    %mul3A_58 = arith.constant 625 : i32
    %mul3A_59 = arith.muli %arg1, %mul3A_58 : i32
    %add3A_60 = arith.constant 250 : i32
    %add3A_61 = arith.addi %mul3A_59, %add3A_60 : i32
    "tpu.region"() ({
      %run_scoped3A = tpu.sem_alloc : memref<!tpu.dma_semaphore, #tpu.memory_space<semaphore_mem>>
      %dma_start3A_331 = arith.constant 0 : i32
      %dma_start3A_332 = tpu.memref_slice %arg9[%add3A_61, %dma_start3A_331] : memref<10008x256xbf16, #tpu.memory_space<vmem_shared>> -> memref<125x256xbf16, #tpu.memory_space<vmem_shared>>
      tpu.enqueue_dma source(%arg5 : memref<125x256xbf16, #tpu.memory_space<hbm>>) target(%dma_start3A_332 : memref<125x256xbf16, #tpu.memory_space<vmem_shared>>) target_semaphore(%run_scoped3A : memref<!tpu.dma_semaphore, #tpu.memory_space<semaphore_mem>>)
      %dma_wait3A_333 = arith.constant 0 : i32
      %dma_wait3A_334 = tpu.memref_slice %arg9[%add3A_61, %dma_wait3A_333] : memref<10008x256xbf16, #tpu.memory_space<vmem_shared>> -> memref<125x256xbf16, #tpu.memory_space<vmem_shared>>
      tpu.wait_dma2 semaphore(%run_scoped3A : memref<!tpu.dma_semaphore, #tpu.memory_space<semaphore_mem>>) src(%arg5 : memref<125x256xbf16, #tpu.memory_space<hbm>>) dst(%dma_wait3A_334 : memref<125x256xbf16, #tpu.memory_space<vmem_shared>>)
      tpu.yield
    }) : () -> ()
    %mul3A_62 = arith.constant 625 : i32
    %mul3A_63 = arith.muli %arg1, %mul3A_62 : i32
    %add3A_64 = arith.constant 375 : i32
    %add3A_65 = arith.addi %mul3A_63, %add3A_64 : i32
    "tpu.region"() ({
      %run_scoped3A = tpu.sem_alloc : memref<!tpu.dma_semaphore, #tpu.memory_space<semaphore_mem>>
      %dma_start3A_331 = arith.constant 0 : i32
      %dma_start3A_332 = tpu.memref_slice %arg9[%add3A_65, %dma_start3A_331] : memref<10008x256xbf16, #tpu.memory_space<vmem_shared>> -> memref<125x256xbf16, #tpu.memory_space<vmem_shared>>
      tpu.enqueue_dma source(%arg5 : memref<125x256xbf16, #tpu.memory_space<hbm>>) target(%dma_start3A_332 : memref<125x256xbf16, #tpu.memory_space<vmem_shared>>) target_semaphore(%run_scoped3A : memref<!tpu.dma_semaphore, #tpu.memory_space<semaphore_mem>>)
      %dma_wait3A_333 = arith.constant 0 : i32
      %dma_wait3A_334 = tpu.memref_slice %arg9[%add3A_65, %dma_wait3A_333] : memref<10008x256xbf16, #tpu.memory_space<vmem_shared>> -> memref<125x256xbf16, #tpu.memory_space<vmem_shared>>
      tpu.wait_dma2 semaphore(%run_scoped3A : memref<!tpu.dma_semaphore, #tpu.memory_space<semaphore_mem>>) src(%arg5 : memref<125x256xbf16, #tpu.memory_space<hbm>>) dst(%dma_wait3A_334 : memref<125x256xbf16, #tpu.memory_space<vmem_shared>>)
      tpu.yield
    }) : () -> ()
    %mul3A_66 = arith.constant 625 : i32
    %mul3A_67 = arith.muli %arg1, %mul3A_66 : i32
    %add3A_68 = arith.constant 500 : i32
    %add3A_69 = arith.addi %mul3A_67, %add3A_68 : i32
    "tpu.region"() ({
      %run_scoped3A = tpu.sem_alloc : memref<!tpu.dma_semaphore, #tpu.memory_space<semaphore_mem>>
      %dma_start3A_331 = arith.constant 0 : i32
      %dma_start3A_332 = tpu.memref_slice %arg9[%add3A_69, %dma_start3A_331] : memref<10008x256xbf16, #tpu.memory_space<vmem_shared>> -> memref<125x256xbf16, #tpu.memory_space<vmem_shared>>
      tpu.enqueue_dma source(%arg5 : memref<125x256xbf16, #tpu.memory_space<hbm>>) target(%dma_start3A_332 : memref<125x256xbf16, #tpu.memory_space<vmem_shared>>) target_semaphore(%run_scoped3A : memref<!tpu.dma_semaphore, #tpu.memory_space<semaphore_mem>>)
      %dma_wait3A_333 = arith.constant 0 : i32
      %dma_wait3A_334 = tpu.memref_slice %arg9[%add3A_69, %dma_wait3A_333] : memref<10008x256xbf16, #tpu.memory_space<vmem_shared>> -> memref<125x256xbf16, #tpu.memory_space<vmem_shared>>
      tpu.wait_dma2 semaphore(%run_scoped3A : memref<!tpu.dma_semaphore, #tpu.memory_space<semaphore_mem>>) src(%arg5 : memref<125x256xbf16, #tpu.memory_space<hbm>>) dst(%dma_wait3A_334 : memref<125x256xbf16, #tpu.memory_space<vmem_shared>>)
      tpu.yield
    }) : () -> ()
    "tpu.region"() ({
      %run_scoped3A = tpu.sem_alloc : memref<!tpu.dma_semaphore, #tpu.memory_space<semaphore_mem>>
      %dma_start3A_331 = tpu.memref_slice %arg10[%mul3A_25] : memref<10240xf32, #tpu.memory_space<vmem_shared>> -> memref<640xf32, #tpu.memory_space<vmem_shared>>
      tpu.enqueue_dma source(%arg6 : memref<640xf32, #tpu.memory_space<hbm>>) target(%dma_start3A_331 : memref<640xf32, #tpu.memory_space<vmem_shared>>) target_semaphore(%run_scoped3A : memref<!tpu.dma_semaphore, #tpu.memory_space<semaphore_mem>>)
      %dma_wait3A_332 = tpu.memref_slice %arg10[%mul3A_25] : memref<10240xf32, #tpu.memory_space<vmem_shared>> -> memref<640xf32, #tpu.memory_space<vmem_shared>>
      tpu.wait_dma2 semaphore(%run_scoped3A : memref<!tpu.dma_semaphore, #tpu.memory_space<semaphore_mem>>) src(%arg6 : memref<640xf32, #tpu.memory_space<hbm>>) dst(%dma_wait3A_332 : memref<640xf32, #tpu.memory_space<vmem_shared>>)
      tpu.yield
    }) : () -> ()
    "tpu.region"() ({
      %run_scoped3A = tpu.sem_alloc : memref<!tpu.dma_semaphore, #tpu.memory_space<semaphore_mem>>
      %dma_start3A_331 = tpu.memref_slice %arg11[%mul3A_25] : memref<10240xf32, #tpu.memory_space<vmem_shared>> -> memref<640xf32, #tpu.memory_space<vmem_shared>>
      tpu.enqueue_dma source(%arg6 : memref<640xf32, #tpu.memory_space<hbm>>) target(%dma_start3A_331 : memref<640xf32, #tpu.memory_space<vmem_shared>>) target_semaphore(%run_scoped3A : memref<!tpu.dma_semaphore, #tpu.memory_space<semaphore_mem>>)
      %dma_wait3A_332 = tpu.memref_slice %arg11[%mul3A_25] : memref<10240xf32, #tpu.memory_space<vmem_shared>> -> memref<640xf32, #tpu.memory_space<vmem_shared>>
      tpu.wait_dma2 semaphore(%run_scoped3A : memref<!tpu.dma_semaphore, #tpu.memory_space<semaphore_mem>>) src(%arg6 : memref<640xf32, #tpu.memory_space<hbm>>) dst(%dma_wait3A_332 : memref<640xf32, #tpu.memory_space<vmem_shared>>)
      tpu.yield
    }) : () -> ()
    %eq3A = arith.constant 0 : i32
    %eq3A_70 = arith.cmpi eq, %arg1, %eq3A : i32
    %convert_element_type3A = arith.extui %eq3A_70 : i1 to i32
    %cond3A = arith.constant 0 : i32
    %cond3A_71 = arith.cmpi ne, %convert_element_type3A, %cond3A : i32
    scf.if %cond3A_71 {
      "tpu.region"() ({
        %run_scoped3A = tpu.sem_alloc : memref<!tpu.dma_semaphore, #tpu.memory_space<semaphore_mem>>
        %dma_start3A_331 = arith.constant 10000 : i32
        %dma_start3A_332 = arith.constant 0 : i32
        %dma_start3A_333 = tpu.memref_slice %arg9[%dma_start3A_331, %dma_start3A_332] : memref<10008x256xbf16, #tpu.memory_space<vmem_shared>> -> memref<8x256xbf16, #tpu.memory_space<vmem_shared>>
        %dma_start3A_334 = arith.constant 0 : i32
        %dma_start3A_335 = arith.constant 0 : i32
        %dma_start3A_336 = tpu.memref_slice %arg5[%dma_start3A_334, %dma_start3A_335] : memref<125x256xbf16, #tpu.memory_space<hbm>> -> memref<8x256xbf16, #tpu.memory_space<hbm>>
        tpu.enqueue_dma source(%dma_start3A_336 : memref<8x256xbf16, #tpu.memory_space<hbm>>) target(%dma_start3A_333 : memref<8x256xbf16, #tpu.memory_space<vmem_shared>>) target_semaphore(%run_scoped3A : memref<!tpu.dma_semaphore, #tpu.memory_space<semaphore_mem>>)
        %dma_wait3A_337 = arith.constant 10000 : i32
        %dma_wait3A_338 = arith.constant 0 : i32
        %dma_wait3A_339 = tpu.memref_slice %arg9[%dma_wait3A_337, %dma_wait3A_338] : memref<10008x256xbf16, #tpu.memory_space<vmem_shared>> -> memref<8x256xbf16, #tpu.memory_space<vmem_shared>>
        %dma_wait3A_340 = arith.constant 0 : i32
        %dma_wait3A_341 = arith.constant 0 : i32
        %dma_wait3A_342 = tpu.memref_slice %arg5[%dma_wait3A_340, %dma_wait3A_341] : memref<125x256xbf16, #tpu.memory_space<hbm>> -> memref<8x256xbf16, #tpu.memory_space<hbm>>
        tpu.wait_dma2 semaphore(%run_scoped3A : memref<!tpu.dma_semaphore, #tpu.memory_space<semaphore_mem>>) src(%dma_wait3A_342 : memref<8x256xbf16, #tpu.memory_space<hbm>>) dst(%dma_wait3A_339 : memref<8x256xbf16, #tpu.memory_space<vmem_shared>>)
        tpu.yield
      }) : () -> ()
    } else {
    }
    %barrier3A = arith.constant 0 : index
    tpu.barrier barrier_id(%barrier3A)
    %dma_start3A = arith.constant 0 : i32
    %dma_start3A_72 = tpu.memref_slice %arg16[%dma_start3A] : memref<10176xi32, #tpu.memory_space<vmem>> -> memref<96xi32, #tpu.memory_space<vmem>>
    %dma_start3A_73 = arith.constant 0 : i32
    %dma_start3A_74 = tpu.memref_slice %arg12[%dma_start3A_73] : memref<10240xf32, #tpu.memory_space<vmem_shared>> -> memref<10240xf32, #tpu.memory_space<vmem_shared>>
    tpu.enqueue_indirect_dma source(%dma_start3A_74 : memref<10240xf32, #tpu.memory_space<vmem_shared>>) target(%arg20 : memref<96xf32, #tpu.memory_space<vmem>>) offsets(%dma_start3A_72 : memref<96xi32, #tpu.memory_space<vmem>>) semaphore(%arg34 : memref<!tpu.dma_semaphore, #tpu.memory_space<semaphore_mem>>)
    %dma_start3A_75 = arith.constant 0 : i32
    %dma_start3A_76 = tpu.memref_slice %arg16[%dma_start3A_75] : memref<10176xi32, #tpu.memory_space<vmem>> -> memref<96xi32, #tpu.memory_space<vmem>>
    %dma_start3A_77 = arith.constant 0 : i32
    %dma_start3A_78 = tpu.memref_slice %arg13[%dma_start3A_77] : memref<10240xf32, #tpu.memory_space<vmem_shared>> -> memref<10240xf32, #tpu.memory_space<vmem_shared>>
    tpu.enqueue_indirect_dma source(%dma_start3A_78 : memref<10240xf32, #tpu.memory_space<vmem_shared>>) target(%arg22 : memref<96xf32, #tpu.memory_space<vmem>>) offsets(%dma_start3A_76 : memref<96xi32, #tpu.memory_space<vmem>>) semaphore(%arg34 : memref<!tpu.dma_semaphore, #tpu.memory_space<semaphore_mem>>)
    %dma_start3A_79 = arith.constant 0 : i32
    %dma_start3A_80 = tpu.memref_slice %arg17[%dma_start3A_79] : memref<10176xi32, #tpu.memory_space<vmem>> -> memref<96xi32, #tpu.memory_space<vmem>>
    %dma_start3A_81 = arith.constant 0 : i32
    %dma_start3A_82 = tpu.memref_slice %arg14[%dma_start3A_81] : memref<10240xf32, #tpu.memory_space<vmem_shared>> -> memref<10240xf32, #tpu.memory_space<vmem_shared>>
    tpu.enqueue_indirect_dma source(%dma_start3A_82 : memref<10240xf32, #tpu.memory_space<vmem_shared>>) target(%arg24 : memref<96xf32, #tpu.memory_space<vmem>>) offsets(%dma_start3A_80 : memref<96xi32, #tpu.memory_space<vmem>>) semaphore(%arg36 : memref<!tpu.dma_semaphore, #tpu.memory_space<semaphore_mem>>)
    %dma_start3A_83 = arith.constant 0 : i32
    %dma_start3A_84 = tpu.memref_slice %arg17[%dma_start3A_83] : memref<10176xi32, #tpu.memory_space<vmem>> -> memref<96xi32, #tpu.memory_space<vmem>>
    %dma_start3A_85 = arith.constant 0 : i32
    %dma_start3A_86 = tpu.memref_slice %arg15[%dma_start3A_85] : memref<10240xf32, #tpu.memory_space<vmem_shared>> -> memref<10240xf32, #tpu.memory_space<vmem_shared>>
    tpu.enqueue_indirect_dma source(%dma_start3A_86 : memref<10240xf32, #tpu.memory_space<vmem_shared>>) target(%arg26 : memref<96xf32, #tpu.memory_space<vmem>>) offsets(%dma_start3A_84 : memref<96xi32, #tpu.memory_space<vmem>>) semaphore(%arg36 : memref<!tpu.dma_semaphore, #tpu.memory_space<semaphore_mem>>)
    %dma_start3A_87 = arith.constant 0 : i32
    %dma_start3A_88 = tpu.memref_slice %arg16[%dma_start3A_87] : memref<10176xi32, #tpu.memory_space<vmem>> -> memref<96xi32, #tpu.memory_space<vmem>>
    %dma_start3A_89 = arith.constant 0 : i32
    %dma_start3A_90 = arith.constant 0 : i32
    %dma_start3A_91 = tpu.memref_slice %arg2[%dma_start3A_89, %dma_start3A_90] : memref<10008x256xbf16, #tpu.memory_space<hbm>> -> memref<10008x256xbf16, #tpu.memory_space<hbm>>
    tpu.enqueue_indirect_dma source(%dma_start3A_91 : memref<10008x256xbf16, #tpu.memory_space<hbm>>) target(%arg18 : memref<96x256xbf16, #tpu.memory_space<vmem>>) offsets(%dma_start3A_88 : memref<96xi32, #tpu.memory_space<vmem>>) semaphore(%arg32 : memref<!tpu.dma_semaphore, #tpu.memory_space<semaphore_mem>>)
    %scan3A = arith.constant 0 : i32
    %scan3A_92 = arith.constant 0 : i32
    %scan3A_93 = arith.constant 53 : i32
    %scan3A_94 = arith.addi %scan3A_92, %scan3A_93 : i32
    %scan3A_95 = arith.constant 1 : i32
    scf.for %scan3A_331 = %scan3A_92 to %scan3A_94 step %scan3A_95  : i32 {
      %mul3A_332 = arith.constant 2 : i32
      %mul3A_333 = arith.muli %mul3A_332, %scan3A_331 : i32
      %mul3A_334 = arith.constant 96 : i32
      %mul3A_335 = arith.muli %mul3A_333, %mul3A_334 : i32
      %mul3A_336 = arith.constant 96 : i32
      %mul3A_337 = arith.muli %mul3A_333, %mul3A_336 : i32
      %dma_wait3A_338 = tpu.memref_slice %arg16[%mul3A_335] : memref<10176xi32, #tpu.memory_space<vmem>> -> memref<96xi32, #tpu.memory_space<vmem>>
      %dma_wait3A_339 = arith.constant 0 : i32
      %dma_wait3A_340 = tpu.memref_slice %arg12[%dma_wait3A_339] : memref<10240xf32, #tpu.memory_space<vmem_shared>> -> memref<10240xf32, #tpu.memory_space<vmem_shared>>
      tpu.wait_indirect_dma semaphore(%arg34 : memref<!tpu.dma_semaphore, #tpu.memory_space<semaphore_mem>>) src(%dma_wait3A_340 : memref<10240xf32, #tpu.memory_space<vmem_shared>>) dst(%arg20 : memref<96xf32, #tpu.memory_space<vmem>>)
      %dma_wait3A_341 = tpu.memref_slice %arg16[%mul3A_335] : memref<10176xi32, #tpu.memory_space<vmem>> -> memref<96xi32, #tpu.memory_space<vmem>>
      %dma_wait3A_342 = arith.constant 0 : i32
      %dma_wait3A_343 = tpu.memref_slice %arg13[%dma_wait3A_342] : memref<10240xf32, #tpu.memory_space<vmem_shared>> -> memref<10240xf32, #tpu.memory_space<vmem_shared>>
      tpu.wait_indirect_dma semaphore(%arg34 : memref<!tpu.dma_semaphore, #tpu.memory_space<semaphore_mem>>) src(%dma_wait3A_343 : memref<10240xf32, #tpu.memory_space<vmem_shared>>) dst(%arg22 : memref<96xf32, #tpu.memory_space<vmem>>)
      %dma_wait3A_344 = tpu.memref_slice %arg17[%mul3A_337] : memref<10176xi32, #tpu.memory_space<vmem>> -> memref<96xi32, #tpu.memory_space<vmem>>
      %dma_wait3A_345 = arith.constant 0 : i32
      %dma_wait3A_346 = tpu.memref_slice %arg14[%dma_wait3A_345] : memref<10240xf32, #tpu.memory_space<vmem_shared>> -> memref<10240xf32, #tpu.memory_space<vmem_shared>>
      tpu.wait_indirect_dma semaphore(%arg36 : memref<!tpu.dma_semaphore, #tpu.memory_space<semaphore_mem>>) src(%dma_wait3A_346 : memref<10240xf32, #tpu.memory_space<vmem_shared>>) dst(%arg24 : memref<96xf32, #tpu.memory_space<vmem>>)
      %dma_wait3A_347 = tpu.memref_slice %arg17[%mul3A_337] : memref<10176xi32, #tpu.memory_space<vmem>> -> memref<96xi32, #tpu.memory_space<vmem>>
      %dma_wait3A_348 = arith.constant 0 : i32
      %dma_wait3A_349 = tpu.memref_slice %arg15[%dma_wait3A_348] : memref<10240xf32, #tpu.memory_space<vmem_shared>> -> memref<10240xf32, #tpu.memory_space<vmem_shared>>
      tpu.wait_indirect_dma semaphore(%arg36 : memref<!tpu.dma_semaphore, #tpu.memory_space<semaphore_mem>>) src(%dma_wait3A_349 : memref<10240xf32, #tpu.memory_space<vmem_shared>>) dst(%arg26 : memref<96xf32, #tpu.memory_space<vmem>>)
      %dma_wait3A_350 = tpu.memref_slice %arg16[%mul3A_335] : memref<10176xi32, #tpu.memory_space<vmem>> -> memref<96xi32, #tpu.memory_space<vmem>>
      %dma_wait3A_351 = arith.constant 0 : i32
      %dma_wait3A_352 = arith.constant 0 : i32
      %dma_wait3A_353 = tpu.memref_slice %arg2[%dma_wait3A_351, %dma_wait3A_352] : memref<10008x256xbf16, #tpu.memory_space<hbm>> -> memref<10008x256xbf16, #tpu.memory_space<hbm>>
      tpu.wait_indirect_dma semaphore(%arg32 : memref<!tpu.dma_semaphore, #tpu.memory_space<semaphore_mem>>) src(%dma_wait3A_353 : memref<10008x256xbf16, #tpu.memory_space<hbm>>) dst(%arg18 : memref<96x256xbf16, #tpu.memory_space<vmem>>)
      %gt3A = arith.constant 0 : i32
      %gt3A_354 = arith.cmpi sgt, %scan3A_331, %gt3A : i32
      %convert_element_type3A_355 = arith.extui %gt3A_354 : i1 to i32
      %cond3A_356 = arith.constant 0 : i32
      %cond3A_357 = arith.cmpi ne, %convert_element_type3A_355, %cond3A_356 : i32
      scf.if %cond3A_357 {
        %sub3A = arith.constant 1 : i32
        %sub3A_804 = arith.subi %mul3A_333, %sub3A : i32
        %mul3A_805 = arith.constant 96 : i32
        %mul3A_806 = arith.muli %sub3A_804, %mul3A_805 : i32
        %dma_wait3A_807 = tpu.memref_slice %arg17[%mul3A_806] : memref<10176xi32, #tpu.memory_space<vmem>> -> memref<96xi32, #tpu.memory_space<vmem>>
        %dma_wait3A_808 = arith.constant 0 : i32
        %dma_wait3A_809 = arith.constant 0 : i32
        %dma_wait3A_810 = tpu.memref_slice %arg9[%dma_wait3A_808, %dma_wait3A_809] : memref<10008x256xbf16, #tpu.memory_space<vmem_shared>> -> memref<10008x256xbf16, #tpu.memory_space<vmem_shared>>
        tpu.wait_indirect_dma semaphore(%arg39 : memref<!tpu.dma_semaphore, #tpu.memory_space<semaphore_mem>>) src(%arg19 : memref<96x256xbf16, #tpu.memory_space<vmem>>) dst(%dma_wait3A_810 : memref<10008x256xbf16, #tpu.memory_space<vmem_shared>>)
        %dma_wait3A_811 = tpu.memref_slice %arg17[%mul3A_806] : memref<10176xi32, #tpu.memory_space<vmem>> -> memref<96xi32, #tpu.memory_space<vmem>>
        %dma_wait3A_812 = arith.constant 0 : i32
        %dma_wait3A_813 = tpu.memref_slice %arg10[%dma_wait3A_812] : memref<10240xf32, #tpu.memory_space<vmem_shared>> -> memref<10240xf32, #tpu.memory_space<vmem_shared>>
        tpu.wait_indirect_dma semaphore(%arg41 : memref<!tpu.dma_semaphore, #tpu.memory_space<semaphore_mem>>) src(%arg29 : memref<96xf32, #tpu.memory_space<vmem>>) dst(%dma_wait3A_813 : memref<10240xf32, #tpu.memory_space<vmem_shared>>)
        %dma_wait3A_814 = tpu.memref_slice %arg17[%mul3A_806] : memref<10176xi32, #tpu.memory_space<vmem>> -> memref<96xi32, #tpu.memory_space<vmem>>
        %dma_wait3A_815 = arith.constant 0 : i32
        %dma_wait3A_816 = tpu.memref_slice %arg11[%dma_wait3A_815] : memref<10240xf32, #tpu.memory_space<vmem_shared>> -> memref<10240xf32, #tpu.memory_space<vmem_shared>>
        tpu.wait_indirect_dma semaphore(%arg41 : memref<!tpu.dma_semaphore, #tpu.memory_space<semaphore_mem>>) src(%arg31 : memref<96xf32, #tpu.memory_space<vmem>>) dst(%dma_wait3A_816 : memref<10240xf32, #tpu.memory_space<vmem_shared>>)
      } else {
      }
      %add3A_358 = arith.constant 1 : i32
      %add3A_359 = arith.addi %mul3A_333, %add3A_358 : i32
      %mul3A_360 = arith.constant 96 : i32
      %mul3A_361 = arith.muli %add3A_359, %mul3A_360 : i32
      %mul3A_362 = arith.constant 96 : i32
      %mul3A_363 = arith.muli %add3A_359, %mul3A_362 : i32
      %dma_start3A_364 = tpu.memref_slice %arg16[%mul3A_361] : memref<10176xi32, #tpu.memory_space<vmem>> -> memref<96xi32, #tpu.memory_space<vmem>>
      %dma_start3A_365 = arith.constant 0 : i32
      %dma_start3A_366 = tpu.memref_slice %arg12[%dma_start3A_365] : memref<10240xf32, #tpu.memory_space<vmem_shared>> -> memref<10240xf32, #tpu.memory_space<vmem_shared>>
      tpu.enqueue_indirect_dma source(%dma_start3A_366 : memref<10240xf32, #tpu.memory_space<vmem_shared>>) target(%arg21 : memref<96xf32, #tpu.memory_space<vmem>>) offsets(%dma_start3A_364 : memref<96xi32, #tpu.memory_space<vmem>>) semaphore(%arg35 : memref<!tpu.dma_semaphore, #tpu.memory_space<semaphore_mem>>)
      %dma_start3A_367 = tpu.memref_slice %arg16[%mul3A_361] : memref<10176xi32, #tpu.memory_space<vmem>> -> memref<96xi32, #tpu.memory_space<vmem>>
      %dma_start3A_368 = arith.constant 0 : i32
      %dma_start3A_369 = tpu.memref_slice %arg13[%dma_start3A_368] : memref<10240xf32, #tpu.memory_space<vmem_shared>> -> memref<10240xf32, #tpu.memory_space<vmem_shared>>
      tpu.enqueue_indirect_dma source(%dma_start3A_369 : memref<10240xf32, #tpu.memory_space<vmem_shared>>) target(%arg23 : memref<96xf32, #tpu.memory_space<vmem>>) offsets(%dma_start3A_367 : memref<96xi32, #tpu.memory_space<vmem>>) semaphore(%arg35 : memref<!tpu.dma_semaphore, #tpu.memory_space<semaphore_mem>>)
      %dma_start3A_370 = tpu.memref_slice %arg17[%mul3A_363] : memref<10176xi32, #tpu.memory_space<vmem>> -> memref<96xi32, #tpu.memory_space<vmem>>
      %dma_start3A_371 = arith.constant 0 : i32
      %dma_start3A_372 = tpu.memref_slice %arg14[%dma_start3A_371] : memref<10240xf32, #tpu.memory_space<vmem_shared>> -> memref<10240xf32, #tpu.memory_space<vmem_shared>>
      tpu.enqueue_indirect_dma source(%dma_start3A_372 : memref<10240xf32, #tpu.memory_space<vmem_shared>>) target(%arg25 : memref<96xf32, #tpu.memory_space<vmem>>) offsets(%dma_start3A_370 : memref<96xi32, #tpu.memory_space<vmem>>) semaphore(%arg37 : memref<!tpu.dma_semaphore, #tpu.memory_space<semaphore_mem>>)
      %dma_start3A_373 = tpu.memref_slice %arg17[%mul3A_363] : memref<10176xi32, #tpu.memory_space<vmem>> -> memref<96xi32, #tpu.memory_space<vmem>>
      %dma_start3A_374 = arith.constant 0 : i32
      %dma_start3A_375 = tpu.memref_slice %arg15[%dma_start3A_374] : memref<10240xf32, #tpu.memory_space<vmem_shared>> -> memref<10240xf32, #tpu.memory_space<vmem_shared>>
      tpu.enqueue_indirect_dma source(%dma_start3A_375 : memref<10240xf32, #tpu.memory_space<vmem_shared>>) target(%arg27 : memref<96xf32, #tpu.memory_space<vmem>>) offsets(%dma_start3A_373 : memref<96xi32, #tpu.memory_space<vmem>>) semaphore(%arg37 : memref<!tpu.dma_semaphore, #tpu.memory_space<semaphore_mem>>)
      %dma_start3A_376 = tpu.memref_slice %arg16[%mul3A_361] : memref<10176xi32, #tpu.memory_space<vmem>> -> memref<96xi32, #tpu.memory_space<vmem>>
      %dma_start3A_377 = arith.constant 0 : i32
      %dma_start3A_378 = arith.constant 0 : i32
      %dma_start3A_379 = tpu.memref_slice %arg2[%dma_start3A_377, %dma_start3A_378] : memref<10008x256xbf16, #tpu.memory_space<hbm>> -> memref<10008x256xbf16, #tpu.memory_space<hbm>>
      tpu.enqueue_indirect_dma source(%dma_start3A_379 : memref<10008x256xbf16, #tpu.memory_space<hbm>>) target(%arg19 : memref<96x256xbf16, #tpu.memory_space<vmem>>) offsets(%dma_start3A_376 : memref<96xi32, #tpu.memory_space<vmem>>) semaphore(%arg33 : memref<!tpu.dma_semaphore, #tpu.memory_space<semaphore_mem>>)
      %get3A = arith.constant 0 : index
      %get3A_380 = tpu.vector_load %arg20[%get3A] {strides = array<i32>} : memref<96xf32, #tpu.memory_space<vmem>>, vector<16xf32>,
      %get3A_381 = arith.constant 0 : index
      %get3A_382 = tpu.vector_load %arg24[%get3A_381] {strides = array<i32>} : memref<96xf32, #tpu.memory_space<vmem>>, vector<16xf32>,
      %add3A_383 = arith.addf %get3A_380, %get3A_382 : vector<16xf32>
      %ge3A = arith.constant 0.000000e+00 : f32
      %ge3A_384 = vector.broadcast %ge3A : f32 to vector<16xf32>
      %ge3A_385 = arith.cmpf oge, %add3A_383, %ge3A_384 : vector<16xf32>
      %mul3A_386 = arith.constant 2.000000e-01 : f32
      %mul3A_387 = vector.broadcast %mul3A_386 : f32 to vector<16xf32>
      %mul3A_388 = arith.mulf %mul3A_387, %add3A_383 : vector<16xf32>
      %select_n3A = arith.select %ge3A_385, %add3A_383, %mul3A_388 : vector<16xi1>, vector<16xf32>
      %exp3A = math.exp %select_n3A : vector<16xf32>
      %swap3A = arith.constant 0 : index
      %swap3A_389 = tpu.vector_load %arg28[%swap3A] {strides = array<i32>} : memref<96xf32, #tpu.memory_space<vmem>>, vector<16xf32>,
      tpu.vector_store %arg28[%swap3A], %exp3A {strides = array<i32>} : memref<96xf32, #tpu.memory_space<vmem>>, vector<16xf32>,
      %get3A_390 = arith.constant 0 : index
      %get3A_391 = tpu.vector_load %arg22[%get3A_390] {strides = array<i32>} : memref<96xf32, #tpu.memory_space<vmem>>, vector<16xf32>,
      %get3A_392 = arith.constant 0 : index
      %get3A_393 = tpu.vector_load %arg26[%get3A_392] {strides = array<i32>} : memref<96xf32, #tpu.memory_space<vmem>>, vector<16xf32>,
      %add3A_394 = arith.addf %get3A_391, %get3A_393 : vector<16xf32>
      %ge3A_395 = arith.constant 0.000000e+00 : f32
      %ge3A_396 = vector.broadcast %ge3A_395 : f32 to vector<16xf32>
      %ge3A_397 = arith.cmpf oge, %add3A_394, %ge3A_396 : vector<16xf32>
      %mul3A_398 = arith.constant 2.000000e-01 : f32
      %mul3A_399 = vector.broadcast %mul3A_398 : f32 to vector<16xf32>
      %mul3A_400 = arith.mulf %mul3A_399, %add3A_394 : vector<16xf32>
      %select_n3A_401 = arith.select %ge3A_397, %add3A_394, %mul3A_400 : vector<16xi1>, vector<16xf32>
      %exp3A_402 = math.exp %select_n3A_401 : vector<16xf32>
      %swap3A_403 = arith.constant 0 : index
      %swap3A_404 = tpu.vector_load %arg30[%swap3A_403] {strides = array<i32>} : memref<96xf32, #tpu.memory_space<vmem>>, vector<16xf32>,
      tpu.vector_store %arg30[%swap3A_403], %exp3A_402 {strides = array<i32>} : memref<96xf32, #tpu.memory_space<vmem>>, vector<16xf32>,
      %get3A_405 = arith.constant 16 : index
      %get3A_406 = tpu.vector_load %arg20[%get3A_405] {strides = array<i32>} : memref<96xf32, #tpu.memory_space<vmem>>, vector<16xf32>,
      %get3A_407 = arith.constant 16 : index
      %get3A_408 = tpu.vector_load %arg24[%get3A_407] {strides = array<i32>} : memref<96xf32, #tpu.memory_space<vmem>>, vector<16xf32>,
      %add3A_409 = arith.addf %get3A_406, %get3A_408 : vector<16xf32>
      %ge3A_410 = arith.constant 0.000000e+00 : f32
      %ge3A_411 = vector.broadcast %ge3A_410 : f32 to vector<16xf32>
      %ge3A_412 = arith.cmpf oge, %add3A_409, %ge3A_411 : vector<16xf32>
      %mul3A_413 = arith.constant 2.000000e-01 : f32
      %mul3A_414 = vector.broadcast %mul3A_413 : f32 to vector<16xf32>
      %mul3A_415 = arith.mulf %mul3A_414, %add3A_409 : vector<16xf32>
      %select_n3A_416 = arith.select %ge3A_412, %add3A_409, %mul3A_415 : vector<16xi1>, vector<16xf32>
      %exp3A_417 = math.exp %select_n3A_416 : vector<16xf32>
      %swap3A_418 = arith.constant 16 : index
      %swap3A_419 = tpu.vector_load %arg28[%swap3A_418] {strides = array<i32>} : memref<96xf32, #tpu.memory_space<vmem>>, vector<16xf32>,
      tpu.vector_store %arg28[%swap3A_418], %exp3A_417 {strides = array<i32>} : memref<96xf32, #tpu.memory_space<vmem>>, vector<16xf32>,
      %get3A_420 = arith.constant 16 : index
      %get3A_421 = tpu.vector_load %arg22[%get3A_420] {strides = array<i32>} : memref<96xf32, #tpu.memory_space<vmem>>, vector<16xf32>,
      %get3A_422 = arith.constant 16 : index
      %get3A_423 = tpu.vector_load %arg26[%get3A_422] {strides = array<i32>} : memref<96xf32, #tpu.memory_space<vmem>>, vector<16xf32>,
      %add3A_424 = arith.addf %get3A_421, %get3A_423 : vector<16xf32>
      %ge3A_425 = arith.constant 0.000000e+00 : f32
      %ge3A_426 = vector.broadcast %ge3A_425 : f32 to vector<16xf32>
      %ge3A_427 = arith.cmpf oge, %add3A_424, %ge3A_426 : vector<16xf32>
      %mul3A_428 = arith.constant 2.000000e-01 : f32
      %mul3A_429 = vector.broadcast %mul3A_428 : f32 to vector<16xf32>
      %mul3A_430 = arith.mulf %mul3A_429, %add3A_424 : vector<16xf32>
      %select_n3A_431 = arith.select %ge3A_427, %add3A_424, %mul3A_430 : vector<16xi1>, vector<16xf32>
      %exp3A_432 = math.exp %select_n3A_431 : vector<16xf32>
      %swap3A_433 = arith.constant 16 : index
      %swap3A_434 = tpu.vector_load %arg30[%swap3A_433] {strides = array<i32>} : memref<96xf32, #tpu.memory_space<vmem>>, vector<16xf32>,
      tpu.vector_store %arg30[%swap3A_433], %exp3A_432 {strides = array<i32>} : memref<96xf32, #tpu.memory_space<vmem>>, vector<16xf32>,
      %get3A_435 = arith.constant 32 : index
      %get3A_436 = tpu.vector_load %arg20[%get3A_435] {strides = array<i32>} : memref<96xf32, #tpu.memory_space<vmem>>, vector<16xf32>,
      %get3A_437 = arith.constant 32 : index
      %get3A_438 = tpu.vector_load %arg24[%get3A_437] {strides = array<i32>} : memref<96xf32, #tpu.memory_space<vmem>>, vector<16xf32>,
      %add3A_439 = arith.addf %get3A_436, %get3A_438 : vector<16xf32>
      %ge3A_440 = arith.constant 0.000000e+00 : f32
      %ge3A_441 = vector.broadcast %ge3A_440 : f32 to vector<16xf32>
      %ge3A_442 = arith.cmpf oge, %add3A_439, %ge3A_441 : vector<16xf32>
      %mul3A_443 = arith.constant 2.000000e-01 : f32
      %mul3A_444 = vector.broadcast %mul3A_443 : f32 to vector<16xf32>
      %mul3A_445 = arith.mulf %mul3A_444, %add3A_439 : vector<16xf32>
      %select_n3A_446 = arith.select %ge3A_442, %add3A_439, %mul3A_445 : vector<16xi1>, vector<16xf32>
      %exp3A_447 = math.exp %select_n3A_446 : vector<16xf32>
      %swap3A_448 = arith.constant 32 : index
      %swap3A_449 = tpu.vector_load %arg28[%swap3A_448] {strides = array<i32>} : memref<96xf32, #tpu.memory_space<vmem>>, vector<16xf32>,
      tpu.vector_store %arg28[%swap3A_448], %exp3A_447 {strides = array<i32>} : memref<96xf32, #tpu.memory_space<vmem>>, vector<16xf32>,
      %get3A_450 = arith.constant 32 : index
      %get3A_451 = tpu.vector_load %arg22[%get3A_450] {strides = array<i32>} : memref<96xf32, #tpu.memory_space<vmem>>, vector<16xf32>,
      %get3A_452 = arith.constant 32 : index
      %get3A_453 = tpu.vector_load %arg26[%get3A_452] {strides = array<i32>} : memref<96xf32, #tpu.memory_space<vmem>>, vector<16xf32>,
      %add3A_454 = arith.addf %get3A_451, %get3A_453 : vector<16xf32>
      %ge3A_455 = arith.constant 0.000000e+00 : f32
      %ge3A_456 = vector.broadcast %ge3A_455 : f32 to vector<16xf32>
      %ge3A_457 = arith.cmpf oge, %add3A_454, %ge3A_456 : vector<16xf32>
      %mul3A_458 = arith.constant 2.000000e-01 : f32
      %mul3A_459 = vector.broadcast %mul3A_458 : f32 to vector<16xf32>
      %mul3A_460 = arith.mulf %mul3A_459, %add3A_454 : vector<16xf32>
      %select_n3A_461 = arith.select %ge3A_457, %add3A_454, %mul3A_460 : vector<16xi1>, vector<16xf32>
      %exp3A_462 = math.exp %select_n3A_461 : vector<16xf32>
      %swap3A_463 = arith.constant 32 : index
      %swap3A_464 = tpu.vector_load %arg30[%swap3A_463] {strides = array<i32>} : memref<96xf32, #tpu.memory_space<vmem>>, vector<16xf32>,
      tpu.vector_store %arg30[%swap3A_463], %exp3A_462 {strides = array<i32>} : memref<96xf32, #tpu.memory_space<vmem>>, vector<16xf32>,
      %get3A_465 = arith.constant 48 : index
      %get3A_466 = tpu.vector_load %arg20[%get3A_465] {strides = array<i32>} : memref<96xf32, #tpu.memory_space<vmem>>, vector<16xf32>,
      %get3A_467 = arith.constant 48 : index
      %get3A_468 = tpu.vector_load %arg24[%get3A_467] {strides = array<i32>} : memref<96xf32, #tpu.memory_space<vmem>>, vector<16xf32>,
      %add3A_469 = arith.addf %get3A_466, %get3A_468 : vector<16xf32>
      %ge3A_470 = arith.constant 0.000000e+00 : f32
      %ge3A_471 = vector.broadcast %ge3A_470 : f32 to vector<16xf32>
      %ge3A_472 = arith.cmpf oge, %add3A_469, %ge3A_471 : vector<16xf32>
      %mul3A_473 = arith.constant 2.000000e-01 : f32
      %mul3A_474 = vector.broadcast %mul3A_473 : f32 to vector<16xf32>
      %mul3A_475 = arith.mulf %mul3A_474, %add3A_469 : vector<16xf32>
      %select_n3A_476 = arith.select %ge3A_472, %add3A_469, %mul3A_475 : vector<16xi1>, vector<16xf32>
      %exp3A_477 = math.exp %select_n3A_476 : vector<16xf32>
      %swap3A_478 = arith.constant 48 : index
      %swap3A_479 = tpu.vector_load %arg28[%swap3A_478] {strides = array<i32>} : memref<96xf32, #tpu.memory_space<vmem>>, vector<16xf32>,
      tpu.vector_store %arg28[%swap3A_478], %exp3A_477 {strides = array<i32>} : memref<96xf32, #tpu.memory_space<vmem>>, vector<16xf32>,
      %get3A_480 = arith.constant 48 : index
      %get3A_481 = tpu.vector_load %arg22[%get3A_480] {strides = array<i32>} : memref<96xf32, #tpu.memory_space<vmem>>, vector<16xf32>,
      %get3A_482 = arith.constant 48 : index
      %get3A_483 = tpu.vector_load %arg26[%get3A_482] {strides = array<i32>} : memref<96xf32, #tpu.memory_space<vmem>>, vector<16xf32>,
      %add3A_484 = arith.addf %get3A_481, %get3A_483 : vector<16xf32>
      %ge3A_485 = arith.constant 0.000000e+00 : f32
      %ge3A_486 = vector.broadcast %ge3A_485 : f32 to vector<16xf32>
      %ge3A_487 = arith.cmpf oge, %add3A_484, %ge3A_486 : vector<16xf32>
      %mul3A_488 = arith.constant 2.000000e-01 : f32
      %mul3A_489 = vector.broadcast %mul3A_488 : f32 to vector<16xf32>
      %mul3A_490 = arith.mulf %mul3A_489, %add3A_484 : vector<16xf32>
      %select_n3A_491 = arith.select %ge3A_487, %add3A_484, %mul3A_490 : vector<16xi1>, vector<16xf32>
      %exp3A_492 = math.exp %select_n3A_491 : vector<16xf32>
      %swap3A_493 = arith.constant 48 : index
      %swap3A_494 = tpu.vector_load %arg30[%swap3A_493] {strides = array<i32>} : memref<96xf32, #tpu.memory_space<vmem>>, vector<16xf32>,
      tpu.vector_store %arg30[%swap3A_493], %exp3A_492 {strides = array<i32>} : memref<96xf32, #tpu.memory_space<vmem>>, vector<16xf32>,
      %get3A_495 = arith.constant 64 : index
      %get3A_496 = tpu.vector_load %arg20[%get3A_495] {strides = array<i32>} : memref<96xf32, #tpu.memory_space<vmem>>, vector<16xf32>,
      %get3A_497 = arith.constant 64 : index
      %get3A_498 = tpu.vector_load %arg24[%get3A_497] {strides = array<i32>} : memref<96xf32, #tpu.memory_space<vmem>>, vector<16xf32>,
      %add3A_499 = arith.addf %get3A_496, %get3A_498 : vector<16xf32>
      %ge3A_500 = arith.constant 0.000000e+00 : f32
      %ge3A_501 = vector.broadcast %ge3A_500 : f32 to vector<16xf32>
      %ge3A_502 = arith.cmpf oge, %add3A_499, %ge3A_501 : vector<16xf32>
      %mul3A_503 = arith.constant 2.000000e-01 : f32
      %mul3A_504 = vector.broadcast %mul3A_503 : f32 to vector<16xf32>
      %mul3A_505 = arith.mulf %mul3A_504, %add3A_499 : vector<16xf32>
      %select_n3A_506 = arith.select %ge3A_502, %add3A_499, %mul3A_505 : vector<16xi1>, vector<16xf32>
      %exp3A_507 = math.exp %select_n3A_506 : vector<16xf32>
      %swap3A_508 = arith.constant 64 : index
      %swap3A_509 = tpu.vector_load %arg28[%swap3A_508] {strides = array<i32>} : memref<96xf32, #tpu.memory_space<vmem>>, vector<16xf32>,
      tpu.vector_store %arg28[%swap3A_508], %exp3A_507 {strides = array<i32>} : memref<96xf32, #tpu.memory_space<vmem>>, vector<16xf32>,
      %get3A_510 = arith.constant 64 : index
      %get3A_511 = tpu.vector_load %arg22[%get3A_510] {strides = array<i32>} : memref<96xf32, #tpu.memory_space<vmem>>, vector<16xf32>,
      %get3A_512 = arith.constant 64 : index
      %get3A_513 = tpu.vector_load %arg26[%get3A_512] {strides = array<i32>} : memref<96xf32, #tpu.memory_space<vmem>>, vector<16xf32>,
      %add3A_514 = arith.addf %get3A_511, %get3A_513 : vector<16xf32>
      %ge3A_515 = arith.constant 0.000000e+00 : f32
      %ge3A_516 = vector.broadcast %ge3A_515 : f32 to vector<16xf32>
      %ge3A_517 = arith.cmpf oge, %add3A_514, %ge3A_516 : vector<16xf32>
      %mul3A_518 = arith.constant 2.000000e-01 : f32
      %mul3A_519 = vector.broadcast %mul3A_518 : f32 to vector<16xf32>
      %mul3A_520 = arith.mulf %mul3A_519, %add3A_514 : vector<16xf32>
      %select_n3A_521 = arith.select %ge3A_517, %add3A_514, %mul3A_520 : vector<16xi1>, vector<16xf32>
      %exp3A_522 = math.exp %select_n3A_521 : vector<16xf32>
      %swap3A_523 = arith.constant 64 : index
      %swap3A_524 = tpu.vector_load %arg30[%swap3A_523] {strides = array<i32>} : memref<96xf32, #tpu.memory_space<vmem>>, vector<16xf32>,
      tpu.vector_store %arg30[%swap3A_523], %exp3A_522 {strides = array<i32>} : memref<96xf32, #tpu.memory_space<vmem>>, vector<16xf32>,
      %get3A_525 = arith.constant 80 : index
      %get3A_526 = tpu.vector_load %arg20[%get3A_525] {strides = array<i32>} : memref<96xf32, #tpu.memory_space<vmem>>, vector<16xf32>,
      %get3A_527 = arith.constant 80 : index
      %get3A_528 = tpu.vector_load %arg24[%get3A_527] {strides = array<i32>} : memref<96xf32, #tpu.memory_space<vmem>>, vector<16xf32>,
      %add3A_529 = arith.addf %get3A_526, %get3A_528 : vector<16xf32>
      %ge3A_530 = arith.constant 0.000000e+00 : f32
      %ge3A_531 = vector.broadcast %ge3A_530 : f32 to vector<16xf32>
      %ge3A_532 = arith.cmpf oge, %add3A_529, %ge3A_531 : vector<16xf32>
      %mul3A_533 = arith.constant 2.000000e-01 : f32
      %mul3A_534 = vector.broadcast %mul3A_533 : f32 to vector<16xf32>
      %mul3A_535 = arith.mulf %mul3A_534, %add3A_529 : vector<16xf32>
      %select_n3A_536 = arith.select %ge3A_532, %add3A_529, %mul3A_535 : vector<16xi1>, vector<16xf32>
      %exp3A_537 = math.exp %select_n3A_536 : vector<16xf32>
      %swap3A_538 = arith.constant 80 : index
      %swap3A_539 = tpu.vector_load %arg28[%swap3A_538] {strides = array<i32>} : memref<96xf32, #tpu.memory_space<vmem>>, vector<16xf32>,
      tpu.vector_store %arg28[%swap3A_538], %exp3A_537 {strides = array<i32>} : memref<96xf32, #tpu.memory_space<vmem>>, vector<16xf32>,
      %get3A_540 = arith.constant 80 : index
      %get3A_541 = tpu.vector_load %arg22[%get3A_540] {strides = array<i32>} : memref<96xf32, #tpu.memory_space<vmem>>, vector<16xf32>,
      %get3A_542 = arith.constant 80 : index
      %get3A_543 = tpu.vector_load %arg26[%get3A_542] {strides = array<i32>} : memref<96xf32, #tpu.memory_space<vmem>>, vector<16xf32>,
      %add3A_544 = arith.addf %get3A_541, %get3A_543 : vector<16xf32>
      %ge3A_545 = arith.constant 0.000000e+00 : f32
      %ge3A_546 = vector.broadcast %ge3A_545 : f32 to vector<16xf32>
      %ge3A_547 = arith.cmpf oge, %add3A_544, %ge3A_546 : vector<16xf32>
      %mul3A_548 = arith.constant 2.000000e-01 : f32
      %mul3A_549 = vector.broadcast %mul3A_548 : f32 to vector<16xf32>
      %mul3A_550 = arith.mulf %mul3A_549, %add3A_544 : vector<16xf32>
      %select_n3A_551 = arith.select %ge3A_547, %add3A_544, %mul3A_550 : vector<16xi1>, vector<16xf32>
      %exp3A_552 = math.exp %select_n3A_551 : vector<16xf32>
      %swap3A_553 = arith.constant 80 : index
      %swap3A_554 = tpu.vector_load %arg30[%swap3A_553] {strides = array<i32>} : memref<96xf32, #tpu.memory_space<vmem>>, vector<16xf32>,
      tpu.vector_store %arg30[%swap3A_553], %exp3A_552 {strides = array<i32>} : memref<96xf32, #tpu.memory_space<vmem>>, vector<16xf32>,
      %parallel_loop3A = arith.constant 0 : i32
      %parallel_loop3A_555 = arith.constant 96 : i32
      %parallel_loop3A_556 = arith.constant 1 : i32
      scf.for %parallel_loop3A_804 = %parallel_loop3A to %parallel_loop3A_555 step %parallel_loop3A_556  : i32 {
        %parallel_loop3A_805 = vector.broadcast %parallel_loop3A_804 : i32 to vector<16xi32>
        %parallel_loop3A_806 = tpu.vector_load_idx %arg28[%parallel_loop3A_805] : memref<96xf32, #tpu.memory_space<vmem>>[vector<16xi32>], vector<16xf32>,
        %parallel_loop3A_807 = tpu.vector_load_idx %arg30[%parallel_loop3A_805] : memref<96xf32, #tpu.memory_space<vmem>>[vector<16xi32>], vector<16xf32>,
        %parallel_loop3A_808 = tpu.pack_subelements %parallel_loop3A_806, %parallel_loop3A_806 {pack_format = #tpu.pack_format<interleaved>, positions = array<i32: 0, 1>} : vector<16xf32>, vector<16xf32> -> vector<32xbf16>
        %parallel_loop3A_809 = tpu.pack_subelements %parallel_loop3A_807, %parallel_loop3A_807 {pack_format = #tpu.pack_format<interleaved>, positions = array<i32: 0, 1>} : vector<16xf32>, vector<16xf32> -> vector<32xbf16>
        %parallel_loop3A_810 = arith.index_cast %parallel_loop3A_804 : i32 to index
        %parallel_loop3A_811 = arith.constant 0 : index
        %parallel_loop3A_812 = tpu.vector_load %arg18[%parallel_loop3A_810, %parallel_loop3A_811] {strides = array<i32>} : memref<96x256xbf16, #tpu.memory_space<vmem>>, vector<32xbf16>,
        %parallel_loop3A_813 = arith.index_cast %parallel_loop3A_804 : i32 to index
        %parallel_loop3A_814 = arith.constant 32 : index
        %parallel_loop3A_815 = tpu.vector_load %arg18[%parallel_loop3A_813, %parallel_loop3A_814] {strides = array<i32>} : memref<96x256xbf16, #tpu.memory_space<vmem>>, vector<32xbf16>,
        %parallel_loop3A_816 = arith.index_cast %parallel_loop3A_804 : i32 to index
        %parallel_loop3A_817 = arith.constant 64 : index
        %parallel_loop3A_818 = tpu.vector_load %arg18[%parallel_loop3A_816, %parallel_loop3A_817] {strides = array<i32>} : memref<96x256xbf16, #tpu.memory_space<vmem>>, vector<32xbf16>,
        %parallel_loop3A_819 = arith.index_cast %parallel_loop3A_804 : i32 to index
        %parallel_loop3A_820 = arith.constant 96 : index
        %parallel_loop3A_821 = tpu.vector_load %arg18[%parallel_loop3A_819, %parallel_loop3A_820] {strides = array<i32>} : memref<96x256xbf16, #tpu.memory_space<vmem>>, vector<32xbf16>,
        %parallel_loop3A_822 = arith.index_cast %parallel_loop3A_804 : i32 to index
        %parallel_loop3A_823 = arith.constant 128 : index
        %parallel_loop3A_824 = tpu.vector_load %arg18[%parallel_loop3A_822, %parallel_loop3A_823] {strides = array<i32>} : memref<96x256xbf16, #tpu.memory_space<vmem>>, vector<32xbf16>,
        %parallel_loop3A_825 = arith.index_cast %parallel_loop3A_804 : i32 to index
        %parallel_loop3A_826 = arith.constant 160 : index
        %parallel_loop3A_827 = tpu.vector_load %arg18[%parallel_loop3A_825, %parallel_loop3A_826] {strides = array<i32>} : memref<96x256xbf16, #tpu.memory_space<vmem>>, vector<32xbf16>,
        %parallel_loop3A_828 = arith.index_cast %parallel_loop3A_804 : i32 to index
        %parallel_loop3A_829 = arith.constant 192 : index
        %parallel_loop3A_830 = tpu.vector_load %arg18[%parallel_loop3A_828, %parallel_loop3A_829] {strides = array<i32>} : memref<96x256xbf16, #tpu.memory_space<vmem>>, vector<32xbf16>,
        %parallel_loop3A_831 = arith.index_cast %parallel_loop3A_804 : i32 to index
        %parallel_loop3A_832 = arith.constant 224 : index
        %parallel_loop3A_833 = tpu.vector_load %arg18[%parallel_loop3A_831, %parallel_loop3A_832] {strides = array<i32>} : memref<96x256xbf16, #tpu.memory_space<vmem>>, vector<32xbf16>,
        %parallel_loop3A_834 = arith.mulf %parallel_loop3A_812, %parallel_loop3A_808 : vector<32xbf16>
        %parallel_loop3A_835 = arith.index_cast %parallel_loop3A_804 : i32 to index
        %parallel_loop3A_836 = arith.constant 0 : index
        %parallel_loop3A_837 = tpu.vector_load %arg18[%parallel_loop3A_835, %parallel_loop3A_836] {strides = array<i32>} : memref<96x256xbf16, #tpu.memory_space<vmem>>, vector<32xbf16>,
        tpu.vector_store %arg18[%parallel_loop3A_835, %parallel_loop3A_836], %parallel_loop3A_834 {strides = array<i32>} : memref<96x256xbf16, #tpu.memory_space<vmem>>, vector<32xbf16>,
        %parallel_loop3A_838 = arith.mulf %parallel_loop3A_815, %parallel_loop3A_808 : vector<32xbf16>
        %parallel_loop3A_839 = arith.index_cast %parallel_loop3A_804 : i32 to index
        %parallel_loop3A_840 = arith.constant 32 : index
        %parallel_loop3A_841 = tpu.vector_load %arg18[%parallel_loop3A_839, %parallel_loop3A_840] {strides = array<i32>} : memref<96x256xbf16, #tpu.memory_space<vmem>>, vector<32xbf16>,
        tpu.vector_store %arg18[%parallel_loop3A_839, %parallel_loop3A_840], %parallel_loop3A_838 {strides = array<i32>} : memref<96x256xbf16, #tpu.memory_space<vmem>>, vector<32xbf16>,
        %parallel_loop3A_842 = arith.mulf %parallel_loop3A_818, %parallel_loop3A_808 : vector<32xbf16>
        %parallel_loop3A_843 = arith.index_cast %parallel_loop3A_804 : i32 to index
        %parallel_loop3A_844 = arith.constant 64 : index
        %parallel_loop3A_845 = tpu.vector_load %arg18[%parallel_loop3A_843, %parallel_loop3A_844] {strides = array<i32>} : memref<96x256xbf16, #tpu.memory_space<vmem>>, vector<32xbf16>,
        tpu.vector_store %arg18[%parallel_loop3A_843, %parallel_loop3A_844], %parallel_loop3A_842 {strides = array<i32>} : memref<96x256xbf16, #tpu.memory_space<vmem>>, vector<32xbf16>,
        %parallel_loop3A_846 = arith.mulf %parallel_loop3A_821, %parallel_loop3A_808 : vector<32xbf16>
        %parallel_loop3A_847 = arith.index_cast %parallel_loop3A_804 : i32 to index
        %parallel_loop3A_848 = arith.constant 96 : index
        %parallel_loop3A_849 = tpu.vector_load %arg18[%parallel_loop3A_847, %parallel_loop3A_848] {strides = array<i32>} : memref<96x256xbf16, #tpu.memory_space<vmem>>, vector<32xbf16>,
        tpu.vector_store %arg18[%parallel_loop3A_847, %parallel_loop3A_848], %parallel_loop3A_846 {strides = array<i32>} : memref<96x256xbf16, #tpu.memory_space<vmem>>, vector<32xbf16>,
        %parallel_loop3A_850 = arith.mulf %parallel_loop3A_824, %parallel_loop3A_809 : vector<32xbf16>
        %parallel_loop3A_851 = arith.index_cast %parallel_loop3A_804 : i32 to index
        %parallel_loop3A_852 = arith.constant 128 : index
        %parallel_loop3A_853 = tpu.vector_load %arg18[%parallel_loop3A_851, %parallel_loop3A_852] {strides = array<i32>} : memref<96x256xbf16, #tpu.memory_space<vmem>>, vector<32xbf16>,
        tpu.vector_store %arg18[%parallel_loop3A_851, %parallel_loop3A_852], %parallel_loop3A_850 {strides = array<i32>} : memref<96x256xbf16, #tpu.memory_space<vmem>>, vector<32xbf16>,
        %parallel_loop3A_854 = arith.mulf %parallel_loop3A_827, %parallel_loop3A_809 : vector<32xbf16>
        %parallel_loop3A_855 = arith.index_cast %parallel_loop3A_804 : i32 to index
        %parallel_loop3A_856 = arith.constant 160 : index
        %parallel_loop3A_857 = tpu.vector_load %arg18[%parallel_loop3A_855, %parallel_loop3A_856] {strides = array<i32>} : memref<96x256xbf16, #tpu.memory_space<vmem>>, vector<32xbf16>,
        tpu.vector_store %arg18[%parallel_loop3A_855, %parallel_loop3A_856], %parallel_loop3A_854 {strides = array<i32>} : memref<96x256xbf16, #tpu.memory_space<vmem>>, vector<32xbf16>,
        %parallel_loop3A_858 = arith.mulf %parallel_loop3A_830, %parallel_loop3A_809 : vector<32xbf16>
        %parallel_loop3A_859 = arith.index_cast %parallel_loop3A_804 : i32 to index
        %parallel_loop3A_860 = arith.constant 192 : index
        %parallel_loop3A_861 = tpu.vector_load %arg18[%parallel_loop3A_859, %parallel_loop3A_860] {strides = array<i32>} : memref<96x256xbf16, #tpu.memory_space<vmem>>, vector<32xbf16>,
        tpu.vector_store %arg18[%parallel_loop3A_859, %parallel_loop3A_860], %parallel_loop3A_858 {strides = array<i32>} : memref<96x256xbf16, #tpu.memory_space<vmem>>, vector<32xbf16>,
        %parallel_loop3A_862 = arith.mulf %parallel_loop3A_833, %parallel_loop3A_809 : vector<32xbf16>
        %parallel_loop3A_863 = arith.index_cast %parallel_loop3A_804 : i32 to index
        %parallel_loop3A_864 = arith.constant 224 : index
        %parallel_loop3A_865 = tpu.vector_load %arg18[%parallel_loop3A_863, %parallel_loop3A_864] {strides = array<i32>} : memref<96x256xbf16, #tpu.memory_space<vmem>>, vector<32xbf16>,
        tpu.vector_store %arg18[%parallel_loop3A_863, %parallel_loop3A_864], %parallel_loop3A_862 {strides = array<i32>} : memref<96x256xbf16, #tpu.memory_space<vmem>>, vector<32xbf16>,
      } {sc.loop_unroll_factor = 2 : i64, sc.parallel_access}
      %mul3A_557 = arith.constant 96 : i32
      %mul3A_558 = arith.muli %mul3A_333, %mul3A_557 : i32
      %dma_start3A_559 = tpu.memref_slice %arg17[%mul3A_558] : memref<10176xi32, #tpu.memory_space<vmem>> -> memref<96xi32, #tpu.memory_space<vmem>>
      %dma_start3A_560 = arith.constant 0 : i32
      %dma_start3A_561 = arith.constant 0 : i32
      %dma_start3A_562 = tpu.memref_slice %arg9[%dma_start3A_560, %dma_start3A_561] : memref<10008x256xbf16, #tpu.memory_space<vmem_shared>> -> memref<10008x256xbf16, #tpu.memory_space<vmem_shared>>
      tpu.enqueue_indirect_dma source(%arg18 : memref<96x256xbf16, #tpu.memory_space<vmem>>) target(%dma_start3A_562 : memref<10008x256xbf16, #tpu.memory_space<vmem_shared>>) offsets(%dma_start3A_559 : memref<96xi32, #tpu.memory_space<vmem>>) semaphore(%arg38 : memref<!tpu.dma_semaphore, #tpu.memory_space<semaphore_mem>>) {add = true}
      %dma_start3A_563 = tpu.memref_slice %arg17[%mul3A_558] : memref<10176xi32, #tpu.memory_space<vmem>> -> memref<96xi32, #tpu.memory_space<vmem>>
      %dma_start3A_564 = arith.constant 0 : i32
      %dma_start3A_565 = tpu.memref_slice %arg10[%dma_start3A_564] : memref<10240xf32, #tpu.memory_space<vmem_shared>> -> memref<10240xf32, #tpu.memory_space<vmem_shared>>
      tpu.enqueue_indirect_dma source(%arg28 : memref<96xf32, #tpu.memory_space<vmem>>) target(%dma_start3A_565 : memref<10240xf32, #tpu.memory_space<vmem_shared>>) offsets(%dma_start3A_563 : memref<96xi32, #tpu.memory_space<vmem>>) semaphore(%arg40 : memref<!tpu.dma_semaphore, #tpu.memory_space<semaphore_mem>>) {add = true}
      %dma_start3A_566 = tpu.memref_slice %arg17[%mul3A_558] : memref<10176xi32, #tpu.memory_space<vmem>> -> memref<96xi32, #tpu.memory_space<vmem>>
      %dma_start3A_567 = arith.constant 0 : i32
      %dma_start3A_568 = tpu.memref_slice %arg11[%dma_start3A_567] : memref<10240xf32, #tpu.memory_space<vmem_shared>> -> memref<10240xf32, #tpu.memory_space<vmem_shared>>
      tpu.enqueue_indirect_dma source(%arg30 : memref<96xf32, #tpu.memory_space<vmem>>) target(%dma_start3A_568 : memref<10240xf32, #tpu.memory_space<vmem_shared>>) offsets(%dma_start3A_566 : memref<96xi32, #tpu.memory_space<vmem>>) semaphore(%arg40 : memref<!tpu.dma_semaphore, #tpu.memory_space<semaphore_mem>>) {add = true}
      %add3A_569 = arith.constant 1 : i32
      %add3A_570 = arith.addi %mul3A_333, %add3A_569 : i32
      %mul3A_571 = arith.constant 96 : i32
      %mul3A_572 = arith.muli %add3A_570, %mul3A_571 : i32
      %mul3A_573 = arith.constant 96 : i32
      %mul3A_574 = arith.muli %add3A_570, %mul3A_573 : i32
      %dma_wait3A_575 = tpu.memref_slice %arg16[%mul3A_572] : memref<10176xi32, #tpu.memory_space<vmem>> -> memref<96xi32, #tpu.memory_space<vmem>>
      %dma_wait3A_576 = arith.constant 0 : i32
      %dma_wait3A_577 = tpu.memref_slice %arg12[%dma_wait3A_576] : memref<10240xf32, #tpu.memory_space<vmem_shared>> -> memref<10240xf32, #tpu.memory_space<vmem_shared>>
      tpu.wait_indirect_dma semaphore(%arg35 : memref<!tpu.dma_semaphore, #tpu.memory_space<semaphore_mem>>) src(%dma_wait3A_577 : memref<10240xf32, #tpu.memory_space<vmem_shared>>) dst(%arg21 : memref<96xf32, #tpu.memory_space<vmem>>)
      %dma_wait3A_578 = tpu.memref_slice %arg16[%mul3A_572] : memref<10176xi32, #tpu.memory_space<vmem>> -> memref<96xi32, #tpu.memory_space<vmem>>
      %dma_wait3A_579 = arith.constant 0 : i32
      %dma_wait3A_580 = tpu.memref_slice %arg13[%dma_wait3A_579] : memref<10240xf32, #tpu.memory_space<vmem_shared>> -> memref<10240xf32, #tpu.memory_space<vmem_shared>>
      tpu.wait_indirect_dma semaphore(%arg35 : memref<!tpu.dma_semaphore, #tpu.memory_space<semaphore_mem>>) src(%dma_wait3A_580 : memref<10240xf32, #tpu.memory_space<vmem_shared>>) dst(%arg23 : memref<96xf32, #tpu.memory_space<vmem>>)
      %dma_wait3A_581 = tpu.memref_slice %arg17[%mul3A_574] : memref<10176xi32, #tpu.memory_space<vmem>> -> memref<96xi32, #tpu.memory_space<vmem>>
      %dma_wait3A_582 = arith.constant 0 : i32
      %dma_wait3A_583 = tpu.memref_slice %arg14[%dma_wait3A_582] : memref<10240xf32, #tpu.memory_space<vmem_shared>> -> memref<10240xf32, #tpu.memory_space<vmem_shared>>
      tpu.wait_indirect_dma semaphore(%arg37 : memref<!tpu.dma_semaphore, #tpu.memory_space<semaphore_mem>>) src(%dma_wait3A_583 : memref<10240xf32, #tpu.memory_space<vmem_shared>>) dst(%arg25 : memref<96xf32, #tpu.memory_space<vmem>>)
      %dma_wait3A_584 = tpu.memref_slice %arg17[%mul3A_574] : memref<10176xi32, #tpu.memory_space<vmem>> -> memref<96xi32, #tpu.memory_space<vmem>>
      %dma_wait3A_585 = arith.constant 0 : i32
      %dma_wait3A_586 = tpu.memref_slice %arg15[%dma_wait3A_585] : memref<10240xf32, #tpu.memory_space<vmem_shared>> -> memref<10240xf32, #tpu.memory_space<vmem_shared>>
      tpu.wait_indirect_dma semaphore(%arg37 : memref<!tpu.dma_semaphore, #tpu.memory_space<semaphore_mem>>) src(%dma_wait3A_586 : memref<10240xf32, #tpu.memory_space<vmem_shared>>) dst(%arg27 : memref<96xf32, #tpu.memory_space<vmem>>)
      %dma_wait3A_587 = tpu.memref_slice %arg16[%mul3A_572] : memref<10176xi32, #tpu.memory_space<vmem>> -> memref<96xi32, #tpu.memory_space<vmem>>
      %dma_wait3A_588 = arith.constant 0 : i32
      %dma_wait3A_589 = arith.constant 0 : i32
      %dma_wait3A_590 = tpu.memref_slice %arg2[%dma_wait3A_588, %dma_wait3A_589] : memref<10008x256xbf16, #tpu.memory_space<hbm>> -> memref<10008x256xbf16, #tpu.memory_space<hbm>>
      tpu.wait_indirect_dma semaphore(%arg33 : memref<!tpu.dma_semaphore, #tpu.memory_space<semaphore_mem>>) src(%dma_wait3A_590 : memref<10008x256xbf16, #tpu.memory_space<hbm>>) dst(%arg19 : memref<96x256xbf16, #tpu.memory_space<vmem>>)
      %mul3A_591 = arith.constant 96 : i32
      %mul3A_592 = arith.muli %mul3A_333, %mul3A_591 : i32
      %dma_wait3A_593 = tpu.memref_slice %arg17[%mul3A_592] : memref<10176xi32, #tpu.memory_space<vmem>> -> memref<96xi32, #tpu.memory_space<vmem>>
      %dma_wait3A_594 = arith.constant 0 : i32
      %dma_wait3A_595 = arith.constant 0 : i32
      %dma_wait3A_596 = tpu.memref_slice %arg9[%dma_wait3A_594, %dma_wait3A_595] : memref<10008x256xbf16, #tpu.memory_space<vmem_shared>> -> memref<10008x256xbf16, #tpu.memory_space<vmem_shared>>
      tpu.wait_indirect_dma semaphore(%arg38 : memref<!tpu.dma_semaphore, #tpu.memory_space<semaphore_mem>>) src(%arg18 : memref<96x256xbf16, #tpu.memory_space<vmem>>) dst(%dma_wait3A_596 : memref<10008x256xbf16, #tpu.memory_space<vmem_shared>>)
      %dma_wait3A_597 = tpu.memref_slice %arg17[%mul3A_592] : memref<10176xi32, #tpu.memory_space<vmem>> -> memref<96xi32, #tpu.memory_space<vmem>>
      %dma_wait3A_598 = arith.constant 0 : i32
      %dma_wait3A_599 = tpu.memref_slice %arg10[%dma_wait3A_598] : memref<10240xf32, #tpu.memory_space<vmem_shared>> -> memref<10240xf32, #tpu.memory_space<vmem_shared>>
      tpu.wait_indirect_dma semaphore(%arg40 : memref<!tpu.dma_semaphore, #tpu.memory_space<semaphore_mem>>) src(%arg28 : memref<96xf32, #tpu.memory_space<vmem>>) dst(%dma_wait3A_599 : memref<10240xf32, #tpu.memory_space<vmem_shared>>)
      %dma_wait3A_600 = tpu.memref_slice %arg17[%mul3A_592] : memref<10176xi32, #tpu.memory_space<vmem>> -> memref<96xi32, #tpu.memory_space<vmem>>
      %dma_wait3A_601 = arith.constant 0 : i32
      %dma_wait3A_602 = tpu.memref_slice %arg11[%dma_wait3A_601] : memref<10240xf32, #tpu.memory_space<vmem_shared>> -> memref<10240xf32, #tpu.memory_space<vmem_shared>>
      tpu.wait_indirect_dma semaphore(%arg40 : memref<!tpu.dma_semaphore, #tpu.memory_space<semaphore_mem>>) src(%arg30 : memref<96xf32, #tpu.memory_space<vmem>>) dst(%dma_wait3A_602 : memref<10240xf32, #tpu.memory_space<vmem_shared>>)
      %lt3A = arith.constant 52 : i32
      %lt3A_603 = arith.cmpi slt, %scan3A_331, %lt3A : i32
      %convert_element_type3A_604 = arith.extui %lt3A_603 : i1 to i32
      %cond3A_605 = arith.constant 0 : i32
      %cond3A_606 = arith.cmpi ne, %convert_element_type3A_604, %cond3A_605 : i32
      scf.if %cond3A_606 {
        %add3A_804 = arith.constant 2 : i32
        %add3A_805 = arith.addi %mul3A_333, %add3A_804 : i32
        %mul3A_806 = arith.constant 96 : i32
        %mul3A_807 = arith.muli %add3A_805, %mul3A_806 : i32
        %mul3A_808 = arith.constant 96 : i32
        %mul3A_809 = arith.muli %add3A_805, %mul3A_808 : i32
        %dma_start3A_810 = tpu.memref_slice %arg16[%mul3A_807] : memref<10176xi32, #tpu.memory_space<vmem>> -> memref<96xi32, #tpu.memory_space<vmem>>
        %dma_start3A_811 = arith.constant 0 : i32
        %dma_start3A_812 = tpu.memref_slice %arg12[%dma_start3A_811] : memref<10240xf32, #tpu.memory_space<vmem_shared>> -> memref<10240xf32, #tpu.memory_space<vmem_shared>>
        tpu.enqueue_indirect_dma source(%dma_start3A_812 : memref<10240xf32, #tpu.memory_space<vmem_shared>>) target(%arg20 : memref<96xf32, #tpu.memory_space<vmem>>) offsets(%dma_start3A_810 : memref<96xi32, #tpu.memory_space<vmem>>) semaphore(%arg34 : memref<!tpu.dma_semaphore, #tpu.memory_space<semaphore_mem>>)
        %dma_start3A_813 = tpu.memref_slice %arg16[%mul3A_807] : memref<10176xi32, #tpu.memory_space<vmem>> -> memref<96xi32, #tpu.memory_space<vmem>>
        %dma_start3A_814 = arith.constant 0 : i32
        %dma_start3A_815 = tpu.memref_slice %arg13[%dma_start3A_814] : memref<10240xf32, #tpu.memory_space<vmem_shared>> -> memref<10240xf32, #tpu.memory_space<vmem_shared>>
        tpu.enqueue_indirect_dma source(%dma_start3A_815 : memref<10240xf32, #tpu.memory_space<vmem_shared>>) target(%arg22 : memref<96xf32, #tpu.memory_space<vmem>>) offsets(%dma_start3A_813 : memref<96xi32, #tpu.memory_space<vmem>>) semaphore(%arg34 : memref<!tpu.dma_semaphore, #tpu.memory_space<semaphore_mem>>)
        %dma_start3A_816 = tpu.memref_slice %arg17[%mul3A_809] : memref<10176xi32, #tpu.memory_space<vmem>> -> memref<96xi32, #tpu.memory_space<vmem>>
        %dma_start3A_817 = arith.constant 0 : i32
        %dma_start3A_818 = tpu.memref_slice %arg14[%dma_start3A_817] : memref<10240xf32, #tpu.memory_space<vmem_shared>> -> memref<10240xf32, #tpu.memory_space<vmem_shared>>
        tpu.enqueue_indirect_dma source(%dma_start3A_818 : memref<10240xf32, #tpu.memory_space<vmem_shared>>) target(%arg24 : memref<96xf32, #tpu.memory_space<vmem>>) offsets(%dma_start3A_816 : memref<96xi32, #tpu.memory_space<vmem>>) semaphore(%arg36 : memref<!tpu.dma_semaphore, #tpu.memory_space<semaphore_mem>>)
        %dma_start3A_819 = tpu.memref_slice %arg17[%mul3A_809] : memref<10176xi32, #tpu.memory_space<vmem>> -> memref<96xi32, #tpu.memory_space<vmem>>
        %dma_start3A_820 = arith.constant 0 : i32
        %dma_start3A_821 = tpu.memref_slice %arg15[%dma_start3A_820] : memref<10240xf32, #tpu.memory_space<vmem_shared>> -> memref<10240xf32, #tpu.memory_space<vmem_shared>>
        tpu.enqueue_indirect_dma source(%dma_start3A_821 : memref<10240xf32, #tpu.memory_space<vmem_shared>>) target(%arg26 : memref<96xf32, #tpu.memory_space<vmem>>) offsets(%dma_start3A_819 : memref<96xi32, #tpu.memory_space<vmem>>) semaphore(%arg36 : memref<!tpu.dma_semaphore, #tpu.memory_space<semaphore_mem>>)
        %dma_start3A_822 = tpu.memref_slice %arg16[%mul3A_807] : memref<10176xi32, #tpu.memory_space<vmem>> -> memref<96xi32, #tpu.memory_space<vmem>>
        %dma_start3A_823 = arith.constant 0 : i32
        %dma_start3A_824 = arith.constant 0 : i32
        %dma_start3A_825 = tpu.memref_slice %arg2[%dma_start3A_823, %dma_start3A_824] : memref<10008x256xbf16, #tpu.memory_space<hbm>> -> memref<10008x256xbf16, #tpu.memory_space<hbm>>
        tpu.enqueue_indirect_dma source(%dma_start3A_825 : memref<10008x256xbf16, #tpu.memory_space<hbm>>) target(%arg18 : memref<96x256xbf16, #tpu.memory_space<vmem>>) offsets(%dma_start3A_822 : memref<96xi32, #tpu.memory_space<vmem>>) semaphore(%arg32 : memref<!tpu.dma_semaphore, #tpu.memory_space<semaphore_mem>>)
      } else {
      }
      %get3A_607 = arith.constant 0 : index
      %get3A_608 = tpu.vector_load %arg21[%get3A_607] {strides = array<i32>} : memref<96xf32, #tpu.memory_space<vmem>>, vector<16xf32>,
      %get3A_609 = arith.constant 0 : index
      %get3A_610 = tpu.vector_load %arg25[%get3A_609] {strides = array<i32>} : memref<96xf32, #tpu.memory_space<vmem>>, vector<16xf32>,
      %add3A_611 = arith.addf %get3A_608, %get3A_610 : vector<16xf32>
      %ge3A_612 = arith.constant 0.000000e+00 : f32
      %ge3A_613 = vector.broadcast %ge3A_612 : f32 to vector<16xf32>
      %ge3A_614 = arith.cmpf oge, %add3A_611, %ge3A_613 : vector<16xf32>
      %mul3A_615 = arith.constant 2.000000e-01 : f32
      %mul3A_616 = vector.broadcast %mul3A_615 : f32 to vector<16xf32>
      %mul3A_617 = arith.mulf %mul3A_616, %add3A_611 : vector<16xf32>
      %select_n3A_618 = arith.select %ge3A_614, %add3A_611, %mul3A_617 : vector<16xi1>, vector<16xf32>
      %exp3A_619 = math.exp %select_n3A_618 : vector<16xf32>
      %swap3A_620 = arith.constant 0 : index
      %swap3A_621 = tpu.vector_load %arg29[%swap3A_620] {strides = array<i32>} : memref<96xf32, #tpu.memory_space<vmem>>, vector<16xf32>,
      tpu.vector_store %arg29[%swap3A_620], %exp3A_619 {strides = array<i32>} : memref<96xf32, #tpu.memory_space<vmem>>, vector<16xf32>,
      %get3A_622 = arith.constant 0 : index
      %get3A_623 = tpu.vector_load %arg23[%get3A_622] {strides = array<i32>} : memref<96xf32, #tpu.memory_space<vmem>>, vector<16xf32>,
      %get3A_624 = arith.constant 0 : index
      %get3A_625 = tpu.vector_load %arg27[%get3A_624] {strides = array<i32>} : memref<96xf32, #tpu.memory_space<vmem>>, vector<16xf32>,
      %add3A_626 = arith.addf %get3A_623, %get3A_625 : vector<16xf32>
      %ge3A_627 = arith.constant 0.000000e+00 : f32
      %ge3A_628 = vector.broadcast %ge3A_627 : f32 to vector<16xf32>
      %ge3A_629 = arith.cmpf oge, %add3A_626, %ge3A_628 : vector<16xf32>
      %mul3A_630 = arith.constant 2.000000e-01 : f32
      %mul3A_631 = vector.broadcast %mul3A_630 : f32 to vector<16xf32>
      %mul3A_632 = arith.mulf %mul3A_631, %add3A_626 : vector<16xf32>
      %select_n3A_633 = arith.select %ge3A_629, %add3A_626, %mul3A_632 : vector<16xi1>, vector<16xf32>
      %exp3A_634 = math.exp %select_n3A_633 : vector<16xf32>
      %swap3A_635 = arith.constant 0 : index
      %swap3A_636 = tpu.vector_load %arg31[%swap3A_635] {strides = array<i32>} : memref<96xf32, #tpu.memory_space<vmem>>, vector<16xf32>,
      tpu.vector_store %arg31[%swap3A_635], %exp3A_634 {strides = array<i32>} : memref<96xf32, #tpu.memory_space<vmem>>, vector<16xf32>,
      %get3A_637 = arith.constant 16 : index
      %get3A_638 = tpu.vector_load %arg21[%get3A_637] {strides = array<i32>} : memref<96xf32, #tpu.memory_space<vmem>>, vector<16xf32>,
      %get3A_639 = arith.constant 16 : index
      %get3A_640 = tpu.vector_load %arg25[%get3A_639] {strides = array<i32>} : memref<96xf32, #tpu.memory_space<vmem>>, vector<16xf32>,
      %add3A_641 = arith.addf %get3A_638, %get3A_640 : vector<16xf32>
      %ge3A_642 = arith.constant 0.000000e+00 : f32
      %ge3A_643 = vector.broadcast %ge3A_642 : f32 to vector<16xf32>
      %ge3A_644 = arith.cmpf oge, %add3A_641, %ge3A_643 : vector<16xf32>
      %mul3A_645 = arith.constant 2.000000e-01 : f32
      %mul3A_646 = vector.broadcast %mul3A_645 : f32 to vector<16xf32>
      %mul3A_647 = arith.mulf %mul3A_646, %add3A_641 : vector<16xf32>
      %select_n3A_648 = arith.select %ge3A_644, %add3A_641, %mul3A_647 : vector<16xi1>, vector<16xf32>
      %exp3A_649 = math.exp %select_n3A_648 : vector<16xf32>
      %swap3A_650 = arith.constant 16 : index
      %swap3A_651 = tpu.vector_load %arg29[%swap3A_650] {strides = array<i32>} : memref<96xf32, #tpu.memory_space<vmem>>, vector<16xf32>,
      tpu.vector_store %arg29[%swap3A_650], %exp3A_649 {strides = array<i32>} : memref<96xf32, #tpu.memory_space<vmem>>, vector<16xf32>,
      %get3A_652 = arith.constant 16 : index
      %get3A_653 = tpu.vector_load %arg23[%get3A_652] {strides = array<i32>} : memref<96xf32, #tpu.memory_space<vmem>>, vector<16xf32>,
      %get3A_654 = arith.constant 16 : index
      %get3A_655 = tpu.vector_load %arg27[%get3A_654] {strides = array<i32>} : memref<96xf32, #tpu.memory_space<vmem>>, vector<16xf32>,
      %add3A_656 = arith.addf %get3A_653, %get3A_655 : vector<16xf32>
      %ge3A_657 = arith.constant 0.000000e+00 : f32
      %ge3A_658 = vector.broadcast %ge3A_657 : f32 to vector<16xf32>
      %ge3A_659 = arith.cmpf oge, %add3A_656, %ge3A_658 : vector<16xf32>
      %mul3A_660 = arith.constant 2.000000e-01 : f32
      %mul3A_661 = vector.broadcast %mul3A_660 : f32 to vector<16xf32>
      %mul3A_662 = arith.mulf %mul3A_661, %add3A_656 : vector<16xf32>
      %select_n3A_663 = arith.select %ge3A_659, %add3A_656, %mul3A_662 : vector<16xi1>, vector<16xf32>
      %exp3A_664 = math.exp %select_n3A_663 : vector<16xf32>
      %swap3A_665 = arith.constant 16 : index
      %swap3A_666 = tpu.vector_load %arg31[%swap3A_665] {strides = array<i32>} : memref<96xf32, #tpu.memory_space<vmem>>, vector<16xf32>,
      tpu.vector_store %arg31[%swap3A_665], %exp3A_664 {strides = array<i32>} : memref<96xf32, #tpu.memory_space<vmem>>, vector<16xf32>,
      %get3A_667 = arith.constant 32 : index
      %get3A_668 = tpu.vector_load %arg21[%get3A_667] {strides = array<i32>} : memref<96xf32, #tpu.memory_space<vmem>>, vector<16xf32>,
      %get3A_669 = arith.constant 32 : index
      %get3A_670 = tpu.vector_load %arg25[%get3A_669] {strides = array<i32>} : memref<96xf32, #tpu.memory_space<vmem>>, vector<16xf32>,
      %add3A_671 = arith.addf %get3A_668, %get3A_670 : vector<16xf32>
      %ge3A_672 = arith.constant 0.000000e+00 : f32
      %ge3A_673 = vector.broadcast %ge3A_672 : f32 to vector<16xf32>
      %ge3A_674 = arith.cmpf oge, %add3A_671, %ge3A_673 : vector<16xf32>
      %mul3A_675 = arith.constant 2.000000e-01 : f32
      %mul3A_676 = vector.broadcast %mul3A_675 : f32 to vector<16xf32>
      %mul3A_677 = arith.mulf %mul3A_676, %add3A_671 : vector<16xf32>
      %select_n3A_678 = arith.select %ge3A_674, %add3A_671, %mul3A_677 : vector<16xi1>, vector<16xf32>
      %exp3A_679 = math.exp %select_n3A_678 : vector<16xf32>
      %swap3A_680 = arith.constant 32 : index
      %swap3A_681 = tpu.vector_load %arg29[%swap3A_680] {strides = array<i32>} : memref<96xf32, #tpu.memory_space<vmem>>, vector<16xf32>,
      tpu.vector_store %arg29[%swap3A_680], %exp3A_679 {strides = array<i32>} : memref<96xf32, #tpu.memory_space<vmem>>, vector<16xf32>,
      %get3A_682 = arith.constant 32 : index
      %get3A_683 = tpu.vector_load %arg23[%get3A_682] {strides = array<i32>} : memref<96xf32, #tpu.memory_space<vmem>>, vector<16xf32>,
      %get3A_684 = arith.constant 32 : index
      %get3A_685 = tpu.vector_load %arg27[%get3A_684] {strides = array<i32>} : memref<96xf32, #tpu.memory_space<vmem>>, vector<16xf32>,
      %add3A_686 = arith.addf %get3A_683, %get3A_685 : vector<16xf32>
      %ge3A_687 = arith.constant 0.000000e+00 : f32
      %ge3A_688 = vector.broadcast %ge3A_687 : f32 to vector<16xf32>
      %ge3A_689 = arith.cmpf oge, %add3A_686, %ge3A_688 : vector<16xf32>
      %mul3A_690 = arith.constant 2.000000e-01 : f32
      %mul3A_691 = vector.broadcast %mul3A_690 : f32 to vector<16xf32>
      %mul3A_692 = arith.mulf %mul3A_691, %add3A_686 : vector<16xf32>
      %select_n3A_693 = arith.select %ge3A_689, %add3A_686, %mul3A_692 : vector<16xi1>, vector<16xf32>
      %exp3A_694 = math.exp %select_n3A_693 : vector<16xf32>
      %swap3A_695 = arith.constant 32 : index
      %swap3A_696 = tpu.vector_load %arg31[%swap3A_695] {strides = array<i32>} : memref<96xf32, #tpu.memory_space<vmem>>, vector<16xf32>,
      tpu.vector_store %arg31[%swap3A_695], %exp3A_694 {strides = array<i32>} : memref<96xf32, #tpu.memory_space<vmem>>, vector<16xf32>,
      %get3A_697 = arith.constant 48 : index
      %get3A_698 = tpu.vector_load %arg21[%get3A_697] {strides = array<i32>} : memref<96xf32, #tpu.memory_space<vmem>>, vector<16xf32>,
      %get3A_699 = arith.constant 48 : index
      %get3A_700 = tpu.vector_load %arg25[%get3A_699] {strides = array<i32>} : memref<96xf32, #tpu.memory_space<vmem>>, vector<16xf32>,
      %add3A_701 = arith.addf %get3A_698, %get3A_700 : vector<16xf32>
      %ge3A_702 = arith.constant 0.000000e+00 : f32
      %ge3A_703 = vector.broadcast %ge3A_702 : f32 to vector<16xf32>
      %ge3A_704 = arith.cmpf oge, %add3A_701, %ge3A_703 : vector<16xf32>
      %mul3A_705 = arith.constant 2.000000e-01 : f32
      %mul3A_706 = vector.broadcast %mul3A_705 : f32 to vector<16xf32>
      %mul3A_707 = arith.mulf %mul3A_706, %add3A_701 : vector<16xf32>
      %select_n3A_708 = arith.select %ge3A_704, %add3A_701, %mul3A_707 : vector<16xi1>, vector<16xf32>
      %exp3A_709 = math.exp %select_n3A_708 : vector<16xf32>
      %swap3A_710 = arith.constant 48 : index
      %swap3A_711 = tpu.vector_load %arg29[%swap3A_710] {strides = array<i32>} : memref<96xf32, #tpu.memory_space<vmem>>, vector<16xf32>,
      tpu.vector_store %arg29[%swap3A_710], %exp3A_709 {strides = array<i32>} : memref<96xf32, #tpu.memory_space<vmem>>, vector<16xf32>,
      %get3A_712 = arith.constant 48 : index
      %get3A_713 = tpu.vector_load %arg23[%get3A_712] {strides = array<i32>} : memref<96xf32, #tpu.memory_space<vmem>>, vector<16xf32>,
      %get3A_714 = arith.constant 48 : index
      %get3A_715 = tpu.vector_load %arg27[%get3A_714] {strides = array<i32>} : memref<96xf32, #tpu.memory_space<vmem>>, vector<16xf32>,
      %add3A_716 = arith.addf %get3A_713, %get3A_715 : vector<16xf32>
      %ge3A_717 = arith.constant 0.000000e+00 : f32
      %ge3A_718 = vector.broadcast %ge3A_717 : f32 to vector<16xf32>
      %ge3A_719 = arith.cmpf oge, %add3A_716, %ge3A_718 : vector<16xf32>
      %mul3A_720 = arith.constant 2.000000e-01 : f32
      %mul3A_721 = vector.broadcast %mul3A_720 : f32 to vector<16xf32>
      %mul3A_722 = arith.mulf %mul3A_721, %add3A_716 : vector<16xf32>
      %select_n3A_723 = arith.select %ge3A_719, %add3A_716, %mul3A_722 : vector<16xi1>, vector<16xf32>
      %exp3A_724 = math.exp %select_n3A_723 : vector<16xf32>
      %swap3A_725 = arith.constant 48 : index
      %swap3A_726 = tpu.vector_load %arg31[%swap3A_725] {strides = array<i32>} : memref<96xf32, #tpu.memory_space<vmem>>, vector<16xf32>,
      tpu.vector_store %arg31[%swap3A_725], %exp3A_724 {strides = array<i32>} : memref<96xf32, #tpu.memory_space<vmem>>, vector<16xf32>,
      %get3A_727 = arith.constant 64 : index
      %get3A_728 = tpu.vector_load %arg21[%get3A_727] {strides = array<i32>} : memref<96xf32, #tpu.memory_space<vmem>>, vector<16xf32>,
      %get3A_729 = arith.constant 64 : index
      %get3A_730 = tpu.vector_load %arg25[%get3A_729] {strides = array<i32>} : memref<96xf32, #tpu.memory_space<vmem>>, vector<16xf32>,
      %add3A_731 = arith.addf %get3A_728, %get3A_730 : vector<16xf32>
      %ge3A_732 = arith.constant 0.000000e+00 : f32
      %ge3A_733 = vector.broadcast %ge3A_732 : f32 to vector<16xf32>
      %ge3A_734 = arith.cmpf oge, %add3A_731, %ge3A_733 : vector<16xf32>
      %mul3A_735 = arith.constant 2.000000e-01 : f32
      %mul3A_736 = vector.broadcast %mul3A_735 : f32 to vector<16xf32>
      %mul3A_737 = arith.mulf %mul3A_736, %add3A_731 : vector<16xf32>
      %select_n3A_738 = arith.select %ge3A_734, %add3A_731, %mul3A_737 : vector<16xi1>, vector<16xf32>
      %exp3A_739 = math.exp %select_n3A_738 : vector<16xf32>
      %swap3A_740 = arith.constant 64 : index
      %swap3A_741 = tpu.vector_load %arg29[%swap3A_740] {strides = array<i32>} : memref<96xf32, #tpu.memory_space<vmem>>, vector<16xf32>,
      tpu.vector_store %arg29[%swap3A_740], %exp3A_739 {strides = array<i32>} : memref<96xf32, #tpu.memory_space<vmem>>, vector<16xf32>,
      %get3A_742 = arith.constant 64 : index
      %get3A_743 = tpu.vector_load %arg23[%get3A_742] {strides = array<i32>} : memref<96xf32, #tpu.memory_space<vmem>>, vector<16xf32>,
      %get3A_744 = arith.constant 64 : index
      %get3A_745 = tpu.vector_load %arg27[%get3A_744] {strides = array<i32>} : memref<96xf32, #tpu.memory_space<vmem>>, vector<16xf32>,
      %add3A_746 = arith.addf %get3A_743, %get3A_745 : vector<16xf32>
      %ge3A_747 = arith.constant 0.000000e+00 : f32
      %ge3A_748 = vector.broadcast %ge3A_747 : f32 to vector<16xf32>
      %ge3A_749 = arith.cmpf oge, %add3A_746, %ge3A_748 : vector<16xf32>
      %mul3A_750 = arith.constant 2.000000e-01 : f32
      %mul3A_751 = vector.broadcast %mul3A_750 : f32 to vector<16xf32>
      %mul3A_752 = arith.mulf %mul3A_751, %add3A_746 : vector<16xf32>
      %select_n3A_753 = arith.select %ge3A_749, %add3A_746, %mul3A_752 : vector<16xi1>, vector<16xf32>
      %exp3A_754 = math.exp %select_n3A_753 : vector<16xf32>
      %swap3A_755 = arith.constant 64 : index
      %swap3A_756 = tpu.vector_load %arg31[%swap3A_755] {strides = array<i32>} : memref<96xf32, #tpu.memory_space<vmem>>, vector<16xf32>,
      tpu.vector_store %arg31[%swap3A_755], %exp3A_754 {strides = array<i32>} : memref<96xf32, #tpu.memory_space<vmem>>, vector<16xf32>,
      %get3A_757 = arith.constant 80 : index
      %get3A_758 = tpu.vector_load %arg21[%get3A_757] {strides = array<i32>} : memref<96xf32, #tpu.memory_space<vmem>>, vector<16xf32>,
      %get3A_759 = arith.constant 80 : index
      %get3A_760 = tpu.vector_load %arg25[%get3A_759] {strides = array<i32>} : memref<96xf32, #tpu.memory_space<vmem>>, vector<16xf32>,
      %add3A_761 = arith.addf %get3A_758, %get3A_760 : vector<16xf32>
      %ge3A_762 = arith.constant 0.000000e+00 : f32
      %ge3A_763 = vector.broadcast %ge3A_762 : f32 to vector<16xf32>
      %ge3A_764 = arith.cmpf oge, %add3A_761, %ge3A_763 : vector<16xf32>
      %mul3A_765 = arith.constant 2.000000e-01 : f32
      %mul3A_766 = vector.broadcast %mul3A_765 : f32 to vector<16xf32>
      %mul3A_767 = arith.mulf %mul3A_766, %add3A_761 : vector<16xf32>
      %select_n3A_768 = arith.select %ge3A_764, %add3A_761, %mul3A_767 : vector<16xi1>, vector<16xf32>
      %exp3A_769 = math.exp %select_n3A_768 : vector<16xf32>
      %swap3A_770 = arith.constant 80 : index
      %swap3A_771 = tpu.vector_load %arg29[%swap3A_770] {strides = array<i32>} : memref<96xf32, #tpu.memory_space<vmem>>, vector<16xf32>,
      tpu.vector_store %arg29[%swap3A_770], %exp3A_769 {strides = array<i32>} : memref<96xf32, #tpu.memory_space<vmem>>, vector<16xf32>,
      %get3A_772 = arith.constant 80 : index
      %get3A_773 = tpu.vector_load %arg23[%get3A_772] {strides = array<i32>} : memref<96xf32, #tpu.memory_space<vmem>>, vector<16xf32>,
      %get3A_774 = arith.constant 80 : index
      %get3A_775 = tpu.vector_load %arg27[%get3A_774] {strides = array<i32>} : memref<96xf32, #tpu.memory_space<vmem>>, vector<16xf32>,
      %add3A_776 = arith.addf %get3A_773, %get3A_775 : vector<16xf32>
      %ge3A_777 = arith.constant 0.000000e+00 : f32
      %ge3A_778 = vector.broadcast %ge3A_777 : f32 to vector<16xf32>
      %ge3A_779 = arith.cmpf oge, %add3A_776, %ge3A_778 : vector<16xf32>
      %mul3A_780 = arith.constant 2.000000e-01 : f32
      %mul3A_781 = vector.broadcast %mul3A_780 : f32 to vector<16xf32>
      %mul3A_782 = arith.mulf %mul3A_781, %add3A_776 : vector<16xf32>
      %select_n3A_783 = arith.select %ge3A_779, %add3A_776, %mul3A_782 : vector<16xi1>, vector<16xf32>
      %exp3A_784 = math.exp %select_n3A_783 : vector<16xf32>
      %swap3A_785 = arith.constant 80 : index
      %swap3A_786 = tpu.vector_load %arg31[%swap3A_785] {strides = array<i32>} : memref<96xf32, #tpu.memory_space<vmem>>, vector<16xf32>,
      tpu.vector_store %arg31[%swap3A_785], %exp3A_784 {strides = array<i32>} : memref<96xf32, #tpu.memory_space<vmem>>, vector<16xf32>,
      %parallel_loop3A_787 = arith.constant 0 : i32
      %parallel_loop3A_788 = arith.constant 96 : i32
      %parallel_loop3A_789 = arith.constant 1 : i32
      scf.for %parallel_loop3A_804 = %parallel_loop3A_787 to %parallel_loop3A_788 step %parallel_loop3A_789  : i32 {
        %parallel_loop3A_805 = vector.broadcast %parallel_loop3A_804 : i32 to vector<16xi32>
        %parallel_loop3A_806 = tpu.vector_load_idx %arg29[%parallel_loop3A_805] : memref<96xf32, #tpu.memory_space<vmem>>[vector<16xi32>], vector<16xf32>,
        %parallel_loop3A_807 = tpu.vector_load_idx %arg31[%parallel_loop3A_805] : memref<96xf32, #tpu.memory_space<vmem>>[vector<16xi32>], vector<16xf32>,
        %parallel_loop3A_808 = tpu.pack_subelements %parallel_loop3A_806, %parallel_loop3A_806 {pack_format = #tpu.pack_format<interleaved>, positions = array<i32: 0, 1>} : vector<16xf32>, vector<16xf32> -> vector<32xbf16>
        %parallel_loop3A_809 = tpu.pack_subelements %parallel_loop3A_807, %parallel_loop3A_807 {pack_format = #tpu.pack_format<interleaved>, positions = array<i32: 0, 1>} : vector<16xf32>, vector<16xf32> -> vector<32xbf16>
        %parallel_loop3A_810 = arith.index_cast %parallel_loop3A_804 : i32 to index
        %parallel_loop3A_811 = arith.constant 0 : index
        %parallel_loop3A_812 = tpu.vector_load %arg19[%parallel_loop3A_810, %parallel_loop3A_811] {strides = array<i32>} : memref<96x256xbf16, #tpu.memory_space<vmem>>, vector<32xbf16>,
        %parallel_loop3A_813 = arith.index_cast %parallel_loop3A_804 : i32 to index
        %parallel_loop3A_814 = arith.constant 32 : index
        %parallel_loop3A_815 = tpu.vector_load %arg19[%parallel_loop3A_813, %parallel_loop3A_814] {strides = array<i32>} : memref<96x256xbf16, #tpu.memory_space<vmem>>, vector<32xbf16>,
        %parallel_loop3A_816 = arith.index_cast %parallel_loop3A_804 : i32 to index
        %parallel_loop3A_817 = arith.constant 64 : index
        %parallel_loop3A_818 = tpu.vector_load %arg19[%parallel_loop3A_816, %parallel_loop3A_817] {strides = array<i32>} : memref<96x256xbf16, #tpu.memory_space<vmem>>, vector<32xbf16>,
        %parallel_loop3A_819 = arith.index_cast %parallel_loop3A_804 : i32 to index
        %parallel_loop3A_820 = arith.constant 96 : index
        %parallel_loop3A_821 = tpu.vector_load %arg19[%parallel_loop3A_819, %parallel_loop3A_820] {strides = array<i32>} : memref<96x256xbf16, #tpu.memory_space<vmem>>, vector<32xbf16>,
        %parallel_loop3A_822 = arith.index_cast %parallel_loop3A_804 : i32 to index
        %parallel_loop3A_823 = arith.constant 128 : index
        %parallel_loop3A_824 = tpu.vector_load %arg19[%parallel_loop3A_822, %parallel_loop3A_823] {strides = array<i32>} : memref<96x256xbf16, #tpu.memory_space<vmem>>, vector<32xbf16>,
        %parallel_loop3A_825 = arith.index_cast %parallel_loop3A_804 : i32 to index
        %parallel_loop3A_826 = arith.constant 160 : index
        %parallel_loop3A_827 = tpu.vector_load %arg19[%parallel_loop3A_825, %parallel_loop3A_826] {strides = array<i32>} : memref<96x256xbf16, #tpu.memory_space<vmem>>, vector<32xbf16>,
        %parallel_loop3A_828 = arith.index_cast %parallel_loop3A_804 : i32 to index
        %parallel_loop3A_829 = arith.constant 192 : index
        %parallel_loop3A_830 = tpu.vector_load %arg19[%parallel_loop3A_828, %parallel_loop3A_829] {strides = array<i32>} : memref<96x256xbf16, #tpu.memory_space<vmem>>, vector<32xbf16>,
        %parallel_loop3A_831 = arith.index_cast %parallel_loop3A_804 : i32 to index
        %parallel_loop3A_832 = arith.constant 224 : index
        %parallel_loop3A_833 = tpu.vector_load %arg19[%parallel_loop3A_831, %parallel_loop3A_832] {strides = array<i32>} : memref<96x256xbf16, #tpu.memory_space<vmem>>, vector<32xbf16>,
        %parallel_loop3A_834 = arith.mulf %parallel_loop3A_812, %parallel_loop3A_808 : vector<32xbf16>
        %parallel_loop3A_835 = arith.index_cast %parallel_loop3A_804 : i32 to index
        %parallel_loop3A_836 = arith.constant 0 : index
        %parallel_loop3A_837 = tpu.vector_load %arg19[%parallel_loop3A_835, %parallel_loop3A_836] {strides = array<i32>} : memref<96x256xbf16, #tpu.memory_space<vmem>>, vector<32xbf16>,
        tpu.vector_store %arg19[%parallel_loop3A_835, %parallel_loop3A_836], %parallel_loop3A_834 {strides = array<i32>} : memref<96x256xbf16, #tpu.memory_space<vmem>>, vector<32xbf16>,
        %parallel_loop3A_838 = arith.mulf %parallel_loop3A_815, %parallel_loop3A_808 : vector<32xbf16>
        %parallel_loop3A_839 = arith.index_cast %parallel_loop3A_804 : i32 to index
        %parallel_loop3A_840 = arith.constant 32 : index
        %parallel_loop3A_841 = tpu.vector_load %arg19[%parallel_loop3A_839, %parallel_loop3A_840] {strides = array<i32>} : memref<96x256xbf16, #tpu.memory_space<vmem>>, vector<32xbf16>,
        tpu.vector_store %arg19[%parallel_loop3A_839, %parallel_loop3A_840], %parallel_loop3A_838 {strides = array<i32>} : memref<96x256xbf16, #tpu.memory_space<vmem>>, vector<32xbf16>,
        %parallel_loop3A_842 = arith.mulf %parallel_loop3A_818, %parallel_loop3A_808 : vector<32xbf16>
        %parallel_loop3A_843 = arith.index_cast %parallel_loop3A_804 : i32 to index
        %parallel_loop3A_844 = arith.constant 64 : index
        %parallel_loop3A_845 = tpu.vector_load %arg19[%parallel_loop3A_843, %parallel_loop3A_844] {strides = array<i32>} : memref<96x256xbf16, #tpu.memory_space<vmem>>, vector<32xbf16>,
        tpu.vector_store %arg19[%parallel_loop3A_843, %parallel_loop3A_844], %parallel_loop3A_842 {strides = array<i32>} : memref<96x256xbf16, #tpu.memory_space<vmem>>, vector<32xbf16>,
        %parallel_loop3A_846 = arith.mulf %parallel_loop3A_821, %parallel_loop3A_808 : vector<32xbf16>
        %parallel_loop3A_847 = arith.index_cast %parallel_loop3A_804 : i32 to index
        %parallel_loop3A_848 = arith.constant 96 : index
        %parallel_loop3A_849 = tpu.vector_load %arg19[%parallel_loop3A_847, %parallel_loop3A_848] {strides = array<i32>} : memref<96x256xbf16, #tpu.memory_space<vmem>>, vector<32xbf16>,
        tpu.vector_store %arg19[%parallel_loop3A_847, %parallel_loop3A_848], %parallel_loop3A_846 {strides = array<i32>} : memref<96x256xbf16, #tpu.memory_space<vmem>>, vector<32xbf16>,
        %parallel_loop3A_850 = arith.mulf %parallel_loop3A_824, %parallel_loop3A_809 : vector<32xbf16>
        %parallel_loop3A_851 = arith.index_cast %parallel_loop3A_804 : i32 to index
        %parallel_loop3A_852 = arith.constant 128 : index
        %parallel_loop3A_853 = tpu.vector_load %arg19[%parallel_loop3A_851, %parallel_loop3A_852] {strides = array<i32>} : memref<96x256xbf16, #tpu.memory_space<vmem>>, vector<32xbf16>,
        tpu.vector_store %arg19[%parallel_loop3A_851, %parallel_loop3A_852], %parallel_loop3A_850 {strides = array<i32>} : memref<96x256xbf16, #tpu.memory_space<vmem>>, vector<32xbf16>,
        %parallel_loop3A_854 = arith.mulf %parallel_loop3A_827, %parallel_loop3A_809 : vector<32xbf16>
        %parallel_loop3A_855 = arith.index_cast %parallel_loop3A_804 : i32 to index
        %parallel_loop3A_856 = arith.constant 160 : index
        %parallel_loop3A_857 = tpu.vector_load %arg19[%parallel_loop3A_855, %parallel_loop3A_856] {strides = array<i32>} : memref<96x256xbf16, #tpu.memory_space<vmem>>, vector<32xbf16>,
        tpu.vector_store %arg19[%parallel_loop3A_855, %parallel_loop3A_856], %parallel_loop3A_854 {strides = array<i32>} : memref<96x256xbf16, #tpu.memory_space<vmem>>, vector<32xbf16>,
        %parallel_loop3A_858 = arith.mulf %parallel_loop3A_830, %parallel_loop3A_809 : vector<32xbf16>
        %parallel_loop3A_859 = arith.index_cast %parallel_loop3A_804 : i32 to index
        %parallel_loop3A_860 = arith.constant 192 : index
        %parallel_loop3A_861 = tpu.vector_load %arg19[%parallel_loop3A_859, %parallel_loop3A_860] {strides = array<i32>} : memref<96x256xbf16, #tpu.memory_space<vmem>>, vector<32xbf16>,
        tpu.vector_store %arg19[%parallel_loop3A_859, %parallel_loop3A_860], %parallel_loop3A_858 {strides = array<i32>} : memref<96x256xbf16, #tpu.memory_space<vmem>>, vector<32xbf16>,
        %parallel_loop3A_862 = arith.mulf %parallel_loop3A_833, %parallel_loop3A_809 : vector<32xbf16>
        %parallel_loop3A_863 = arith.index_cast %parallel_loop3A_804 : i32 to index
        %parallel_loop3A_864 = arith.constant 224 : index
        %parallel_loop3A_865 = tpu.vector_load %arg19[%parallel_loop3A_863, %parallel_loop3A_864] {strides = array<i32>} : memref<96x256xbf16, #tpu.memory_space<vmem>>, vector<32xbf16>,
        tpu.vector_store %arg19[%parallel_loop3A_863, %parallel_loop3A_864], %parallel_loop3A_862 {strides = array<i32>} : memref<96x256xbf16, #tpu.memory_space<vmem>>, vector<32xbf16>,
      } {sc.loop_unroll_factor = 2 : i64, sc.parallel_access}
      %add3A_790 = arith.constant 1 : i32
      %add3A_791 = arith.addi %mul3A_333, %add3A_790 : i32
      %mul3A_792 = arith.constant 96 : i32
      %mul3A_793 = arith.muli %add3A_791, %mul3A_792 : i32
      %dma_start3A_794 = tpu.memref_slice %arg17[%mul3A_793] : memref<10176xi32, #tpu.memory_space<vmem>> -> memref<96xi32, #tpu.memory_space<vmem>>
      %dma_start3A_795 = arith.constant 0 : i32
      %dma_start3A_796 = arith.constant 0 : i32
      %dma_start3A_797 = tpu.memref_slice %arg9[%dma_start3A_795, %dma_start3A_796] : memref<10008x256xbf16, #tpu.memory_space<vmem_shared>> -> memref<10008x256xbf16, #tpu.memory_space<vmem_shared>>
      tpu.enqueue_indirect_dma source(%arg19 : memref<96x256xbf16, #tpu.memory_space<vmem>>) target(%dma_start3A_797 : memref<10008x256xbf16, #tpu.memory_space<vmem_shared>>) offsets(%dma_start3A_794 : memref<96xi32, #tpu.memory_space<vmem>>) semaphore(%arg39 : memref<!tpu.dma_semaphore, #tpu.memory_space<semaphore_mem>>) {add = true}
      %dma_start3A_798 = tpu.memref_slice %arg17[%mul3A_793] : memref<10176xi32, #tpu.memory_space<vmem>> -> memref<96xi32, #tpu.memory_space<vmem>>
      %dma_start3A_799 = arith.constant 0 : i32
      %dma_start3A_800 = tpu.memref_slice %arg10[%dma_start3A_799] : memref<10240xf32, #tpu.memory_space<vmem_shared>> -> memref<10240xf32, #tpu.memory_space<vmem_shared>>
      tpu.enqueue_indirect_dma source(%arg29 : memref<96xf32, #tpu.memory_space<vmem>>) target(%dma_start3A_800 : memref<10240xf32, #tpu.memory_space<vmem_shared>>) offsets(%dma_start3A_798 : memref<96xi32, #tpu.memory_space<vmem>>) semaphore(%arg41 : memref<!tpu.dma_semaphore, #tpu.memory_space<semaphore_mem>>) {add = true}
      %dma_start3A_801 = tpu.memref_slice %arg17[%mul3A_793] : memref<10176xi32, #tpu.memory_space<vmem>> -> memref<96xi32, #tpu.memory_space<vmem>>
      %dma_start3A_802 = arith.constant 0 : i32
      %dma_start3A_803 = tpu.memref_slice %arg11[%dma_start3A_802] : memref<10240xf32, #tpu.memory_space<vmem_shared>> -> memref<10240xf32, #tpu.memory_space<vmem_shared>>
      tpu.enqueue_indirect_dma source(%arg31 : memref<96xf32, #tpu.memory_space<vmem>>) target(%dma_start3A_803 : memref<10240xf32, #tpu.memory_space<vmem_shared>>) offsets(%dma_start3A_801 : memref<96xi32, #tpu.memory_space<vmem>>) semaphore(%arg41 : memref<!tpu.dma_semaphore, #tpu.memory_space<semaphore_mem>>) {add = true}
    }
    %scan3A_96 = arith.constant 53 : i32
    %dma_wait3A = arith.constant 10080 : i32
    %dma_wait3A_97 = tpu.memref_slice %arg17[%dma_wait3A] : memref<10176xi32, #tpu.memory_space<vmem>> -> memref<96xi32, #tpu.memory_space<vmem>>
    %dma_wait3A_98 = arith.constant 0 : i32
    %dma_wait3A_99 = arith.constant 0 : i32
    %dma_wait3A_100 = tpu.memref_slice %arg9[%dma_wait3A_98, %dma_wait3A_99] : memref<10008x256xbf16, #tpu.memory_space<vmem_shared>> -> memref<10008x256xbf16, #tpu.memory_space<vmem_shared>>
    tpu.wait_indirect_dma semaphore(%arg39 : memref<!tpu.dma_semaphore, #tpu.memory_space<semaphore_mem>>) src(%arg19 : memref<96x256xbf16, #tpu.memory_space<vmem>>) dst(%dma_wait3A_100 : memref<10008x256xbf16, #tpu.memory_space<vmem_shared>>)
    %dma_wait3A_101 = arith.constant 10080 : i32
    %dma_wait3A_102 = tpu.memref_slice %arg17[%dma_wait3A_101] : memref<10176xi32, #tpu.memory_space<vmem>> -> memref<96xi32, #tpu.memory_space<vmem>>
    %dma_wait3A_103 = arith.constant 0 : i32
    %dma_wait3A_104 = tpu.memref_slice %arg10[%dma_wait3A_103] : memref<10240xf32, #tpu.memory_space<vmem_shared>> -> memref<10240xf32, #tpu.memory_space<vmem_shared>>
    tpu.wait_indirect_dma semaphore(%arg41 : memref<!tpu.dma_semaphore, #tpu.memory_space<semaphore_mem>>) src(%arg29 : memref<96xf32, #tpu.memory_space<vmem>>) dst(%dma_wait3A_104 : memref<10240xf32, #tpu.memory_space<vmem_shared>>)
    %dma_wait3A_105 = arith.constant 10080 : i32
    %dma_wait3A_106 = tpu.memref_slice %arg17[%dma_wait3A_105] : memref<10176xi32, #tpu.memory_space<vmem>> -> memref<96xi32, #tpu.memory_space<vmem>>
    %dma_wait3A_107 = arith.constant 0 : i32
    %dma_wait3A_108 = tpu.memref_slice %arg11[%dma_wait3A_107] : memref<10240xf32, #tpu.memory_space<vmem_shared>> -> memref<10240xf32, #tpu.memory_space<vmem_shared>>
    tpu.wait_indirect_dma semaphore(%arg41 : memref<!tpu.dma_semaphore, #tpu.memory_space<semaphore_mem>>) src(%arg31 : memref<96xf32, #tpu.memory_space<vmem>>) dst(%dma_wait3A_108 : memref<10240xf32, #tpu.memory_space<vmem_shared>>)
    %barrier3A_109 = arith.constant 0 : index
    tpu.barrier barrier_id(%barrier3A_109)
    %mul3A_110 = arith.constant 625 : i32
    %mul3A_111 = arith.muli %arg1, %mul3A_110 : i32
    %add3A_112 = arith.constant 0 : i32
    %add3A_113 = arith.addi %mul3A_111, %add3A_112 : i32
    %mul3A_114 = arith.constant 10000 : i32
    %mul3A_115 = arith.muli %add3A_6, %mul3A_114 : i32
    %add3A_116 = arith.addi %mul3A_115, %add3A_113 : i32
    "tpu.region"() ({
      %run_scoped3A = tpu.sem_alloc : memref<!tpu.dma_semaphore, #tpu.memory_space<semaphore_mem>>
      %dma_start3A_331 = arith.constant 0 : i32
      %dma_start3A_332 = tpu.memref_slice %arg7[%add3A_116, %dma_start3A_331] : memref<40000x256xbf16, #tpu.memory_space<hbm>> -> memref<125x256xbf16, #tpu.memory_space<hbm>>
      %dma_start3A_333 = arith.constant 0 : i32
      %dma_start3A_334 = tpu.memref_slice %arg9[%add3A_113, %dma_start3A_333] : memref<10008x256xbf16, #tpu.memory_space<vmem_shared>> -> memref<125x256xbf16, #tpu.memory_space<vmem_shared>>
      tpu.enqueue_dma source(%dma_start3A_334 : memref<125x256xbf16, #tpu.memory_space<vmem_shared>>) target(%dma_start3A_332 : memref<125x256xbf16, #tpu.memory_space<hbm>>) target_semaphore(%run_scoped3A : memref<!tpu.dma_semaphore, #tpu.memory_space<semaphore_mem>>)
      %dma_wait3A_335 = arith.constant 0 : i32
      %dma_wait3A_336 = tpu.memref_slice %arg7[%add3A_116, %dma_wait3A_335] : memref<40000x256xbf16, #tpu.memory_space<hbm>> -> memref<125x256xbf16, #tpu.memory_space<hbm>>
      %dma_wait3A_337 = arith.constant 0 : i32
      %dma_wait3A_338 = tpu.memref_slice %arg9[%add3A_113, %dma_wait3A_337] : memref<10008x256xbf16, #tpu.memory_space<vmem_shared>> -> memref<125x256xbf16, #tpu.memory_space<vmem_shared>>
      tpu.wait_dma2 semaphore(%run_scoped3A : memref<!tpu.dma_semaphore, #tpu.memory_space<semaphore_mem>>) src(%dma_wait3A_338 : memref<125x256xbf16, #tpu.memory_space<vmem_shared>>) dst(%dma_wait3A_336 : memref<125x256xbf16, #tpu.memory_space<hbm>>)
      tpu.yield
    }) : () -> ()
    %mul3A_117 = arith.constant 625 : i32
    %mul3A_118 = arith.muli %arg1, %mul3A_117 : i32
    %add3A_119 = arith.constant 125 : i32
    %add3A_120 = arith.addi %mul3A_118, %add3A_119 : i32
    %mul3A_121 = arith.constant 10000 : i32
    %mul3A_122 = arith.muli %add3A_6, %mul3A_121 : i32
    %add3A_123 = arith.addi %mul3A_122, %add3A_120 : i32
    "tpu.region"() ({
      %run_scoped3A = tpu.sem_alloc : memref<!tpu.dma_semaphore, #tpu.memory_space<semaphore_mem>>
      %dma_start3A_331 = arith.constant 0 : i32
      %dma_start3A_332 = tpu.memref_slice %arg7[%add3A_123, %dma_start3A_331] : memref<40000x256xbf16, #tpu.memory_space<hbm>> -> memref<125x256xbf16, #tpu.memory_space<hbm>>
      %dma_start3A_333 = arith.constant 0 : i32
      %dma_start3A_334 = tpu.memref_slice %arg9[%add3A_120, %dma_start3A_333] : memref<10008x256xbf16, #tpu.memory_space<vmem_shared>> -> memref<125x256xbf16, #tpu.memory_space<vmem_shared>>
      tpu.enqueue_dma source(%dma_start3A_334 : memref<125x256xbf16, #tpu.memory_space<vmem_shared>>) target(%dma_start3A_332 : memref<125x256xbf16, #tpu.memory_space<hbm>>) target_semaphore(%run_scoped3A : memref<!tpu.dma_semaphore, #tpu.memory_space<semaphore_mem>>)
      %dma_wait3A_335 = arith.constant 0 : i32
      %dma_wait3A_336 = tpu.memref_slice %arg7[%add3A_123, %dma_wait3A_335] : memref<40000x256xbf16, #tpu.memory_space<hbm>> -> memref<125x256xbf16, #tpu.memory_space<hbm>>
      %dma_wait3A_337 = arith.constant 0 : i32
      %dma_wait3A_338 = tpu.memref_slice %arg9[%add3A_120, %dma_wait3A_337] : memref<10008x256xbf16, #tpu.memory_space<vmem_shared>> -> memref<125x256xbf16, #tpu.memory_space<vmem_shared>>
      tpu.wait_dma2 semaphore(%run_scoped3A : memref<!tpu.dma_semaphore, #tpu.memory_space<semaphore_mem>>) src(%dma_wait3A_338 : memref<125x256xbf16, #tpu.memory_space<vmem_shared>>) dst(%dma_wait3A_336 : memref<125x256xbf16, #tpu.memory_space<hbm>>)
      tpu.yield
    }) : () -> ()
    %mul3A_124 = arith.constant 625 : i32
    %mul3A_125 = arith.muli %arg1, %mul3A_124 : i32
    %add3A_126 = arith.constant 250 : i32
    %add3A_127 = arith.addi %mul3A_125, %add3A_126 : i32
    %mul3A_128 = arith.constant 10000 : i32
    %mul3A_129 = arith.muli %add3A_6, %mul3A_128 : i32
    %add3A_130 = arith.addi %mul3A_129, %add3A_127 : i32
    "tpu.region"() ({
      %run_scoped3A = tpu.sem_alloc : memref<!tpu.dma_semaphore, #tpu.memory_space<semaphore_mem>>
      %dma_start3A_331 = arith.constant 0 : i32
      %dma_start3A_332 = tpu.memref_slice %arg7[%add3A_130, %dma_start3A_331] : memref<40000x256xbf16, #tpu.memory_space<hbm>> -> memref<125x256xbf16, #tpu.memory_space<hbm>>
      %dma_start3A_333 = arith.constant 0 : i32
      %dma_start3A_334 = tpu.memref_slice %arg9[%add3A_127, %dma_start3A_333] : memref<10008x256xbf16, #tpu.memory_space<vmem_shared>> -> memref<125x256xbf16, #tpu.memory_space<vmem_shared>>
      tpu.enqueue_dma source(%dma_start3A_334 : memref<125x256xbf16, #tpu.memory_space<vmem_shared>>) target(%dma_start3A_332 : memref<125x256xbf16, #tpu.memory_space<hbm>>) target_semaphore(%run_scoped3A : memref<!tpu.dma_semaphore, #tpu.memory_space<semaphore_mem>>)
      %dma_wait3A_335 = arith.constant 0 : i32
      %dma_wait3A_336 = tpu.memref_slice %arg7[%add3A_130, %dma_wait3A_335] : memref<40000x256xbf16, #tpu.memory_space<hbm>> -> memref<125x256xbf16, #tpu.memory_space<hbm>>
      %dma_wait3A_337 = arith.constant 0 : i32
      %dma_wait3A_338 = tpu.memref_slice %arg9[%add3A_127, %dma_wait3A_337] : memref<10008x256xbf16, #tpu.memory_space<vmem_shared>> -> memref<125x256xbf16, #tpu.memory_space<vmem_shared>>
      tpu.wait_dma2 semaphore(%run_scoped3A : memref<!tpu.dma_semaphore, #tpu.memory_space<semaphore_mem>>) src(%dma_wait3A_338 : memref<125x256xbf16, #tpu.memory_space<vmem_shared>>) dst(%dma_wait3A_336 : memref<125x256xbf16, #tpu.memory_space<hbm>>)
      tpu.yield
    }) : () -> ()
    %mul3A_131 = arith.constant 625 : i32
    %mul3A_132 = arith.muli %arg1, %mul3A_131 : i32
    %add3A_133 = arith.constant 375 : i32
    %add3A_134 = arith.addi %mul3A_132, %add3A_133 : i32
    %mul3A_135 = arith.constant 10000 : i32
    %mul3A_136 = arith.muli %add3A_6, %mul3A_135 : i32
    %add3A_137 = arith.addi %mul3A_136, %add3A_134 : i32
    "tpu.region"() ({
      %run_scoped3A = tpu.sem_alloc : memref<!tpu.dma_semaphore, #tpu.memory_space<semaphore_mem>>
      %dma_start3A_331 = arith.constant 0 : i32
      %dma_start3A_332 = tpu.memref_slice %arg7[%add3A_137, %dma_start3A_331] : memref<40000x256xbf16, #tpu.memory_space<hbm>> -> memref<125x256xbf16, #tpu.memory_space<hbm>>
      %dma_start3A_333 = arith.constant 0 : i32
      %dma_start3A_334 = tpu.memref_slice %arg9[%add3A_134, %dma_start3A_333] : memref<10008x256xbf16, #tpu.memory_space<vmem_shared>> -> memref<125x256xbf16, #tpu.memory_space<vmem_shared>>
      tpu.enqueue_dma source(%dma_start3A_334 : memref<125x256xbf16, #tpu.memory_space<vmem_shared>>) target(%dma_start3A_332 : memref<125x256xbf16, #tpu.memory_space<hbm>>) target_semaphore(%run_scoped3A : memref<!tpu.dma_semaphore, #tpu.memory_space<semaphore_mem>>)
      %dma_wait3A_335 = arith.constant 0 : i32
      %dma_wait3A_336 = tpu.memref_slice %arg7[%add3A_137, %dma_wait3A_335] : memref<40000x256xbf16, #tpu.memory_space<hbm>> -> memref<125x256xbf16, #tpu.memory_space<hbm>>
      %dma_wait3A_337 = arith.constant 0 : i32
      %dma_wait3A_338 = tpu.memref_slice %arg9[%add3A_134, %dma_wait3A_337] : memref<10008x256xbf16, #tpu.memory_space<vmem_shared>> -> memref<125x256xbf16, #tpu.memory_space<vmem_shared>>
      tpu.wait_dma2 semaphore(%run_scoped3A : memref<!tpu.dma_semaphore, #tpu.memory_space<semaphore_mem>>) src(%dma_wait3A_338 : memref<125x256xbf16, #tpu.memory_space<vmem_shared>>) dst(%dma_wait3A_336 : memref<125x256xbf16, #tpu.memory_space<hbm>>)
      tpu.yield
    }) : () -> ()
    %mul3A_138 = arith.constant 625 : i32
    %mul3A_139 = arith.muli %arg1, %mul3A_138 : i32
    %add3A_140 = arith.constant 500 : i32
    %add3A_141 = arith.addi %mul3A_139, %add3A_140 : i32
    %mul3A_142 = arith.constant 10000 : i32
    %mul3A_143 = arith.muli %add3A_6, %mul3A_142 : i32
    %add3A_144 = arith.addi %mul3A_143, %add3A_141 : i32
    "tpu.region"() ({
      %run_scoped3A = tpu.sem_alloc : memref<!tpu.dma_semaphore, #tpu.memory_space<semaphore_mem>>
      %dma_start3A_331 = arith.constant 0 : i32
      %dma_start3A_332 = tpu.memref_slice %arg7[%add3A_144, %dma_start3A_331] : memref<40000x256xbf16, #tpu.memory_space<hbm>> -> memref<125x256xbf16, #tpu.memory_space<hbm>>
      %dma_start3A_333 = arith.constant 0 : i32
      %dma_start3A_334 = tpu.memref_slice %arg9[%add3A_141, %dma_start3A_333] : memref<10008x256xbf16, #tpu.memory_space<vmem_shared>> -> memref<125x256xbf16, #tpu.memory_space<vmem_shared>>
      tpu.enqueue_dma source(%dma_start3A_334 : memref<125x256xbf16, #tpu.memory_space<vmem_shared>>) target(%dma_start3A_332 : memref<125x256xbf16, #tpu.memory_space<hbm>>) target_semaphore(%run_scoped3A : memref<!tpu.dma_semaphore, #tpu.memory_space<semaphore_mem>>)
      %dma_wait3A_335 = arith.constant 0 : i32
      %dma_wait3A_336 = tpu.memref_slice %arg7[%add3A_144, %dma_wait3A_335] : memref<40000x256xbf16, #tpu.memory_space<hbm>> -> memref<125x256xbf16, #tpu.memory_space<hbm>>
      %dma_wait3A_337 = arith.constant 0 : i32
      %dma_wait3A_338 = tpu.memref_slice %arg9[%add3A_141, %dma_wait3A_337] : memref<10008x256xbf16, #tpu.memory_space<vmem_shared>> -> memref<125x256xbf16, #tpu.memory_space<vmem_shared>>
      tpu.wait_dma2 semaphore(%run_scoped3A : memref<!tpu.dma_semaphore, #tpu.memory_space<semaphore_mem>>) src(%dma_wait3A_338 : memref<125x256xbf16, #tpu.memory_space<vmem_shared>>) dst(%dma_wait3A_336 : memref<125x256xbf16, #tpu.memory_space<hbm>>)
      tpu.yield
    }) : () -> ()
    %mul3A_145 = arith.constant 2 : i32
    %mul3A_146 = arith.muli %add3A_6, %mul3A_145 : i32
    %mul3A_147 = arith.constant 10240 : i32
    %mul3A_148 = arith.muli %mul3A_146, %mul3A_147 : i32
    %mul3A_149 = arith.constant 640 : i32
    %mul3A_150 = arith.muli %arg1, %mul3A_149 : i32
    %add3A_151 = arith.addi %mul3A_148, %mul3A_150 : i32
    "tpu.region"() ({
      %run_scoped3A = tpu.sem_alloc : memref<!tpu.dma_semaphore, #tpu.memory_space<semaphore_mem>>
      %dma_start3A_331 = tpu.memref_slice %arg8[%add3A_151] : memref<81920xf32, #tpu.memory_space<hbm>> -> memref<640xf32, #tpu.memory_space<hbm>>
      %dma_start3A_332 = tpu.memref_slice %arg10[%mul3A_25] : memref<10240xf32, #tpu.memory_space<vmem_shared>> -> memref<640xf32, #tpu.memory_space<vmem_shared>>
      tpu.enqueue_dma source(%dma_start3A_332 : memref<640xf32, #tpu.memory_space<vmem_shared>>) target(%dma_start3A_331 : memref<640xf32, #tpu.memory_space<hbm>>) target_semaphore(%run_scoped3A : memref<!tpu.dma_semaphore, #tpu.memory_space<semaphore_mem>>)
      %dma_wait3A_333 = tpu.memref_slice %arg8[%add3A_151] : memref<81920xf32, #tpu.memory_space<hbm>> -> memref<640xf32, #tpu.memory_space<hbm>>
      %dma_wait3A_334 = tpu.memref_slice %arg10[%mul3A_25] : memref<10240xf32, #tpu.memory_space<vmem_shared>> -> memref<640xf32, #tpu.memory_space<vmem_shared>>
      tpu.wait_dma2 semaphore(%run_scoped3A : memref<!tpu.dma_semaphore, #tpu.memory_space<semaphore_mem>>) src(%dma_wait3A_334 : memref<640xf32, #tpu.memory_space<vmem_shared>>) dst(%dma_wait3A_333 : memref<640xf32, #tpu.memory_space<hbm>>)
      tpu.yield
    }) : () -> ()
    %mul3A_152 = arith.constant 2 : i32
    %mul3A_153 = arith.muli %add3A_6, %mul3A_152 : i32
    %add3A_154 = arith.constant 1 : i32
    %add3A_155 = arith.addi %mul3A_153, %add3A_154 : i32
    %mul3A_156 = arith.constant 10240 : i32
    %mul3A_157 = arith.muli %add3A_155, %mul3A_156 : i32
    %mul3A_158 = arith.constant 640 : i32
    %mul3A_159 = arith.muli %arg1, %mul3A_158 : i32
    %add3A_160 = arith.addi %mul3A_157, %mul3A_159 : i32
    "tpu.region"() ({
      %run_scoped3A = tpu.sem_alloc : memref<!tpu.dma_semaphore, #tpu.memory_space<semaphore_mem>>
      %dma_start3A_331 = tpu.memref_slice %arg8[%add3A_160] : memref<81920xf32, #tpu.memory_space<hbm>> -> memref<640xf32, #tpu.memory_space<hbm>>
      %dma_start3A_332 = tpu.memref_slice %arg11[%mul3A_25] : memref<10240xf32, #tpu.memory_space<vmem_shared>> -> memref<640xf32, #tpu.memory_space<vmem_shared>>
      tpu.enqueue_dma source(%dma_start3A_332 : memref<640xf32, #tpu.memory_space<vmem_shared>>) target(%dma_start3A_331 : memref<640xf32, #tpu.memory_space<hbm>>) target_semaphore(%run_scoped3A : memref<!tpu.dma_semaphore, #tpu.memory_space<semaphore_mem>>)
      %dma_wait3A_333 = tpu.memref_slice %arg8[%add3A_160] : memref<81920xf32, #tpu.memory_space<hbm>> -> memref<640xf32, #tpu.memory_space<hbm>>
      %dma_wait3A_334 = tpu.memref_slice %arg11[%mul3A_25] : memref<10240xf32, #tpu.memory_space<vmem_shared>> -> memref<640xf32, #tpu.memory_space<vmem_shared>>
      tpu.wait_dma2 semaphore(%run_scoped3A : memref<!tpu.dma_semaphore, #tpu.memory_space<semaphore_mem>>) src(%dma_wait3A_334 : memref<640xf32, #tpu.memory_space<vmem_shared>>) dst(%dma_wait3A_333 : memref<640xf32, #tpu.memory_space<hbm>>)
      tpu.yield
    }) : () -> ()
    %add3A_161 = arith.constant 4 : i32
    %add3A_162 = arith.addi %arg0, %add3A_161 : i32
    %add3A_163 = arith.constant 2 : i32
    %add3A_164 = arith.addi %arg0, %add3A_163 : i32
    %add3A_165 = arith.constant 4 : i32
    %add3A_166 = arith.addi %add3A_164, %add3A_165 : i32
    %add3A_167 = arith.constant 2 : i32
    %add3A_168 = arith.addi %add3A_167, %arg0 : i32
    %mul3A_169 = arith.constant 2 : i32
    %mul3A_170 = arith.muli %arg0, %mul3A_169 : i32
    %add3A_171 = arith.constant 1 : i32
    %add3A_172 = arith.addi %mul3A_170, %add3A_171 : i32
    %mul3A_173 = arith.constant 162816 : i32
    %mul3A_174 = arith.muli %add3A_172, %mul3A_173 : i32
    %mul3A_175 = arith.constant 10176 : i32
    %mul3A_176 = arith.muli %arg1, %mul3A_175 : i32
    %add3A_177 = arith.addi %mul3A_174, %mul3A_176 : i32
    %mul3A_178 = arith.constant 2 : i32
    %mul3A_179 = arith.muli %arg0, %mul3A_178 : i32
    %add3A_180 = arith.constant 0 : i32
    %add3A_181 = arith.addi %mul3A_179, %add3A_180 : i32
    %mul3A_182 = arith.constant 162816 : i32
    %mul3A_183 = arith.muli %add3A_181, %mul3A_182 : i32
    %mul3A_184 = arith.constant 10176 : i32
    %mul3A_185 = arith.muli %arg1, %mul3A_184 : i32
    %add3A_186 = arith.addi %mul3A_183, %mul3A_185 : i32
    "tpu.region"() ({
      %run_scoped3A = tpu.sem_alloc : memref<!tpu.dma_semaphore, #tpu.memory_space<semaphore_mem>>
      %dma_start3A_331 = tpu.memref_slice %arg3[%add3A_177] : memref<651264xi32, #tpu.memory_space<hbm>> -> memref<10176xi32, #tpu.memory_space<hbm>>
      %dma_start3A_332 = tpu.memref_slice %arg3[%add3A_177] : memref<651264xi32, #tpu.memory_space<hbm>> -> memref<10176xi32, #tpu.memory_space<hbm>>
      tpu.enqueue_dma source(%dma_start3A_332 : memref<10176xi32, #tpu.memory_space<hbm>>) target(%arg16 : memref<10176xi32, #tpu.memory_space<vmem>>) target_semaphore(%run_scoped3A : memref<!tpu.dma_semaphore, #tpu.memory_space<semaphore_mem>>)
      %dma_wait3A_333 = tpu.memref_slice %arg3[%add3A_177] : memref<651264xi32, #tpu.memory_space<hbm>> -> memref<10176xi32, #tpu.memory_space<hbm>>
      %dma_wait3A_334 = tpu.memref_slice %arg3[%add3A_177] : memref<651264xi32, #tpu.memory_space<hbm>> -> memref<10176xi32, #tpu.memory_space<hbm>>
      tpu.wait_dma2 semaphore(%run_scoped3A : memref<!tpu.dma_semaphore, #tpu.memory_space<semaphore_mem>>) src(%dma_wait3A_334 : memref<10176xi32, #tpu.memory_space<hbm>>) dst(%arg16 : memref<10176xi32, #tpu.memory_space<vmem>>)
      tpu.yield
    }) : () -> ()
    "tpu.region"() ({
      %run_scoped3A = tpu.sem_alloc : memref<!tpu.dma_semaphore, #tpu.memory_space<semaphore_mem>>
      %dma_start3A_331 = tpu.memref_slice %arg3[%add3A_186] : memref<651264xi32, #tpu.memory_space<hbm>> -> memref<10176xi32, #tpu.memory_space<hbm>>
      %dma_start3A_332 = tpu.memref_slice %arg3[%add3A_186] : memref<651264xi32, #tpu.memory_space<hbm>> -> memref<10176xi32, #tpu.memory_space<hbm>>
      tpu.enqueue_dma source(%dma_start3A_332 : memref<10176xi32, #tpu.memory_space<hbm>>) target(%arg17 : memref<10176xi32, #tpu.memory_space<vmem>>) target_semaphore(%run_scoped3A : memref<!tpu.dma_semaphore, #tpu.memory_space<semaphore_mem>>)
      %dma_wait3A_333 = tpu.memref_slice %arg3[%add3A_186] : memref<651264xi32, #tpu.memory_space<hbm>> -> memref<10176xi32, #tpu.memory_space<hbm>>
      %dma_wait3A_334 = tpu.memref_slice %arg3[%add3A_186] : memref<651264xi32, #tpu.memory_space<hbm>> -> memref<10176xi32, #tpu.memory_space<hbm>>
      tpu.wait_dma2 semaphore(%run_scoped3A : memref<!tpu.dma_semaphore, #tpu.memory_space<semaphore_mem>>) src(%dma_wait3A_334 : memref<10176xi32, #tpu.memory_space<hbm>>) dst(%arg17 : memref<10176xi32, #tpu.memory_space<vmem>>)
      tpu.yield
    }) : () -> ()
    %mul3A_187 = arith.constant 640 : i32
    %mul3A_188 = arith.muli %arg1, %mul3A_187 : i32
    %mul3A_189 = arith.constant 10240 : i32
    %mul3A_190 = arith.muli %add3A_162, %mul3A_189 : i32
    %mul3A_191 = arith.constant 640 : i32
    %mul3A_192 = arith.muli %arg1, %mul3A_191 : i32
    %add3A_193 = arith.addi %mul3A_190, %mul3A_192 : i32
    "tpu.region"() ({
      %run_scoped3A = tpu.sem_alloc : memref<!tpu.dma_semaphore, #tpu.memory_space<semaphore_mem>>
      %dma_start3A_331 = tpu.memref_slice %arg12[%mul3A_188] : memref<10240xf32, #tpu.memory_space<vmem_shared>> -> memref<640xf32, #tpu.memory_space<vmem_shared>>
      %dma_start3A_332 = tpu.memref_slice %arg4[%add3A_193] : memref<163840xf32, #tpu.memory_space<hbm>> -> memref<640xf32, #tpu.memory_space<hbm>>
      tpu.enqueue_dma source(%dma_start3A_332 : memref<640xf32, #tpu.memory_space<hbm>>) target(%dma_start3A_331 : memref<640xf32, #tpu.memory_space<vmem_shared>>) target_semaphore(%run_scoped3A : memref<!tpu.dma_semaphore, #tpu.memory_space<semaphore_mem>>)
      %dma_wait3A_333 = tpu.memref_slice %arg12[%mul3A_188] : memref<10240xf32, #tpu.memory_space<vmem_shared>> -> memref<640xf32, #tpu.memory_space<vmem_shared>>
      %dma_wait3A_334 = tpu.memref_slice %arg4[%add3A_193] : memref<163840xf32, #tpu.memory_space<hbm>> -> memref<640xf32, #tpu.memory_space<hbm>>
      tpu.wait_dma2 semaphore(%run_scoped3A : memref<!tpu.dma_semaphore, #tpu.memory_space<semaphore_mem>>) src(%dma_wait3A_334 : memref<640xf32, #tpu.memory_space<hbm>>) dst(%dma_wait3A_333 : memref<640xf32, #tpu.memory_space<vmem_shared>>)
      tpu.yield
    }) : () -> ()
    %mul3A_194 = arith.constant 10240 : i32
    %mul3A_195 = arith.muli %add3A_166, %mul3A_194 : i32
    %mul3A_196 = arith.constant 640 : i32
    %mul3A_197 = arith.muli %arg1, %mul3A_196 : i32
    %add3A_198 = arith.addi %mul3A_195, %mul3A_197 : i32
    "tpu.region"() ({
      %run_scoped3A = tpu.sem_alloc : memref<!tpu.dma_semaphore, #tpu.memory_space<semaphore_mem>>
      %dma_start3A_331 = tpu.memref_slice %arg13[%mul3A_188] : memref<10240xf32, #tpu.memory_space<vmem_shared>> -> memref<640xf32, #tpu.memory_space<vmem_shared>>
      %dma_start3A_332 = tpu.memref_slice %arg4[%add3A_198] : memref<163840xf32, #tpu.memory_space<hbm>> -> memref<640xf32, #tpu.memory_space<hbm>>
      tpu.enqueue_dma source(%dma_start3A_332 : memref<640xf32, #tpu.memory_space<hbm>>) target(%dma_start3A_331 : memref<640xf32, #tpu.memory_space<vmem_shared>>) target_semaphore(%run_scoped3A : memref<!tpu.dma_semaphore, #tpu.memory_space<semaphore_mem>>)
      %dma_wait3A_333 = tpu.memref_slice %arg13[%mul3A_188] : memref<10240xf32, #tpu.memory_space<vmem_shared>> -> memref<640xf32, #tpu.memory_space<vmem_shared>>
      %dma_wait3A_334 = tpu.memref_slice %arg4[%add3A_198] : memref<163840xf32, #tpu.memory_space<hbm>> -> memref<640xf32, #tpu.memory_space<hbm>>
      tpu.wait_dma2 semaphore(%run_scoped3A : memref<!tpu.dma_semaphore, #tpu.memory_space<semaphore_mem>>) src(%dma_wait3A_334 : memref<640xf32, #tpu.memory_space<hbm>>) dst(%dma_wait3A_333 : memref<640xf32, #tpu.memory_space<vmem_shared>>)
      tpu.yield
    }) : () -> ()
    %add3A_199 = arith.constant 8 : i32
    %add3A_200 = arith.addi %add3A_199, %add3A_162 : i32
    %mul3A_201 = arith.constant 10240 : i32
    %mul3A_202 = arith.muli %add3A_200, %mul3A_201 : i32
    %mul3A_203 = arith.constant 640 : i32
    %mul3A_204 = arith.muli %arg1, %mul3A_203 : i32
    %add3A_205 = arith.addi %mul3A_202, %mul3A_204 : i32
    "tpu.region"() ({
      %run_scoped3A = tpu.sem_alloc : memref<!tpu.dma_semaphore, #tpu.memory_space<semaphore_mem>>
      %dma_start3A_331 = tpu.memref_slice %arg14[%mul3A_188] : memref<10240xf32, #tpu.memory_space<vmem_shared>> -> memref<640xf32, #tpu.memory_space<vmem_shared>>
      %dma_start3A_332 = tpu.memref_slice %arg4[%add3A_205] : memref<163840xf32, #tpu.memory_space<hbm>> -> memref<640xf32, #tpu.memory_space<hbm>>
      tpu.enqueue_dma source(%dma_start3A_332 : memref<640xf32, #tpu.memory_space<hbm>>) target(%dma_start3A_331 : memref<640xf32, #tpu.memory_space<vmem_shared>>) target_semaphore(%run_scoped3A : memref<!tpu.dma_semaphore, #tpu.memory_space<semaphore_mem>>)
      %dma_wait3A_333 = tpu.memref_slice %arg14[%mul3A_188] : memref<10240xf32, #tpu.memory_space<vmem_shared>> -> memref<640xf32, #tpu.memory_space<vmem_shared>>
      %dma_wait3A_334 = tpu.memref_slice %arg4[%add3A_205] : memref<163840xf32, #tpu.memory_space<hbm>> -> memref<640xf32, #tpu.memory_space<hbm>>
      tpu.wait_dma2 semaphore(%run_scoped3A : memref<!tpu.dma_semaphore, #tpu.memory_space<semaphore_mem>>) src(%dma_wait3A_334 : memref<640xf32, #tpu.memory_space<hbm>>) dst(%dma_wait3A_333 : memref<640xf32, #tpu.memory_space<vmem_shared>>)
      tpu.yield
    }) : () -> ()
    %add3A_206 = arith.constant 8 : i32
    %add3A_207 = arith.addi %add3A_206, %add3A_166 : i32
    %mul3A_208 = arith.constant 10240 : i32
    %mul3A_209 = arith.muli %add3A_207, %mul3A_208 : i32
    %mul3A_210 = arith.constant 640 : i32
    %mul3A_211 = arith.muli %arg1, %mul3A_210 : i32
    %add3A_212 = arith.addi %mul3A_209, %mul3A_211 : i32
    "tpu.region"() ({
      %run_scoped3A = tpu.sem_alloc : memref<!tpu.dma_semaphore, #tpu.memory_space<semaphore_mem>>
      %dma_start3A_331 = tpu.memref_slice %arg15[%mul3A_188] : memref<10240xf32, #tpu.memory_space<vmem_shared>> -> memref<640xf32, #tpu.memory_space<vmem_shared>>
      %dma_start3A_332 = tpu.memref_slice %arg4[%add3A_212] : memref<163840xf32, #tpu.memory_space<hbm>> -> memref<640xf32, #tpu.memory_space<hbm>>
      tpu.enqueue_dma source(%dma_start3A_332 : memref<640xf32, #tpu.memory_space<hbm>>) target(%dma_start3A_331 : memref<640xf32, #tpu.memory_space<vmem_shared>>) target_semaphore(%run_scoped3A : memref<!tpu.dma_semaphore, #tpu.memory_space<semaphore_mem>>)
      %dma_wait3A_333 = tpu.memref_slice %arg15[%mul3A_188] : memref<10240xf32, #tpu.memory_space<vmem_shared>> -> memref<640xf32, #tpu.memory_space<vmem_shared>>
      %dma_wait3A_334 = tpu.memref_slice %arg4[%add3A_212] : memref<163840xf32, #tpu.memory_space<hbm>> -> memref<640xf32, #tpu.memory_space<hbm>>
      tpu.wait_dma2 semaphore(%run_scoped3A : memref<!tpu.dma_semaphore, #tpu.memory_space<semaphore_mem>>) src(%dma_wait3A_334 : memref<640xf32, #tpu.memory_space<hbm>>) dst(%dma_wait3A_333 : memref<640xf32, #tpu.memory_space<vmem_shared>>)
      tpu.yield
    }) : () -> ()
    %mul3A_213 = arith.constant 625 : i32
    %mul3A_214 = arith.muli %arg1, %mul3A_213 : i32
    %add3A_215 = arith.constant 0 : i32
    %add3A_216 = arith.addi %mul3A_214, %add3A_215 : i32
    "tpu.region"() ({
      %run_scoped3A = tpu.sem_alloc : memref<!tpu.dma_semaphore, #tpu.memory_space<semaphore_mem>>
      %dma_start3A_331 = arith.constant 0 : i32
      %dma_start3A_332 = tpu.memref_slice %arg9[%add3A_216, %dma_start3A_331] : memref<10008x256xbf16, #tpu.memory_space<vmem_shared>> -> memref<125x256xbf16, #tpu.memory_space<vmem_shared>>
      tpu.enqueue_dma source(%arg5 : memref<125x256xbf16, #tpu.memory_space<hbm>>) target(%dma_start3A_332 : memref<125x256xbf16, #tpu.memory_space<vmem_shared>>) target_semaphore(%run_scoped3A : memref<!tpu.dma_semaphore, #tpu.memory_space<semaphore_mem>>)
      %dma_wait3A_333 = arith.constant 0 : i32
      %dma_wait3A_334 = tpu.memref_slice %arg9[%add3A_216, %dma_wait3A_333] : memref<10008x256xbf16, #tpu.memory_space<vmem_shared>> -> memref<125x256xbf16, #tpu.memory_space<vmem_shared>>
      tpu.wait_dma2 semaphore(%run_scoped3A : memref<!tpu.dma_semaphore, #tpu.memory_space<semaphore_mem>>) src(%arg5 : memref<125x256xbf16, #tpu.memory_space<hbm>>) dst(%dma_wait3A_334 : memref<125x256xbf16, #tpu.memory_space<vmem_shared>>)
      tpu.yield
    }) : () -> ()
    %mul3A_217 = arith.constant 625 : i32
    %mul3A_218 = arith.muli %arg1, %mul3A_217 : i32
    %add3A_219 = arith.constant 125 : i32
    %add3A_220 = arith.addi %mul3A_218, %add3A_219 : i32
    "tpu.region"() ({
      %run_scoped3A = tpu.sem_alloc : memref<!tpu.dma_semaphore, #tpu.memory_space<semaphore_mem>>
      %dma_start3A_331 = arith.constant 0 : i32
      %dma_start3A_332 = tpu.memref_slice %arg9[%add3A_220, %dma_start3A_331] : memref<10008x256xbf16, #tpu.memory_space<vmem_shared>> -> memref<125x256xbf16, #tpu.memory_space<vmem_shared>>
      tpu.enqueue_dma source(%arg5 : memref<125x256xbf16, #tpu.memory_space<hbm>>) target(%dma_start3A_332 : memref<125x256xbf16, #tpu.memory_space<vmem_shared>>) target_semaphore(%run_scoped3A : memref<!tpu.dma_semaphore, #tpu.memory_space<semaphore_mem>>)
      %dma_wait3A_333 = arith.constant 0 : i32
      %dma_wait3A_334 = tpu.memref_slice %arg9[%add3A_220, %dma_wait3A_333] : memref<10008x256xbf16, #tpu.memory_space<vmem_shared>> -> memref<125x256xbf16, #tpu.memory_space<vmem_shared>>
      tpu.wait_dma2 semaphore(%run_scoped3A : memref<!tpu.dma_semaphore, #tpu.memory_space<semaphore_mem>>) src(%arg5 : memref<125x256xbf16, #tpu.memory_space<hbm>>) dst(%dma_wait3A_334 : memref<125x256xbf16, #tpu.memory_space<vmem_shared>>)
      tpu.yield
    }) : () -> ()
    %mul3A_221 = arith.constant 625 : i32
    %mul3A_222 = arith.muli %arg1, %mul3A_221 : i32
    %add3A_223 = arith.constant 250 : i32
    %add3A_224 = arith.addi %mul3A_222, %add3A_223 : i32
    "tpu.region"() ({
      %run_scoped3A = tpu.sem_alloc : memref<!tpu.dma_semaphore, #tpu.memory_space<semaphore_mem>>
      %dma_start3A_331 = arith.constant 0 : i32
      %dma_start3A_332 = tpu.memref_slice %arg9[%add3A_224, %dma_start3A_331] : memref<10008x256xbf16, #tpu.memory_space<vmem_shared>> -> memref<125x256xbf16, #tpu.memory_space<vmem_shared>>
      tpu.enqueue_dma source(%arg5 : memref<125x256xbf16, #tpu.memory_space<hbm>>) target(%dma_start3A_332 : memref<125x256xbf16, #tpu.memory_space<vmem_shared>>) target_semaphore(%run_scoped3A : memref<!tpu.dma_semaphore, #tpu.memory_space<semaphore_mem>>)
      %dma_wait3A_333 = arith.constant 0 : i32
      %dma_wait3A_334 = tpu.memref_slice %arg9[%add3A_224, %dma_wait3A_333] : memref<10008x256xbf16, #tpu.memory_space<vmem_shared>> -> memref<125x256xbf16, #tpu.memory_space<vmem_shared>>
      tpu.wait_dma2 semaphore(%run_scoped3A : memref<!tpu.dma_semaphore, #tpu.memory_space<semaphore_mem>>) src(%arg5 : memref<125x256xbf16, #tpu.memory_space<hbm>>) dst(%dma_wait3A_334 : memref<125x256xbf16, #tpu.memory_space<vmem_shared>>)
      tpu.yield
    }) : () -> ()
    %mul3A_225 = arith.constant 625 : i32
    %mul3A_226 = arith.muli %arg1, %mul3A_225 : i32
    %add3A_227 = arith.constant 375 : i32
    %add3A_228 = arith.addi %mul3A_226, %add3A_227 : i32
    "tpu.region"() ({
      %run_scoped3A = tpu.sem_alloc : memref<!tpu.dma_semaphore, #tpu.memory_space<semaphore_mem>>
      %dma_start3A_331 = arith.constant 0 : i32
      %dma_start3A_332 = tpu.memref_slice %arg9[%add3A_228, %dma_start3A_331] : memref<10008x256xbf16, #tpu.memory_space<vmem_shared>> -> memref<125x256xbf16, #tpu.memory_space<vmem_shared>>
      tpu.enqueue_dma source(%arg5 : memref<125x256xbf16, #tpu.memory_space<hbm>>) target(%dma_start3A_332 : memref<125x256xbf16, #tpu.memory_space<vmem_shared>>) target_semaphore(%run_scoped3A : memref<!tpu.dma_semaphore, #tpu.memory_space<semaphore_mem>>)
      %dma_wait3A_333 = arith.constant 0 : i32
      %dma_wait3A_334 = tpu.memref_slice %arg9[%add3A_228, %dma_wait3A_333] : memref<10008x256xbf16, #tpu.memory_space<vmem_shared>> -> memref<125x256xbf16, #tpu.memory_space<vmem_shared>>
      tpu.wait_dma2 semaphore(%run_scoped3A : memref<!tpu.dma_semaphore, #tpu.memory_space<semaphore_mem>>) src(%arg5 : memref<125x256xbf16, #tpu.memory_space<hbm>>) dst(%dma_wait3A_334 : memref<125x256xbf16, #tpu.memory_space<vmem_shared>>)
      tpu.yield
    }) : () -> ()
    %mul3A_229 = arith.constant 625 : i32
    %mul3A_230 = arith.muli %arg1, %mul3A_229 : i32
    %add3A_231 = arith.constant 500 : i32
    %add3A_232 = arith.addi %mul3A_230, %add3A_231 : i32
    "tpu.region"() ({
      %run_scoped3A = tpu.sem_alloc : memref<!tpu.dma_semaphore, #tpu.memory_space<semaphore_mem>>
      %dma_start3A_331 = arith.constant 0 : i32
      %dma_start3A_332 = tpu.memref_slice %arg9[%add3A_232, %dma_start3A_331] : memref<10008x256xbf16, #tpu.memory_space<vmem_shared>> -> memref<125x256xbf16, #tpu.memory_space<vmem_shared>>
      tpu.enqueue_dma source(%arg5 : memref<125x256xbf16, #tpu.memory_space<hbm>>) target(%dma_start3A_332 : memref<125x256xbf16, #tpu.memory_space<vmem_shared>>) target_semaphore(%run_scoped3A : memref<!tpu.dma_semaphore, #tpu.memory_space<semaphore_mem>>)
      %dma_wait3A_333 = arith.constant 0 : i32
      %dma_wait3A_334 = tpu.memref_slice %arg9[%add3A_232, %dma_wait3A_333] : memref<10008x256xbf16, #tpu.memory_space<vmem_shared>> -> memref<125x256xbf16, #tpu.memory_space<vmem_shared>>
      tpu.wait_dma2 semaphore(%run_scoped3A : memref<!tpu.dma_semaphore, #tpu.memory_space<semaphore_mem>>) src(%arg5 : memref<125x256xbf16, #tpu.memory_space<hbm>>) dst(%dma_wait3A_334 : memref<125x256xbf16, #tpu.memory_space<vmem_shared>>)
      tpu.yield
    }) : () -> ()
    "tpu.region"() ({
      %run_scoped3A = tpu.sem_alloc : memref<!tpu.dma_semaphore, #tpu.memory_space<semaphore_mem>>
      %dma_start3A_331 = tpu.memref_slice %arg10[%mul3A_188] : memref<10240xf32, #tpu.memory_space<vmem_shared>> -> memref<640xf32, #tpu.memory_space<vmem_shared>>
      tpu.enqueue_dma source(%arg6 : memref<640xf32, #tpu.memory_space<hbm>>) target(%dma_start3A_331 : memref<640xf32, #tpu.memory_space<vmem_shared>>) target_semaphore(%run_scoped3A : memref<!tpu.dma_semaphore, #tpu.memory_space<semaphore_mem>>)
      %dma_wait3A_332 = tpu.memref_slice %arg10[%mul3A_188] : memref<10240xf32, #tpu.memory_space<vmem_shared>> -> memref<640xf32, #tpu.memory_space<vmem_shared>>
      tpu.wait_dma2 semaphore(%run_scoped3A : memref<!tpu.dma_semaphore, #tpu.memory_space<semaphore_mem>>) src(%arg6 : memref<640xf32, #tpu.memory_space<hbm>>) dst(%dma_wait3A_332 : memref<640xf32, #tpu.memory_space<vmem_shared>>)
      tpu.yield
    }) : () -> ()
    "tpu.region"() ({
      %run_scoped3A = tpu.sem_alloc : memref<!tpu.dma_semaphore, #tpu.memory_space<semaphore_mem>>
      %dma_start3A_331 = tpu.memref_slice %arg11[%mul3A_188] : memref<10240xf32, #tpu.memory_space<vmem_shared>> -> memref<640xf32, #tpu.memory_space<vmem_shared>>
      tpu.enqueue_dma source(%arg6 : memref<640xf32, #tpu.memory_space<hbm>>) target(%dma_start3A_331 : memref<640xf32, #tpu.memory_space<vmem_shared>>) target_semaphore(%run_scoped3A : memref<!tpu.dma_semaphore, #tpu.memory_space<semaphore_mem>>)
      %dma_wait3A_332 = tpu.memref_slice %arg11[%mul3A_188] : memref<10240xf32, #tpu.memory_space<vmem_shared>> -> memref<640xf32, #tpu.memory_space<vmem_shared>>
      tpu.wait_dma2 semaphore(%run_scoped3A : memref<!tpu.dma_semaphore, #tpu.memory_space<semaphore_mem>>) src(%arg6 : memref<640xf32, #tpu.memory_space<hbm>>) dst(%dma_wait3A_332 : memref<640xf32, #tpu.memory_space<vmem_shared>>)
      tpu.yield
    }) : () -> ()
    %eq3A_233 = arith.constant 0 : i32
    %eq3A_234 = arith.cmpi eq, %arg1, %eq3A_233 : i32
    %convert_element_type3A_235 = arith.extui %eq3A_234 : i1 to i32
    %cond3A_236 = arith.constant 0 : i32
    %cond3A_237 = arith.cmpi ne, %convert_element_type3A_235, %cond3A_236 : i32
    scf.if %cond3A_237 {
      "tpu.region"() ({
        %run_scoped3A = tpu.sem_alloc : memref<!tpu.dma_semaphore, #tpu.memory_space<semaphore_mem>>
        %dma_start3A_331 = arith.constant 10000 : i32
        %dma_start3A_332 = arith.constant 0 : i32
        %dma_start3A_333 = tpu.memref_slice %arg9[%dma_start3A_331, %dma_start3A_332] : memref<10008x256xbf16, #tpu.memory_space<vmem_shared>> -> memref<8x256xbf16, #tpu.memory_space<vmem_shared>>
        %dma_start3A_334 = arith.constant 0 : i32
        %dma_start3A_335 = arith.constant 0 : i32
        %dma_start3A_336 = tpu.memref_slice %arg5[%dma_start3A_334, %dma_start3A_335] : memref<125x256xbf16, #tpu.memory_space<hbm>> -> memref<8x256xbf16, #tpu.memory_space<hbm>>
        tpu.enqueue_dma source(%dma_start3A_336 : memref<8x256xbf16, #tpu.memory_space<hbm>>) target(%dma_start3A_333 : memref<8x256xbf16, #tpu.memory_space<vmem_shared>>) target_semaphore(%run_scoped3A : memref<!tpu.dma_semaphore, #tpu.memory_space<semaphore_mem>>)
        %dma_wait3A_337 = arith.constant 10000 : i32
        %dma_wait3A_338 = arith.constant 0 : i32
        %dma_wait3A_339 = tpu.memref_slice %arg9[%dma_wait3A_337, %dma_wait3A_338] : memref<10008x256xbf16, #tpu.memory_space<vmem_shared>> -> memref<8x256xbf16, #tpu.memory_space<vmem_shared>>
        %dma_wait3A_340 = arith.constant 0 : i32
        %dma_wait3A_341 = arith.constant 0 : i32
        %dma_wait3A_342 = tpu.memref_slice %arg5[%dma_wait3A_340, %dma_wait3A_341] : memref<125x256xbf16, #tpu.memory_space<hbm>> -> memref<8x256xbf16, #tpu.memory_space<hbm>>
        tpu.wait_dma2 semaphore(%run_scoped3A : memref<!tpu.dma_semaphore, #tpu.memory_space<semaphore_mem>>) src(%dma_wait3A_342 : memref<8x256xbf16, #tpu.memory_space<hbm>>) dst(%dma_wait3A_339 : memref<8x256xbf16, #tpu.memory_space<vmem_shared>>)
        tpu.yield
      }) : () -> ()
    } else {
    }
    %barrier3A_238 = arith.constant 0 : index
    tpu.barrier barrier_id(%barrier3A_238)
    %dma_start3A_239 = arith.constant 0 : i32
    %dma_start3A_240 = tpu.memref_slice %arg16[%dma_start3A_239] : memref<10176xi32, #tpu.memory_space<vmem>> -> memref<96xi32, #tpu.memory_space<vmem>>
    %dma_start3A_241 = arith.constant 0 : i32
    %dma_start3A_242 = tpu.memref_slice %arg12[%dma_start3A_241] : memref<10240xf32, #tpu.memory_space<vmem_shared>> -> memref<10240xf32, #tpu.memory_space<vmem_shared>>
    tpu.enqueue_indirect_dma source(%dma_start3A_242 : memref<10240xf32, #tpu.memory_space<vmem_shared>>) target(%arg20 : memref<96xf32, #tpu.memory_space<vmem>>) offsets(%dma_start3A_240 : memref<96xi32, #tpu.memory_space<vmem>>) semaphore(%arg34 : memref<!tpu.dma_semaphore, #tpu.memory_space<semaphore_mem>>)
    %dma_start3A_243 = arith.constant 0 : i32
    %dma_start3A_244 = tpu.memref_slice %arg16[%dma_start3A_243] : memref<10176xi32, #tpu.memory_space<vmem>> -> memref<96xi32, #tpu.memory_space<vmem>>
    %dma_start3A_245 = arith.constant 0 : i32
    %dma_start3A_246 = tpu.memref_slice %arg13[%dma_start3A_245] : memref<10240xf32, #tpu.memory_space<vmem_shared>> -> memref<10240xf32, #tpu.memory_space<vmem_shared>>
    tpu.enqueue_indirect_dma source(%dma_start3A_246 : memref<10240xf32, #tpu.memory_space<vmem_shared>>) target(%arg22 : memref<96xf32, #tpu.memory_space<vmem>>) offsets(%dma_start3A_244 : memref<96xi32, #tpu.memory_space<vmem>>) semaphore(%arg34 : memref<!tpu.dma_semaphore, #tpu.memory_space<semaphore_mem>>)
    %dma_start3A_247 = arith.constant 0 : i32
    %dma_start3A_248 = tpu.memref_slice %arg17[%dma_start3A_247] : memref<10176xi32, #tpu.memory_space<vmem>> -> memref<96xi32, #tpu.memory_space<vmem>>
    %dma_start3A_249 = arith.constant 0 : i32
    %dma_start3A_250 = tpu.memref_slice %arg14[%dma_start3A_249] : memref<10240xf32, #tpu.memory_space<vmem_shared>> -> memref<10240xf32, #tpu.memory_space<vmem_shared>>
    tpu.enqueue_indirect_dma source(%dma_start3A_250 : memref<10240xf32, #tpu.memory_space<vmem_shared>>) target(%arg24 : memref<96xf32, #tpu.memory_space<vmem>>) offsets(%dma_start3A_248 : memref<96xi32, #tpu.memory_space<vmem>>) semaphore(%arg36 : memref<!tpu.dma_semaphore, #tpu.memory_space<semaphore_mem>>)
    %dma_start3A_251 = arith.constant 0 : i32
    %dma_start3A_252 = tpu.memref_slice %arg17[%dma_start3A_251] : memref<10176xi32, #tpu.memory_space<vmem>> -> memref<96xi32, #tpu.memory_space<vmem>>
    %dma_start3A_253 = arith.constant 0 : i32
    %dma_start3A_254 = tpu.memref_slice %arg15[%dma_start3A_253] : memref<10240xf32, #tpu.memory_space<vmem_shared>> -> memref<10240xf32, #tpu.memory_space<vmem_shared>>
    tpu.enqueue_indirect_dma source(%dma_start3A_254 : memref<10240xf32, #tpu.memory_space<vmem_shared>>) target(%arg26 : memref<96xf32, #tpu.memory_space<vmem>>) offsets(%dma_start3A_252 : memref<96xi32, #tpu.memory_space<vmem>>) semaphore(%arg36 : memref<!tpu.dma_semaphore, #tpu.memory_space<semaphore_mem>>)
    %dma_start3A_255 = arith.constant 0 : i32
    %dma_start3A_256 = tpu.memref_slice %arg16[%dma_start3A_255] : memref<10176xi32, #tpu.memory_space<vmem>> -> memref<96xi32, #tpu.memory_space<vmem>>
    %dma_start3A_257 = arith.constant 0 : i32
    %dma_start3A_258 = arith.constant 0 : i32
    %dma_start3A_259 = tpu.memref_slice %arg2[%dma_start3A_257, %dma_start3A_258] : memref<10008x256xbf16, #tpu.memory_space<hbm>> -> memref<10008x256xbf16, #tpu.memory_space<hbm>>
    tpu.enqueue_indirect_dma source(%dma_start3A_259 : memref<10008x256xbf16, #tpu.memory_space<hbm>>) target(%arg18 : memref<96x256xbf16, #tpu.memory_space<vmem>>) offsets(%dma_start3A_256 : memref<96xi32, #tpu.memory_space<vmem>>) semaphore(%arg32 : memref<!tpu.dma_semaphore, #tpu.memory_space<semaphore_mem>>)
    %scan3A_260 = arith.constant 0 : i32
    %scan3A_261 = arith.constant 0 : i32
    %scan3A_262 = arith.constant 53 : i32
    %scan3A_263 = arith.addi %scan3A_261, %scan3A_262 : i32
    %scan3A_264 = arith.constant 1 : i32
    scf.for %scan3A_331 = %scan3A_261 to %scan3A_263 step %scan3A_264  : i32 {
      %mul3A_332 = arith.constant 2 : i32
      %mul3A_333 = arith.muli %mul3A_332, %scan3A_331 : i32
      %mul3A_334 = arith.constant 96 : i32
      %mul3A_335 = arith.muli %mul3A_333, %mul3A_334 : i32
      %mul3A_336 = arith.constant 96 : i32
      %mul3A_337 = arith.muli %mul3A_333, %mul3A_336 : i32
      %dma_wait3A_338 = tpu.memref_slice %arg16[%mul3A_335] : memref<10176xi32, #tpu.memory_space<vmem>> -> memref<96xi32, #tpu.memory_space<vmem>>
      %dma_wait3A_339 = arith.constant 0 : i32
      %dma_wait3A_340 = tpu.memref_slice %arg12[%dma_wait3A_339] : memref<10240xf32, #tpu.memory_space<vmem_shared>> -> memref<10240xf32, #tpu.memory_space<vmem_shared>>
      tpu.wait_indirect_dma semaphore(%arg34 : memref<!tpu.dma_semaphore, #tpu.memory_space<semaphore_mem>>) src(%dma_wait3A_340 : memref<10240xf32, #tpu.memory_space<vmem_shared>>) dst(%arg20 : memref<96xf32, #tpu.memory_space<vmem>>)
      %dma_wait3A_341 = tpu.memref_slice %arg16[%mul3A_335] : memref<10176xi32, #tpu.memory_space<vmem>> -> memref<96xi32, #tpu.memory_space<vmem>>
      %dma_wait3A_342 = arith.constant 0 : i32
      %dma_wait3A_343 = tpu.memref_slice %arg13[%dma_wait3A_342] : memref<10240xf32, #tpu.memory_space<vmem_shared>> -> memref<10240xf32, #tpu.memory_space<vmem_shared>>
      tpu.wait_indirect_dma semaphore(%arg34 : memref<!tpu.dma_semaphore, #tpu.memory_space<semaphore_mem>>) src(%dma_wait3A_343 : memref<10240xf32, #tpu.memory_space<vmem_shared>>) dst(%arg22 : memref<96xf32, #tpu.memory_space<vmem>>)
      %dma_wait3A_344 = tpu.memref_slice %arg17[%mul3A_337] : memref<10176xi32, #tpu.memory_space<vmem>> -> memref<96xi32, #tpu.memory_space<vmem>>
      %dma_wait3A_345 = arith.constant 0 : i32
      %dma_wait3A_346 = tpu.memref_slice %arg14[%dma_wait3A_345] : memref<10240xf32, #tpu.memory_space<vmem_shared>> -> memref<10240xf32, #tpu.memory_space<vmem_shared>>
      tpu.wait_indirect_dma semaphore(%arg36 : memref<!tpu.dma_semaphore, #tpu.memory_space<semaphore_mem>>) src(%dma_wait3A_346 : memref<10240xf32, #tpu.memory_space<vmem_shared>>) dst(%arg24 : memref<96xf32, #tpu.memory_space<vmem>>)
      %dma_wait3A_347 = tpu.memref_slice %arg17[%mul3A_337] : memref<10176xi32, #tpu.memory_space<vmem>> -> memref<96xi32, #tpu.memory_space<vmem>>
      %dma_wait3A_348 = arith.constant 0 : i32
      %dma_wait3A_349 = tpu.memref_slice %arg15[%dma_wait3A_348] : memref<10240xf32, #tpu.memory_space<vmem_shared>> -> memref<10240xf32, #tpu.memory_space<vmem_shared>>
      tpu.wait_indirect_dma semaphore(%arg36 : memref<!tpu.dma_semaphore, #tpu.memory_space<semaphore_mem>>) src(%dma_wait3A_349 : memref<10240xf32, #tpu.memory_space<vmem_shared>>) dst(%arg26 : memref<96xf32, #tpu.memory_space<vmem>>)
      %dma_wait3A_350 = tpu.memref_slice %arg16[%mul3A_335] : memref<10176xi32, #tpu.memory_space<vmem>> -> memref<96xi32, #tpu.memory_space<vmem>>
      %dma_wait3A_351 = arith.constant 0 : i32
      %dma_wait3A_352 = arith.constant 0 : i32
      %dma_wait3A_353 = tpu.memref_slice %arg2[%dma_wait3A_351, %dma_wait3A_352] : memref<10008x256xbf16, #tpu.memory_space<hbm>> -> memref<10008x256xbf16, #tpu.memory_space<hbm>>
      tpu.wait_indirect_dma semaphore(%arg32 : memref<!tpu.dma_semaphore, #tpu.memory_space<semaphore_mem>>) src(%dma_wait3A_353 : memref<10008x256xbf16, #tpu.memory_space<hbm>>) dst(%arg18 : memref<96x256xbf16, #tpu.memory_space<vmem>>)
      %gt3A = arith.constant 0 : i32
      %gt3A_354 = arith.cmpi sgt, %scan3A_331, %gt3A : i32
      %convert_element_type3A_355 = arith.extui %gt3A_354 : i1 to i32
      %cond3A_356 = arith.constant 0 : i32
      %cond3A_357 = arith.cmpi ne, %convert_element_type3A_355, %cond3A_356 : i32
      scf.if %cond3A_357 {
        %sub3A = arith.constant 1 : i32
        %sub3A_804 = arith.subi %mul3A_333, %sub3A : i32
        %mul3A_805 = arith.constant 96 : i32
        %mul3A_806 = arith.muli %sub3A_804, %mul3A_805 : i32
        %dma_wait3A_807 = tpu.memref_slice %arg17[%mul3A_806] : memref<10176xi32, #tpu.memory_space<vmem>> -> memref<96xi32, #tpu.memory_space<vmem>>
        %dma_wait3A_808 = arith.constant 0 : i32
        %dma_wait3A_809 = arith.constant 0 : i32
        %dma_wait3A_810 = tpu.memref_slice %arg9[%dma_wait3A_808, %dma_wait3A_809] : memref<10008x256xbf16, #tpu.memory_space<vmem_shared>> -> memref<10008x256xbf16, #tpu.memory_space<vmem_shared>>
        tpu.wait_indirect_dma semaphore(%arg39 : memref<!tpu.dma_semaphore, #tpu.memory_space<semaphore_mem>>) src(%arg19 : memref<96x256xbf16, #tpu.memory_space<vmem>>) dst(%dma_wait3A_810 : memref<10008x256xbf16, #tpu.memory_space<vmem_shared>>)
        %dma_wait3A_811 = tpu.memref_slice %arg17[%mul3A_806] : memref<10176xi32, #tpu.memory_space<vmem>> -> memref<96xi32, #tpu.memory_space<vmem>>
        %dma_wait3A_812 = arith.constant 0 : i32
        %dma_wait3A_813 = tpu.memref_slice %arg10[%dma_wait3A_812] : memref<10240xf32, #tpu.memory_space<vmem_shared>> -> memref<10240xf32, #tpu.memory_space<vmem_shared>>
        tpu.wait_indirect_dma semaphore(%arg41 : memref<!tpu.dma_semaphore, #tpu.memory_space<semaphore_mem>>) src(%arg29 : memref<96xf32, #tpu.memory_space<vmem>>) dst(%dma_wait3A_813 : memref<10240xf32, #tpu.memory_space<vmem_shared>>)
        %dma_wait3A_814 = tpu.memref_slice %arg17[%mul3A_806] : memref<10176xi32, #tpu.memory_space<vmem>> -> memref<96xi32, #tpu.memory_space<vmem>>
        %dma_wait3A_815 = arith.constant 0 : i32
        %dma_wait3A_816 = tpu.memref_slice %arg11[%dma_wait3A_815] : memref<10240xf32, #tpu.memory_space<vmem_shared>> -> memref<10240xf32, #tpu.memory_space<vmem_shared>>
        tpu.wait_indirect_dma semaphore(%arg41 : memref<!tpu.dma_semaphore, #tpu.memory_space<semaphore_mem>>) src(%arg31 : memref<96xf32, #tpu.memory_space<vmem>>) dst(%dma_wait3A_816 : memref<10240xf32, #tpu.memory_space<vmem_shared>>)
      } else {
      }
      %add3A_358 = arith.constant 1 : i32
      %add3A_359 = arith.addi %mul3A_333, %add3A_358 : i32
      %mul3A_360 = arith.constant 96 : i32
      %mul3A_361 = arith.muli %add3A_359, %mul3A_360 : i32
      %mul3A_362 = arith.constant 96 : i32
      %mul3A_363 = arith.muli %add3A_359, %mul3A_362 : i32
      %dma_start3A_364 = tpu.memref_slice %arg16[%mul3A_361] : memref<10176xi32, #tpu.memory_space<vmem>> -> memref<96xi32, #tpu.memory_space<vmem>>
      %dma_start3A_365 = arith.constant 0 : i32
      %dma_start3A_366 = tpu.memref_slice %arg12[%dma_start3A_365] : memref<10240xf32, #tpu.memory_space<vmem_shared>> -> memref<10240xf32, #tpu.memory_space<vmem_shared>>
      tpu.enqueue_indirect_dma source(%dma_start3A_366 : memref<10240xf32, #tpu.memory_space<vmem_shared>>) target(%arg21 : memref<96xf32, #tpu.memory_space<vmem>>) offsets(%dma_start3A_364 : memref<96xi32, #tpu.memory_space<vmem>>) semaphore(%arg35 : memref<!tpu.dma_semaphore, #tpu.memory_space<semaphore_mem>>)
      %dma_start3A_367 = tpu.memref_slice %arg16[%mul3A_361] : memref<10176xi32, #tpu.memory_space<vmem>> -> memref<96xi32, #tpu.memory_space<vmem>>
      %dma_start3A_368 = arith.constant 0 : i32
      %dma_start3A_369 = tpu.memref_slice %arg13[%dma_start3A_368] : memref<10240xf32, #tpu.memory_space<vmem_shared>> -> memref<10240xf32, #tpu.memory_space<vmem_shared>>
      tpu.enqueue_indirect_dma source(%dma_start3A_369 : memref<10240xf32, #tpu.memory_space<vmem_shared>>) target(%arg23 : memref<96xf32, #tpu.memory_space<vmem>>) offsets(%dma_start3A_367 : memref<96xi32, #tpu.memory_space<vmem>>) semaphore(%arg35 : memref<!tpu.dma_semaphore, #tpu.memory_space<semaphore_mem>>)
      %dma_start3A_370 = tpu.memref_slice %arg17[%mul3A_363] : memref<10176xi32, #tpu.memory_space<vmem>> -> memref<96xi32, #tpu.memory_space<vmem>>
      %dma_start3A_371 = arith.constant 0 : i32
      %dma_start3A_372 = tpu.memref_slice %arg14[%dma_start3A_371] : memref<10240xf32, #tpu.memory_space<vmem_shared>> -> memref<10240xf32, #tpu.memory_space<vmem_shared>>
      tpu.enqueue_indirect_dma source(%dma_start3A_372 : memref<10240xf32, #tpu.memory_space<vmem_shared>>) target(%arg25 : memref<96xf32, #tpu.memory_space<vmem>>) offsets(%dma_start3A_370 : memref<96xi32, #tpu.memory_space<vmem>>) semaphore(%arg37 : memref<!tpu.dma_semaphore, #tpu.memory_space<semaphore_mem>>)
      %dma_start3A_373 = tpu.memref_slice %arg17[%mul3A_363] : memref<10176xi32, #tpu.memory_space<vmem>> -> memref<96xi32, #tpu.memory_space<vmem>>
      %dma_start3A_374 = arith.constant 0 : i32
      %dma_start3A_375 = tpu.memref_slice %arg15[%dma_start3A_374] : memref<10240xf32, #tpu.memory_space<vmem_shared>> -> memref<10240xf32, #tpu.memory_space<vmem_shared>>
      tpu.enqueue_indirect_dma source(%dma_start3A_375 : memref<10240xf32, #tpu.memory_space<vmem_shared>>) target(%arg27 : memref<96xf32, #tpu.memory_space<vmem>>) offsets(%dma_start3A_373 : memref<96xi32, #tpu.memory_space<vmem>>) semaphore(%arg37 : memref<!tpu.dma_semaphore, #tpu.memory_space<semaphore_mem>>)
      %dma_start3A_376 = tpu.memref_slice %arg16[%mul3A_361] : memref<10176xi32, #tpu.memory_space<vmem>> -> memref<96xi32, #tpu.memory_space<vmem>>
      %dma_start3A_377 = arith.constant 0 : i32
      %dma_start3A_378 = arith.constant 0 : i32
      %dma_start3A_379 = tpu.memref_slice %arg2[%dma_start3A_377, %dma_start3A_378] : memref<10008x256xbf16, #tpu.memory_space<hbm>> -> memref<10008x256xbf16, #tpu.memory_space<hbm>>
      tpu.enqueue_indirect_dma source(%dma_start3A_379 : memref<10008x256xbf16, #tpu.memory_space<hbm>>) target(%arg19 : memref<96x256xbf16, #tpu.memory_space<vmem>>) offsets(%dma_start3A_376 : memref<96xi32, #tpu.memory_space<vmem>>) semaphore(%arg33 : memref<!tpu.dma_semaphore, #tpu.memory_space<semaphore_mem>>)
      %get3A = arith.constant 0 : index
      %get3A_380 = tpu.vector_load %arg20[%get3A] {strides = array<i32>} : memref<96xf32, #tpu.memory_space<vmem>>, vector<16xf32>,
      %get3A_381 = arith.constant 0 : index
      %get3A_382 = tpu.vector_load %arg24[%get3A_381] {strides = array<i32>} : memref<96xf32, #tpu.memory_space<vmem>>, vector<16xf32>,
      %add3A_383 = arith.addf %get3A_380, %get3A_382 : vector<16xf32>
      %ge3A = arith.constant 0.000000e+00 : f32
      %ge3A_384 = vector.broadcast %ge3A : f32 to vector<16xf32>
      %ge3A_385 = arith.cmpf oge, %add3A_383, %ge3A_384 : vector<16xf32>
      %mul3A_386 = arith.constant 2.000000e-01 : f32
      %mul3A_387 = vector.broadcast %mul3A_386 : f32 to vector<16xf32>
      %mul3A_388 = arith.mulf %mul3A_387, %add3A_383 : vector<16xf32>
      %select_n3A = arith.select %ge3A_385, %add3A_383, %mul3A_388 : vector<16xi1>, vector<16xf32>
      %exp3A = math.exp %select_n3A : vector<16xf32>
      %swap3A = arith.constant 0 : index
      %swap3A_389 = tpu.vector_load %arg28[%swap3A] {strides = array<i32>} : memref<96xf32, #tpu.memory_space<vmem>>, vector<16xf32>,
      tpu.vector_store %arg28[%swap3A], %exp3A {strides = array<i32>} : memref<96xf32, #tpu.memory_space<vmem>>, vector<16xf32>,
      %get3A_390 = arith.constant 0 : index
      %get3A_391 = tpu.vector_load %arg22[%get3A_390] {strides = array<i32>} : memref<96xf32, #tpu.memory_space<vmem>>, vector<16xf32>,
      %get3A_392 = arith.constant 0 : index
      %get3A_393 = tpu.vector_load %arg26[%get3A_392] {strides = array<i32>} : memref<96xf32, #tpu.memory_space<vmem>>, vector<16xf32>,
      %add3A_394 = arith.addf %get3A_391, %get3A_393 : vector<16xf32>
      %ge3A_395 = arith.constant 0.000000e+00 : f32
      %ge3A_396 = vector.broadcast %ge3A_395 : f32 to vector<16xf32>
      %ge3A_397 = arith.cmpf oge, %add3A_394, %ge3A_396 : vector<16xf32>
      %mul3A_398 = arith.constant 2.000000e-01 : f32
      %mul3A_399 = vector.broadcast %mul3A_398 : f32 to vector<16xf32>
      %mul3A_400 = arith.mulf %mul3A_399, %add3A_394 : vector<16xf32>
      %select_n3A_401 = arith.select %ge3A_397, %add3A_394, %mul3A_400 : vector<16xi1>, vector<16xf32>
      %exp3A_402 = math.exp %select_n3A_401 : vector<16xf32>
      %swap3A_403 = arith.constant 0 : index
      %swap3A_404 = tpu.vector_load %arg30[%swap3A_403] {strides = array<i32>} : memref<96xf32, #tpu.memory_space<vmem>>, vector<16xf32>,
      tpu.vector_store %arg30[%swap3A_403], %exp3A_402 {strides = array<i32>} : memref<96xf32, #tpu.memory_space<vmem>>, vector<16xf32>,
      %get3A_405 = arith.constant 16 : index
      %get3A_406 = tpu.vector_load %arg20[%get3A_405] {strides = array<i32>} : memref<96xf32, #tpu.memory_space<vmem>>, vector<16xf32>,
      %get3A_407 = arith.constant 16 : index
      %get3A_408 = tpu.vector_load %arg24[%get3A_407] {strides = array<i32>} : memref<96xf32, #tpu.memory_space<vmem>>, vector<16xf32>,
      %add3A_409 = arith.addf %get3A_406, %get3A_408 : vector<16xf32>
      %ge3A_410 = arith.constant 0.000000e+00 : f32
      %ge3A_411 = vector.broadcast %ge3A_410 : f32 to vector<16xf32>
      %ge3A_412 = arith.cmpf oge, %add3A_409, %ge3A_411 : vector<16xf32>
      %mul3A_413 = arith.constant 2.000000e-01 : f32
      %mul3A_414 = vector.broadcast %mul3A_413 : f32 to vector<16xf32>
      %mul3A_415 = arith.mulf %mul3A_414, %add3A_409 : vector<16xf32>
      %select_n3A_416 = arith.select %ge3A_412, %add3A_409, %mul3A_415 : vector<16xi1>, vector<16xf32>
      %exp3A_417 = math.exp %select_n3A_416 : vector<16xf32>
      %swap3A_418 = arith.constant 16 : index
      %swap3A_419 = tpu.vector_load %arg28[%swap3A_418] {strides = array<i32>} : memref<96xf32, #tpu.memory_space<vmem>>, vector<16xf32>,
      tpu.vector_store %arg28[%swap3A_418], %exp3A_417 {strides = array<i32>} : memref<96xf32, #tpu.memory_space<vmem>>, vector<16xf32>,
      %get3A_420 = arith.constant 16 : index
      %get3A_421 = tpu.vector_load %arg22[%get3A_420] {strides = array<i32>} : memref<96xf32, #tpu.memory_space<vmem>>, vector<16xf32>,
      %get3A_422 = arith.constant 16 : index
      %get3A_423 = tpu.vector_load %arg26[%get3A_422] {strides = array<i32>} : memref<96xf32, #tpu.memory_space<vmem>>, vector<16xf32>,
      %add3A_424 = arith.addf %get3A_421, %get3A_423 : vector<16xf32>
      %ge3A_425 = arith.constant 0.000000e+00 : f32
      %ge3A_426 = vector.broadcast %ge3A_425 : f32 to vector<16xf32>
      %ge3A_427 = arith.cmpf oge, %add3A_424, %ge3A_426 : vector<16xf32>
      %mul3A_428 = arith.constant 2.000000e-01 : f32
      %mul3A_429 = vector.broadcast %mul3A_428 : f32 to vector<16xf32>
      %mul3A_430 = arith.mulf %mul3A_429, %add3A_424 : vector<16xf32>
      %select_n3A_431 = arith.select %ge3A_427, %add3A_424, %mul3A_430 : vector<16xi1>, vector<16xf32>
      %exp3A_432 = math.exp %select_n3A_431 : vector<16xf32>
      %swap3A_433 = arith.constant 16 : index
      %swap3A_434 = tpu.vector_load %arg30[%swap3A_433] {strides = array<i32>} : memref<96xf32, #tpu.memory_space<vmem>>, vector<16xf32>,
      tpu.vector_store %arg30[%swap3A_433], %exp3A_432 {strides = array<i32>} : memref<96xf32, #tpu.memory_space<vmem>>, vector<16xf32>,
      %get3A_435 = arith.constant 32 : index
      %get3A_436 = tpu.vector_load %arg20[%get3A_435] {strides = array<i32>} : memref<96xf32, #tpu.memory_space<vmem>>, vector<16xf32>,
      %get3A_437 = arith.constant 32 : index
      %get3A_438 = tpu.vector_load %arg24[%get3A_437] {strides = array<i32>} : memref<96xf32, #tpu.memory_space<vmem>>, vector<16xf32>,
      %add3A_439 = arith.addf %get3A_436, %get3A_438 : vector<16xf32>
      %ge3A_440 = arith.constant 0.000000e+00 : f32
      %ge3A_441 = vector.broadcast %ge3A_440 : f32 to vector<16xf32>
      %ge3A_442 = arith.cmpf oge, %add3A_439, %ge3A_441 : vector<16xf32>
      %mul3A_443 = arith.constant 2.000000e-01 : f32
      %mul3A_444 = vector.broadcast %mul3A_443 : f32 to vector<16xf32>
      %mul3A_445 = arith.mulf %mul3A_444, %add3A_439 : vector<16xf32>
      %select_n3A_446 = arith.select %ge3A_442, %add3A_439, %mul3A_445 : vector<16xi1>, vector<16xf32>
      %exp3A_447 = math.exp %select_n3A_446 : vector<16xf32>
      %swap3A_448 = arith.constant 32 : index
      %swap3A_449 = tpu.vector_load %arg28[%swap3A_448] {strides = array<i32>} : memref<96xf32, #tpu.memory_space<vmem>>, vector<16xf32>,
      tpu.vector_store %arg28[%swap3A_448], %exp3A_447 {strides = array<i32>} : memref<96xf32, #tpu.memory_space<vmem>>, vector<16xf32>,
      %get3A_450 = arith.constant 32 : index
      %get3A_451 = tpu.vector_load %arg22[%get3A_450] {strides = array<i32>} : memref<96xf32, #tpu.memory_space<vmem>>, vector<16xf32>,
      %get3A_452 = arith.constant 32 : index
      %get3A_453 = tpu.vector_load %arg26[%get3A_452] {strides = array<i32>} : memref<96xf32, #tpu.memory_space<vmem>>, vector<16xf32>,
      %add3A_454 = arith.addf %get3A_451, %get3A_453 : vector<16xf32>
      %ge3A_455 = arith.constant 0.000000e+00 : f32
      %ge3A_456 = vector.broadcast %ge3A_455 : f32 to vector<16xf32>
      %ge3A_457 = arith.cmpf oge, %add3A_454, %ge3A_456 : vector<16xf32>
      %mul3A_458 = arith.constant 2.000000e-01 : f32
      %mul3A_459 = vector.broadcast %mul3A_458 : f32 to vector<16xf32>
      %mul3A_460 = arith.mulf %mul3A_459, %add3A_454 : vector<16xf32>
      %select_n3A_461 = arith.select %ge3A_457, %add3A_454, %mul3A_460 : vector<16xi1>, vector<16xf32>
      %exp3A_462 = math.exp %select_n3A_461 : vector<16xf32>
      %swap3A_463 = arith.constant 32 : index
      %swap3A_464 = tpu.vector_load %arg30[%swap3A_463] {strides = array<i32>} : memref<96xf32, #tpu.memory_space<vmem>>, vector<16xf32>,
      tpu.vector_store %arg30[%swap3A_463], %exp3A_462 {strides = array<i32>} : memref<96xf32, #tpu.memory_space<vmem>>, vector<16xf32>,
      %get3A_465 = arith.constant 48 : index
      %get3A_466 = tpu.vector_load %arg20[%get3A_465] {strides = array<i32>} : memref<96xf32, #tpu.memory_space<vmem>>, vector<16xf32>,
      %get3A_467 = arith.constant 48 : index
      %get3A_468 = tpu.vector_load %arg24[%get3A_467] {strides = array<i32>} : memref<96xf32, #tpu.memory_space<vmem>>, vector<16xf32>,
      %add3A_469 = arith.addf %get3A_466, %get3A_468 : vector<16xf32>
      %ge3A_470 = arith.constant 0.000000e+00 : f32
      %ge3A_471 = vector.broadcast %ge3A_470 : f32 to vector<16xf32>
      %ge3A_472 = arith.cmpf oge, %add3A_469, %ge3A_471 : vector<16xf32>
      %mul3A_473 = arith.constant 2.000000e-01 : f32
      %mul3A_474 = vector.broadcast %mul3A_473 : f32 to vector<16xf32>
      %mul3A_475 = arith.mulf %mul3A_474, %add3A_469 : vector<16xf32>
      %select_n3A_476 = arith.select %ge3A_472, %add3A_469, %mul3A_475 : vector<16xi1>, vector<16xf32>
      %exp3A_477 = math.exp %select_n3A_476 : vector<16xf32>
      %swap3A_478 = arith.constant 48 : index
      %swap3A_479 = tpu.vector_load %arg28[%swap3A_478] {strides = array<i32>} : memref<96xf32, #tpu.memory_space<vmem>>, vector<16xf32>,
      tpu.vector_store %arg28[%swap3A_478], %exp3A_477 {strides = array<i32>} : memref<96xf32, #tpu.memory_space<vmem>>, vector<16xf32>,
      %get3A_480 = arith.constant 48 : index
      %get3A_481 = tpu.vector_load %arg22[%get3A_480] {strides = array<i32>} : memref<96xf32, #tpu.memory_space<vmem>>, vector<16xf32>,
      %get3A_482 = arith.constant 48 : index
      %get3A_483 = tpu.vector_load %arg26[%get3A_482] {strides = array<i32>} : memref<96xf32, #tpu.memory_space<vmem>>, vector<16xf32>,
      %add3A_484 = arith.addf %get3A_481, %get3A_483 : vector<16xf32>
      %ge3A_485 = arith.constant 0.000000e+00 : f32
      %ge3A_486 = vector.broadcast %ge3A_485 : f32 to vector<16xf32>
      %ge3A_487 = arith.cmpf oge, %add3A_484, %ge3A_486 : vector<16xf32>
      %mul3A_488 = arith.constant 2.000000e-01 : f32
      %mul3A_489 = vector.broadcast %mul3A_488 : f32 to vector<16xf32>
      %mul3A_490 = arith.mulf %mul3A_489, %add3A_484 : vector<16xf32>
      %select_n3A_491 = arith.select %ge3A_487, %add3A_484, %mul3A_490 : vector<16xi1>, vector<16xf32>
      %exp3A_492 = math.exp %select_n3A_491 : vector<16xf32>
      %swap3A_493 = arith.constant 48 : index
      %swap3A_494 = tpu.vector_load %arg30[%swap3A_493] {strides = array<i32>} : memref<96xf32, #tpu.memory_space<vmem>>, vector<16xf32>,
      tpu.vector_store %arg30[%swap3A_493], %exp3A_492 {strides = array<i32>} : memref<96xf32, #tpu.memory_space<vmem>>, vector<16xf32>,
      %get3A_495 = arith.constant 64 : index
      %get3A_496 = tpu.vector_load %arg20[%get3A_495] {strides = array<i32>} : memref<96xf32, #tpu.memory_space<vmem>>, vector<16xf32>,
      %get3A_497 = arith.constant 64 : index
      %get3A_498 = tpu.vector_load %arg24[%get3A_497] {strides = array<i32>} : memref<96xf32, #tpu.memory_space<vmem>>, vector<16xf32>,
      %add3A_499 = arith.addf %get3A_496, %get3A_498 : vector<16xf32>
      %ge3A_500 = arith.constant 0.000000e+00 : f32
      %ge3A_501 = vector.broadcast %ge3A_500 : f32 to vector<16xf32>
      %ge3A_502 = arith.cmpf oge, %add3A_499, %ge3A_501 : vector<16xf32>
      %mul3A_503 = arith.constant 2.000000e-01 : f32
      %mul3A_504 = vector.broadcast %mul3A_503 : f32 to vector<16xf32>
      %mul3A_505 = arith.mulf %mul3A_504, %add3A_499 : vector<16xf32>
      %select_n3A_506 = arith.select %ge3A_502, %add3A_499, %mul3A_505 : vector<16xi1>, vector<16xf32>
      %exp3A_507 = math.exp %select_n3A_506 : vector<16xf32>
      %swap3A_508 = arith.constant 64 : index
      %swap3A_509 = tpu.vector_load %arg28[%swap3A_508] {strides = array<i32>} : memref<96xf32, #tpu.memory_space<vmem>>, vector<16xf32>,
      tpu.vector_store %arg28[%swap3A_508], %exp3A_507 {strides = array<i32>} : memref<96xf32, #tpu.memory_space<vmem>>, vector<16xf32>,
      %get3A_510 = arith.constant 64 : index
      %get3A_511 = tpu.vector_load %arg22[%get3A_510] {strides = array<i32>} : memref<96xf32, #tpu.memory_space<vmem>>, vector<16xf32>,
      %get3A_512 = arith.constant 64 : index
      %get3A_513 = tpu.vector_load %arg26[%get3A_512] {strides = array<i32>} : memref<96xf32, #tpu.memory_space<vmem>>, vector<16xf32>,
      %add3A_514 = arith.addf %get3A_511, %get3A_513 : vector<16xf32>
      %ge3A_515 = arith.constant 0.000000e+00 : f32
      %ge3A_516 = vector.broadcast %ge3A_515 : f32 to vector<16xf32>
      %ge3A_517 = arith.cmpf oge, %add3A_514, %ge3A_516 : vector<16xf32>
      %mul3A_518 = arith.constant 2.000000e-01 : f32
      %mul3A_519 = vector.broadcast %mul3A_518 : f32 to vector<16xf32>
      %mul3A_520 = arith.mulf %mul3A_519, %add3A_514 : vector<16xf32>
      %select_n3A_521 = arith.select %ge3A_517, %add3A_514, %mul3A_520 : vector<16xi1>, vector<16xf32>
      %exp3A_522 = math.exp %select_n3A_521 : vector<16xf32>
      %swap3A_523 = arith.constant 64 : index
      %swap3A_524 = tpu.vector_load %arg30[%swap3A_523] {strides = array<i32>} : memref<96xf32, #tpu.memory_space<vmem>>, vector<16xf32>,
      tpu.vector_store %arg30[%swap3A_523], %exp3A_522 {strides = array<i32>} : memref<96xf32, #tpu.memory_space<vmem>>, vector<16xf32>,
      %get3A_525 = arith.constant 80 : index
      %get3A_526 = tpu.vector_load %arg20[%get3A_525] {strides = array<i32>} : memref<96xf32, #tpu.memory_space<vmem>>, vector<16xf32>,
      %get3A_527 = arith.constant 80 : index
      %get3A_528 = tpu.vector_load %arg24[%get3A_527] {strides = array<i32>} : memref<96xf32, #tpu.memory_space<vmem>>, vector<16xf32>,
      %add3A_529 = arith.addf %get3A_526, %get3A_528 : vector<16xf32>
      %ge3A_530 = arith.constant 0.000000e+00 : f32
      %ge3A_531 = vector.broadcast %ge3A_530 : f32 to vector<16xf32>
      %ge3A_532 = arith.cmpf oge, %add3A_529, %ge3A_531 : vector<16xf32>
      %mul3A_533 = arith.constant 2.000000e-01 : f32
      %mul3A_534 = vector.broadcast %mul3A_533 : f32 to vector<16xf32>
      %mul3A_535 = arith.mulf %mul3A_534, %add3A_529 : vector<16xf32>
      %select_n3A_536 = arith.select %ge3A_532, %add3A_529, %mul3A_535 : vector<16xi1>, vector<16xf32>
      %exp3A_537 = math.exp %select_n3A_536 : vector<16xf32>
      %swap3A_538 = arith.constant 80 : index
      %swap3A_539 = tpu.vector_load %arg28[%swap3A_538] {strides = array<i32>} : memref<96xf32, #tpu.memory_space<vmem>>, vector<16xf32>,
      tpu.vector_store %arg28[%swap3A_538], %exp3A_537 {strides = array<i32>} : memref<96xf32, #tpu.memory_space<vmem>>, vector<16xf32>,
      %get3A_540 = arith.constant 80 : index
      %get3A_541 = tpu.vector_load %arg22[%get3A_540] {strides = array<i32>} : memref<96xf32, #tpu.memory_space<vmem>>, vector<16xf32>,
      %get3A_542 = arith.constant 80 : index
      %get3A_543 = tpu.vector_load %arg26[%get3A_542] {strides = array<i32>} : memref<96xf32, #tpu.memory_space<vmem>>, vector<16xf32>,
      %add3A_544 = arith.addf %get3A_541, %get3A_543 : vector<16xf32>
      %ge3A_545 = arith.constant 0.000000e+00 : f32
      %ge3A_546 = vector.broadcast %ge3A_545 : f32 to vector<16xf32>
      %ge3A_547 = arith.cmpf oge, %add3A_544, %ge3A_546 : vector<16xf32>
      %mul3A_548 = arith.constant 2.000000e-01 : f32
      %mul3A_549 = vector.broadcast %mul3A_548 : f32 to vector<16xf32>
      %mul3A_550 = arith.mulf %mul3A_549, %add3A_544 : vector<16xf32>
      %select_n3A_551 = arith.select %ge3A_547, %add3A_544, %mul3A_550 : vector<16xi1>, vector<16xf32>
      %exp3A_552 = math.exp %select_n3A_551 : vector<16xf32>
      %swap3A_553 = arith.constant 80 : index
      %swap3A_554 = tpu.vector_load %arg30[%swap3A_553] {strides = array<i32>} : memref<96xf32, #tpu.memory_space<vmem>>, vector<16xf32>,
      tpu.vector_store %arg30[%swap3A_553], %exp3A_552 {strides = array<i32>} : memref<96xf32, #tpu.memory_space<vmem>>, vector<16xf32>,
      %parallel_loop3A = arith.constant 0 : i32
      %parallel_loop3A_555 = arith.constant 96 : i32
      %parallel_loop3A_556 = arith.constant 1 : i32
      scf.for %parallel_loop3A_804 = %parallel_loop3A to %parallel_loop3A_555 step %parallel_loop3A_556  : i32 {
        %parallel_loop3A_805 = vector.broadcast %parallel_loop3A_804 : i32 to vector<16xi32>
        %parallel_loop3A_806 = tpu.vector_load_idx %arg28[%parallel_loop3A_805] : memref<96xf32, #tpu.memory_space<vmem>>[vector<16xi32>], vector<16xf32>,
        %parallel_loop3A_807 = tpu.vector_load_idx %arg30[%parallel_loop3A_805] : memref<96xf32, #tpu.memory_space<vmem>>[vector<16xi32>], vector<16xf32>,
        %parallel_loop3A_808 = tpu.pack_subelements %parallel_loop3A_806, %parallel_loop3A_806 {pack_format = #tpu.pack_format<interleaved>, positions = array<i32: 0, 1>} : vector<16xf32>, vector<16xf32> -> vector<32xbf16>
        %parallel_loop3A_809 = tpu.pack_subelements %parallel_loop3A_807, %parallel_loop3A_807 {pack_format = #tpu.pack_format<interleaved>, positions = array<i32: 0, 1>} : vector<16xf32>, vector<16xf32> -> vector<32xbf16>
        %parallel_loop3A_810 = arith.index_cast %parallel_loop3A_804 : i32 to index
        %parallel_loop3A_811 = arith.constant 0 : index
        %parallel_loop3A_812 = tpu.vector_load %arg18[%parallel_loop3A_810, %parallel_loop3A_811] {strides = array<i32>} : memref<96x256xbf16, #tpu.memory_space<vmem>>, vector<32xbf16>,
        %parallel_loop3A_813 = arith.index_cast %parallel_loop3A_804 : i32 to index
        %parallel_loop3A_814 = arith.constant 32 : index
        %parallel_loop3A_815 = tpu.vector_load %arg18[%parallel_loop3A_813, %parallel_loop3A_814] {strides = array<i32>} : memref<96x256xbf16, #tpu.memory_space<vmem>>, vector<32xbf16>,
        %parallel_loop3A_816 = arith.index_cast %parallel_loop3A_804 : i32 to index
        %parallel_loop3A_817 = arith.constant 64 : index
        %parallel_loop3A_818 = tpu.vector_load %arg18[%parallel_loop3A_816, %parallel_loop3A_817] {strides = array<i32>} : memref<96x256xbf16, #tpu.memory_space<vmem>>, vector<32xbf16>,
        %parallel_loop3A_819 = arith.index_cast %parallel_loop3A_804 : i32 to index
        %parallel_loop3A_820 = arith.constant 96 : index
        %parallel_loop3A_821 = tpu.vector_load %arg18[%parallel_loop3A_819, %parallel_loop3A_820] {strides = array<i32>} : memref<96x256xbf16, #tpu.memory_space<vmem>>, vector<32xbf16>,
        %parallel_loop3A_822 = arith.index_cast %parallel_loop3A_804 : i32 to index
        %parallel_loop3A_823 = arith.constant 128 : index
        %parallel_loop3A_824 = tpu.vector_load %arg18[%parallel_loop3A_822, %parallel_loop3A_823] {strides = array<i32>} : memref<96x256xbf16, #tpu.memory_space<vmem>>, vector<32xbf16>,
        %parallel_loop3A_825 = arith.index_cast %parallel_loop3A_804 : i32 to index
        %parallel_loop3A_826 = arith.constant 160 : index
        %parallel_loop3A_827 = tpu.vector_load %arg18[%parallel_loop3A_825, %parallel_loop3A_826] {strides = array<i32>} : memref<96x256xbf16, #tpu.memory_space<vmem>>, vector<32xbf16>,
        %parallel_loop3A_828 = arith.index_cast %parallel_loop3A_804 : i32 to index
        %parallel_loop3A_829 = arith.constant 192 : index
        %parallel_loop3A_830 = tpu.vector_load %arg18[%parallel_loop3A_828, %parallel_loop3A_829] {strides = array<i32>} : memref<96x256xbf16, #tpu.memory_space<vmem>>, vector<32xbf16>,
        %parallel_loop3A_831 = arith.index_cast %parallel_loop3A_804 : i32 to index
        %parallel_loop3A_832 = arith.constant 224 : index
        %parallel_loop3A_833 = tpu.vector_load %arg18[%parallel_loop3A_831, %parallel_loop3A_832] {strides = array<i32>} : memref<96x256xbf16, #tpu.memory_space<vmem>>, vector<32xbf16>,
        %parallel_loop3A_834 = arith.mulf %parallel_loop3A_812, %parallel_loop3A_808 : vector<32xbf16>
        %parallel_loop3A_835 = arith.index_cast %parallel_loop3A_804 : i32 to index
        %parallel_loop3A_836 = arith.constant 0 : index
        %parallel_loop3A_837 = tpu.vector_load %arg18[%parallel_loop3A_835, %parallel_loop3A_836] {strides = array<i32>} : memref<96x256xbf16, #tpu.memory_space<vmem>>, vector<32xbf16>,
        tpu.vector_store %arg18[%parallel_loop3A_835, %parallel_loop3A_836], %parallel_loop3A_834 {strides = array<i32>} : memref<96x256xbf16, #tpu.memory_space<vmem>>, vector<32xbf16>,
        %parallel_loop3A_838 = arith.mulf %parallel_loop3A_815, %parallel_loop3A_808 : vector<32xbf16>
        %parallel_loop3A_839 = arith.index_cast %parallel_loop3A_804 : i32 to index
        %parallel_loop3A_840 = arith.constant 32 : index
        %parallel_loop3A_841 = tpu.vector_load %arg18[%parallel_loop3A_839, %parallel_loop3A_840] {strides = array<i32>} : memref<96x256xbf16, #tpu.memory_space<vmem>>, vector<32xbf16>,
        tpu.vector_store %arg18[%parallel_loop3A_839, %parallel_loop3A_840], %parallel_loop3A_838 {strides = array<i32>} : memref<96x256xbf16, #tpu.memory_space<vmem>>, vector<32xbf16>,
        %parallel_loop3A_842 = arith.mulf %parallel_loop3A_818, %parallel_loop3A_808 : vector<32xbf16>
        %parallel_loop3A_843 = arith.index_cast %parallel_loop3A_804 : i32 to index
        %parallel_loop3A_844 = arith.constant 64 : index
        %parallel_loop3A_845 = tpu.vector_load %arg18[%parallel_loop3A_843, %parallel_loop3A_844] {strides = array<i32>} : memref<96x256xbf16, #tpu.memory_space<vmem>>, vector<32xbf16>,
        tpu.vector_store %arg18[%parallel_loop3A_843, %parallel_loop3A_844], %parallel_loop3A_842 {strides = array<i32>} : memref<96x256xbf16, #tpu.memory_space<vmem>>, vector<32xbf16>,
        %parallel_loop3A_846 = arith.mulf %parallel_loop3A_821, %parallel_loop3A_808 : vector<32xbf16>
        %parallel_loop3A_847 = arith.index_cast %parallel_loop3A_804 : i32 to index
        %parallel_loop3A_848 = arith.constant 96 : index
        %parallel_loop3A_849 = tpu.vector_load %arg18[%parallel_loop3A_847, %parallel_loop3A_848] {strides = array<i32>} : memref<96x256xbf16, #tpu.memory_space<vmem>>, vector<32xbf16>,
        tpu.vector_store %arg18[%parallel_loop3A_847, %parallel_loop3A_848], %parallel_loop3A_846 {strides = array<i32>} : memref<96x256xbf16, #tpu.memory_space<vmem>>, vector<32xbf16>,
        %parallel_loop3A_850 = arith.mulf %parallel_loop3A_824, %parallel_loop3A_809 : vector<32xbf16>
        %parallel_loop3A_851 = arith.index_cast %parallel_loop3A_804 : i32 to index
        %parallel_loop3A_852 = arith.constant 128 : index
        %parallel_loop3A_853 = tpu.vector_load %arg18[%parallel_loop3A_851, %parallel_loop3A_852] {strides = array<i32>} : memref<96x256xbf16, #tpu.memory_space<vmem>>, vector<32xbf16>,
        tpu.vector_store %arg18[%parallel_loop3A_851, %parallel_loop3A_852], %parallel_loop3A_850 {strides = array<i32>} : memref<96x256xbf16, #tpu.memory_space<vmem>>, vector<32xbf16>,
        %parallel_loop3A_854 = arith.mulf %parallel_loop3A_827, %parallel_loop3A_809 : vector<32xbf16>
        %parallel_loop3A_855 = arith.index_cast %parallel_loop3A_804 : i32 to index
        %parallel_loop3A_856 = arith.constant 160 : index
        %parallel_loop3A_857 = tpu.vector_load %arg18[%parallel_loop3A_855, %parallel_loop3A_856] {strides = array<i32>} : memref<96x256xbf16, #tpu.memory_space<vmem>>, vector<32xbf16>,
        tpu.vector_store %arg18[%parallel_loop3A_855, %parallel_loop3A_856], %parallel_loop3A_854 {strides = array<i32>} : memref<96x256xbf16, #tpu.memory_space<vmem>>, vector<32xbf16>,
        %parallel_loop3A_858 = arith.mulf %parallel_loop3A_830, %parallel_loop3A_809 : vector<32xbf16>
        %parallel_loop3A_859 = arith.index_cast %parallel_loop3A_804 : i32 to index
        %parallel_loop3A_860 = arith.constant 192 : index
        %parallel_loop3A_861 = tpu.vector_load %arg18[%parallel_loop3A_859, %parallel_loop3A_860] {strides = array<i32>} : memref<96x256xbf16, #tpu.memory_space<vmem>>, vector<32xbf16>,
        tpu.vector_store %arg18[%parallel_loop3A_859, %parallel_loop3A_860], %parallel_loop3A_858 {strides = array<i32>} : memref<96x256xbf16, #tpu.memory_space<vmem>>, vector<32xbf16>,
        %parallel_loop3A_862 = arith.mulf %parallel_loop3A_833, %parallel_loop3A_809 : vector<32xbf16>
        %parallel_loop3A_863 = arith.index_cast %parallel_loop3A_804 : i32 to index
        %parallel_loop3A_864 = arith.constant 224 : index
        %parallel_loop3A_865 = tpu.vector_load %arg18[%parallel_loop3A_863, %parallel_loop3A_864] {strides = array<i32>} : memref<96x256xbf16, #tpu.memory_space<vmem>>, vector<32xbf16>,
        tpu.vector_store %arg18[%parallel_loop3A_863, %parallel_loop3A_864], %parallel_loop3A_862 {strides = array<i32>} : memref<96x256xbf16, #tpu.memory_space<vmem>>, vector<32xbf16>,
      } {sc.loop_unroll_factor = 2 : i64, sc.parallel_access}
      %mul3A_557 = arith.constant 96 : i32
      %mul3A_558 = arith.muli %mul3A_333, %mul3A_557 : i32
      %dma_start3A_559 = tpu.memref_slice %arg17[%mul3A_558] : memref<10176xi32, #tpu.memory_space<vmem>> -> memref<96xi32, #tpu.memory_space<vmem>>
      %dma_start3A_560 = arith.constant 0 : i32
      %dma_start3A_561 = arith.constant 0 : i32
      %dma_start3A_562 = tpu.memref_slice %arg9[%dma_start3A_560, %dma_start3A_561] : memref<10008x256xbf16, #tpu.memory_space<vmem_shared>> -> memref<10008x256xbf16, #tpu.memory_space<vmem_shared>>
      tpu.enqueue_indirect_dma source(%arg18 : memref<96x256xbf16, #tpu.memory_space<vmem>>) target(%dma_start3A_562 : memref<10008x256xbf16, #tpu.memory_space<vmem_shared>>) offsets(%dma_start3A_559 : memref<96xi32, #tpu.memory_space<vmem>>) semaphore(%arg38 : memref<!tpu.dma_semaphore, #tpu.memory_space<semaphore_mem>>) {add = true}
      %dma_start3A_563 = tpu.memref_slice %arg17[%mul3A_558] : memref<10176xi32, #tpu.memory_space<vmem>> -> memref<96xi32, #tpu.memory_space<vmem>>
      %dma_start3A_564 = arith.constant 0 : i32
      %dma_start3A_565 = tpu.memref_slice %arg10[%dma_start3A_564] : memref<10240xf32, #tpu.memory_space<vmem_shared>> -> memref<10240xf32, #tpu.memory_space<vmem_shared>>
      tpu.enqueue_indirect_dma source(%arg28 : memref<96xf32, #tpu.memory_space<vmem>>) target(%dma_start3A_565 : memref<10240xf32, #tpu.memory_space<vmem_shared>>) offsets(%dma_start3A_563 : memref<96xi32, #tpu.memory_space<vmem>>) semaphore(%arg40 : memref<!tpu.dma_semaphore, #tpu.memory_space<semaphore_mem>>) {add = true}
      %dma_start3A_566 = tpu.memref_slice %arg17[%mul3A_558] : memref<10176xi32, #tpu.memory_space<vmem>> -> memref<96xi32, #tpu.memory_space<vmem>>
      %dma_start3A_567 = arith.constant 0 : i32
      %dma_start3A_568 = tpu.memref_slice %arg11[%dma_start3A_567] : memref<10240xf32, #tpu.memory_space<vmem_shared>> -> memref<10240xf32, #tpu.memory_space<vmem_shared>>
      tpu.enqueue_indirect_dma source(%arg30 : memref<96xf32, #tpu.memory_space<vmem>>) target(%dma_start3A_568 : memref<10240xf32, #tpu.memory_space<vmem_shared>>) offsets(%dma_start3A_566 : memref<96xi32, #tpu.memory_space<vmem>>) semaphore(%arg40 : memref<!tpu.dma_semaphore, #tpu.memory_space<semaphore_mem>>) {add = true}
      %add3A_569 = arith.constant 1 : i32
      %add3A_570 = arith.addi %mul3A_333, %add3A_569 : i32
      %mul3A_571 = arith.constant 96 : i32
      %mul3A_572 = arith.muli %add3A_570, %mul3A_571 : i32
      %mul3A_573 = arith.constant 96 : i32
      %mul3A_574 = arith.muli %add3A_570, %mul3A_573 : i32
      %dma_wait3A_575 = tpu.memref_slice %arg16[%mul3A_572] : memref<10176xi32, #tpu.memory_space<vmem>> -> memref<96xi32, #tpu.memory_space<vmem>>
      %dma_wait3A_576 = arith.constant 0 : i32
      %dma_wait3A_577 = tpu.memref_slice %arg12[%dma_wait3A_576] : memref<10240xf32, #tpu.memory_space<vmem_shared>> -> memref<10240xf32, #tpu.memory_space<vmem_shared>>
      tpu.wait_indirect_dma semaphore(%arg35 : memref<!tpu.dma_semaphore, #tpu.memory_space<semaphore_mem>>) src(%dma_wait3A_577 : memref<10240xf32, #tpu.memory_space<vmem_shared>>) dst(%arg21 : memref<96xf32, #tpu.memory_space<vmem>>)
      %dma_wait3A_578 = tpu.memref_slice %arg16[%mul3A_572] : memref<10176xi32, #tpu.memory_space<vmem>> -> memref<96xi32, #tpu.memory_space<vmem>>
      %dma_wait3A_579 = arith.constant 0 : i32
      %dma_wait3A_580 = tpu.memref_slice %arg13[%dma_wait3A_579] : memref<10240xf32, #tpu.memory_space<vmem_shared>> -> memref<10240xf32, #tpu.memory_space<vmem_shared>>
      tpu.wait_indirect_dma semaphore(%arg35 : memref<!tpu.dma_semaphore, #tpu.memory_space<semaphore_mem>>) src(%dma_wait3A_580 : memref<10240xf32, #tpu.memory_space<vmem_shared>>) dst(%arg23 : memref<96xf32, #tpu.memory_space<vmem>>)
      %dma_wait3A_581 = tpu.memref_slice %arg17[%mul3A_574] : memref<10176xi32, #tpu.memory_space<vmem>> -> memref<96xi32, #tpu.memory_space<vmem>>
      %dma_wait3A_582 = arith.constant 0 : i32
      %dma_wait3A_583 = tpu.memref_slice %arg14[%dma_wait3A_582] : memref<10240xf32, #tpu.memory_space<vmem_shared>> -> memref<10240xf32, #tpu.memory_space<vmem_shared>>
      tpu.wait_indirect_dma semaphore(%arg37 : memref<!tpu.dma_semaphore, #tpu.memory_space<semaphore_mem>>) src(%dma_wait3A_583 : memref<10240xf32, #tpu.memory_space<vmem_shared>>) dst(%arg25 : memref<96xf32, #tpu.memory_space<vmem>>)
      %dma_wait3A_584 = tpu.memref_slice %arg17[%mul3A_574] : memref<10176xi32, #tpu.memory_space<vmem>> -> memref<96xi32, #tpu.memory_space<vmem>>
      %dma_wait3A_585 = arith.constant 0 : i32
      %dma_wait3A_586 = tpu.memref_slice %arg15[%dma_wait3A_585] : memref<10240xf32, #tpu.memory_space<vmem_shared>> -> memref<10240xf32, #tpu.memory_space<vmem_shared>>
      tpu.wait_indirect_dma semaphore(%arg37 : memref<!tpu.dma_semaphore, #tpu.memory_space<semaphore_mem>>) src(%dma_wait3A_586 : memref<10240xf32, #tpu.memory_space<vmem_shared>>) dst(%arg27 : memref<96xf32, #tpu.memory_space<vmem>>)
      %dma_wait3A_587 = tpu.memref_slice %arg16[%mul3A_572] : memref<10176xi32, #tpu.memory_space<vmem>> -> memref<96xi32, #tpu.memory_space<vmem>>
      %dma_wait3A_588 = arith.constant 0 : i32
      %dma_wait3A_589 = arith.constant 0 : i32
      %dma_wait3A_590 = tpu.memref_slice %arg2[%dma_wait3A_588, %dma_wait3A_589] : memref<10008x256xbf16, #tpu.memory_space<hbm>> -> memref<10008x256xbf16, #tpu.memory_space<hbm>>
      tpu.wait_indirect_dma semaphore(%arg33 : memref<!tpu.dma_semaphore, #tpu.memory_space<semaphore_mem>>) src(%dma_wait3A_590 : memref<10008x256xbf16, #tpu.memory_space<hbm>>) dst(%arg19 : memref<96x256xbf16, #tpu.memory_space<vmem>>)
      %mul3A_591 = arith.constant 96 : i32
      %mul3A_592 = arith.muli %mul3A_333, %mul3A_591 : i32
      %dma_wait3A_593 = tpu.memref_slice %arg17[%mul3A_592] : memref<10176xi32, #tpu.memory_space<vmem>> -> memref<96xi32, #tpu.memory_space<vmem>>
      %dma_wait3A_594 = arith.constant 0 : i32
      %dma_wait3A_595 = arith.constant 0 : i32
      %dma_wait3A_596 = tpu.memref_slice %arg9[%dma_wait3A_594, %dma_wait3A_595] : memref<10008x256xbf16, #tpu.memory_space<vmem_shared>> -> memref<10008x256xbf16, #tpu.memory_space<vmem_shared>>
      tpu.wait_indirect_dma semaphore(%arg38 : memref<!tpu.dma_semaphore, #tpu.memory_space<semaphore_mem>>) src(%arg18 : memref<96x256xbf16, #tpu.memory_space<vmem>>) dst(%dma_wait3A_596 : memref<10008x256xbf16, #tpu.memory_space<vmem_shared>>)
      %dma_wait3A_597 = tpu.memref_slice %arg17[%mul3A_592] : memref<10176xi32, #tpu.memory_space<vmem>> -> memref<96xi32, #tpu.memory_space<vmem>>
      %dma_wait3A_598 = arith.constant 0 : i32
      %dma_wait3A_599 = tpu.memref_slice %arg10[%dma_wait3A_598] : memref<10240xf32, #tpu.memory_space<vmem_shared>> -> memref<10240xf32, #tpu.memory_space<vmem_shared>>
      tpu.wait_indirect_dma semaphore(%arg40 : memref<!tpu.dma_semaphore, #tpu.memory_space<semaphore_mem>>) src(%arg28 : memref<96xf32, #tpu.memory_space<vmem>>) dst(%dma_wait3A_599 : memref<10240xf32, #tpu.memory_space<vmem_shared>>)
      %dma_wait3A_600 = tpu.memref_slice %arg17[%mul3A_592] : memref<10176xi32, #tpu.memory_space<vmem>> -> memref<96xi32, #tpu.memory_space<vmem>>
      %dma_wait3A_601 = arith.constant 0 : i32
      %dma_wait3A_602 = tpu.memref_slice %arg11[%dma_wait3A_601] : memref<10240xf32, #tpu.memory_space<vmem_shared>> -> memref<10240xf32, #tpu.memory_space<vmem_shared>>
      tpu.wait_indirect_dma semaphore(%arg40 : memref<!tpu.dma_semaphore, #tpu.memory_space<semaphore_mem>>) src(%arg30 : memref<96xf32, #tpu.memory_space<vmem>>) dst(%dma_wait3A_602 : memref<10240xf32, #tpu.memory_space<vmem_shared>>)
      %lt3A = arith.constant 52 : i32
      %lt3A_603 = arith.cmpi slt, %scan3A_331, %lt3A : i32
      %convert_element_type3A_604 = arith.extui %lt3A_603 : i1 to i32
      %cond3A_605 = arith.constant 0 : i32
      %cond3A_606 = arith.cmpi ne, %convert_element_type3A_604, %cond3A_605 : i32
      scf.if %cond3A_606 {
        %add3A_804 = arith.constant 2 : i32
        %add3A_805 = arith.addi %mul3A_333, %add3A_804 : i32
        %mul3A_806 = arith.constant 96 : i32
        %mul3A_807 = arith.muli %add3A_805, %mul3A_806 : i32
        %mul3A_808 = arith.constant 96 : i32
        %mul3A_809 = arith.muli %add3A_805, %mul3A_808 : i32
        %dma_start3A_810 = tpu.memref_slice %arg16[%mul3A_807] : memref<10176xi32, #tpu.memory_space<vmem>> -> memref<96xi32, #tpu.memory_space<vmem>>
        %dma_start3A_811 = arith.constant 0 : i32
        %dma_start3A_812 = tpu.memref_slice %arg12[%dma_start3A_811] : memref<10240xf32, #tpu.memory_space<vmem_shared>> -> memref<10240xf32, #tpu.memory_space<vmem_shared>>
        tpu.enqueue_indirect_dma source(%dma_start3A_812 : memref<10240xf32, #tpu.memory_space<vmem_shared>>) target(%arg20 : memref<96xf32, #tpu.memory_space<vmem>>) offsets(%dma_start3A_810 : memref<96xi32, #tpu.memory_space<vmem>>) semaphore(%arg34 : memref<!tpu.dma_semaphore, #tpu.memory_space<semaphore_mem>>)
        %dma_start3A_813 = tpu.memref_slice %arg16[%mul3A_807] : memref<10176xi32, #tpu.memory_space<vmem>> -> memref<96xi32, #tpu.memory_space<vmem>>
        %dma_start3A_814 = arith.constant 0 : i32
        %dma_start3A_815 = tpu.memref_slice %arg13[%dma_start3A_814] : memref<10240xf32, #tpu.memory_space<vmem_shared>> -> memref<10240xf32, #tpu.memory_space<vmem_shared>>
        tpu.enqueue_indirect_dma source(%dma_start3A_815 : memref<10240xf32, #tpu.memory_space<vmem_shared>>) target(%arg22 : memref<96xf32, #tpu.memory_space<vmem>>) offsets(%dma_start3A_813 : memref<96xi32, #tpu.memory_space<vmem>>) semaphore(%arg34 : memref<!tpu.dma_semaphore, #tpu.memory_space<semaphore_mem>>)
        %dma_start3A_816 = tpu.memref_slice %arg17[%mul3A_809] : memref<10176xi32, #tpu.memory_space<vmem>> -> memref<96xi32, #tpu.memory_space<vmem>>
        %dma_start3A_817 = arith.constant 0 : i32
        %dma_start3A_818 = tpu.memref_slice %arg14[%dma_start3A_817] : memref<10240xf32, #tpu.memory_space<vmem_shared>> -> memref<10240xf32, #tpu.memory_space<vmem_shared>>
        tpu.enqueue_indirect_dma source(%dma_start3A_818 : memref<10240xf32, #tpu.memory_space<vmem_shared>>) target(%arg24 : memref<96xf32, #tpu.memory_space<vmem>>) offsets(%dma_start3A_816 : memref<96xi32, #tpu.memory_space<vmem>>) semaphore(%arg36 : memref<!tpu.dma_semaphore, #tpu.memory_space<semaphore_mem>>)
        %dma_start3A_819 = tpu.memref_slice %arg17[%mul3A_809] : memref<10176xi32, #tpu.memory_space<vmem>> -> memref<96xi32, #tpu.memory_space<vmem>>
        %dma_start3A_820 = arith.constant 0 : i32
        %dma_start3A_821 = tpu.memref_slice %arg15[%dma_start3A_820] : memref<10240xf32, #tpu.memory_space<vmem_shared>> -> memref<10240xf32, #tpu.memory_space<vmem_shared>>
        tpu.enqueue_indirect_dma source(%dma_start3A_821 : memref<10240xf32, #tpu.memory_space<vmem_shared>>) target(%arg26 : memref<96xf32, #tpu.memory_space<vmem>>) offsets(%dma_start3A_819 : memref<96xi32, #tpu.memory_space<vmem>>) semaphore(%arg36 : memref<!tpu.dma_semaphore, #tpu.memory_space<semaphore_mem>>)
        %dma_start3A_822 = tpu.memref_slice %arg16[%mul3A_807] : memref<10176xi32, #tpu.memory_space<vmem>> -> memref<96xi32, #tpu.memory_space<vmem>>
        %dma_start3A_823 = arith.constant 0 : i32
        %dma_start3A_824 = arith.constant 0 : i32
        %dma_start3A_825 = tpu.memref_slice %arg2[%dma_start3A_823, %dma_start3A_824] : memref<10008x256xbf16, #tpu.memory_space<hbm>> -> memref<10008x256xbf16, #tpu.memory_space<hbm>>
        tpu.enqueue_indirect_dma source(%dma_start3A_825 : memref<10008x256xbf16, #tpu.memory_space<hbm>>) target(%arg18 : memref<96x256xbf16, #tpu.memory_space<vmem>>) offsets(%dma_start3A_822 : memref<96xi32, #tpu.memory_space<vmem>>) semaphore(%arg32 : memref<!tpu.dma_semaphore, #tpu.memory_space<semaphore_mem>>)
      } else {
      }
      %get3A_607 = arith.constant 0 : index
      %get3A_608 = tpu.vector_load %arg21[%get3A_607] {strides = array<i32>} : memref<96xf32, #tpu.memory_space<vmem>>, vector<16xf32>,
      %get3A_609 = arith.constant 0 : index
      %get3A_610 = tpu.vector_load %arg25[%get3A_609] {strides = array<i32>} : memref<96xf32, #tpu.memory_space<vmem>>, vector<16xf32>,
      %add3A_611 = arith.addf %get3A_608, %get3A_610 : vector<16xf32>
      %ge3A_612 = arith.constant 0.000000e+00 : f32
      %ge3A_613 = vector.broadcast %ge3A_612 : f32 to vector<16xf32>
      %ge3A_614 = arith.cmpf oge, %add3A_611, %ge3A_613 : vector<16xf32>
      %mul3A_615 = arith.constant 2.000000e-01 : f32
      %mul3A_616 = vector.broadcast %mul3A_615 : f32 to vector<16xf32>
      %mul3A_617 = arith.mulf %mul3A_616, %add3A_611 : vector<16xf32>
      %select_n3A_618 = arith.select %ge3A_614, %add3A_611, %mul3A_617 : vector<16xi1>, vector<16xf32>
      %exp3A_619 = math.exp %select_n3A_618 : vector<16xf32>
      %swap3A_620 = arith.constant 0 : index
      %swap3A_621 = tpu.vector_load %arg29[%swap3A_620] {strides = array<i32>} : memref<96xf32, #tpu.memory_space<vmem>>, vector<16xf32>,
      tpu.vector_store %arg29[%swap3A_620], %exp3A_619 {strides = array<i32>} : memref<96xf32, #tpu.memory_space<vmem>>, vector<16xf32>,
      %get3A_622 = arith.constant 0 : index
      %get3A_623 = tpu.vector_load %arg23[%get3A_622] {strides = array<i32>} : memref<96xf32, #tpu.memory_space<vmem>>, vector<16xf32>,
      %get3A_624 = arith.constant 0 : index
      %get3A_625 = tpu.vector_load %arg27[%get3A_624] {strides = array<i32>} : memref<96xf32, #tpu.memory_space<vmem>>, vector<16xf32>,
      %add3A_626 = arith.addf %get3A_623, %get3A_625 : vector<16xf32>
      %ge3A_627 = arith.constant 0.000000e+00 : f32
      %ge3A_628 = vector.broadcast %ge3A_627 : f32 to vector<16xf32>
      %ge3A_629 = arith.cmpf oge, %add3A_626, %ge3A_628 : vector<16xf32>
      %mul3A_630 = arith.constant 2.000000e-01 : f32
      %mul3A_631 = vector.broadcast %mul3A_630 : f32 to vector<16xf32>
      %mul3A_632 = arith.mulf %mul3A_631, %add3A_626 : vector<16xf32>
      %select_n3A_633 = arith.select %ge3A_629, %add3A_626, %mul3A_632 : vector<16xi1>, vector<16xf32>
      %exp3A_634 = math.exp %select_n3A_633 : vector<16xf32>
      %swap3A_635 = arith.constant 0 : index
      %swap3A_636 = tpu.vector_load %arg31[%swap3A_635] {strides = array<i32>} : memref<96xf32, #tpu.memory_space<vmem>>, vector<16xf32>,
      tpu.vector_store %arg31[%swap3A_635], %exp3A_634 {strides = array<i32>} : memref<96xf32, #tpu.memory_space<vmem>>, vector<16xf32>,
      %get3A_637 = arith.constant 16 : index
      %get3A_638 = tpu.vector_load %arg21[%get3A_637] {strides = array<i32>} : memref<96xf32, #tpu.memory_space<vmem>>, vector<16xf32>,
      %get3A_639 = arith.constant 16 : index
      %get3A_640 = tpu.vector_load %arg25[%get3A_639] {strides = array<i32>} : memref<96xf32, #tpu.memory_space<vmem>>, vector<16xf32>,
      %add3A_641 = arith.addf %get3A_638, %get3A_640 : vector<16xf32>
      %ge3A_642 = arith.constant 0.000000e+00 : f32
      %ge3A_643 = vector.broadcast %ge3A_642 : f32 to vector<16xf32>
      %ge3A_644 = arith.cmpf oge, %add3A_641, %ge3A_643 : vector<16xf32>
      %mul3A_645 = arith.constant 2.000000e-01 : f32
      %mul3A_646 = vector.broadcast %mul3A_645 : f32 to vector<16xf32>
      %mul3A_647 = arith.mulf %mul3A_646, %add3A_641 : vector<16xf32>
      %select_n3A_648 = arith.select %ge3A_644, %add3A_641, %mul3A_647 : vector<16xi1>, vector<16xf32>
      %exp3A_649 = math.exp %select_n3A_648 : vector<16xf32>
      %swap3A_650 = arith.constant 16 : index
      %swap3A_651 = tpu.vector_load %arg29[%swap3A_650] {strides = array<i32>} : memref<96xf32, #tpu.memory_space<vmem>>, vector<16xf32>,
      tpu.vector_store %arg29[%swap3A_650], %exp3A_649 {strides = array<i32>} : memref<96xf32, #tpu.memory_space<vmem>>, vector<16xf32>,
      %get3A_652 = arith.constant 16 : index
      %get3A_653 = tpu.vector_load %arg23[%get3A_652] {strides = array<i32>} : memref<96xf32, #tpu.memory_space<vmem>>, vector<16xf32>,
      %get3A_654 = arith.constant 16 : index
      %get3A_655 = tpu.vector_load %arg27[%get3A_654] {strides = array<i32>} : memref<96xf32, #tpu.memory_space<vmem>>, vector<16xf32>,
      %add3A_656 = arith.addf %get3A_653, %get3A_655 : vector<16xf32>
      %ge3A_657 = arith.constant 0.000000e+00 : f32
      %ge3A_658 = vector.broadcast %ge3A_657 : f32 to vector<16xf32>
      %ge3A_659 = arith.cmpf oge, %add3A_656, %ge3A_658 : vector<16xf32>
      %mul3A_660 = arith.constant 2.000000e-01 : f32
      %mul3A_661 = vector.broadcast %mul3A_660 : f32 to vector<16xf32>
      %mul3A_662 = arith.mulf %mul3A_661, %add3A_656 : vector<16xf32>
      %select_n3A_663 = arith.select %ge3A_659, %add3A_656, %mul3A_662 : vector<16xi1>, vector<16xf32>
      %exp3A_664 = math.exp %select_n3A_663 : vector<16xf32>
      %swap3A_665 = arith.constant 16 : index
      %swap3A_666 = tpu.vector_load %arg31[%swap3A_665] {strides = array<i32>} : memref<96xf32, #tpu.memory_space<vmem>>, vector<16xf32>,
      tpu.vector_store %arg31[%swap3A_665], %exp3A_664 {strides = array<i32>} : memref<96xf32, #tpu.memory_space<vmem>>, vector<16xf32>,
      %get3A_667 = arith.constant 32 : index
      %get3A_668 = tpu.vector_load %arg21[%get3A_667] {strides = array<i32>} : memref<96xf32, #tpu.memory_space<vmem>>, vector<16xf32>,
      %get3A_669 = arith.constant 32 : index
      %get3A_670 = tpu.vector_load %arg25[%get3A_669] {strides = array<i32>} : memref<96xf32, #tpu.memory_space<vmem>>, vector<16xf32>,
      %add3A_671 = arith.addf %get3A_668, %get3A_670 : vector<16xf32>
      %ge3A_672 = arith.constant 0.000000e+00 : f32
      %ge3A_673 = vector.broadcast %ge3A_672 : f32 to vector<16xf32>
      %ge3A_674 = arith.cmpf oge, %add3A_671, %ge3A_673 : vector<16xf32>
      %mul3A_675 = arith.constant 2.000000e-01 : f32
      %mul3A_676 = vector.broadcast %mul3A_675 : f32 to vector<16xf32>
      %mul3A_677 = arith.mulf %mul3A_676, %add3A_671 : vector<16xf32>
      %select_n3A_678 = arith.select %ge3A_674, %add3A_671, %mul3A_677 : vector<16xi1>, vector<16xf32>
      %exp3A_679 = math.exp %select_n3A_678 : vector<16xf32>
      %swap3A_680 = arith.constant 32 : index
      %swap3A_681 = tpu.vector_load %arg29[%swap3A_680] {strides = array<i32>} : memref<96xf32, #tpu.memory_space<vmem>>, vector<16xf32>,
      tpu.vector_store %arg29[%swap3A_680], %exp3A_679 {strides = array<i32>} : memref<96xf32, #tpu.memory_space<vmem>>, vector<16xf32>,
      %get3A_682 = arith.constant 32 : index
      %get3A_683 = tpu.vector_load %arg23[%get3A_682] {strides = array<i32>} : memref<96xf32, #tpu.memory_space<vmem>>, vector<16xf32>,
      %get3A_684 = arith.constant 32 : index
      %get3A_685 = tpu.vector_load %arg27[%get3A_684] {strides = array<i32>} : memref<96xf32, #tpu.memory_space<vmem>>, vector<16xf32>,
      %add3A_686 = arith.addf %get3A_683, %get3A_685 : vector<16xf32>
      %ge3A_687 = arith.constant 0.000000e+00 : f32
      %ge3A_688 = vector.broadcast %ge3A_687 : f32 to vector<16xf32>
      %ge3A_689 = arith.cmpf oge, %add3A_686, %ge3A_688 : vector<16xf32>
      %mul3A_690 = arith.constant 2.000000e-01 : f32
      %mul3A_691 = vector.broadcast %mul3A_690 : f32 to vector<16xf32>
      %mul3A_692 = arith.mulf %mul3A_691, %add3A_686 : vector<16xf32>
      %select_n3A_693 = arith.select %ge3A_689, %add3A_686, %mul3A_692 : vector<16xi1>, vector<16xf32>
      %exp3A_694 = math.exp %select_n3A_693 : vector<16xf32>
      %swap3A_695 = arith.constant 32 : index
      %swap3A_696 = tpu.vector_load %arg31[%swap3A_695] {strides = array<i32>} : memref<96xf32, #tpu.memory_space<vmem>>, vector<16xf32>,
      tpu.vector_store %arg31[%swap3A_695], %exp3A_694 {strides = array<i32>} : memref<96xf32, #tpu.memory_space<vmem>>, vector<16xf32>,
      %get3A_697 = arith.constant 48 : index
      %get3A_698 = tpu.vector_load %arg21[%get3A_697] {strides = array<i32>} : memref<96xf32, #tpu.memory_space<vmem>>, vector<16xf32>,
      %get3A_699 = arith.constant 48 : index
      %get3A_700 = tpu.vector_load %arg25[%get3A_699] {strides = array<i32>} : memref<96xf32, #tpu.memory_space<vmem>>, vector<16xf32>,
      %add3A_701 = arith.addf %get3A_698, %get3A_700 : vector<16xf32>
      %ge3A_702 = arith.constant 0.000000e+00 : f32
      %ge3A_703 = vector.broadcast %ge3A_702 : f32 to vector<16xf32>
      %ge3A_704 = arith.cmpf oge, %add3A_701, %ge3A_703 : vector<16xf32>
      %mul3A_705 = arith.constant 2.000000e-01 : f32
      %mul3A_706 = vector.broadcast %mul3A_705 : f32 to vector<16xf32>
      %mul3A_707 = arith.mulf %mul3A_706, %add3A_701 : vector<16xf32>
      %select_n3A_708 = arith.select %ge3A_704, %add3A_701, %mul3A_707 : vector<16xi1>, vector<16xf32>
      %exp3A_709 = math.exp %select_n3A_708 : vector<16xf32>
      %swap3A_710 = arith.constant 48 : index
      %swap3A_711 = tpu.vector_load %arg29[%swap3A_710] {strides = array<i32>} : memref<96xf32, #tpu.memory_space<vmem>>, vector<16xf32>,
      tpu.vector_store %arg29[%swap3A_710], %exp3A_709 {strides = array<i32>} : memref<96xf32, #tpu.memory_space<vmem>>, vector<16xf32>,
      %get3A_712 = arith.constant 48 : index
      %get3A_713 = tpu.vector_load %arg23[%get3A_712] {strides = array<i32>} : memref<96xf32, #tpu.memory_space<vmem>>, vector<16xf32>,
      %get3A_714 = arith.constant 48 : index
      %get3A_715 = tpu.vector_load %arg27[%get3A_714] {strides = array<i32>} : memref<96xf32, #tpu.memory_space<vmem>>, vector<16xf32>,
      %add3A_716 = arith.addf %get3A_713, %get3A_715 : vector<16xf32>
      %ge3A_717 = arith.constant 0.000000e+00 : f32
      %ge3A_718 = vector.broadcast %ge3A_717 : f32 to vector<16xf32>
      %ge3A_719 = arith.cmpf oge, %add3A_716, %ge3A_718 : vector<16xf32>
      %mul3A_720 = arith.constant 2.000000e-01 : f32
      %mul3A_721 = vector.broadcast %mul3A_720 : f32 to vector<16xf32>
      %mul3A_722 = arith.mulf %mul3A_721, %add3A_716 : vector<16xf32>
      %select_n3A_723 = arith.select %ge3A_719, %add3A_716, %mul3A_722 : vector<16xi1>, vector<16xf32>
      %exp3A_724 = math.exp %select_n3A_723 : vector<16xf32>
      %swap3A_725 = arith.constant 48 : index
      %swap3A_726 = tpu.vector_load %arg31[%swap3A_725] {strides = array<i32>} : memref<96xf32, #tpu.memory_space<vmem>>, vector<16xf32>,
      tpu.vector_store %arg31[%swap3A_725], %exp3A_724 {strides = array<i32>} : memref<96xf32, #tpu.memory_space<vmem>>, vector<16xf32>,
      %get3A_727 = arith.constant 64 : index
      %get3A_728 = tpu.vector_load %arg21[%get3A_727] {strides = array<i32>} : memref<96xf32, #tpu.memory_space<vmem>>, vector<16xf32>,
      %get3A_729 = arith.constant 64 : index
      %get3A_730 = tpu.vector_load %arg25[%get3A_729] {strides = array<i32>} : memref<96xf32, #tpu.memory_space<vmem>>, vector<16xf32>,
      %add3A_731 = arith.addf %get3A_728, %get3A_730 : vector<16xf32>
      %ge3A_732 = arith.constant 0.000000e+00 : f32
      %ge3A_733 = vector.broadcast %ge3A_732 : f32 to vector<16xf32>
      %ge3A_734 = arith.cmpf oge, %add3A_731, %ge3A_733 : vector<16xf32>
      %mul3A_735 = arith.constant 2.000000e-01 : f32
      %mul3A_736 = vector.broadcast %mul3A_735 : f32 to vector<16xf32>
      %mul3A_737 = arith.mulf %mul3A_736, %add3A_731 : vector<16xf32>
      %select_n3A_738 = arith.select %ge3A_734, %add3A_731, %mul3A_737 : vector<16xi1>, vector<16xf32>
      %exp3A_739 = math.exp %select_n3A_738 : vector<16xf32>
      %swap3A_740 = arith.constant 64 : index
      %swap3A_741 = tpu.vector_load %arg29[%swap3A_740] {strides = array<i32>} : memref<96xf32, #tpu.memory_space<vmem>>, vector<16xf32>,
      tpu.vector_store %arg29[%swap3A_740], %exp3A_739 {strides = array<i32>} : memref<96xf32, #tpu.memory_space<vmem>>, vector<16xf32>,
      %get3A_742 = arith.constant 64 : index
      %get3A_743 = tpu.vector_load %arg23[%get3A_742] {strides = array<i32>} : memref<96xf32, #tpu.memory_space<vmem>>, vector<16xf32>,
      %get3A_744 = arith.constant 64 : index
      %get3A_745 = tpu.vector_load %arg27[%get3A_744] {strides = array<i32>} : memref<96xf32, #tpu.memory_space<vmem>>, vector<16xf32>,
      %add3A_746 = arith.addf %get3A_743, %get3A_745 : vector<16xf32>
      %ge3A_747 = arith.constant 0.000000e+00 : f32
      %ge3A_748 = vector.broadcast %ge3A_747 : f32 to vector<16xf32>
      %ge3A_749 = arith.cmpf oge, %add3A_746, %ge3A_748 : vector<16xf32>
      %mul3A_750 = arith.constant 2.000000e-01 : f32
      %mul3A_751 = vector.broadcast %mul3A_750 : f32 to vector<16xf32>
      %mul3A_752 = arith.mulf %mul3A_751, %add3A_746 : vector<16xf32>
      %select_n3A_753 = arith.select %ge3A_749, %add3A_746, %mul3A_752 : vector<16xi1>, vector<16xf32>
      %exp3A_754 = math.exp %select_n3A_753 : vector<16xf32>
      %swap3A_755 = arith.constant 64 : index
      %swap3A_756 = tpu.vector_load %arg31[%swap3A_755] {strides = array<i32>} : memref<96xf32, #tpu.memory_space<vmem>>, vector<16xf32>,
      tpu.vector_store %arg31[%swap3A_755], %exp3A_754 {strides = array<i32>} : memref<96xf32, #tpu.memory_space<vmem>>, vector<16xf32>,
      %get3A_757 = arith.constant 80 : index
      %get3A_758 = tpu.vector_load %arg21[%get3A_757] {strides = array<i32>} : memref<96xf32, #tpu.memory_space<vmem>>, vector<16xf32>,
      %get3A_759 = arith.constant 80 : index
      %get3A_760 = tpu.vector_load %arg25[%get3A_759] {strides = array<i32>} : memref<96xf32, #tpu.memory_space<vmem>>, vector<16xf32>,
      %add3A_761 = arith.addf %get3A_758, %get3A_760 : vector<16xf32>
      %ge3A_762 = arith.constant 0.000000e+00 : f32
      %ge3A_763 = vector.broadcast %ge3A_762 : f32 to vector<16xf32>
      %ge3A_764 = arith.cmpf oge, %add3A_761, %ge3A_763 : vector<16xf32>
      %mul3A_765 = arith.constant 2.000000e-01 : f32
      %mul3A_766 = vector.broadcast %mul3A_765 : f32 to vector<16xf32>
      %mul3A_767 = arith.mulf %mul3A_766, %add3A_761 : vector<16xf32>
      %select_n3A_768 = arith.select %ge3A_764, %add3A_761, %mul3A_767 : vector<16xi1>, vector<16xf32>
      %exp3A_769 = math.exp %select_n3A_768 : vector<16xf32>
      %swap3A_770 = arith.constant 80 : index
      %swap3A_771 = tpu.vector_load %arg29[%swap3A_770] {strides = array<i32>} : memref<96xf32, #tpu.memory_space<vmem>>, vector<16xf32>,
      tpu.vector_store %arg29[%swap3A_770], %exp3A_769 {strides = array<i32>} : memref<96xf32, #tpu.memory_space<vmem>>, vector<16xf32>,
      %get3A_772 = arith.constant 80 : index
      %get3A_773 = tpu.vector_load %arg23[%get3A_772] {strides = array<i32>} : memref<96xf32, #tpu.memory_space<vmem>>, vector<16xf32>,
      %get3A_774 = arith.constant 80 : index
      %get3A_775 = tpu.vector_load %arg27[%get3A_774] {strides = array<i32>} : memref<96xf32, #tpu.memory_space<vmem>>, vector<16xf32>,
      %add3A_776 = arith.addf %get3A_773, %get3A_775 : vector<16xf32>
      %ge3A_777 = arith.constant 0.000000e+00 : f32
      %ge3A_778 = vector.broadcast %ge3A_777 : f32 to vector<16xf32>
      %ge3A_779 = arith.cmpf oge, %add3A_776, %ge3A_778 : vector<16xf32>
      %mul3A_780 = arith.constant 2.000000e-01 : f32
      %mul3A_781 = vector.broadcast %mul3A_780 : f32 to vector<16xf32>
      %mul3A_782 = arith.mulf %mul3A_781, %add3A_776 : vector<16xf32>
      %select_n3A_783 = arith.select %ge3A_779, %add3A_776, %mul3A_782 : vector<16xi1>, vector<16xf32>
      %exp3A_784 = math.exp %select_n3A_783 : vector<16xf32>
      %swap3A_785 = arith.constant 80 : index
      %swap3A_786 = tpu.vector_load %arg31[%swap3A_785] {strides = array<i32>} : memref<96xf32, #tpu.memory_space<vmem>>, vector<16xf32>,
      tpu.vector_store %arg31[%swap3A_785], %exp3A_784 {strides = array<i32>} : memref<96xf32, #tpu.memory_space<vmem>>, vector<16xf32>,
      %parallel_loop3A_787 = arith.constant 0 : i32
      %parallel_loop3A_788 = arith.constant 96 : i32
      %parallel_loop3A_789 = arith.constant 1 : i32
      scf.for %parallel_loop3A_804 = %parallel_loop3A_787 to %parallel_loop3A_788 step %parallel_loop3A_789  : i32 {
        %parallel_loop3A_805 = vector.broadcast %parallel_loop3A_804 : i32 to vector<16xi32>
        %parallel_loop3A_806 = tpu.vector_load_idx %arg29[%parallel_loop3A_805] : memref<96xf32, #tpu.memory_space<vmem>>[vector<16xi32>], vector<16xf32>,
        %parallel_loop3A_807 = tpu.vector_load_idx %arg31[%parallel_loop3A_805] : memref<96xf32, #tpu.memory_space<vmem>>[vector<16xi32>], vector<16xf32>,
        %parallel_loop3A_808 = tpu.pack_subelements %parallel_loop3A_806, %parallel_loop3A_806 {pack_format = #tpu.pack_format<interleaved>, positions = array<i32: 0, 1>} : vector<16xf32>, vector<16xf32> -> vector<32xbf16>
        %parallel_loop3A_809 = tpu.pack_subelements %parallel_loop3A_807, %parallel_loop3A_807 {pack_format = #tpu.pack_format<interleaved>, positions = array<i32: 0, 1>} : vector<16xf32>, vector<16xf32> -> vector<32xbf16>
        %parallel_loop3A_810 = arith.index_cast %parallel_loop3A_804 : i32 to index
        %parallel_loop3A_811 = arith.constant 0 : index
        %parallel_loop3A_812 = tpu.vector_load %arg19[%parallel_loop3A_810, %parallel_loop3A_811] {strides = array<i32>} : memref<96x256xbf16, #tpu.memory_space<vmem>>, vector<32xbf16>,
        %parallel_loop3A_813 = arith.index_cast %parallel_loop3A_804 : i32 to index
        %parallel_loop3A_814 = arith.constant 32 : index
        %parallel_loop3A_815 = tpu.vector_load %arg19[%parallel_loop3A_813, %parallel_loop3A_814] {strides = array<i32>} : memref<96x256xbf16, #tpu.memory_space<vmem>>, vector<32xbf16>,
        %parallel_loop3A_816 = arith.index_cast %parallel_loop3A_804 : i32 to index
        %parallel_loop3A_817 = arith.constant 64 : index
        %parallel_loop3A_818 = tpu.vector_load %arg19[%parallel_loop3A_816, %parallel_loop3A_817] {strides = array<i32>} : memref<96x256xbf16, #tpu.memory_space<vmem>>, vector<32xbf16>,
        %parallel_loop3A_819 = arith.index_cast %parallel_loop3A_804 : i32 to index
        %parallel_loop3A_820 = arith.constant 96 : index
        %parallel_loop3A_821 = tpu.vector_load %arg19[%parallel_loop3A_819, %parallel_loop3A_820] {strides = array<i32>} : memref<96x256xbf16, #tpu.memory_space<vmem>>, vector<32xbf16>,
        %parallel_loop3A_822 = arith.index_cast %parallel_loop3A_804 : i32 to index
        %parallel_loop3A_823 = arith.constant 128 : index
        %parallel_loop3A_824 = tpu.vector_load %arg19[%parallel_loop3A_822, %parallel_loop3A_823] {strides = array<i32>} : memref<96x256xbf16, #tpu.memory_space<vmem>>, vector<32xbf16>,
        %parallel_loop3A_825 = arith.index_cast %parallel_loop3A_804 : i32 to index
        %parallel_loop3A_826 = arith.constant 160 : index
        %parallel_loop3A_827 = tpu.vector_load %arg19[%parallel_loop3A_825, %parallel_loop3A_826] {strides = array<i32>} : memref<96x256xbf16, #tpu.memory_space<vmem>>, vector<32xbf16>,
        %parallel_loop3A_828 = arith.index_cast %parallel_loop3A_804 : i32 to index
        %parallel_loop3A_829 = arith.constant 192 : index
        %parallel_loop3A_830 = tpu.vector_load %arg19[%parallel_loop3A_828, %parallel_loop3A_829] {strides = array<i32>} : memref<96x256xbf16, #tpu.memory_space<vmem>>, vector<32xbf16>,
        %parallel_loop3A_831 = arith.index_cast %parallel_loop3A_804 : i32 to index
        %parallel_loop3A_832 = arith.constant 224 : index
        %parallel_loop3A_833 = tpu.vector_load %arg19[%parallel_loop3A_831, %parallel_loop3A_832] {strides = array<i32>} : memref<96x256xbf16, #tpu.memory_space<vmem>>, vector<32xbf16>,
        %parallel_loop3A_834 = arith.mulf %parallel_loop3A_812, %parallel_loop3A_808 : vector<32xbf16>
        %parallel_loop3A_835 = arith.index_cast %parallel_loop3A_804 : i32 to index
        %parallel_loop3A_836 = arith.constant 0 : index
        %parallel_loop3A_837 = tpu.vector_load %arg19[%parallel_loop3A_835, %parallel_loop3A_836] {strides = array<i32>} : memref<96x256xbf16, #tpu.memory_space<vmem>>, vector<32xbf16>,
        tpu.vector_store %arg19[%parallel_loop3A_835, %parallel_loop3A_836], %parallel_loop3A_834 {strides = array<i32>} : memref<96x256xbf16, #tpu.memory_space<vmem>>, vector<32xbf16>,
        %parallel_loop3A_838 = arith.mulf %parallel_loop3A_815, %parallel_loop3A_808 : vector<32xbf16>
        %parallel_loop3A_839 = arith.index_cast %parallel_loop3A_804 : i32 to index
        %parallel_loop3A_840 = arith.constant 32 : index
        %parallel_loop3A_841 = tpu.vector_load %arg19[%parallel_loop3A_839, %parallel_loop3A_840] {strides = array<i32>} : memref<96x256xbf16, #tpu.memory_space<vmem>>, vector<32xbf16>,
        tpu.vector_store %arg19[%parallel_loop3A_839, %parallel_loop3A_840], %parallel_loop3A_838 {strides = array<i32>} : memref<96x256xbf16, #tpu.memory_space<vmem>>, vector<32xbf16>,
        %parallel_loop3A_842 = arith.mulf %parallel_loop3A_818, %parallel_loop3A_808 : vector<32xbf16>
        %parallel_loop3A_843 = arith.index_cast %parallel_loop3A_804 : i32 to index
        %parallel_loop3A_844 = arith.constant 64 : index
        %parallel_loop3A_845 = tpu.vector_load %arg19[%parallel_loop3A_843, %parallel_loop3A_844] {strides = array<i32>} : memref<96x256xbf16, #tpu.memory_space<vmem>>, vector<32xbf16>,
        tpu.vector_store %arg19[%parallel_loop3A_843, %parallel_loop3A_844], %parallel_loop3A_842 {strides = array<i32>} : memref<96x256xbf16, #tpu.memory_space<vmem>>, vector<32xbf16>,
        %parallel_loop3A_846 = arith.mulf %parallel_loop3A_821, %parallel_loop3A_808 : vector<32xbf16>
        %parallel_loop3A_847 = arith.index_cast %parallel_loop3A_804 : i32 to index
        %parallel_loop3A_848 = arith.constant 96 : index
        %parallel_loop3A_849 = tpu.vector_load %arg19[%parallel_loop3A_847, %parallel_loop3A_848] {strides = array<i32>} : memref<96x256xbf16, #tpu.memory_space<vmem>>, vector<32xbf16>,
        tpu.vector_store %arg19[%parallel_loop3A_847, %parallel_loop3A_848], %parallel_loop3A_846 {strides = array<i32>} : memref<96x256xbf16, #tpu.memory_space<vmem>>, vector<32xbf16>,
        %parallel_loop3A_850 = arith.mulf %parallel_loop3A_824, %parallel_loop3A_809 : vector<32xbf16>
        %parallel_loop3A_851 = arith.index_cast %parallel_loop3A_804 : i32 to index
        %parallel_loop3A_852 = arith.constant 128 : index
        %parallel_loop3A_853 = tpu.vector_load %arg19[%parallel_loop3A_851, %parallel_loop3A_852] {strides = array<i32>} : memref<96x256xbf16, #tpu.memory_space<vmem>>, vector<32xbf16>,
        tpu.vector_store %arg19[%parallel_loop3A_851, %parallel_loop3A_852], %parallel_loop3A_850 {strides = array<i32>} : memref<96x256xbf16, #tpu.memory_space<vmem>>, vector<32xbf16>,
        %parallel_loop3A_854 = arith.mulf %parallel_loop3A_827, %parallel_loop3A_809 : vector<32xbf16>
        %parallel_loop3A_855 = arith.index_cast %parallel_loop3A_804 : i32 to index
        %parallel_loop3A_856 = arith.constant 160 : index
        %parallel_loop3A_857 = tpu.vector_load %arg19[%parallel_loop3A_855, %parallel_loop3A_856] {strides = array<i32>} : memref<96x256xbf16, #tpu.memory_space<vmem>>, vector<32xbf16>,
        tpu.vector_store %arg19[%parallel_loop3A_855, %parallel_loop3A_856], %parallel_loop3A_854 {strides = array<i32>} : memref<96x256xbf16, #tpu.memory_space<vmem>>, vector<32xbf16>,
        %parallel_loop3A_858 = arith.mulf %parallel_loop3A_830, %parallel_loop3A_809 : vector<32xbf16>
        %parallel_loop3A_859 = arith.index_cast %parallel_loop3A_804 : i32 to index
        %parallel_loop3A_860 = arith.constant 192 : index
        %parallel_loop3A_861 = tpu.vector_load %arg19[%parallel_loop3A_859, %parallel_loop3A_860] {strides = array<i32>} : memref<96x256xbf16, #tpu.memory_space<vmem>>, vector<32xbf16>,
        tpu.vector_store %arg19[%parallel_loop3A_859, %parallel_loop3A_860], %parallel_loop3A_858 {strides = array<i32>} : memref<96x256xbf16, #tpu.memory_space<vmem>>, vector<32xbf16>,
        %parallel_loop3A_862 = arith.mulf %parallel_loop3A_833, %parallel_loop3A_809 : vector<32xbf16>
        %parallel_loop3A_863 = arith.index_cast %parallel_loop3A_804 : i32 to index
        %parallel_loop3A_864 = arith.constant 224 : index
        %parallel_loop3A_865 = tpu.vector_load %arg19[%parallel_loop3A_863, %parallel_loop3A_864] {strides = array<i32>} : memref<96x256xbf16, #tpu.memory_space<vmem>>, vector<32xbf16>,
        tpu.vector_store %arg19[%parallel_loop3A_863, %parallel_loop3A_864], %parallel_loop3A_862 {strides = array<i32>} : memref<96x256xbf16, #tpu.memory_space<vmem>>, vector<32xbf16>,
      } {sc.loop_unroll_factor = 2 : i64, sc.parallel_access}
      %add3A_790 = arith.constant 1 : i32
      %add3A_791 = arith.addi %mul3A_333, %add3A_790 : i32
      %mul3A_792 = arith.constant 96 : i32
      %mul3A_793 = arith.muli %add3A_791, %mul3A_792 : i32
      %dma_start3A_794 = tpu.memref_slice %arg17[%mul3A_793] : memref<10176xi32, #tpu.memory_space<vmem>> -> memref<96xi32, #tpu.memory_space<vmem>>
      %dma_start3A_795 = arith.constant 0 : i32
      %dma_start3A_796 = arith.constant 0 : i32
      %dma_start3A_797 = tpu.memref_slice %arg9[%dma_start3A_795, %dma_start3A_796] : memref<10008x256xbf16, #tpu.memory_space<vmem_shared>> -> memref<10008x256xbf16, #tpu.memory_space<vmem_shared>>
      tpu.enqueue_indirect_dma source(%arg19 : memref<96x256xbf16, #tpu.memory_space<vmem>>) target(%dma_start3A_797 : memref<10008x256xbf16, #tpu.memory_space<vmem_shared>>) offsets(%dma_start3A_794 : memref<96xi32, #tpu.memory_space<vmem>>) semaphore(%arg39 : memref<!tpu.dma_semaphore, #tpu.memory_space<semaphore_mem>>) {add = true}
      %dma_start3A_798 = tpu.memref_slice %arg17[%mul3A_793] : memref<10176xi32, #tpu.memory_space<vmem>> -> memref<96xi32, #tpu.memory_space<vmem>>
      %dma_start3A_799 = arith.constant 0 : i32
      %dma_start3A_800 = tpu.memref_slice %arg10[%dma_start3A_799] : memref<10240xf32, #tpu.memory_space<vmem_shared>> -> memref<10240xf32, #tpu.memory_space<vmem_shared>>
      tpu.enqueue_indirect_dma source(%arg29 : memref<96xf32, #tpu.memory_space<vmem>>) target(%dma_start3A_800 : memref<10240xf32, #tpu.memory_space<vmem_shared>>) offsets(%dma_start3A_798 : memref<96xi32, #tpu.memory_space<vmem>>) semaphore(%arg41 : memref<!tpu.dma_semaphore, #tpu.memory_space<semaphore_mem>>) {add = true}
      %dma_start3A_801 = tpu.memref_slice %arg17[%mul3A_793] : memref<10176xi32, #tpu.memory_space<vmem>> -> memref<96xi32, #tpu.memory_space<vmem>>
      %dma_start3A_802 = arith.constant 0 : i32
      %dma_start3A_803 = tpu.memref_slice %arg11[%dma_start3A_802] : memref<10240xf32, #tpu.memory_space<vmem_shared>> -> memref<10240xf32, #tpu.memory_space<vmem_shared>>
      tpu.enqueue_indirect_dma source(%arg31 : memref<96xf32, #tpu.memory_space<vmem>>) target(%dma_start3A_803 : memref<10240xf32, #tpu.memory_space<vmem_shared>>) offsets(%dma_start3A_801 : memref<96xi32, #tpu.memory_space<vmem>>) semaphore(%arg41 : memref<!tpu.dma_semaphore, #tpu.memory_space<semaphore_mem>>) {add = true}
    }
    %scan3A_265 = arith.constant 53 : i32
    %dma_wait3A_266 = arith.constant 10080 : i32
    %dma_wait3A_267 = tpu.memref_slice %arg17[%dma_wait3A_266] : memref<10176xi32, #tpu.memory_space<vmem>> -> memref<96xi32, #tpu.memory_space<vmem>>
    %dma_wait3A_268 = arith.constant 0 : i32
    %dma_wait3A_269 = arith.constant 0 : i32
    %dma_wait3A_270 = tpu.memref_slice %arg9[%dma_wait3A_268, %dma_wait3A_269] : memref<10008x256xbf16, #tpu.memory_space<vmem_shared>> -> memref<10008x256xbf16, #tpu.memory_space<vmem_shared>>
    tpu.wait_indirect_dma semaphore(%arg39 : memref<!tpu.dma_semaphore, #tpu.memory_space<semaphore_mem>>) src(%arg19 : memref<96x256xbf16, #tpu.memory_space<vmem>>) dst(%dma_wait3A_270 : memref<10008x256xbf16, #tpu.memory_space<vmem_shared>>)
    %dma_wait3A_271 = arith.constant 10080 : i32
    %dma_wait3A_272 = tpu.memref_slice %arg17[%dma_wait3A_271] : memref<10176xi32, #tpu.memory_space<vmem>> -> memref<96xi32, #tpu.memory_space<vmem>>
    %dma_wait3A_273 = arith.constant 0 : i32
    %dma_wait3A_274 = tpu.memref_slice %arg10[%dma_wait3A_273] : memref<10240xf32, #tpu.memory_space<vmem_shared>> -> memref<10240xf32, #tpu.memory_space<vmem_shared>>
    tpu.wait_indirect_dma semaphore(%arg41 : memref<!tpu.dma_semaphore, #tpu.memory_space<semaphore_mem>>) src(%arg29 : memref<96xf32, #tpu.memory_space<vmem>>) dst(%dma_wait3A_274 : memref<10240xf32, #tpu.memory_space<vmem_shared>>)
    %dma_wait3A_275 = arith.constant 10080 : i32
    %dma_wait3A_276 = tpu.memref_slice %arg17[%dma_wait3A_275] : memref<10176xi32, #tpu.memory_space<vmem>> -> memref<96xi32, #tpu.memory_space<vmem>>
    %dma_wait3A_277 = arith.constant 0 : i32
    %dma_wait3A_278 = tpu.memref_slice %arg11[%dma_wait3A_277] : memref<10240xf32, #tpu.memory_space<vmem_shared>> -> memref<10240xf32, #tpu.memory_space<vmem_shared>>
    tpu.wait_indirect_dma semaphore(%arg41 : memref<!tpu.dma_semaphore, #tpu.memory_space<semaphore_mem>>) src(%arg31 : memref<96xf32, #tpu.memory_space<vmem>>) dst(%dma_wait3A_278 : memref<10240xf32, #tpu.memory_space<vmem_shared>>)
    %barrier3A_279 = arith.constant 0 : index
    tpu.barrier barrier_id(%barrier3A_279)
    %mul3A_280 = arith.constant 625 : i32
    %mul3A_281 = arith.muli %arg1, %mul3A_280 : i32
    %add3A_282 = arith.constant 0 : i32
    %add3A_283 = arith.addi %mul3A_281, %add3A_282 : i32
    %mul3A_284 = arith.constant 10000 : i32
    %mul3A_285 = arith.muli %add3A_168, %mul3A_284 : i32
    %add3A_286 = arith.addi %mul3A_285, %add3A_283 : i32
    "tpu.region"() ({
      %run_scoped3A = tpu.sem_alloc : memref<!tpu.dma_semaphore, #tpu.memory_space<semaphore_mem>>
      %dma_start3A_331 = arith.constant 0 : i32
      %dma_start3A_332 = tpu.memref_slice %arg7[%add3A_286, %dma_start3A_331] : memref<40000x256xbf16, #tpu.memory_space<hbm>> -> memref<125x256xbf16, #tpu.memory_space<hbm>>
      %dma_start3A_333 = arith.constant 0 : i32
      %dma_start3A_334 = tpu.memref_slice %arg9[%add3A_283, %dma_start3A_333] : memref<10008x256xbf16, #tpu.memory_space<vmem_shared>> -> memref<125x256xbf16, #tpu.memory_space<vmem_shared>>
      tpu.enqueue_dma source(%dma_start3A_334 : memref<125x256xbf16, #tpu.memory_space<vmem_shared>>) target(%dma_start3A_332 : memref<125x256xbf16, #tpu.memory_space<hbm>>) target_semaphore(%run_scoped3A : memref<!tpu.dma_semaphore, #tpu.memory_space<semaphore_mem>>)
      %dma_wait3A_335 = arith.constant 0 : i32
      %dma_wait3A_336 = tpu.memref_slice %arg7[%add3A_286, %dma_wait3A_335] : memref<40000x256xbf16, #tpu.memory_space<hbm>> -> memref<125x256xbf16, #tpu.memory_space<hbm>>
      %dma_wait3A_337 = arith.constant 0 : i32
      %dma_wait3A_338 = tpu.memref_slice %arg9[%add3A_283, %dma_wait3A_337] : memref<10008x256xbf16, #tpu.memory_space<vmem_shared>> -> memref<125x256xbf16, #tpu.memory_space<vmem_shared>>
      tpu.wait_dma2 semaphore(%run_scoped3A : memref<!tpu.dma_semaphore, #tpu.memory_space<semaphore_mem>>) src(%dma_wait3A_338 : memref<125x256xbf16, #tpu.memory_space<vmem_shared>>) dst(%dma_wait3A_336 : memref<125x256xbf16, #tpu.memory_space<hbm>>)
      tpu.yield
    }) : () -> ()
    %mul3A_287 = arith.constant 625 : i32
    %mul3A_288 = arith.muli %arg1, %mul3A_287 : i32
    %add3A_289 = arith.constant 125 : i32
    %add3A_290 = arith.addi %mul3A_288, %add3A_289 : i32
    %mul3A_291 = arith.constant 10000 : i32
    %mul3A_292 = arith.muli %add3A_168, %mul3A_291 : i32
    %add3A_293 = arith.addi %mul3A_292, %add3A_290 : i32
    "tpu.region"() ({
      %run_scoped3A = tpu.sem_alloc : memref<!tpu.dma_semaphore, #tpu.memory_space<semaphore_mem>>
      %dma_start3A_331 = arith.constant 0 : i32
      %dma_start3A_332 = tpu.memref_slice %arg7[%add3A_293, %dma_start3A_331] : memref<40000x256xbf16, #tpu.memory_space<hbm>> -> memref<125x256xbf16, #tpu.memory_space<hbm>>
      %dma_start3A_333 = arith.constant 0 : i32
      %dma_start3A_334 = tpu.memref_slice %arg9[%add3A_290, %dma_start3A_333] : memref<10008x256xbf16, #tpu.memory_space<vmem_shared>> -> memref<125x256xbf16, #tpu.memory_space<vmem_shared>>
      tpu.enqueue_dma source(%dma_start3A_334 : memref<125x256xbf16, #tpu.memory_space<vmem_shared>>) target(%dma_start3A_332 : memref<125x256xbf16, #tpu.memory_space<hbm>>) target_semaphore(%run_scoped3A : memref<!tpu.dma_semaphore, #tpu.memory_space<semaphore_mem>>)
      %dma_wait3A_335 = arith.constant 0 : i32
      %dma_wait3A_336 = tpu.memref_slice %arg7[%add3A_293, %dma_wait3A_335] : memref<40000x256xbf16, #tpu.memory_space<hbm>> -> memref<125x256xbf16, #tpu.memory_space<hbm>>
      %dma_wait3A_337 = arith.constant 0 : i32
      %dma_wait3A_338 = tpu.memref_slice %arg9[%add3A_290, %dma_wait3A_337] : memref<10008x256xbf16, #tpu.memory_space<vmem_shared>> -> memref<125x256xbf16, #tpu.memory_space<vmem_shared>>
      tpu.wait_dma2 semaphore(%run_scoped3A : memref<!tpu.dma_semaphore, #tpu.memory_space<semaphore_mem>>) src(%dma_wait3A_338 : memref<125x256xbf16, #tpu.memory_space<vmem_shared>>) dst(%dma_wait3A_336 : memref<125x256xbf16, #tpu.memory_space<hbm>>)
      tpu.yield
    }) : () -> ()
    %mul3A_294 = arith.constant 625 : i32
    %mul3A_295 = arith.muli %arg1, %mul3A_294 : i32
    %add3A_296 = arith.constant 250 : i32
    %add3A_297 = arith.addi %mul3A_295, %add3A_296 : i32
    %mul3A_298 = arith.constant 10000 : i32
    %mul3A_299 = arith.muli %add3A_168, %mul3A_298 : i32
    %add3A_300 = arith.addi %mul3A_299, %add3A_297 : i32
    "tpu.region"() ({
      %run_scoped3A = tpu.sem_alloc : memref<!tpu.dma_semaphore, #tpu.memory_space<semaphore_mem>>
      %dma_start3A_331 = arith.constant 0 : i32
      %dma_start3A_332 = tpu.memref_slice %arg7[%add3A_300, %dma_start3A_331] : memref<40000x256xbf16, #tpu.memory_space<hbm>> -> memref<125x256xbf16, #tpu.memory_space<hbm>>
      %dma_start3A_333 = arith.constant 0 : i32
      %dma_start3A_334 = tpu.memref_slice %arg9[%add3A_297, %dma_start3A_333] : memref<10008x256xbf16, #tpu.memory_space<vmem_shared>> -> memref<125x256xbf16, #tpu.memory_space<vmem_shared>>
      tpu.enqueue_dma source(%dma_start3A_334 : memref<125x256xbf16, #tpu.memory_space<vmem_shared>>) target(%dma_start3A_332 : memref<125x256xbf16, #tpu.memory_space<hbm>>) target_semaphore(%run_scoped3A : memref<!tpu.dma_semaphore, #tpu.memory_space<semaphore_mem>>)
      %dma_wait3A_335 = arith.constant 0 : i32
      %dma_wait3A_336 = tpu.memref_slice %arg7[%add3A_300, %dma_wait3A_335] : memref<40000x256xbf16, #tpu.memory_space<hbm>> -> memref<125x256xbf16, #tpu.memory_space<hbm>>
      %dma_wait3A_337 = arith.constant 0 : i32
      %dma_wait3A_338 = tpu.memref_slice %arg9[%add3A_297, %dma_wait3A_337] : memref<10008x256xbf16, #tpu.memory_space<vmem_shared>> -> memref<125x256xbf16, #tpu.memory_space<vmem_shared>>
      tpu.wait_dma2 semaphore(%run_scoped3A : memref<!tpu.dma_semaphore, #tpu.memory_space<semaphore_mem>>) src(%dma_wait3A_338 : memref<125x256xbf16, #tpu.memory_space<vmem_shared>>) dst(%dma_wait3A_336 : memref<125x256xbf16, #tpu.memory_space<hbm>>)
      tpu.yield
    }) : () -> ()
    %mul3A_301 = arith.constant 625 : i32
    %mul3A_302 = arith.muli %arg1, %mul3A_301 : i32
    %add3A_303 = arith.constant 375 : i32
    %add3A_304 = arith.addi %mul3A_302, %add3A_303 : i32
    %mul3A_305 = arith.constant 10000 : i32
    %mul3A_306 = arith.muli %add3A_168, %mul3A_305 : i32
    %add3A_307 = arith.addi %mul3A_306, %add3A_304 : i32
    "tpu.region"() ({
      %run_scoped3A = tpu.sem_alloc : memref<!tpu.dma_semaphore, #tpu.memory_space<semaphore_mem>>
      %dma_start3A_331 = arith.constant 0 : i32
      %dma_start3A_332 = tpu.memref_slice %arg7[%add3A_307, %dma_start3A_331] : memref<40000x256xbf16, #tpu.memory_space<hbm>> -> memref<125x256xbf16, #tpu.memory_space<hbm>>
      %dma_start3A_333 = arith.constant 0 : i32
      %dma_start3A_334 = tpu.memref_slice %arg9[%add3A_304, %dma_start3A_333] : memref<10008x256xbf16, #tpu.memory_space<vmem_shared>> -> memref<125x256xbf16, #tpu.memory_space<vmem_shared>>
      tpu.enqueue_dma source(%dma_start3A_334 : memref<125x256xbf16, #tpu.memory_space<vmem_shared>>) target(%dma_start3A_332 : memref<125x256xbf16, #tpu.memory_space<hbm>>) target_semaphore(%run_scoped3A : memref<!tpu.dma_semaphore, #tpu.memory_space<semaphore_mem>>)
      %dma_wait3A_335 = arith.constant 0 : i32
      %dma_wait3A_336 = tpu.memref_slice %arg7[%add3A_307, %dma_wait3A_335] : memref<40000x256xbf16, #tpu.memory_space<hbm>> -> memref<125x256xbf16, #tpu.memory_space<hbm>>
      %dma_wait3A_337 = arith.constant 0 : i32
      %dma_wait3A_338 = tpu.memref_slice %arg9[%add3A_304, %dma_wait3A_337] : memref<10008x256xbf16, #tpu.memory_space<vmem_shared>> -> memref<125x256xbf16, #tpu.memory_space<vmem_shared>>
      tpu.wait_dma2 semaphore(%run_scoped3A : memref<!tpu.dma_semaphore, #tpu.memory_space<semaphore_mem>>) src(%dma_wait3A_338 : memref<125x256xbf16, #tpu.memory_space<vmem_shared>>) dst(%dma_wait3A_336 : memref<125x256xbf16, #tpu.memory_space<hbm>>)
      tpu.yield
    }) : () -> ()
    %mul3A_308 = arith.constant 625 : i32
    %mul3A_309 = arith.muli %arg1, %mul3A_308 : i32
    %add3A_310 = arith.constant 500 : i32
    %add3A_311 = arith.addi %mul3A_309, %add3A_310 : i32
    %mul3A_312 = arith.constant 10000 : i32
    %mul3A_313 = arith.muli %add3A_168, %mul3A_312 : i32
    %add3A_314 = arith.addi %mul3A_313, %add3A_311 : i32
    "tpu.region"() ({
      %run_scoped3A = tpu.sem_alloc : memref<!tpu.dma_semaphore, #tpu.memory_space<semaphore_mem>>
      %dma_start3A_331 = arith.constant 0 : i32
      %dma_start3A_332 = tpu.memref_slice %arg7[%add3A_314, %dma_start3A_331] : memref<40000x256xbf16, #tpu.memory_space<hbm>> -> memref<125x256xbf16, #tpu.memory_space<hbm>>
      %dma_start3A_333 = arith.constant 0 : i32
      %dma_start3A_334 = tpu.memref_slice %arg9[%add3A_311, %dma_start3A_333] : memref<10008x256xbf16, #tpu.memory_space<vmem_shared>> -> memref<125x256xbf16, #tpu.memory_space<vmem_shared>>
      tpu.enqueue_dma source(%dma_start3A_334 : memref<125x256xbf16, #tpu.memory_space<vmem_shared>>) target(%dma_start3A_332 : memref<125x256xbf16, #tpu.memory_space<hbm>>) target_semaphore(%run_scoped3A : memref<!tpu.dma_semaphore, #tpu.memory_space<semaphore_mem>>)
      %dma_wait3A_335 = arith.constant 0 : i32
      %dma_wait3A_336 = tpu.memref_slice %arg7[%add3A_314, %dma_wait3A_335] : memref<40000x256xbf16, #tpu.memory_space<hbm>> -> memref<125x256xbf16, #tpu.memory_space<hbm>>
      %dma_wait3A_337 = arith.constant 0 : i32
      %dma_wait3A_338 = tpu.memref_slice %arg9[%add3A_311, %dma_wait3A_337] : memref<10008x256xbf16, #tpu.memory_space<vmem_shared>> -> memref<125x256xbf16, #tpu.memory_space<vmem_shared>>
      tpu.wait_dma2 semaphore(%run_scoped3A : memref<!tpu.dma_semaphore, #tpu.memory_space<semaphore_mem>>) src(%dma_wait3A_338 : memref<125x256xbf16, #tpu.memory_space<vmem_shared>>) dst(%dma_wait3A_336 : memref<125x256xbf16, #tpu.memory_space<hbm>>)
      tpu.yield
    }) : () -> ()
    %mul3A_315 = arith.constant 2 : i32
    %mul3A_316 = arith.muli %add3A_168, %mul3A_315 : i32
    %mul3A_317 = arith.constant 10240 : i32
    %mul3A_318 = arith.muli %mul3A_316, %mul3A_317 : i32
    %mul3A_319 = arith.constant 640 : i32
    %mul3A_320 = arith.muli %arg1, %mul3A_319 : i32
    %add3A_321 = arith.addi %mul3A_318, %mul3A_320 : i32
    "tpu.region"() ({
      %run_scoped3A = tpu.sem_alloc : memref<!tpu.dma_semaphore, #tpu.memory_space<semaphore_mem>>
      %dma_start3A_331 = tpu.memref_slice %arg8[%add3A_321] : memref<81920xf32, #tpu.memory_space<hbm>> -> memref<640xf32, #tpu.memory_space<hbm>>
      %dma_start3A_332 = tpu.memref_slice %arg10[%mul3A_188] : memref<10240xf32, #tpu.memory_space<vmem_shared>> -> memref<640xf32, #tpu.memory_space<vmem_shared>>
      tpu.enqueue_dma source(%dma_start3A_332 : memref<640xf32, #tpu.memory_space<vmem_shared>>) target(%dma_start3A_331 : memref<640xf32, #tpu.memory_space<hbm>>) target_semaphore(%run_scoped3A : memref<!tpu.dma_semaphore, #tpu.memory_space<semaphore_mem>>)
      %dma_wait3A_333 = tpu.memref_slice %arg8[%add3A_321] : memref<81920xf32, #tpu.memory_space<hbm>> -> memref<640xf32, #tpu.memory_space<hbm>>
      %dma_wait3A_334 = tpu.memref_slice %arg10[%mul3A_188] : memref<10240xf32, #tpu.memory_space<vmem_shared>> -> memref<640xf32, #tpu.memory_space<vmem_shared>>
      tpu.wait_dma2 semaphore(%run_scoped3A : memref<!tpu.dma_semaphore, #tpu.memory_space<semaphore_mem>>) src(%dma_wait3A_334 : memref<640xf32, #tpu.memory_space<vmem_shared>>) dst(%dma_wait3A_333 : memref<640xf32, #tpu.memory_space<hbm>>)
      tpu.yield
    }) : () -> ()
    %mul3A_322 = arith.constant 2 : i32
    %mul3A_323 = arith.muli %add3A_168, %mul3A_322 : i32
    %add3A_324 = arith.constant 1 : i32
    %add3A_325 = arith.addi %mul3A_323, %add3A_324 : i32
    %mul3A_326 = arith.constant 10240 : i32
    %mul3A_327 = arith.muli %add3A_325, %mul3A_326 : i32
    %mul3A_328 = arith.constant 640 : i32
    %mul3A_329 = arith.muli %arg1, %mul3A_328 : i32
    %add3A_330 = arith.addi %mul3A_327, %mul3A_329 : i32
    "tpu.region"() ({
      %run_scoped3A = tpu.sem_alloc : memref<!tpu.dma_semaphore, #tpu.memory_space<semaphore_mem>>
      %dma_start3A_331 = tpu.memref_slice %arg8[%add3A_330] : memref<81920xf32, #tpu.memory_space<hbm>> -> memref<640xf32, #tpu.memory_space<hbm>>
      %dma_start3A_332 = tpu.memref_slice %arg11[%mul3A_188] : memref<10240xf32, #tpu.memory_space<vmem_shared>> -> memref<640xf32, #tpu.memory_space<vmem_shared>>
      tpu.enqueue_dma source(%dma_start3A_332 : memref<640xf32, #tpu.memory_space<vmem_shared>>) target(%dma_start3A_331 : memref<640xf32, #tpu.memory_space<hbm>>) target_semaphore(%run_scoped3A : memref<!tpu.dma_semaphore, #tpu.memory_space<semaphore_mem>>)
      %dma_wait3A_333 = tpu.memref_slice %arg8[%add3A_330] : memref<81920xf32, #tpu.memory_space<hbm>> -> memref<640xf32, #tpu.memory_space<hbm>>
      %dma_wait3A_334 = tpu.memref_slice %arg11[%mul3A_188] : memref<10240xf32, #tpu.memory_space<vmem_shared>> -> memref<640xf32, #tpu.memory_space<vmem_shared>>
      tpu.wait_dma2 semaphore(%run_scoped3A : memref<!tpu.dma_semaphore, #tpu.memory_space<semaphore_mem>>) src(%dma_wait3A_334 : memref<640xf32, #tpu.memory_space<vmem_shared>>) dst(%dma_wait3A_333 : memref<640xf32, #tpu.memory_space<hbm>>)
      tpu.yield
    }) : () -> ()
    return
  }
}

module attributes {stable_mosaic.version = 14 : i64} {
  func.func @_logits_body(%arg0: memref<10000x128xf32, #tpu.memory_space<vmem>>, %arg1: memref<10000x128xf32, #tpu.memory_space<vmem>>, %arg2: memref<8x128x128xf32, #tpu.memory_space<vmem>>, %arg3: memref<8x128xf32, #tpu.memory_space<vmem>>, %arg4: memref<8x128xf32, #tpu.memory_space<vmem>>, %arg5: memref<16x10000xf32, #tpu.memory_space<vmem>>) attributes {dimension_semantics = [], scalar_prefetch = 0 : i64, scratch_operands = 0 : i64, tpu.core_type = #tpu.core_type<tc>} {
    %broadcast_in_dim3A = arith.constant 0.000000e+00 : f32
    %broadcast_in_dim3A_0 = vector.broadcast %broadcast_in_dim3A : f32 to vector<1x128xf32>
    %get3A = arith.constant 0 : index
    %get3A_1 = arith.constant 0 : index
    %get3A_2 = vector.load %arg3[%get3A, %get3A_1] : memref<8x128xf32, #tpu.memory_space<vmem>>, vector<1x128xf32>
    %get3A_3 = arith.constant 0 : index
    %get3A_4 = arith.constant 0 : index
    %get3A_5 = arith.constant 0 : index
    %get3A_6 = vector.load %arg2[%get3A_3, %get3A_4, %get3A_5] : memref<8x128x128xf32, #tpu.memory_space<vmem>>, vector<1x128x128xf32>
    %get3A_7 = vector.shape_cast %get3A_6 : vector<1x128x128xf32> to vector<128x128xf32>
    %dot_general3A = arith.constant dense<0.000000e+00> : vector<1x128xf32>
    %dot_general3A_8 = tpu.matmul %get3A_2, %get3A_7, %dot_general3A {dimension_numbers = #tpu.dot_dimension_numbers<[1], [1], [0], [0], [0, 0, 1, 0], [], []>, transpose_lhs_hint = false} : vector<1x128xf32>, vector<128x128xf32>, vector<1x128xf32> -> vector<1x128xf32>
    %get3A_9 = arith.constant 0 : index
    %get3A_10 = arith.constant 0 : index
    %get3A_11 = vector.load %arg4[%get3A_9, %get3A_10] : memref<8x128xf32, #tpu.memory_space<vmem>>, vector<1x128xf32>
    %get3A_12 = arith.constant 0 : index
    %get3A_13 = arith.constant 0 : index
    %get3A_14 = arith.constant 0 : index
    %get3A_15 = vector.load %arg2[%get3A_12, %get3A_13, %get3A_14] : memref<8x128x128xf32, #tpu.memory_space<vmem>>, vector<1x128x128xf32>
    %get3A_16 = vector.shape_cast %get3A_15 : vector<1x128x128xf32> to vector<128x128xf32>
    %dot_general3A_17 = arith.constant dense<0.000000e+00> : vector<1x128xf32>
    %dot_general3A_18 = tpu.matmul %get3A_11, %get3A_16, %dot_general3A_17 {dimension_numbers = #tpu.dot_dimension_numbers<[1], [1], [0], [0], [0, 0, 1, 0], [], []>, transpose_lhs_hint = false} : vector<1x128xf32>, vector<128x128xf32>, vector<1x128xf32> -> vector<1x128xf32>
    %get3A_19 = arith.constant 1 : index
    %get3A_20 = arith.constant 0 : index
    %get3A_21 = vector.load %arg3[%get3A_19, %get3A_20] : memref<8x128xf32, #tpu.memory_space<vmem>>, vector<1x128xf32>
    %get3A_22 = arith.constant 1 : index
    %get3A_23 = arith.constant 0 : index
    %get3A_24 = arith.constant 0 : index
    %get3A_25 = vector.load %arg2[%get3A_22, %get3A_23, %get3A_24] : memref<8x128x128xf32, #tpu.memory_space<vmem>>, vector<1x128x128xf32>
    %get3A_26 = vector.shape_cast %get3A_25 : vector<1x128x128xf32> to vector<128x128xf32>
    %dot_general3A_27 = arith.constant dense<0.000000e+00> : vector<1x128xf32>
    %dot_general3A_28 = tpu.matmul %get3A_21, %get3A_26, %dot_general3A_27 {dimension_numbers = #tpu.dot_dimension_numbers<[1], [1], [0], [0], [0, 0, 1, 0], [], []>, transpose_lhs_hint = false} : vector<1x128xf32>, vector<128x128xf32>, vector<1x128xf32> -> vector<1x128xf32>
    %get3A_29 = arith.constant 1 : index
    %get3A_30 = arith.constant 0 : index
    %get3A_31 = vector.load %arg4[%get3A_29, %get3A_30] : memref<8x128xf32, #tpu.memory_space<vmem>>, vector<1x128xf32>
    %get3A_32 = arith.constant 1 : index
    %get3A_33 = arith.constant 0 : index
    %get3A_34 = arith.constant 0 : index
    %get3A_35 = vector.load %arg2[%get3A_32, %get3A_33, %get3A_34] : memref<8x128x128xf32, #tpu.memory_space<vmem>>, vector<1x128x128xf32>
    %get3A_36 = vector.shape_cast %get3A_35 : vector<1x128x128xf32> to vector<128x128xf32>
    %dot_general3A_37 = arith.constant dense<0.000000e+00> : vector<1x128xf32>
    %dot_general3A_38 = tpu.matmul %get3A_31, %get3A_36, %dot_general3A_37 {dimension_numbers = #tpu.dot_dimension_numbers<[1], [1], [0], [0], [0, 0, 1, 0], [], []>, transpose_lhs_hint = false} : vector<1x128xf32>, vector<128x128xf32>, vector<1x128xf32> -> vector<1x128xf32>
    %get3A_39 = arith.constant 2 : index
    %get3A_40 = arith.constant 0 : index
    %get3A_41 = vector.load %arg3[%get3A_39, %get3A_40] : memref<8x128xf32, #tpu.memory_space<vmem>>, vector<1x128xf32>
    %get3A_42 = arith.constant 2 : index
    %get3A_43 = arith.constant 0 : index
    %get3A_44 = arith.constant 0 : index
    %get3A_45 = vector.load %arg2[%get3A_42, %get3A_43, %get3A_44] : memref<8x128x128xf32, #tpu.memory_space<vmem>>, vector<1x128x128xf32>
    %get3A_46 = vector.shape_cast %get3A_45 : vector<1x128x128xf32> to vector<128x128xf32>
    %dot_general3A_47 = arith.constant dense<0.000000e+00> : vector<1x128xf32>
    %dot_general3A_48 = tpu.matmul %get3A_41, %get3A_46, %dot_general3A_47 {dimension_numbers = #tpu.dot_dimension_numbers<[1], [1], [0], [0], [0, 0, 1, 0], [], []>, transpose_lhs_hint = false} : vector<1x128xf32>, vector<128x128xf32>, vector<1x128xf32> -> vector<1x128xf32>
    %get3A_49 = arith.constant 2 : index
    %get3A_50 = arith.constant 0 : index
    %get3A_51 = vector.load %arg4[%get3A_49, %get3A_50] : memref<8x128xf32, #tpu.memory_space<vmem>>, vector<1x128xf32>
    %get3A_52 = arith.constant 2 : index
    %get3A_53 = arith.constant 0 : index
    %get3A_54 = arith.constant 0 : index
    %get3A_55 = vector.load %arg2[%get3A_52, %get3A_53, %get3A_54] : memref<8x128x128xf32, #tpu.memory_space<vmem>>, vector<1x128x128xf32>
    %get3A_56 = vector.shape_cast %get3A_55 : vector<1x128x128xf32> to vector<128x128xf32>
    %dot_general3A_57 = arith.constant dense<0.000000e+00> : vector<1x128xf32>
    %dot_general3A_58 = tpu.matmul %get3A_51, %get3A_56, %dot_general3A_57 {dimension_numbers = #tpu.dot_dimension_numbers<[1], [1], [0], [0], [0, 0, 1, 0], [], []>, transpose_lhs_hint = false} : vector<1x128xf32>, vector<128x128xf32>, vector<1x128xf32> -> vector<1x128xf32>
    %get3A_59 = arith.constant 3 : index
    %get3A_60 = arith.constant 0 : index
    %get3A_61 = vector.load %arg3[%get3A_59, %get3A_60] : memref<8x128xf32, #tpu.memory_space<vmem>>, vector<1x128xf32>
    %get3A_62 = arith.constant 3 : index
    %get3A_63 = arith.constant 0 : index
    %get3A_64 = arith.constant 0 : index
    %get3A_65 = vector.load %arg2[%get3A_62, %get3A_63, %get3A_64] : memref<8x128x128xf32, #tpu.memory_space<vmem>>, vector<1x128x128xf32>
    %get3A_66 = vector.shape_cast %get3A_65 : vector<1x128x128xf32> to vector<128x128xf32>
    %dot_general3A_67 = arith.constant dense<0.000000e+00> : vector<1x128xf32>
    %dot_general3A_68 = tpu.matmul %get3A_61, %get3A_66, %dot_general3A_67 {dimension_numbers = #tpu.dot_dimension_numbers<[1], [1], [0], [0], [0, 0, 1, 0], [], []>, transpose_lhs_hint = false} : vector<1x128xf32>, vector<128x128xf32>, vector<1x128xf32> -> vector<1x128xf32>
    %get3A_69 = arith.constant 3 : index
    %get3A_70 = arith.constant 0 : index
    %get3A_71 = vector.load %arg4[%get3A_69, %get3A_70] : memref<8x128xf32, #tpu.memory_space<vmem>>, vector<1x128xf32>
    %get3A_72 = arith.constant 3 : index
    %get3A_73 = arith.constant 0 : index
    %get3A_74 = arith.constant 0 : index
    %get3A_75 = vector.load %arg2[%get3A_72, %get3A_73, %get3A_74] : memref<8x128x128xf32, #tpu.memory_space<vmem>>, vector<1x128x128xf32>
    %get3A_76 = vector.shape_cast %get3A_75 : vector<1x128x128xf32> to vector<128x128xf32>
    %dot_general3A_77 = arith.constant dense<0.000000e+00> : vector<1x128xf32>
    %dot_general3A_78 = tpu.matmul %get3A_71, %get3A_76, %dot_general3A_77 {dimension_numbers = #tpu.dot_dimension_numbers<[1], [1], [0], [0], [0, 0, 1, 0], [], []>, transpose_lhs_hint = false} : vector<1x128xf32>, vector<128x128xf32>, vector<1x128xf32> -> vector<1x128xf32>
    %get3A_79 = arith.constant 4 : index
    %get3A_80 = arith.constant 0 : index
    %get3A_81 = vector.load %arg3[%get3A_79, %get3A_80] : memref<8x128xf32, #tpu.memory_space<vmem>>, vector<1x128xf32>
    %get3A_82 = arith.constant 4 : index
    %get3A_83 = arith.constant 0 : index
    %get3A_84 = arith.constant 0 : index
    %get3A_85 = vector.load %arg2[%get3A_82, %get3A_83, %get3A_84] : memref<8x128x128xf32, #tpu.memory_space<vmem>>, vector<1x128x128xf32>
    %get3A_86 = vector.shape_cast %get3A_85 : vector<1x128x128xf32> to vector<128x128xf32>
    %dot_general3A_87 = arith.constant dense<0.000000e+00> : vector<1x128xf32>
    %dot_general3A_88 = tpu.matmul %get3A_81, %get3A_86, %dot_general3A_87 {dimension_numbers = #tpu.dot_dimension_numbers<[1], [1], [0], [0], [0, 0, 1, 0], [], []>, transpose_lhs_hint = false} : vector<1x128xf32>, vector<128x128xf32>, vector<1x128xf32> -> vector<1x128xf32>
    %get3A_89 = arith.constant 4 : index
    %get3A_90 = arith.constant 0 : index
    %get3A_91 = vector.load %arg4[%get3A_89, %get3A_90] : memref<8x128xf32, #tpu.memory_space<vmem>>, vector<1x128xf32>
    %get3A_92 = arith.constant 4 : index
    %get3A_93 = arith.constant 0 : index
    %get3A_94 = arith.constant 0 : index
    %get3A_95 = vector.load %arg2[%get3A_92, %get3A_93, %get3A_94] : memref<8x128x128xf32, #tpu.memory_space<vmem>>, vector<1x128x128xf32>
    %get3A_96 = vector.shape_cast %get3A_95 : vector<1x128x128xf32> to vector<128x128xf32>
    %dot_general3A_97 = arith.constant dense<0.000000e+00> : vector<1x128xf32>
    %dot_general3A_98 = tpu.matmul %get3A_91, %get3A_96, %dot_general3A_97 {dimension_numbers = #tpu.dot_dimension_numbers<[1], [1], [0], [0], [0, 0, 1, 0], [], []>, transpose_lhs_hint = false} : vector<1x128xf32>, vector<128x128xf32>, vector<1x128xf32> -> vector<1x128xf32>
    %get3A_99 = arith.constant 5 : index
    %get3A_100 = arith.constant 0 : index
    %get3A_101 = vector.load %arg3[%get3A_99, %get3A_100] : memref<8x128xf32, #tpu.memory_space<vmem>>, vector<1x128xf32>
    %get3A_102 = arith.constant 5 : index
    %get3A_103 = arith.constant 0 : index
    %get3A_104 = arith.constant 0 : index
    %get3A_105 = vector.load %arg2[%get3A_102, %get3A_103, %get3A_104] : memref<8x128x128xf32, #tpu.memory_space<vmem>>, vector<1x128x128xf32>
    %get3A_106 = vector.shape_cast %get3A_105 : vector<1x128x128xf32> to vector<128x128xf32>
    %dot_general3A_107 = arith.constant dense<0.000000e+00> : vector<1x128xf32>
    %dot_general3A_108 = tpu.matmul %get3A_101, %get3A_106, %dot_general3A_107 {dimension_numbers = #tpu.dot_dimension_numbers<[1], [1], [0], [0], [0, 0, 1, 0], [], []>, transpose_lhs_hint = false} : vector<1x128xf32>, vector<128x128xf32>, vector<1x128xf32> -> vector<1x128xf32>
    %get3A_109 = arith.constant 5 : index
    %get3A_110 = arith.constant 0 : index
    %get3A_111 = vector.load %arg4[%get3A_109, %get3A_110] : memref<8x128xf32, #tpu.memory_space<vmem>>, vector<1x128xf32>
    %get3A_112 = arith.constant 5 : index
    %get3A_113 = arith.constant 0 : index
    %get3A_114 = arith.constant 0 : index
    %get3A_115 = vector.load %arg2[%get3A_112, %get3A_113, %get3A_114] : memref<8x128x128xf32, #tpu.memory_space<vmem>>, vector<1x128x128xf32>
    %get3A_116 = vector.shape_cast %get3A_115 : vector<1x128x128xf32> to vector<128x128xf32>
    %dot_general3A_117 = arith.constant dense<0.000000e+00> : vector<1x128xf32>
    %dot_general3A_118 = tpu.matmul %get3A_111, %get3A_116, %dot_general3A_117 {dimension_numbers = #tpu.dot_dimension_numbers<[1], [1], [0], [0], [0, 0, 1, 0], [], []>, transpose_lhs_hint = false} : vector<1x128xf32>, vector<128x128xf32>, vector<1x128xf32> -> vector<1x128xf32>
    %get3A_119 = arith.constant 6 : index
    %get3A_120 = arith.constant 0 : index
    %get3A_121 = vector.load %arg3[%get3A_119, %get3A_120] : memref<8x128xf32, #tpu.memory_space<vmem>>, vector<1x128xf32>
    %get3A_122 = arith.constant 6 : index
    %get3A_123 = arith.constant 0 : index
    %get3A_124 = arith.constant 0 : index
    %get3A_125 = vector.load %arg2[%get3A_122, %get3A_123, %get3A_124] : memref<8x128x128xf32, #tpu.memory_space<vmem>>, vector<1x128x128xf32>
    %get3A_126 = vector.shape_cast %get3A_125 : vector<1x128x128xf32> to vector<128x128xf32>
    %dot_general3A_127 = arith.constant dense<0.000000e+00> : vector<1x128xf32>
    %dot_general3A_128 = tpu.matmul %get3A_121, %get3A_126, %dot_general3A_127 {dimension_numbers = #tpu.dot_dimension_numbers<[1], [1], [0], [0], [0, 0, 1, 0], [], []>, transpose_lhs_hint = false} : vector<1x128xf32>, vector<128x128xf32>, vector<1x128xf32> -> vector<1x128xf32>
    %get3A_129 = arith.constant 6 : index
    %get3A_130 = arith.constant 0 : index
    %get3A_131 = vector.load %arg4[%get3A_129, %get3A_130] : memref<8x128xf32, #tpu.memory_space<vmem>>, vector<1x128xf32>
    %get3A_132 = arith.constant 6 : index
    %get3A_133 = arith.constant 0 : index
    %get3A_134 = arith.constant 0 : index
    %get3A_135 = vector.load %arg2[%get3A_132, %get3A_133, %get3A_134] : memref<8x128x128xf32, #tpu.memory_space<vmem>>, vector<1x128x128xf32>
    %get3A_136 = vector.shape_cast %get3A_135 : vector<1x128x128xf32> to vector<128x128xf32>
    %dot_general3A_137 = arith.constant dense<0.000000e+00> : vector<1x128xf32>
    %dot_general3A_138 = tpu.matmul %get3A_131, %get3A_136, %dot_general3A_137 {dimension_numbers = #tpu.dot_dimension_numbers<[1], [1], [0], [0], [0, 0, 1, 0], [], []>, transpose_lhs_hint = false} : vector<1x128xf32>, vector<128x128xf32>, vector<1x128xf32> -> vector<1x128xf32>
    %get3A_139 = arith.constant 7 : index
    %get3A_140 = arith.constant 0 : index
    %get3A_141 = vector.load %arg3[%get3A_139, %get3A_140] : memref<8x128xf32, #tpu.memory_space<vmem>>, vector<1x128xf32>
    %get3A_142 = arith.constant 7 : index
    %get3A_143 = arith.constant 0 : index
    %get3A_144 = arith.constant 0 : index
    %get3A_145 = vector.load %arg2[%get3A_142, %get3A_143, %get3A_144] : memref<8x128x128xf32, #tpu.memory_space<vmem>>, vector<1x128x128xf32>
    %get3A_146 = vector.shape_cast %get3A_145 : vector<1x128x128xf32> to vector<128x128xf32>
    %dot_general3A_147 = arith.constant dense<0.000000e+00> : vector<1x128xf32>
    %dot_general3A_148 = tpu.matmul %get3A_141, %get3A_146, %dot_general3A_147 {dimension_numbers = #tpu.dot_dimension_numbers<[1], [1], [0], [0], [0, 0, 1, 0], [], []>, transpose_lhs_hint = false} : vector<1x128xf32>, vector<128x128xf32>, vector<1x128xf32> -> vector<1x128xf32>
    %get3A_149 = arith.constant 7 : index
    %get3A_150 = arith.constant 0 : index
    %get3A_151 = vector.load %arg4[%get3A_149, %get3A_150] : memref<8x128xf32, #tpu.memory_space<vmem>>, vector<1x128xf32>
    %get3A_152 = arith.constant 7 : index
    %get3A_153 = arith.constant 0 : index
    %get3A_154 = arith.constant 0 : index
    %get3A_155 = vector.load %arg2[%get3A_152, %get3A_153, %get3A_154] : memref<8x128x128xf32, #tpu.memory_space<vmem>>, vector<1x128x128xf32>
    %get3A_156 = vector.shape_cast %get3A_155 : vector<1x128x128xf32> to vector<128x128xf32>
    %dot_general3A_157 = arith.constant dense<0.000000e+00> : vector<1x128xf32>
    %dot_general3A_158 = tpu.matmul %get3A_151, %get3A_156, %dot_general3A_157 {dimension_numbers = #tpu.dot_dimension_numbers<[1], [1], [0], [0], [0, 0, 1, 0], [], []>, transpose_lhs_hint = false} : vector<1x128xf32>, vector<128x128xf32>, vector<1x128xf32> -> vector<1x128xf32>
    %broadcast_in_dim3A_159 = arith.constant 0.000000e+00 : f32
    %broadcast_in_dim3A_160 = vector.broadcast %broadcast_in_dim3A_159 : f32 to vector<8x128xf32>
    %concatenate3A = tpu.concatenate %dot_general3A_8, %dot_general3A_28, %broadcast_in_dim3A_0, %broadcast_in_dim3A_0, %dot_general3A_88, %dot_general3A_108, %broadcast_in_dim3A_0, %broadcast_in_dim3A_0, %broadcast_in_dim3A_160 in 0 : vector<1x128xf32>, vector<1x128xf32>, vector<1x128xf32>, vector<1x128xf32>, vector<1x128xf32>, vector<1x128xf32>, vector<1x128xf32>, vector<1x128xf32>, vector<8x128xf32> -> vector<16x128xf32>
    %concatenate3A_161 = tpu.concatenate %broadcast_in_dim3A_0, %broadcast_in_dim3A_0, %dot_general3A_48, %dot_general3A_68, %broadcast_in_dim3A_0, %broadcast_in_dim3A_0, %dot_general3A_128, %dot_general3A_148, %dot_general3A_18, %dot_general3A_38, %dot_general3A_58, %dot_general3A_78, %dot_general3A_98, %dot_general3A_118, %dot_general3A_138, %dot_general3A_158 in 0 : vector<1x128xf32>, vector<1x128xf32>, vector<1x128xf32>, vector<1x128xf32>, vector<1x128xf32>, vector<1x128xf32>, vector<1x128xf32>, vector<1x128xf32>, vector<1x128xf32>, vector<1x128xf32>, vector<1x128xf32>, vector<1x128xf32>, vector<1x128xf32>, vector<1x128xf32>, vector<1x128xf32>, vector<1x128xf32> -> vector<16x128xf32>
    %get3A_162 = arith.constant 0 : index
    %get3A_163 = arith.constant 0 : index
    %get3A_164 = vector.load %arg0[%get3A_162, %get3A_163] : memref<10000x128xf32, #tpu.memory_space<vmem>>, vector<10000x128xf32>
    %get3A_165 = arith.constant 0 : index
    %get3A_166 = arith.constant 0 : index
    %get3A_167 = vector.load %arg1[%get3A_165, %get3A_166] : memref<10000x128xf32, #tpu.memory_space<vmem>>, vector<10000x128xf32>
    %dot_general3A_168 = arith.constant dense<0.000000e+00> : vector<16x10000xf32>
    %dot_general3A_169 = tpu.matmul %concatenate3A, %get3A_164, %dot_general3A_168 {dimension_numbers = #tpu.dot_dimension_numbers<[1], [1], [0], [0], [0, 0, 1, 0], [], []>, transpose_lhs_hint = false} : vector<16x128xf32>, vector<10000x128xf32>, vector<16x10000xf32> -> vector<16x10000xf32>
    %dot_general3A_170 = arith.constant dense<0.000000e+00> : vector<16x10000xf32>
    %dot_general3A_171 = tpu.matmul %concatenate3A_161, %get3A_167, %dot_general3A_170 {dimension_numbers = #tpu.dot_dimension_numbers<[1], [1], [0], [0], [0, 0, 1, 0], [], []>, transpose_lhs_hint = false} : vector<16x128xf32>, vector<10000x128xf32>, vector<16x10000xf32> -> vector<16x10000xf32>
    %add3A = arith.addf %dot_general3A_169, %dot_general3A_171 : vector<16x10000xf32>
    %swap3A = arith.constant 0 : index
    %swap3A_172 = arith.constant 0 : index
    %swap3A_173 = vector.load %arg5[%swap3A, %swap3A_172] : memref<16x10000xf32, #tpu.memory_space<vmem>>, vector<16x10000xf32>
    tpu.vector_store %arg5[%swap3A, %swap3A_172], %add3A {strides = array<i32>} : memref<16x10000xf32, #tpu.memory_space<vmem>>, vector<16x10000xf32>,
    return
  }
}

module attributes {stable_mosaic.version = 14 : i64} {
  func.func @_combine_body(%arg0: i32, %arg1: memref<8x1000x128xbf16, #tpu.memory_space<vmem>>, %arg2: memref<1000x8xf32, #tpu.memory_space<vmem>>, %arg3: memref<1000x128xf32, #tpu.memory_space<vmem>>, %arg4: memref<8x128x128xf32, #tpu.memory_space<vmem>>, %arg5: memref<8x128xf32, #tpu.memory_space<vmem>>, %arg6: memref<4xf32, #tpu.memory_space<smem>>, %arg7: memref<1000x128xf32, #tpu.memory_space<vmem>>) attributes {dimension_semantics = [#tpu.dimension_semantics<arbitrary>], iteration_bounds = array<i64: 10>, scalar_prefetch = 0 : i64, scratch_operands = 0 : i64, tpu.core_type = #tpu.core_type<tc>, window_params = [{transform_indices = @transform_0, window_bounds = array<i64: 8, 1000, 128>}, {transform_indices = @transform_1, window_bounds = array<i64: 1000, 8>}, {transform_indices = @transform_2, window_bounds = array<i64: 1000, 128>}, {pipeline_mode = #tpu.pipeline_mode<synchronous>, transform_indices = @transform_3, window_bounds = array<i64: 8, 128, 128>}, {pipeline_mode = #tpu.pipeline_mode<synchronous>, transform_indices = @transform_4, window_bounds = array<i64: 8, 128>}, {transform_indices = @transform_5, window_bounds = array<i64: 4>}, {transform_indices = @transform_6, window_bounds = array<i64: 1000, 128>}]} {
    %get3A = arith.constant 0 : index
    %get3A_0 = memref.load %arg6[%get3A] : memref<4xf32, #tpu.memory_space<smem>>
    %get3A_1 = arith.constant 1 : index
    %get3A_2 = memref.load %arg6[%get3A_1] : memref<4xf32, #tpu.memory_space<smem>>
    %get3A_3 = arith.constant 2 : index
    %get3A_4 = memref.load %arg6[%get3A_3] : memref<4xf32, #tpu.memory_space<smem>>
    %get3A_5 = arith.constant 3 : index
    %get3A_6 = memref.load %arg6[%get3A_5] : memref<4xf32, #tpu.memory_space<smem>>
    %get3A_7 = arith.constant 0 : index
    %get3A_8 = arith.constant 0 : index
    %get3A_9 = vector.load %arg2[%get3A_7, %get3A_8] : memref<1000x8xf32, #tpu.memory_space<vmem>>, vector<1000x8xf32>
    %get3A_10 = arith.constant 0 : index
    %get3A_11 = arith.constant 0 : index
    %get3A_12 = vector.load %arg3[%get3A_10, %get3A_11] : memref<1000x128xf32, #tpu.memory_space<vmem>>, vector<1000x128xf32>
    %add3A = arith.addf %get3A_0, %get3A_2 : f32
    %add3A_13 = arith.addf %add3A, %get3A_4 : f32
    %add3A_14 = arith.addf %add3A_13, %get3A_6 : f32
    %mul3A = arith.constant 2.000000e+00 : f32
    %mul3A_15 = arith.mulf %mul3A, %add3A_14 : f32
    %mul3A_16 = vector.broadcast %mul3A_15 : f32 to vector<1000x128xf32>
    %mul3A_17 = arith.mulf %get3A_12, %mul3A_16 : vector<1000x128xf32>
    %slice3A = vector.extract_strided_slice %get3A_9 {offsets = [0, 0], sizes = [1000, 1], strides = [1, 1]} : vector<1000x8xf32> to vector<1000x1xf32>
    %add3A_18 = arith.constant 9.99999971E-10 : f32
    %add3A_19 = vector.broadcast %add3A_18 : f32 to vector<1000x1xf32>
    %add3A_20 = arith.addf %slice3A, %add3A_19 : vector<1000x1xf32>
    %div3A = arith.constant 1.000000e+00 : f32
    %div3A_21 = vector.broadcast %div3A : f32 to vector<1000x1xf32>
    %div3A_22 = arith.divf %div3A_21, %add3A_20 : vector<1000x1xf32>
    %get3A_23 = arith.constant 0 : index
    %get3A_24 = arith.constant 0 : index
    %get3A_25 = arith.constant 0 : index
    %get3A_26 = vector.load %arg1[%get3A_23, %get3A_24, %get3A_25] : memref<8x1000x128xbf16, #tpu.memory_space<vmem>>, vector<1x1000x128xbf16>
    %get3A_27 = vector.shape_cast %get3A_26 : vector<1x1000x128xbf16> to vector<1000x128xbf16>
    %convert_element_type3A = arith.extf %get3A_27 : vector<1000x128xbf16> to vector<1000x128xf32>
    %mul3A_28 = vector.broadcast %div3A_22 : vector<1000x1xf32> to vector<1000x128xf32>
    %mul3A_29 = arith.mulf %convert_element_type3A, %mul3A_28 : vector<1000x128xf32>
    %get3A_30 = arith.constant 0 : index
    %get3A_31 = arith.constant 0 : index
    %get3A_32 = arith.constant 0 : index
    %get3A_33 = vector.load %arg4[%get3A_30, %get3A_31, %get3A_32] : memref<8x128x128xf32, #tpu.memory_space<vmem>>, vector<1x128x128xf32>
    %get3A_34 = vector.shape_cast %get3A_33 : vector<1x128x128xf32> to vector<128x128xf32>
    %dot_general3A = arith.constant dense<0.000000e+00> : vector<1000x128xf32>
    %dot_general3A_35 = tpu.matmul %mul3A_29, %get3A_34, %dot_general3A {dimension_numbers = #tpu.dot_dimension_numbers<[1], [0], [0], [1], [0, 0, 1, 1], [], []>, transpose_lhs_hint = false} : vector<1000x128xf32>, vector<128x128xf32>, vector<1000x128xf32> -> vector<1000x128xf32>
    %get3A_36 = arith.constant 0 : index
    %get3A_37 = arith.constant 0 : index
    %get3A_38 = vector.load %arg5[%get3A_36, %get3A_37] : memref<8x128xf32, #tpu.memory_space<vmem>>, vector<1x128xf32>
    %add3A_39 = vector.broadcast %get3A_38 : vector<1x128xf32> to vector<1000x128xf32>
    %add3A_40 = arith.addf %dot_general3A_35, %add3A_39 : vector<1000x128xf32>
    %mul3A_41 = vector.broadcast %get3A_0 : f32 to vector<1000x128xf32>
    %mul3A_42 = arith.mulf %add3A_40, %mul3A_41 : vector<1000x128xf32>
    %add3A_43 = arith.addf %mul3A_17, %mul3A_42 : vector<1000x128xf32>
    %slice3A_44 = vector.extract_strided_slice %get3A_9 {offsets = [0, 1], sizes = [1000, 1], strides = [1, 1]} : vector<1000x8xf32> to vector<1000x1xf32>
    %add3A_45 = arith.constant 9.99999971E-10 : f32
    %add3A_46 = vector.broadcast %add3A_45 : f32 to vector<1000x1xf32>
    %add3A_47 = arith.addf %slice3A_44, %add3A_46 : vector<1000x1xf32>
    %div3A_48 = arith.constant 1.000000e+00 : f32
    %div3A_49 = vector.broadcast %div3A_48 : f32 to vector<1000x1xf32>
    %div3A_50 = arith.divf %div3A_49, %add3A_47 : vector<1000x1xf32>
    %get3A_51 = arith.constant 1 : index
    %get3A_52 = arith.constant 0 : index
    %get3A_53 = arith.constant 0 : index
    %get3A_54 = vector.load %arg1[%get3A_51, %get3A_52, %get3A_53] : memref<8x1000x128xbf16, #tpu.memory_space<vmem>>, vector<1x1000x128xbf16>
    %get3A_55 = vector.shape_cast %get3A_54 : vector<1x1000x128xbf16> to vector<1000x128xbf16>
    %convert_element_type3A_56 = arith.extf %get3A_55 : vector<1000x128xbf16> to vector<1000x128xf32>
    %mul3A_57 = vector.broadcast %div3A_50 : vector<1000x1xf32> to vector<1000x128xf32>
    %mul3A_58 = arith.mulf %convert_element_type3A_56, %mul3A_57 : vector<1000x128xf32>
    %get3A_59 = arith.constant 1 : index
    %get3A_60 = arith.constant 0 : index
    %get3A_61 = arith.constant 0 : index
    %get3A_62 = vector.load %arg4[%get3A_59, %get3A_60, %get3A_61] : memref<8x128x128xf32, #tpu.memory_space<vmem>>, vector<1x128x128xf32>
    %get3A_63 = vector.shape_cast %get3A_62 : vector<1x128x128xf32> to vector<128x128xf32>
    %dot_general3A_64 = arith.constant dense<0.000000e+00> : vector<1000x128xf32>
    %dot_general3A_65 = tpu.matmul %mul3A_58, %get3A_63, %dot_general3A_64 {dimension_numbers = #tpu.dot_dimension_numbers<[1], [0], [0], [1], [0, 0, 1, 1], [], []>, transpose_lhs_hint = false} : vector<1000x128xf32>, vector<128x128xf32>, vector<1000x128xf32> -> vector<1000x128xf32>
    %get3A_66 = arith.constant 1 : index
    %get3A_67 = arith.constant 0 : index
    %get3A_68 = vector.load %arg5[%get3A_66, %get3A_67] : memref<8x128xf32, #tpu.memory_space<vmem>>, vector<1x128xf32>
    %add3A_69 = vector.broadcast %get3A_68 : vector<1x128xf32> to vector<1000x128xf32>
    %add3A_70 = arith.addf %dot_general3A_65, %add3A_69 : vector<1000x128xf32>
    %mul3A_71 = vector.broadcast %get3A_0 : f32 to vector<1000x128xf32>
    %mul3A_72 = arith.mulf %add3A_70, %mul3A_71 : vector<1000x128xf32>
    %add3A_73 = arith.addf %add3A_43, %mul3A_72 : vector<1000x128xf32>
    %slice3A_74 = vector.extract_strided_slice %get3A_9 {offsets = [0, 2], sizes = [1000, 1], strides = [1, 1]} : vector<1000x8xf32> to vector<1000x1xf32>
    %add3A_75 = arith.constant 9.99999971E-10 : f32
    %add3A_76 = vector.broadcast %add3A_75 : f32 to vector<1000x1xf32>
    %add3A_77 = arith.addf %slice3A_74, %add3A_76 : vector<1000x1xf32>
    %div3A_78 = arith.constant 1.000000e+00 : f32
    %div3A_79 = vector.broadcast %div3A_78 : f32 to vector<1000x1xf32>
    %div3A_80 = arith.divf %div3A_79, %add3A_77 : vector<1000x1xf32>
    %get3A_81 = arith.constant 2 : index
    %get3A_82 = arith.constant 0 : index
    %get3A_83 = arith.constant 0 : index
    %get3A_84 = vector.load %arg1[%get3A_81, %get3A_82, %get3A_83] : memref<8x1000x128xbf16, #tpu.memory_space<vmem>>, vector<1x1000x128xbf16>
    %get3A_85 = vector.shape_cast %get3A_84 : vector<1x1000x128xbf16> to vector<1000x128xbf16>
    %convert_element_type3A_86 = arith.extf %get3A_85 : vector<1000x128xbf16> to vector<1000x128xf32>
    %mul3A_87 = vector.broadcast %div3A_80 : vector<1000x1xf32> to vector<1000x128xf32>
    %mul3A_88 = arith.mulf %convert_element_type3A_86, %mul3A_87 : vector<1000x128xf32>
    %get3A_89 = arith.constant 2 : index
    %get3A_90 = arith.constant 0 : index
    %get3A_91 = arith.constant 0 : index
    %get3A_92 = vector.load %arg4[%get3A_89, %get3A_90, %get3A_91] : memref<8x128x128xf32, #tpu.memory_space<vmem>>, vector<1x128x128xf32>
    %get3A_93 = vector.shape_cast %get3A_92 : vector<1x128x128xf32> to vector<128x128xf32>
    %dot_general3A_94 = arith.constant dense<0.000000e+00> : vector<1000x128xf32>
    %dot_general3A_95 = tpu.matmul %mul3A_88, %get3A_93, %dot_general3A_94 {dimension_numbers = #tpu.dot_dimension_numbers<[1], [0], [0], [1], [0, 0, 1, 1], [], []>, transpose_lhs_hint = false} : vector<1000x128xf32>, vector<128x128xf32>, vector<1000x128xf32> -> vector<1000x128xf32>
    %get3A_96 = arith.constant 2 : index
    %get3A_97 = arith.constant 0 : index
    %get3A_98 = vector.load %arg5[%get3A_96, %get3A_97] : memref<8x128xf32, #tpu.memory_space<vmem>>, vector<1x128xf32>
    %add3A_99 = vector.broadcast %get3A_98 : vector<1x128xf32> to vector<1000x128xf32>
    %add3A_100 = arith.addf %dot_general3A_95, %add3A_99 : vector<1000x128xf32>
    %mul3A_101 = vector.broadcast %get3A_2 : f32 to vector<1000x128xf32>
    %mul3A_102 = arith.mulf %add3A_100, %mul3A_101 : vector<1000x128xf32>
    %add3A_103 = arith.addf %add3A_73, %mul3A_102 : vector<1000x128xf32>
    %slice3A_104 = vector.extract_strided_slice %get3A_9 {offsets = [0, 3], sizes = [1000, 1], strides = [1, 1]} : vector<1000x8xf32> to vector<1000x1xf32>
    %add3A_105 = arith.constant 9.99999971E-10 : f32
    %add3A_106 = vector.broadcast %add3A_105 : f32 to vector<1000x1xf32>
    %add3A_107 = arith.addf %slice3A_104, %add3A_106 : vector<1000x1xf32>
    %div3A_108 = arith.constant 1.000000e+00 : f32
    %div3A_109 = vector.broadcast %div3A_108 : f32 to vector<1000x1xf32>
    %div3A_110 = arith.divf %div3A_109, %add3A_107 : vector<1000x1xf32>
    %get3A_111 = arith.constant 3 : index
    %get3A_112 = arith.constant 0 : index
    %get3A_113 = arith.constant 0 : index
    %get3A_114 = vector.load %arg1[%get3A_111, %get3A_112, %get3A_113] : memref<8x1000x128xbf16, #tpu.memory_space<vmem>>, vector<1x1000x128xbf16>
    %get3A_115 = vector.shape_cast %get3A_114 : vector<1x1000x128xbf16> to vector<1000x128xbf16>
    %convert_element_type3A_116 = arith.extf %get3A_115 : vector<1000x128xbf16> to vector<1000x128xf32>
    %mul3A_117 = vector.broadcast %div3A_110 : vector<1000x1xf32> to vector<1000x128xf32>
    %mul3A_118 = arith.mulf %convert_element_type3A_116, %mul3A_117 : vector<1000x128xf32>
    %get3A_119 = arith.constant 3 : index
    %get3A_120 = arith.constant 0 : index
    %get3A_121 = arith.constant 0 : index
    %get3A_122 = vector.load %arg4[%get3A_119, %get3A_120, %get3A_121] : memref<8x128x128xf32, #tpu.memory_space<vmem>>, vector<1x128x128xf32>
    %get3A_123 = vector.shape_cast %get3A_122 : vector<1x128x128xf32> to vector<128x128xf32>
    %dot_general3A_124 = arith.constant dense<0.000000e+00> : vector<1000x128xf32>
    %dot_general3A_125 = tpu.matmul %mul3A_118, %get3A_123, %dot_general3A_124 {dimension_numbers = #tpu.dot_dimension_numbers<[1], [0], [0], [1], [0, 0, 1, 1], [], []>, transpose_lhs_hint = false} : vector<1000x128xf32>, vector<128x128xf32>, vector<1000x128xf32> -> vector<1000x128xf32>
    %get3A_126 = arith.constant 3 : index
    %get3A_127 = arith.constant 0 : index
    %get3A_128 = vector.load %arg5[%get3A_126, %get3A_127] : memref<8x128xf32, #tpu.memory_space<vmem>>, vector<1x128xf32>
    %add3A_129 = vector.broadcast %get3A_128 : vector<1x128xf32> to vector<1000x128xf32>
    %add3A_130 = arith.addf %dot_general3A_125, %add3A_129 : vector<1000x128xf32>
    %mul3A_131 = vector.broadcast %get3A_2 : f32 to vector<1000x128xf32>
    %mul3A_132 = arith.mulf %add3A_130, %mul3A_131 : vector<1000x128xf32>
    %add3A_133 = arith.addf %add3A_103, %mul3A_132 : vector<1000x128xf32>
    %slice3A_134 = vector.extract_strided_slice %get3A_9 {offsets = [0, 4], sizes = [1000, 1], strides = [1, 1]} : vector<1000x8xf32> to vector<1000x1xf32>
    %add3A_135 = arith.constant 9.99999971E-10 : f32
    %add3A_136 = vector.broadcast %add3A_135 : f32 to vector<1000x1xf32>
    %add3A_137 = arith.addf %slice3A_134, %add3A_136 : vector<1000x1xf32>
    %div3A_138 = arith.constant 1.000000e+00 : f32
    %div3A_139 = vector.broadcast %div3A_138 : f32 to vector<1000x1xf32>
    %div3A_140 = arith.divf %div3A_139, %add3A_137 : vector<1000x1xf32>
    %get3A_141 = arith.constant 4 : index
    %get3A_142 = arith.constant 0 : index
    %get3A_143 = arith.constant 0 : index
    %get3A_144 = vector.load %arg1[%get3A_141, %get3A_142, %get3A_143] : memref<8x1000x128xbf16, #tpu.memory_space<vmem>>, vector<1x1000x128xbf16>
    %get3A_145 = vector.shape_cast %get3A_144 : vector<1x1000x128xbf16> to vector<1000x128xbf16>
    %convert_element_type3A_146 = arith.extf %get3A_145 : vector<1000x128xbf16> to vector<1000x128xf32>
    %mul3A_147 = vector.broadcast %div3A_140 : vector<1000x1xf32> to vector<1000x128xf32>
    %mul3A_148 = arith.mulf %convert_element_type3A_146, %mul3A_147 : vector<1000x128xf32>
    %get3A_149 = arith.constant 4 : index
    %get3A_150 = arith.constant 0 : index
    %get3A_151 = arith.constant 0 : index
    %get3A_152 = vector.load %arg4[%get3A_149, %get3A_150, %get3A_151] : memref<8x128x128xf32, #tpu.memory_space<vmem>>, vector<1x128x128xf32>
    %get3A_153 = vector.shape_cast %get3A_152 : vector<1x128x128xf32> to vector<128x128xf32>
    %dot_general3A_154 = arith.constant dense<0.000000e+00> : vector<1000x128xf32>
    %dot_general3A_155 = tpu.matmul %mul3A_148, %get3A_153, %dot_general3A_154 {dimension_numbers = #tpu.dot_dimension_numbers<[1], [0], [0], [1], [0, 0, 1, 1], [], []>, transpose_lhs_hint = false} : vector<1000x128xf32>, vector<128x128xf32>, vector<1000x128xf32> -> vector<1000x128xf32>
    %get3A_156 = arith.constant 4 : index
    %get3A_157 = arith.constant 0 : index
    %get3A_158 = vector.load %arg5[%get3A_156, %get3A_157] : memref<8x128xf32, #tpu.memory_space<vmem>>, vector<1x128xf32>
    %add3A_159 = vector.broadcast %get3A_158 : vector<1x128xf32> to vector<1000x128xf32>
    %add3A_160 = arith.addf %dot_general3A_155, %add3A_159 : vector<1000x128xf32>
    %mul3A_161 = vector.broadcast %get3A_4 : f32 to vector<1000x128xf32>
    %mul3A_162 = arith.mulf %add3A_160, %mul3A_161 : vector<1000x128xf32>
    %add3A_163 = arith.addf %add3A_133, %mul3A_162 : vector<1000x128xf32>
    %slice3A_164 = vector.extract_strided_slice %get3A_9 {offsets = [0, 5], sizes = [1000, 1], strides = [1, 1]} : vector<1000x8xf32> to vector<1000x1xf32>
    %add3A_165 = arith.constant 9.99999971E-10 : f32
    %add3A_166 = vector.broadcast %add3A_165 : f32 to vector<1000x1xf32>
    %add3A_167 = arith.addf %slice3A_164, %add3A_166 : vector<1000x1xf32>
    %div3A_168 = arith.constant 1.000000e+00 : f32
    %div3A_169 = vector.broadcast %div3A_168 : f32 to vector<1000x1xf32>
    %div3A_170 = arith.divf %div3A_169, %add3A_167 : vector<1000x1xf32>
    %get3A_171 = arith.constant 5 : index
    %get3A_172 = arith.constant 0 : index
    %get3A_173 = arith.constant 0 : index
    %get3A_174 = vector.load %arg1[%get3A_171, %get3A_172, %get3A_173] : memref<8x1000x128xbf16, #tpu.memory_space<vmem>>, vector<1x1000x128xbf16>
    %get3A_175 = vector.shape_cast %get3A_174 : vector<1x1000x128xbf16> to vector<1000x128xbf16>
    %convert_element_type3A_176 = arith.extf %get3A_175 : vector<1000x128xbf16> to vector<1000x128xf32>
    %mul3A_177 = vector.broadcast %div3A_170 : vector<1000x1xf32> to vector<1000x128xf32>
    %mul3A_178 = arith.mulf %convert_element_type3A_176, %mul3A_177 : vector<1000x128xf32>
    %get3A_179 = arith.constant 5 : index
    %get3A_180 = arith.constant 0 : index
    %get3A_181 = arith.constant 0 : index
    %get3A_182 = vector.load %arg4[%get3A_179, %get3A_180, %get3A_181] : memref<8x128x128xf32, #tpu.memory_space<vmem>>, vector<1x128x128xf32>
    %get3A_183 = vector.shape_cast %get3A_182 : vector<1x128x128xf32> to vector<128x128xf32>
    %dot_general3A_184 = arith.constant dense<0.000000e+00> : vector<1000x128xf32>
    %dot_general3A_185 = tpu.matmul %mul3A_178, %get3A_183, %dot_general3A_184 {dimension_numbers = #tpu.dot_dimension_numbers<[1], [0], [0], [1], [0, 0, 1, 1], [], []>, transpose_lhs_hint = false} : vector<1000x128xf32>, vector<128x128xf32>, vector<1000x128xf32> -> vector<1000x128xf32>
    %get3A_186 = arith.constant 5 : index
    %get3A_187 = arith.constant 0 : index
    %get3A_188 = vector.load %arg5[%get3A_186, %get3A_187] : memref<8x128xf32, #tpu.memory_space<vmem>>, vector<1x128xf32>
    %add3A_189 = vector.broadcast %get3A_188 : vector<1x128xf32> to vector<1000x128xf32>
    %add3A_190 = arith.addf %dot_general3A_185, %add3A_189 : vector<1000x128xf32>
    %mul3A_191 = vector.broadcast %get3A_4 : f32 to vector<1000x128xf32>
    %mul3A_192 = arith.mulf %add3A_190, %mul3A_191 : vector<1000x128xf32>
    %add3A_193 = arith.addf %add3A_163, %mul3A_192 : vector<1000x128xf32>
    %slice3A_194 = vector.extract_strided_slice %get3A_9 {offsets = [0, 6], sizes = [1000, 1], strides = [1, 1]} : vector<1000x8xf32> to vector<1000x1xf32>
    %add3A_195 = arith.constant 9.99999971E-10 : f32
    %add3A_196 = vector.broadcast %add3A_195 : f32 to vector<1000x1xf32>
    %add3A_197 = arith.addf %slice3A_194, %add3A_196 : vector<1000x1xf32>
    %div3A_198 = arith.constant 1.000000e+00 : f32
    %div3A_199 = vector.broadcast %div3A_198 : f32 to vector<1000x1xf32>
    %div3A_200 = arith.divf %div3A_199, %add3A_197 : vector<1000x1xf32>
    %get3A_201 = arith.constant 6 : index
    %get3A_202 = arith.constant 0 : index
    %get3A_203 = arith.constant 0 : index
    %get3A_204 = vector.load %arg1[%get3A_201, %get3A_202, %get3A_203] : memref<8x1000x128xbf16, #tpu.memory_space<vmem>>, vector<1x1000x128xbf16>
    %get3A_205 = vector.shape_cast %get3A_204 : vector<1x1000x128xbf16> to vector<1000x128xbf16>
    %convert_element_type3A_206 = arith.extf %get3A_205 : vector<1000x128xbf16> to vector<1000x128xf32>
    %mul3A_207 = vector.broadcast %div3A_200 : vector<1000x1xf32> to vector<1000x128xf32>
    %mul3A_208 = arith.mulf %convert_element_type3A_206, %mul3A_207 : vector<1000x128xf32>
    %get3A_209 = arith.constant 6 : index
    %get3A_210 = arith.constant 0 : index
    %get3A_211 = arith.constant 0 : index
    %get3A_212 = vector.load %arg4[%get3A_209, %get3A_210, %get3A_211] : memref<8x128x128xf32, #tpu.memory_space<vmem>>, vector<1x128x128xf32>
    %get3A_213 = vector.shape_cast %get3A_212 : vector<1x128x128xf32> to vector<128x128xf32>
    %dot_general3A_214 = arith.constant dense<0.000000e+00> : vector<1000x128xf32>
    %dot_general3A_215 = tpu.matmul %mul3A_208, %get3A_213, %dot_general3A_214 {dimension_numbers = #tpu.dot_dimension_numbers<[1], [0], [0], [1], [0, 0, 1, 1], [], []>, transpose_lhs_hint = false} : vector<1000x128xf32>, vector<128x128xf32>, vector<1000x128xf32> -> vector<1000x128xf32>
    %get3A_216 = arith.constant 6 : index
    %get3A_217 = arith.constant 0 : index
    %get3A_218 = vector.load %arg5[%get3A_216, %get3A_217] : memref<8x128xf32, #tpu.memory_space<vmem>>, vector<1x128xf32>
    %add3A_219 = vector.broadcast %get3A_218 : vector<1x128xf32> to vector<1000x128xf32>
    %add3A_220 = arith.addf %dot_general3A_215, %add3A_219 : vector<1000x128xf32>
    %mul3A_221 = vector.broadcast %get3A_6 : f32 to vector<1000x128xf32>
    %mul3A_222 = arith.mulf %add3A_220, %mul3A_221 : vector<1000x128xf32>
    %add3A_223 = arith.addf %add3A_193, %mul3A_222 : vector<1000x128xf32>
    %slice3A_224 = vector.extract_strided_slice %get3A_9 {offsets = [0, 7], sizes = [1000, 1], strides = [1, 1]} : vector<1000x8xf32> to vector<1000x1xf32>
    %add3A_225 = arith.constant 9.99999971E-10 : f32
    %add3A_226 = vector.broadcast %add3A_225 : f32 to vector<1000x1xf32>
    %add3A_227 = arith.addf %slice3A_224, %add3A_226 : vector<1000x1xf32>
    %div3A_228 = arith.constant 1.000000e+00 : f32
    %div3A_229 = vector.broadcast %div3A_228 : f32 to vector<1000x1xf32>
    %div3A_230 = arith.divf %div3A_229, %add3A_227 : vector<1000x1xf32>
    %get3A_231 = arith.constant 7 : index
    %get3A_232 = arith.constant 0 : index
    %get3A_233 = arith.constant 0 : index
    %get3A_234 = vector.load %arg1[%get3A_231, %get3A_232, %get3A_233] : memref<8x1000x128xbf16, #tpu.memory_space<vmem>>, vector<1x1000x128xbf16>
    %get3A_235 = vector.shape_cast %get3A_234 : vector<1x1000x128xbf16> to vector<1000x128xbf16>
    %convert_element_type3A_236 = arith.extf %get3A_235 : vector<1000x128xbf16> to vector<1000x128xf32>
    %mul3A_237 = vector.broadcast %div3A_230 : vector<1000x1xf32> to vector<1000x128xf32>
    %mul3A_238 = arith.mulf %convert_element_type3A_236, %mul3A_237 : vector<1000x128xf32>
    %get3A_239 = arith.constant 7 : index
    %get3A_240 = arith.constant 0 : index
    %get3A_241 = arith.constant 0 : index
    %get3A_242 = vector.load %arg4[%get3A_239, %get3A_240, %get3A_241] : memref<8x128x128xf32, #tpu.memory_space<vmem>>, vector<1x128x128xf32>
    %get3A_243 = vector.shape_cast %get3A_242 : vector<1x128x128xf32> to vector<128x128xf32>
    %dot_general3A_244 = arith.constant dense<0.000000e+00> : vector<1000x128xf32>
    %dot_general3A_245 = tpu.matmul %mul3A_238, %get3A_243, %dot_general3A_244 {dimension_numbers = #tpu.dot_dimension_numbers<[1], [0], [0], [1], [0, 0, 1, 1], [], []>, transpose_lhs_hint = false} : vector<1000x128xf32>, vector<128x128xf32>, vector<1000x128xf32> -> vector<1000x128xf32>
    %get3A_246 = arith.constant 7 : index
    %get3A_247 = arith.constant 0 : index
    %get3A_248 = vector.load %arg5[%get3A_246, %get3A_247] : memref<8x128xf32, #tpu.memory_space<vmem>>, vector<1x128xf32>
    %add3A_249 = vector.broadcast %get3A_248 : vector<1x128xf32> to vector<1000x128xf32>
    %add3A_250 = arith.addf %dot_general3A_245, %add3A_249 : vector<1000x128xf32>
    %mul3A_251 = vector.broadcast %get3A_6 : f32 to vector<1000x128xf32>
    %mul3A_252 = arith.mulf %add3A_250, %mul3A_251 : vector<1000x128xf32>
    %add3A_253 = arith.addf %add3A_223, %mul3A_252 : vector<1000x128xf32>
    %swap3A = arith.constant 0 : index
    %swap3A_254 = arith.constant 0 : index
    %swap3A_255 = vector.load %arg7[%swap3A, %swap3A_254] : memref<1000x128xf32, #tpu.memory_space<vmem>>, vector<1000x128xf32>
    tpu.vector_store %arg7[%swap3A, %swap3A_254], %add3A_253 {strides = array<i32>} : memref<1000x128xf32, #tpu.memory_space<vmem>>, vector<1000x128xf32>,
    return
  }
  func.func @transform_0(%arg0: i32) -> (i32, i32, i32) {
    %c0_i32 = arith.constant 0 : i32
    %c0_i32_0 = arith.constant 0 : i32
    %c0_i32_1 = arith.constant 0 : i32
    return %c0_i32, %arg0, %c0_i32_0 : i32, i32, i32
  }
  func.func @transform_1(%arg0: i32) -> (i32, i32) {
    %c0_i32 = arith.constant 0 : i32
    %c0_i32_0 = arith.constant 0 : i32
    return %arg0, %c0_i32 : i32, i32
  }
  func.func @transform_2(%arg0: i32) -> (i32, i32) {
    %c0_i32 = arith.constant 0 : i32
    %c0_i32_0 = arith.constant 0 : i32
    return %arg0, %c0_i32 : i32, i32
  }
  func.func @transform_3(%arg0: i32) -> (i32, i32, i32) {
    %c0_i32 = arith.constant 0 : i32
    %c0_i32_0 = arith.constant 0 : i32
    %c0_i32_1 = arith.constant 0 : i32
    %c0_i32_2 = arith.constant 0 : i32
    return %c0_i32, %c0_i32_0, %c0_i32_1 : i32, i32, i32
  }
  func.func @transform_4(%arg0: i32) -> (i32, i32) {
    %c0_i32 = arith.constant 0 : i32
    %c0_i32_0 = arith.constant 0 : i32
    %c0_i32_1 = arith.constant 0 : i32
    return %c0_i32, %c0_i32_0 : i32, i32
  }
  func.func @transform_5(%arg0: i32) -> i32 {
    %c0_i32 = arith.constant 0 : i32
    %c0_i32_0 = arith.constant 0 : i32
    return %c0_i32 : i32
  }
  func.func @transform_6(%arg0: i32) -> (i32, i32) {
    %c0_i32 = arith.constant 0 : i32
    %c0_i32_0 = arith.constant 0 : i32
    return %arg0, %c0_i32 : i32, i32
  }
}

</mosaic_0001>

<sc_bundles>
// kernel: kernel.5.cloned.1.call-start
scs
__scs_entry_jumppad:
0x0: {  	(pc) =	sbr.rel $0x88, $3  }
0x1: {  	(tag) =	ssettag $0x0;
	lr =	simm.s32 $0x1  }
0x2: {  	[smem:$0x3F79] =	sst lr;
	_ =	strace $0xD0000000  }
0x3: {  	_ = 	snop  }
0x4: {  	_ = 	snop  }
0x5: {  	_ = 	snop  }
0x6: {  	_ = 	snop  }
0x7: {  	_ = 	snop  }
__scs_overlays_trampoline_lowered:
0x8: {  	[smem:$0x3F88] =	sst s0  }
0x9: {  	[smem:$0x3F89] =	sst s1  }
0xa: {  	[smem:$0x3F8A] =	sst s2  }
0xb: {  	[smem:$0x3F8B] =	sst s3  }
0xc: {  	[smem:$0x3F8C] =	sst s4  }
0xd: {  	[smem:$0x3F8D] =	sst s5  }
0xe: {  	[smem:$0x3F8E] =	sst s6  }
0xf: {  	[smem:$0x3F8F] =	sst s7  }
0x10: {  	[smem:$0x3F90] =	sst s8  }
0x11: {  	[smem:$0x3F91] =	sst s9;
	s0 =	simm.s32 @!p0 $0x0  }
0x12: {  	s1 =	sld [smem:$0x3F77];
	s0 =	simm.s32 @p0 $0x1  }
0x13: {  	[smem:$0x3F92] =	sst s0;
	s0 =	simm.s32 @!p1 $0x0  }
0x14: {  	s2 =	sld [smem:$0x3F76];
	s0 =	simm.s32 @p1 $0x1  }
0x15: {  	[smem:$0x3F93] =	sst s0;
	s0 =	simm.s32 @!p2 $0x0  }
0x16: {  	s3 =	sld [smem:$0x3FDB];
	s0 =	simm.s32 @p2 $0x1  }
0x17: {  	s4 =	simm.s32 $0x1BF5;
	[smem:$0x3F95] =	sst s0  }
0x18: {  	s0 =	sld [smem:$0x3F78];
	_ =	swait.ge [sflag:s4], $0x0  }
0x19: {  	s7 =	sld [smem:$0x3F79]  }
0x1a: {  	s8 =	sadd.s32 $0xFFFFE003, lr  }
0x1b: {  	s9 =	sadd.s32 $0xFFFFFEF7, lr;
	s5 =	simm.s32 $0xFFFFFFFF;
	p2 =	slt.u32 s8, $0xFFFFF086  }
0x1c: {  	p1 =	slt.u32 s9, $0xF7A;
	s5 =	simm.s32 @!p2 $0x0  }
0x1d: {  	s5 =	simm.s32 @p1 $0x1;
	p0 =	seq.s32 s7, s2  }
0x1e: {  	s7 =	smul.u32 @!p0 $0xF7A, s2;
	p2 =	seq.s32 @!p0 s5, $0x0  }
0x1f: {  	s9 =	smul.u32 $0xF7A, s1;
	s8 =	simm.s32 @!p0 $0x1BF5;
	p2 =	por !p2, p0  }
0x20: {  	[sflag:s8] =	ssyncset.s32 @!p0 $0xFFFFF086;
	s6 =	sadd.s32 @!p0 s3, s7;
	s7 =	simm.s32 @!p0 $0x108  }
0x21: {  	s3 =	sadd.s32 s3, s9;
	s6 =	sadd.s32 @!p0 $0x88, s6;
	s7 =	simm.s32 @p2 $0x1082  }
0x22: {  	[simem:s7], [sflag:s8] =	dma.local @!p0 [hbm:s6], $0xF7A  }
0x23: {  	s9 =	sor.u32 $0xD0000000, s2;
	s6 =	simm.s32 $0x108;
	_ =	swait.ge @!p0 [sflag:s8], $0x0  }
0x24: {  	s3 =	sadd.s32 $0x88, s3;
	s6 =	simm.s32 @!p1 $0x1082;
	[sflag:s4] =	ssyncset.s32 $0xFFFFF086  }
0x25: {  	[simem:s6], [sflag:s4] =	dma.local [hbm:s3], $0xF7A  }
0x26: {  	[smem:$0x3F79] =	sst s1;
	(tag) =	ssettag s2;
	_ =	strace s9  }
0x27: {  	s1 =	sld [smem:$0x3F89]  }
0x28: {  	s2 =	sld [smem:$0x3F8A]  }
0x29: {  	s4 =	sld [smem:$0x3F8C]  }
0x2a: {  	p0 =	seq.s32 s5, $0x0;
	s5 =	sld [smem:$0x3F8D]  }
0x2b: {  	s6 =	sld [smem:$0x3F8E]  }
0x2c: {  	s7 =	sld [smem:$0x3F8F]  }
0x2d: {  	s3 =	simm.s32 $0x108;
	s8 =	sld [smem:$0x3F90]  }
0x2e: {  	s3 =	simm.s32 @!p0 $0x1082;
	s9 =	sld [smem:$0x3F91]  }
0x2f: {  	lr =	sadd.s32 s0, s3;
	s0 =	sld [smem:$0x3F88]  }
0x30: {  	s3 =	sld [smem:$0x3F8B]  }
0x31: {  	[smem:$0x3F94] =	sst s10  }
0x32: {  	s10 =	sld [smem:$0x3F92];
	_ =	sdelay $0x3  }
0x33: {  	p0 =	seq.s32 s10, $0x1;
	s10 =	sld [smem:$0x3F94];
	_ =	sdelay $0x3  }
0x34: {  	[smem:$0x3F94] =	sst s10  }
0x35: {  	s10 =	sld [smem:$0x3F93];
	_ =	sdelay $0x3  }
0x36: {  	p1 =	seq.s32 s10, $0x1;
	s10 =	sld [smem:$0x3F94];
	_ =	sdelay $0x3  }
0x37: {  	[smem:$0x3F94] =	sst s10  }
0x38: {  	s10 =	sld [smem:$0x3F95]  }
0x39: {  	_ = 	snop;
	(pc) =	sbr.ind lr, $3  }
0x3a: {  	_ = 	snop  }
0x3b: {  	_ = 	snop  }
0x3c: {  	p2 =	seq.s32 s10, $0x1;
	s10 =	sld [smem:$0x3F94]  }
0x3d: {  	_ =	shalt  }
0x3e: {  	_ =	shalt  }
0x3f: {  	_ =	shalt  }
0x40: {  	_ =	shalt  }
0x41: {  	_ =	shalt  }
0x42: {  	_ =	shalt  }
0x43: {  	_ =	shalt  }
0x44: {  	_ =	shalt  }
0x45: {  	_ =	shalt  }
0x46: {  	_ =	shalt  }
0x47: {  	_ =	shalt  }
0x48: {  	_ =	shalt  }
0x49: {  	_ =	shalt  }
0x4a: {  	_ =	shalt  }
0x4b: {  	_ =	shalt  }
0x4c: {  	_ =	shalt  }
0x4d: {  	_ =	shalt  }
0x4e: {  	_ =	shalt  }
0x4f: {  	_ =	shalt  }
0x50: {  	_ =	shalt  }
0x51: {  	_ =	shalt  }
0x52: {  	_ =	shalt  }
0x53: {  	_ =	shalt  }
0x54: {  	_ =	shalt  }
0x55: {  	_ =	shalt  }
0x56: {  	_ =	shalt  }
0x57: {  	_ =	shalt  }
0x58: {  	_ =	shalt  }
0x59: {  	_ =	shalt  }
0x5a: {  	_ =	shalt  }
0x5b: {  	_ =	shalt  }
0x5c: {  	_ =	shalt  }
0x5d: {  	_ =	shalt  }
0x5e: {  	_ =	shalt  }
0x5f: {  	_ =	shalt  }
0x60: {  	_ =	shalt  }
0x61: {  	_ =	shalt  }
0x62: {  	_ =	shalt  }
0x63: {  	_ =	shalt  }
0x64: {  	_ =	shalt  }
0x65: {  	_ =	shalt  }
0x66: {  	_ =	shalt  }
0x67: {  	_ =	shalt  }
0x68: {  	_ =	shalt  }
0x69: {  	_ =	shalt  }
0x6a: {  	_ =	shalt  }
0x6b: {  	_ =	shalt  }
0x6c: {  	_ =	shalt  }
0x6d: {  	_ =	shalt  }
0x6e: {  	_ =	shalt  }
0x6f: {  	_ =	shalt  }
0x70: {  	_ =	shalt  }
0x71: {  	_ =	shalt  }
0x72: {  	_ =	shalt  }
0x73: {  	_ =	shalt  }
0x74: {  	_ =	shalt  }
0x75: {  	_ =	shalt  }
0x76: {  	_ =	shalt  }
0x77: {  	_ =	shalt  }
0x78: {  	_ =	shalt  }
0x79: {  	_ =	shalt  }
0x7a: {  	_ =	shalt  }
0x7b: {  	_ =	shalt  }
0x7c: {  	_ =	shalt  }
0x7d: {  	_ =	shalt  }
0x7e: {  	_ =	shalt  }
0x7f: {  	_ =	shalt  }
0x80: {  	_ =	shalt  }
0x81: {  	_ =	shalt  }
0x82: {  	_ =	shalt  }
0x83: {  	_ =	shalt  }
0x84: {  	_ =	shalt  }
0x85: {  	_ =	shalt  }
0x86: {  	_ =	shalt  }
0x87: {  	_ =	shalt  }
.Lfunc_end0:
.L_simem_size_0:
called_computation_lowered:
.L_overlay_start_0:
0x88: {  	s2 =	sld [smem:$0x3FD9]  }
0x89: {  	s3 =	sld [smem:$0x3FFE];
	_ =	sdelay $0x1  }
0x8a: {  	s1 =	srdreg.scid  }
0x8b: {  	s0 =	sand.u32 $0x1, s1  }
0x8c: {  	s17 =	sshll.u32 s0, $0xA;
	s2 =	sadd.s32 s3, s2  }
0x8d: {  	s2 =	sadd.s32 s2, s17  }
0x8e: {  	[smem:$0x3FA0] =	sst s2  }
0x8f: {  	_ = 	snop  }
0x90: {  	s2 =	sld [smem:$0x3FD0];
	(tm) =	ssettm $0x1  }
0x91: {  	s18 =	sld [smem:$0x3FFB];
	_ =	sdelay $0x3  }
0x92: {  	_ =	strace s18  }
0x93: {  	s3 =	sld [smem:$0x3FFC];
	_ =	sdelay $0x3  }
0x94: {  	_ =	strace s3  }
0x95: {  	s3 =	sld [smem:$0x3FFD];
	_ =	sdelay $0x3  }
0x96: {  	_ =	strace s3  }
0x97: {  	_ =	strace $0x8FFFFFFF  }
0x98: {  	s19 =	sld [smem:$0x3FDB];
	_ =	sdelay $0x1  }
0x99: {  	s4 =	simm.s32 $_scs_section_size  }
0x9a: {  	s5 =	simm.s32 $_size__tile_overlayer_lowered;
	s6 =	simm.s32 $_tile_overlayer_lowered  }
0x9b: {  	s22 =	simm.s32 $0x1BFF;
	s21 =	sshll.u32 s6, $0x1;
	s3 =	sadd.s32 s4, s19  }
0x9c: {  	s7 =	simm.s32 $0x0;
	s20 =	sshll.u32 s5, $0x1;
	s5 =	sadd.s32 s21, s3  }
0x9d: {  	[timem:s7], [sflag:s22] =	dma.local [hbm:s5], s20  }
0x9e: {  	_ =	swait.ge [sflag:s22], s20  }
0x9f: {  	s4 =	ssub.s32 $0x0, s20;
	[sflag:s22] =	ssyncset.done $0x0  }
0xa0: {  	[sflag:s22] =	ssyncadd.s32 s4;
	_ =	sdelay $0x1  }
0xa1: {  	s23 =	simm.s32 $0x1B8B  }
0xa2: {  	_ =	swait.ge [sflag:s23], $0x1  }
0xa3: {  	[sflag:s23] =	ssyncset.done $0x0  }
0xa4: {  	s25 =	simm.s32 $0x1B8E;
	s24 =	sld [smem:$0x3FFE];
	[sflag:s23] =	ssyncadd.s32 $0xFFFFFFFF  }
0xa5: {  	s26 =	simm.s32 $execute0_lowered;
	[smem:$0x3FD2] =	sst s25  }
0xa6: {  	s5 =	sshll.u32 s26, $0x1;
	_ =	strace $0x80000046;
	[dreg:$0x1] =	wrdreg $0xFFFFFFFF  }
0xa7: {  	s28 =	simm.s32 $_size_execute0_lowered;
	s3 =	sadd.s32 s3, s5;
	[dreg:$0x0] =	wrdreg $0x0  }
0xa8: {  	s5 =	sshll.u32 s28, $0x1;
	[dreg:$0x2] =	wrdreg s3  }
0xa9: {  	[dreg:$0x3] =	wrdreg s5  }
0xaa: {  	[dreg:$0x4] =	wrdreg $0xC0  }
0xab: {  	_ =	task [dreg:s7], $0x5FFFF  }
0xac: {  	[dreg:$0x1] =	wrdreg $0xFFFFFFFF  }
0xad: {  	[dreg:$0x0] =	wrdreg $0x60  }
0xae: {  	[dreg:$0x2] =	wrdreg s24  }
0xaf: {  	[dreg:$0x3] =	wrdreg s2  }
0xb0: {  	[dreg:$0x4] =	wrdreg $0x13DC00  }
0xb1: {  	[dreg:$0x5] =	wrdreg $0x140400  }
0xb2: {  	[dreg:$0x6] =	wrdreg $0x142C00  }
0xb3: {  	[dreg:$0x7] =	wrdreg $0x145400  }
0xb4: {  	[dreg:$0x8] =	wrdreg $0x0  }
0xb5: {  	[dreg:$0x9] =	wrdreg $0x138C00  }
0xb6: {  	[dreg:$0xa] =	wrdreg $0x13B400  }
0xb7: {  	[dreg:$0xb] =	wrdreg $0x9  }
0xb8: {  	_ =	task.clear_ibuf [dreg:s7], $0xCFFFF;
	_ =	strace $0x90000046  }
0xb9: {  	s29 =	simm.s32 $0x9;
	_ =	strace $0x80000048  }
0xba: {  	_ =	swait.ge [sflag:s29], $0x1  }
0xbb: {  	[sflag:s29] =	ssyncadd.s32 $0xFFFFFFFF  }
0xbc: {  	_ =	strace $0x90000048  }
0xbd: {  	_ =	sfence  }
0xbe: {  	s30 =	sld [smem:$0x0];
	_ =	sdelay $0x2  }
0xbf: {  	s31 =	sshll.u32 s1, $0xD;
	s1 =	sshrl.u32 s1, $0x2  }
0xc0: {  	s3 =	sand.u32 $0x4000, s31;
	s1 =	sadd.s32 s1, s30  }
0xc1: {  	s0 =	sor.u32 s3, s0;
	s1 =	sshll.u32 s1, $0x11  }
0xc2: {  	s0 =	sor.u32 s1, s0  }
0xc3: {  	s0 =	sadd.s32 $0x8F2B, s0  }
0xc4: {  	[sflag:s0] =	ssyncadd.remote.s32 $0x1  }
0xc5: {  	_ =	sfence.sel $0xFFFF  }
0xc6: {  	[dreg:$0x0] =	wrdreg $0xFFFFFFFF;
	(pc) =	sbr.abs _section_cstart, $3  }
0xc7: {  	[dreg:$0x1] =	wrdreg $0xFFFFFFFF  }
0xc8: {  	_ =	task.clear_ibuf [dreg:s7], $0x2FFFF;
	_ =	strace $0x9FFFFFFF  }
0xc9: {  	(tm) =	ssettm $0x7FFFFFFF  }
tec
execute0_lowered:
.L_overlay_start_1:
0x0: {  	(tag) =	ssettag $0x1  }
0x1: {  	s17 =	stileid.u32  }
0x2: {  	s2 =	simm.s32 $0x0;
	s1 =	srdreg.scid;
	s4 =	smul.u32 $0x27C0, s17  }
0x3: {  	[smem:$0x7FF] =	sst s2;
	s2 =	smul.u32 $0x280, s17  }
0x4: {  	s6 =	sand.u32 $0x1, s1;
	s20 =	smul.u32 $0x271, s17  }
0x5: {  	s10 =	smul.u32 $0x4F800, s6  }
0x6: {  	s16 =	smul.u32 $0x2800, s6  }
0x7: {  	s7 =	sshllo.u32 s6, $0x1;
	s23 =	smul.u32 $0x2710, s6  }
0x8: {  	s1 =	ssub.s32 $0x2, s6;
	s11 =	sor.u32 $0x2, s6;
	s6 =	smul.u32 $0x5000, s6  }
0x9: {  	s0 =	rddreg [dreg:$0x0];
	s8 =	smul.u32 $0x27C00, s7  }
0xa: {  	s3 =	rddreg [dreg:$0x1];
	s12 =	smul.u32 $0x2800, s11  }
0xb: {  	s5 =	sadd.s32 $0x5600, s0;
	s9 =	sadd.s32 $0x32200, s0;
	s30 =	smul.u32 $0x2710, s11  }
0xc: {  	s28 =	sadd.s32 $0xA600, s0;
	s15 =	sshrl.u32 s1, $0x1;
	s7 =	smul.u32 $0x2800, s7  }
0xd: {  	s1 =	ssub.s32 s1, s15;
	s13 =	sadd.s32 s20, s23;
	s8 =	sadd.s32 s4, s8  }
0xe: {  	s4 =	sadd.s32 s4, s10;
	s19 =	sadd.s32 s2, s12;
	s13 =	sshll.u32 s13, $0x4  }
0xf: {  	s12 =	sadd.s32 $0x7D, s20;
	s4 =	sshrl.u32 s4, $0x3;
	s13 =	sadd.s32 s9, s13  }
0x10: {  	s8 =	sshrl.u32 s8, $0x3;
	s14 =	sadd.s32 s23, s12;
	[dreg:$0xe] =	wrdreg s13  }
0x11: {  	s4 =	sadd.s32 s3, s4;
	s24 =	sshll.u32 s14, $0x4;
	s14 =	rddreg [dreg:$0x2]  }
0x12: {  	s18 =	sadd.s32 s2, s16;
	s3 =	sadd.s32 s3, s8;
	[dreg:$0xa] =	wrdreg s4  }
0x13: {  	s22 =	sshrl.u32 s19, $0x3;
	s8 =	sadd.s32 s20, s30;
	[dreg:$0xb] =	wrdreg s3  }
0x14: {  	s3 =	sshrl.u32 s18, $0x3;
	s4 =	sadd.s32 $0x177, s20;
	s13 =	sadd.s32 s9, s24  }
0x15: {  	s8 =	sshll.u32 s8, $0x4;
	s24 =	smul.u32 $0x5000, s11;
	s21 =	sadd.s32 s5, s3  }
0x16: {  	s3 =	sadd.s32 s5, s22;
	s5 =	sadd.s32 $0x1F4, s20;
	[dreg:$0xf] =	wrdreg s13  }
0x17: {  	s29 =	sadd.s32 s23, s4;
	s8 =	sadd.s32 s9, s8;
	[dreg:$0xd] =	wrdreg s3  }
0x18: {  	s3 =	sadd.s32 $0xFA, s20;
	s13 =	sshll.u32 s29, $0x4;
	s10 =	sadd.s32 s23, s5  }
0x19: {  	[dreg:$0x13] =	wrdreg s8;
	s22 =	sadd.s32 s5, s30;
	s29 =	sadd.s32 s2, s24  }
0x1a: {  	s24 =	rddreg [dreg:$0x8];
	s15 =	sadd.s32 s23, s3;
	s13 =	sadd.s32 s9, s13  }
0x1b: {  	s10 =	sshll.u32 s10, $0x4;
	s23 =	sshll.u32 s22, $0x4;
	s22 =	rddreg [dreg:$0x7]  }
0x1c: {  	s25 =	sshll.u32 s15, $0x4;
	[dreg:$0x11] =	wrdreg s13;
	s10 =	sadd.s32 s9, s10  }
0x1d: {  	s13 =	sadd.s32 s12, s30;
	s26 =	sadd.s32 s9, s25;
	[dreg:$0x12] =	wrdreg s10  }
0x1e: {  	s15 =	sadd.s32 s3, s30;
	s16 =	sshll.u32 s13, $0x4;
	[dreg:$0x10] =	wrdreg s26  }
0x1f: {  	s18 =	sshll.u32 s15, $0x4;
	s8 =	sadd.s32 s9, s16;
	s16 =	rddreg [dreg:$0x3]  }
0x20: {  	s6 =	sadd.s32 s2, s6;
	s19 =	sadd.s32 s9, s18;
	s18 =	rddreg [dreg:$0x4]  }
0x21: {  	s6 =	sshrl.u32 s6, $0x3;
	s7 =	sadd.s32 s2, s7;
	[dreg:$0x14] =	wrdreg s8  }
0x22: {  	s20 =	sadd.s32 s4, s30;
	s25 =	sadd.s32 $0xCE600, s0;
	[dreg:$0x15] =	wrdreg s19  }
0x23: {  	s30 =	smul.u32 $0x4E200, s17;
	s6 =	sadd.s32 s25, s6;
	s19 =	rddreg [dreg:$0x5]  }
0x24: {  	s26 =	sshrl.u32 s7, $0x3;
	s8 =	sshll.u32 s20, $0x4;
	s20 =	rddreg [dreg:$0x6]  }
0x25: {  	s10 =	sshrl.u32 s29, $0x3;
	[dreg:$0x18] =	wrdreg s6;
	s6 =	sadd.s32 s25, s26  }
0x26: {  	s13 =	sshll.u32 s12, $0x7;
	s8 =	sadd.s32 s9, s8;
	[dreg:$0x19] =	wrdreg s6  }
0x27: {  	s15 =	sadd.s32 $0x31800, s0;
	[dreg:$0x16] =	wrdreg s8;
	s8 =	sadd.s32 s9, s23  }
0x28: {  	s0 =	sadd.s32 $0x32000, s0;
	s29 =	sshll.u32 s4, $0x7;
	[dreg:$0x17] =	wrdreg s8  }
0x29: {  	s11 =	sshrl.u32 s30, $0x2;
	_ =	strace $0x80000047;
	[dreg:$0x1b] =	wrdreg s15  }
0x2a: {  	s30 =	sshll.u32 s5, $0x7;
	s23 =	sadd.s32 s11, s20;
	[dreg:$0x1c] =	wrdreg s0  }
0x2b: {  	s9 =	sadd.s32 s25, s10;
	s25 =	sadd.s32 s13, s20;
	[dreg:$0x1d] =	wrdreg s23  }
0x2c: {  	s26 =	sshll.u32 s3, $0x7;
	s3 =	sadd.s32 s29, s20;
	[dreg:$0x1e] =	wrdreg s25  }
0x2d: {  	s4 =	sadd.s32 s30, s20;
	[smem:$0x7ED] =	sst s3  }
0x2e: {  	s5 =	sadd.s32 s2, s14;
	[smem:$0x7EE] =	sst s4  }
0x2f: {  	s6 =	sadd.s32 s2, s16;
	[smem:$0x7EF] =	sst s5  }
0x30: {  	s7 =	sadd.s32 s2, s18;
	[smem:$0x7F0] =	sst s6  }
0x31: {  	s8 =	sadd.s32 s2, s19;
	[smem:$0x7F1] =	sst s7  }
0x32: {  	s10 =	sadd.s32 s2, s22;
	[smem:$0x7F2] =	sst s8  }
0x33: {  	s11 =	sadd.s32 s2, s24;
	[smem:$0x7F3] =	sst s10  }
0x34: {  	s12 =	smax.u32 s1, $0x1;
	[smem:$0x7F4] =	sst s11  }
0x35: {  	s13 =	sadd.s32 $0x2800, s21;
	[smem:$0x7F5] =	sst s12  }
0x36: {  	p0 =	sne.s32 s17, $0x0;
	s17 =	sadd.s32 $0x138800, s20;
	[smem:$0x7F6] =	sst s13  }
0x37: {  	s31 =	simm.s32 $0x1C740;
	s1 =	simm.s32 $0x1FB00;
	[smem:$0x7F8] =	sst s17  }
0x38: {  	s29 =	sadd.s32 $0x4600, s21;
	s30 =	sadd.s32 $0x500, s9;
	[dreg:$0xc] =	wrdreg s21  }
0x39: {  	s2 =	simm.s32 $0x9;
	s0 =	sadd.s32 s26, s20;
	[smem:$0x7FC] =	sst s29  }
0x3a: {  	s15 =	sadd.s32 $0x3200, s21;
	s23 =	sadd.s32 $0x1400, s21;
	[dreg:$0x1a] =	wrdreg s9  }
0x3b: {  	s25 =	sadd.s32 $0x1E00, s21;
	s26 =	sadd.s32 $0x3C00, s21;
	[smem:$0x7FD] =	sst s30  }
0x3c: {  	s7 =	simm.s32 $0xB;
	s9 =	simm.s32 $0x60;
	[dreg:$0x1f] =	wrdreg s0  }
0x3d: {  	s11 =	simm.s32 $0x3;
	s12 =	simm.s32 $0x5;
	[smem:$0x7F7] =	sst s15  }
0x3e: {  	s13 =	simm.s32 $0x1;
	s5 =	simm.s32 $0x4;
	[smem:$0x7F9] =	sst s23  }
0x3f: {  	s4 =	simm.s32 $0x2;
	s3 =	simm.s32 $0x1FAA0;
	[smem:$0x7FA] =	sst s25  }
0x40: {  	s8 =	simm.s32 $0x1FB60;
	s10 =	simm.s32 $0x0;
	[smem:$0x7FB] =	sst s26  }
0x41: {  	s23 =	simm.s32 $0x1FA40;
	s26 =	simm.s32 $0x6;
	s0 =	simm.s32 $0x7  }
.LBB2_1:
0x42: {  	[smem:$0x7E0] =	sst s10  }
0x43: {  	s6 =	simm.s32 $0x0;
	s25 =	rddreg [dreg:$0xa];
	s17 =	simm.s32 $0x147C0  }
0x44: {  	[tilespmem:s17], [sflag:$0xB] =	stream.linear.gather [hbm4b:s25+s6], $0x27C0, $0x38;
	[tilespmem:$0x1FBC0] =	vst v63  }
0x45: {  	_ =	swait.ge [sflag:s7], $0x27C0  }
0x46: {  	[sflag:s7] =	ssyncset.done $0x0  }
0x47: {  	s21 =	simm.s32 $0x16F80;
	s29 =	rddreg [dreg:$0xb];
	[sflag:s7] =	ssyncadd.s32 $0xFFFFD840  }
0x48: {  	[tilespmem:s21], [sflag:$0xB] =	stream.linear.gather [hbm4b:s29+s6], $0x27C0, $0x38;
	[tilespmem:$0x1FBC0] =	vst v63  }
0x49: {  	_ =	swait.ge [sflag:s7], $0x27C0  }
0x4a: {  	s15 =	sld [smem:$0x7EF]  }
0x4b: {  	s10 =	stileid.u32  }
0x4c: {  	s6 =	sshll.u32 s10, $0x6  }
0x4d: {  	[sflag:s7] =	ssyncset.done $0x0;
	s29 =	rddreg [dreg:$0xc];
	s25 =	sshrl.u32 s15, $0x3  }
0x4e: {  	s30 =	sor.u32 $0x1C0B, s6;
	[sflag:s7] =	ssyncadd.s32 $0xFFFFD840;
	[smem:$0x7E1] =	sst s25  }
0x4f: {  	[spmem:s25], [sflag:s30] =	dma.local [hbm:s29], $0x50  }
0x50: {  	_ =	swait.ge [sflag:s7], $0x50  }
0x51: {  	s15 =	sld [smem:$0x7F0];
	_ =	sdelay $0x2  }
0x52: {  	[sflag:s7] =	ssyncset.done $0x0;
	s29 =	rddreg [dreg:$0xd];
	s25 =	sshrl.u32 s15, $0x3  }
0x53: {  	[sflag:s7] =	ssyncadd.s32 $0xFFFFFFB0;
	[smem:$0x7E2] =	sst s25  }
0x54: {  	[spmem:s25], [sflag:s30] =	dma.local [hbm:s29], $0x50  }
0x55: {  	_ =	swait.ge [sflag:s7], $0x50  }
0x56: {  	s10 =	sld [smem:$0x7F1];
	_ =	sdelay $0x1  }
0x57: {  	s25 =	sld [smem:$0x7F6]  }
0x58: {  	[sflag:s7] =	ssyncset.done $0x0;
	s15 =	sshrl.u32 s10, $0x3  }
0x59: {  	[sflag:s7] =	ssyncadd.s32 $0xFFFFFFB0;
	[smem:$0x7E3] =	sst s15  }
0x5a: {  	[spmem:s15], [sflag:s30] =	dma.local [hbm:s25], $0x50  }
0x5b: {  	_ =	swait.ge [sflag:s7], $0x50  }
0x5c: {  	s29 =	sld [smem:$0x7F2];
	_ =	sdelay $0x1  }
0x5d: {  	s15 =	sld [smem:$0x7F7]  }
0x5e: {  	[sflag:s7] =	ssyncset.done $0x0;
	s6 =	sshrl.u32 s29, $0x3  }
0x5f: {  	[sflag:s7] =	ssyncadd.s32 $0xFFFFFFB0;
	[smem:$0x7E4] =	sst s6  }
0x60: {  	[spmem:s6], [sflag:s30] =	dma.local [hbm:s15], $0x50  }
0x61: {  	_ =	swait.ge [sflag:s7], $0x50  }
0x62: {  	s25 =	rddreg [dreg:$0x1d]  }
0x63: {  	[sflag:s7] =	ssyncset.done $0x0;
	s6 =	rddreg [dreg:$0x1b];
	s29 =	sshrl.u32 s25, $0x3  }
0x64: {  	[sflag:s7] =	ssyncadd.s32 $0xFFFFFFB0;
	[smem:$0x7E5] =	sst s29  }
0x65: {  	[spmem:s29], [sflag:s30] =	dma.local [hbm:s6], $0x7D0  }
0x66: {  	_ =	swait.ge [sflag:s7], $0x7D0  }
0x67: {  	s15 =	rddreg [dreg:$0x1e]  }
0x68: {  	[sflag:s7] =	ssyncset.done $0x0;
	s10 =	sshrl.u32 s15, $0x3  }
0x69: {  	[sflag:s7] =	ssyncadd.s32 $0xFFFFF830;
	[smem:$0x7E6] =	sst s10  }
0x6a: {  	[spmem:s10], [sflag:s30] =	dma.local [hbm:s6], $0x7D0  }
0x6b: {  	_ =	swait.ge [sflag:s7], $0x7D0  }
0x6c: {  	s25 =	rddreg [dreg:$0x1f]  }
0x6d: {  	[sflag:s7] =	ssyncset.done $0x0;
	s10 =	sshrl.u32 s25, $0x3  }
0x6e: {  	[sflag:s7] =	ssyncadd.s32 $0xFFFFF830;
	[smem:$0x7E7] =	sst s10  }
0x6f: {  	[spmem:s10], [sflag:s30] =	dma.local [hbm:s6], $0x7D0  }
0x70: {  	_ =	swait.ge [sflag:s7], $0x7D0  }
0x71: {  	s29 =	sld [smem:$0x7ED];
	_ =	sdelay $0x2  }
0x72: {  	[sflag:s7] =	ssyncset.done $0x0;
	s10 =	sshrl.u32 s29, $0x3  }
0x73: {  	[sflag:s7] =	ssyncadd.s32 $0xFFFFF830;
	[smem:$0x7E8] =	sst s10  }
0x74: {  	[spmem:s10], [sflag:s30] =	dma.local [hbm:s6], $0x7D0  }
0x75: {  	_ =	swait.ge [sflag:s7], $0x7D0  }
0x76: {  	s15 =	sld [smem:$0x7EE];
	_ =	sdelay $0x2  }
0x77: {  	[sflag:s7] =	ssyncset.done $0x0;
	s10 =	sshrl.u32 s15, $0x3  }
0x78: {  	[sflag:s7] =	ssyncadd.s32 $0xFFFFF830;
	[smem:$0x7E9] =	sst s10  }
0x79: {  	[spmem:s10], [sflag:s30] =	dma.local [hbm:s6], $0x7D0  }
0x7a: {  	_ =	swait.ge [sflag:s7], $0x7D0  }
0x7b: {  	s25 =	sld [smem:$0x7F3];
	_ =	sdelay $0x2  }
0x7c: {  	[sflag:s7] =	ssyncset.done $0x0;
	s29 =	rddreg [dreg:$0x1c];
	s15 =	sshrl.u32 s25, $0x3  }
0x7d: {  	[sflag:s7] =	ssyncadd.s32 $0xFFFFF830;
	[smem:$0x7EA] =	sst s15  }
0x7e: {  	[spmem:s15], [sflag:s30] =	dma.local [hbm:s29], $0x50  }
0x7f: {  	_ =	swait.ge [sflag:s7], $0x50  }
0x80: {  	s25 =	sld [smem:$0x7F4];
	_ =	sdelay $0x2  }
0x81: {  	[sflag:s7] =	ssyncset.done $0x0;
	s15 =	sshrl.u32 s25, $0x3  }
0x82: {  	[sflag:s7] =	ssyncadd.s32 $0xFFFFFFB0;
	[smem:$0x7EB] =	sst s15  }
0x83: {  	[spmem:s15], [sflag:s30] =	dma.local [hbm:s29], $0x50  }
0x84: {  	_ =	swait.ge [sflag:s7], $0x50  }
0x85: {  	s10 =	sld [smem:$0x7F8];
	_ =	sdelay $0x2  }
0x86: {  	[sflag:s7] =	ssyncset.done $0x0;
	s10 =	sshrl.u32 @!p0 s10, $0x3  }
0x87: {  	[sflag:s7] =	ssyncadd.s32 $0xFFFFFFB0;
	[smem:$0x7EC] =	sst s10  }
0x88: {  	[spmem:s10], [sflag:s30] =	dma.local @!p0 [hbm:s6], $0x80  }
0x89: {  	s6 =	simm.s32 @!p0 $0xB  }
0x8a: {  	_ =	swait.ge @!p0 [sflag:s6], $0x80  }
0x8b: {  	[sflag:s6] =	ssyncset.done @!p0 $0x0  }
0x8c: {  	[sflag:s6] =	ssyncadd.s32 @!p0 $0xFFFFFF80  }
0x8d: {  	s29 =	simm.s32 $0x1F740;
	[bflag:$0x0] =	sbarrier.arrive $0xFFFF  }
0x8e: {  	[tilespmem:s29], [sflag:$0x3] =	stream.indirect.gather [spmem:s14], $0x1, s17, s9, $0xb8;
	[tilespmem:$0x1FBC0] =	vst v63  }
0x8f: {  	s10 =	simm.s32 $0x1F800  }
0x90: {  	[tilespmem:s10], [sflag:$0x3] =	stream.indirect.gather [spmem:s16], $0x1, s17, s9, $0xb8;
	[tilespmem:$0x1FBC0] =	vst v63  }
0x91: {  	s15 =	simm.s32 $0x1F8C0  }
0x92: {  	[tilespmem:s15], [sflag:$0x5] =	stream.indirect.gather [spmem:s18], $0x1, s21, s9, $0xb8;
	[tilespmem:$0x1FBC0] =	vst v63  }
0x93: {  	s25 =	simm.s32 $0x1F980  }
0x94: {  	[tilespmem:s25], [sflag:$0x5] =	stream.indirect.gather [spmem:s19], $0x1, s21, s9, $0xb8;
	[tilespmem:$0x1FBC0] =	vst v63  }
0x95: {  	s6 =	simm.s32 $0x0;
	s29 =	simm.s32 $0x19740  }
0x96: {  	[tilespmem:s29], [sflag:$0x1] =	stream.indirect.gather [hbm4b:s28+s9], $0x80, s17, s9, $0xb8;
	[tilespmem:$0x1FBC0] =	vst v63  }
.LBB2_2:
0x97: {  	_ =	swait.ge [sflag:s11], $0x60  }
0x98: {  	[sflag:s11] =	ssyncset.done $0x0  }
0x99: {  	[sflag:s11] =	ssyncadd.s32 $0xFFFFFFA0  }
0x9a: {  	_ =	swait.ge [sflag:s11], $0x60  }
0x9b: {  	[sflag:s11] =	ssyncset.done $0x0  }
0x9c: {  	[sflag:s11] =	ssyncadd.s32 $0xFFFFFFA0  }
0x9d: {  	_ =	swait.ge [sflag:s12], $0x60  }
0x9e: {  	[sflag:s12] =	ssyncset.done $0x0  }
0x9f: {  	[sflag:s12] =	ssyncadd.s32 $0xFFFFFFA0  }
0xa0: {  	_ =	swait.ge [sflag:s12], $0x60  }
0xa1: {  	[sflag:s12] =	ssyncset.done $0x0  }
0xa2: {  	[sflag:s12] =	ssyncadd.s32 $0xFFFFFFA0  }
0xa3: {  	_ =	swait.ge [sflag:s13], $0x3000  }
0xa4: {  	p1 =	seq.s32 s6, $0x0;
	[sflag:s13] =	ssyncset.done $0x0  }
0xa5: {  	s10 =	simm.s32 @!p1 $0x8;
	[sflag:s13] =	ssyncadd.s32 $0xFFFFD000  }
0xa6: {  	_ =	swait.ge @!p1 [sflag:s10], $0x3000  }
0xa7: {  	[sflag:s10] =	ssyncset.done @!p1 $0x0  }
0xa8: {  	[sflag:s10] =	ssyncadd.s32 @!p1 $0xFFFFD000;
	s10 =	simm.s32 @!p1 $0xA  }
0xa9: {  	_ =	swait.ge @!p1 [sflag:s10], $0x60  }
0xaa: {  	[sflag:s10] =	ssyncset.done @!p1 $0x0  }
0xab: {  	[sflag:s10] =	ssyncadd.s32 @!p1 $0xFFFFFFA0  }
0xac: {  	s15 =	smul.u32 $0xC0, s6;
	_ =	swait.ge @!p1 [sflag:s10], $0x60  }
0xad: {  	[sflag:s10] =	ssyncset.done @!p1 $0x0  }
0xae: {  	s17 =	simm.s32 $0x1F7A0;
	[sflag:s10] =	ssyncadd.s32 @!p1 $0xFFFFFFA0;
	s10 =	sadd.s32 $0x14820, s15  }
0xaf: {  	[tilespmem:s17], [sflag:$0x4] =	stream.indirect.gather [spmem:s14], $0x1, s10, s9, $0xb8;
	[tilespmem:$0x1FBC0] =	vst v63  }
0xb0: {  	s25 =	simm.s32 $0x1F860  }
0xb1: {  	[tilespmem:s25], [sflag:$0x4] =	stream.indirect.gather [spmem:s16], $0x1, s10, s9, $0xb8;
	[tilespmem:$0x1FBC0] =	vst v63  }
0xb2: {  	s21 =	simm.s32 $0x1F920;
	s29 =	sadd.s32 $0x16FE0, s15  }
0xb3: {  	[tilespmem:s21], [sflag:$0x6] =	stream.indirect.gather [spmem:s18], $0x1, s29, s9, $0xb8;
	[tilespmem:$0x1FBC0] =	vst v63  }
0xb4: {  	s25 =	simm.s32 $0x1F9E0  }
0xb5: {  	[tilespmem:s25], [sflag:$0x6] =	stream.indirect.gather [spmem:s19], $0x1, s29, s9, $0xb8;
	[tilespmem:$0x1FBC0] =	vst v63  }
0xb6: {  	_ = 	snop  }
0xb7: {  	[tilespmem:s31], [sflag:$0x2] =	stream.indirect.gather [hbm4b:s28+s9], $0x80, s10, s9, $0xb8;
	[tilespmem:$0x1FBC0] =	vst v63  }
0xb8: {  	v0 =	vld [tilespmem:$0x1F740]  }
0xb9: {  	v1 =	vld [tilespmem:$0x1F8C0]  }
0xba: {  	v2 =	vld [tilespmem:$0x1F800]  }
0xbb: {  	v3 =	vld [tilespmem:$0x1F980]  }
0xbc: {  	v4 =	vld [tilespmem:$0x1F750]  }
0xbd: {  	v5 =	vld [tilespmem:$0x1F8D0]  }
0xbe: {  	v6 =	vld [tilespmem:$0x1F810]  }
0xbf: {  	v8 =	vld [tilespmem:$0x1F8E0];
	v0 =	vadd.f32 v1, v0  }
0xc0: {  	v1 =	vld [tilespmem:$0x1F990];
	v2 =	vadd.f32 v3, v2  }
0xc1: {  	v3 =	vld [tilespmem:$0x1F760];
	v7 =	vmul.f32 $2.000000030e-01, v0  }
0xc2: {  	v10 =	vld [tilespmem:$0x1F820];
	vm0 =	vge.f32 v0, $0.0e+00;
	v9 =	vmul.f32 $2.000000030e-01, v2  }
0xc3: {  	v4 =	vadd.f32 v5, v4;
	v5 =	vld [tilespmem:$0x1F770];
	vm5 =	vge.f32 v2, $0.0e+00;
	v0 =	vsel vm0, v0, v7  }
0xc4: {  	v7 =	vld [tilespmem:$0x1F9A0];
	v2 =	vsel vm5, v2, v9;
	v0 =	vmul.f32 $1.442695020e+00, v0  }
0xc5: {  	v9 =	vld [tilespmem:$0x1F9B0];
	v2 =	vmul.f32 $1.442695020e+00, v2;
	v1 =	vadd.f32 v1, v6  }
0xc6: {  	v6 =	vld [tilespmem:$0x1F8F0];
	v3 =	vadd.f32 v8, v3;
	(erf) = vpow2.f32 v0;
	v0 =	vmul.f32 $2.000000030e-01, v4  }
0xc7: {  	vm6 =	vge.f32 v4, $0.0e+00;
	v8 =	vld [tilespmem:$0x1F830];
	(erf) = vpow2.f32 v2;
	v2 =	vmul.f32 $2.000000030e-01, v1  }
0xc8: {  	v11 =	vld [tilespmem:$0x1F780];
	vm7 =	vge.f32 v1, $0.0e+00;
	v0 =	vsel vm6, v4, v0;
	v4 =	vmul.f32 $2.000000030e-01, v3  }
0xc9: {  	vm8 =	vge.f32 v3, $0.0e+00;
	v0 =	vmul.f32 $1.442695020e+00, v0;
	v1 =	vsel vm7, v1, v2;
	v2 =	vld [tilespmem:$0x1F900]  }
0xca: {  	v1 =	vmul.f32 $1.442695020e+00, v1;
	v3 =	vsel vm8, v3, v4;
	v4 =	vadd.f32 v7, v10;
	v7 =	vld [tilespmem:$0x1F840]  }
0xcb: {  	v10 =	vld [tilespmem:$0x1F850];
	(erf) = vpow2.f32 v0;
	v0 =	vmul.f32 $1.442695020e+00, v3;
	v3 =	vadd.f32 v6, v5  }
0xcc: {  	v5 =	vld [tilespmem:$0x1F9C0];
	v6 =	vadd.f32 v9, v8;
	(erf) = vpow2.f32 v1;
	v1 =	vmul.f32 $2.000000030e-01, v4  }
0xcd: {  	v8 =	vld [tilespmem:$0x1F790];
	vm9 =	vge.f32 v4, $0.0e+00;
	(erf) = vpow2.f32 v0;
	v0 =	vmul.f32 $2.000000030e-01, v3  }
0xce: {  	v9 =	vld [tilespmem:$0x1F910];
	vm10 =	vge.f32 v3, $0.0e+00;
	v1 =	vsel vm9, v4, v1;
	v4 =	vmul.f32 $2.000000030e-01, v6  }
0xcf: {  	vm11 =	vge.f32 v6, $0.0e+00;
	v1 =	vmul.f32 $1.442695020e+00, v1;
	v0 =	vsel vm10, v3, v0;
	v3 =	vld [tilespmem:$0x1F9D0]  }
0xd0: {  	v2 =	vadd.f32 v2, v11;
	v0 =	vmul.f32 $1.442695020e+00, v0;
	v4 =	vsel vm11, v6, v4  }
0xd1: {  	(erf) = vpow2.f32 v1;
	v1 =	vmul.f32 $1.442695020e+00, v4  }
0xd2: {  	v4 =	vadd.f32 v5, v7;
	(erf) = vpow2.f32 v0;
	v0 =	vmul.f32 $2.000000030e-01, v2  }
0xd3: {  	vm12 =	vge.f32 v2, $0.0e+00;
	(erf) = vpow2.f32 v1;
	v1 =	vadd.f32 v9, v8  }
0xd4: {  	v0 =	vsel vm12, v2, v0;
	v2 =	vmul.f32 $2.000000030e-01, v4;
	v3 =	vadd.f32 v3, v10  }
0xd5: {  	vm13 =	vge.f32 v4, $0.0e+00;
	v0 =	vmul.f32 $1.442695020e+00, v0;
	v5 =	vmul.f32 $2.000000030e-01, v1  }
0xd6: {  	vm14 =	vge.f32 v1, $0.0e+00;
	v2 =	vsel vm13, v4, v2;
	v4 =	vmul.f32 $2.000000030e-01, v3  }
0xd7: {  	vm15 =	vge.f32 v3, $0.0e+00;
	v2 =	vmul.f32 $1.442695020e+00, v2;
	v1 =	vsel vm14, v1, v5  }
0xd8: {  	(erf) = vpow2.f32 v0;
	v0 =	vmul.f32 $1.442695020e+00, v1;
	v1 =	vsel vm15, v3, v4  }
0xd9: {  	v1 =	vmul.f32 $1.442695020e+00, v1  }
0xda: {  	v3 =	vpop (erf);
	(erf) = vpow2.f32 v2  }
0xdb: {  	[tilespmem:$0x1FA40] =	vst v3;
	v2 =	vpop (erf);
	(erf) = vpow2.f32 v0  }
0xdc: {  	[tilespmem:$0x1FB00] =	vst v2;
	v0 =	vpop (erf);
	(erf) = vpow2.f32 v1  }
0xdd: {  	v1 =	vpop (erf);
	[tilespmem:$0x1FA50] =	vst v0  }
0xde: {  	v0 =	vpop (erf);
	[tilespmem:$0x1FB10] =	vst v1  }
0xdf: {  	v1 =	vpop (erf);
	[tilespmem:$0x1FA60] =	vst v0  }
0xe0: {  	v0 =	vpop (erf);
	[tilespmem:$0x1FB20] =	vst v1  }
0xe1: {  	v1 =	vpop (erf);
	[tilespmem:$0x1FA70] =	vst v0  }
0xe2: {  	v0 =	vpop (erf);
	[tilespmem:$0x1FB30] =	vst v1  }
0xe3: {  	v1 =	vpop (erf);
	[tilespmem:$0x1FA80] =	vst v0  }
0xe4: {  	v0 =	vpop (erf);
	[tilespmem:$0x1FB40] =	vst v1  }
0xe5: {  	[tilespmem:$0x1FA90] =	vst v0;
	v0 =	vpop (erf)  }
0xe6: {  	s17 =	simm.s32 $0x197C0;
	s21 =	simm.s32 $0x0;
	[tilespmem:$0x1FB50] =	vst v0  }
0xe7: {  	v0 =	vmov s21;
	v10 =	vld [tilespmem:s17+$0xFFFFFFD0]  }
0xe8: {  	v1 =	vand.u32 $0xFFFFFFFE, v0;
	v0 =	vld [tilespmem:s17+$0x60]  }
0xe9: {  	v6 =	vld [tilespmem:s17+$0xFFFFFFB0]  }
0xea: {  	v15 =	vld [tilespmem:s17+$0xFFFFFFF0];
	v4 =	vbroadcast v1, $0x0  }
0xeb: {  	v3 =	vld [tilespmem:s17+$0x30]  }
0xec: {  	v2 =	vld [tilespmem:s17+$0x50]  }
0xed: {  	v11 =	vld [tilespmem:s17+$0xFFFFFF90]  }
0xee: {  	s25 =	simm.s32 $0x1;
	v7 =	vld [tilespmem:s17+$0xFFFFFF80]  }
0xef: {  	v16 =	vmov s25;
	v8 =	vld [tilespmem:s17+$0xFFFFFFC0]  }
0xf0: {  	v5 =	vld.idx.msk [tilespmem:v4+s1+$0x0], $0xffff  }
0xf1: {  	v4 =	vld.idx.msk [tilespmem:v4+s23+$0x0], $0xffff  }
0xf2: {  	v12 =	vld [tilespmem:s17+$0xFFFFFFE0]  }
0xf3: {  	v17 =	vld [tilespmem:s17+$0xFFFFFFA0]  }
0xf4: {  	v9 =	vld.idx.msk [tilespmem:v16+s23+$0x0], $0xffff  }
0xf5: {  	v1 =	vld [tilespmem:s17+$0x40]  }
0xf6: {  	v18 =	vpack.i.f32.bf16 v4, v4;
	v19 =	vpack.i.f32.bf16 v5, v5;
	v5 =	vld [tilespmem:s17+$0x10]  }
0xf7: {  	v4 =	vld [tilespmem:s17+$0x70];
	v13 =	vmul.bf16 v7, v18;
	v14 =	vmul.bf16 v8, v19  }
0xf8: {  	v20 =	vmul.bf16 v6, v18;
	v7 =	vmul.bf16 v12, v19;
	v8 =	vld [tilespmem:s17+$0x20]  }
0xf9: {  	v6 =	vmul.bf16 v17, v18;
	v12 =	vld [tilespmem:s17+$0x0];
	v15 =	vmul.bf16 v15, v19;
	[tilespmem:s17+$0xFFFFFF80] =	vst v13  }
0xfa: {  	s25 =	simm.s32 $0x198C0;
	s21 =	simm.s32 $0x2;
	v13 =	vmul.bf16 v11, v18;
	[tilespmem:s17+$0xFFFFFFB0] =	vst v20;
	v11 =	vmul.bf16 v10, v19;
	v10 =	vld.idx.msk [tilespmem:v16+s1+$0x0], $0xffff  }
.LBB2_3:
0xfb: {  	v16 =	vmov s21;
	v17 =	vld [tilespmem:s25+$0xFFFFFFD0];
	s10 =	sadd.s32 $0x1, s21;
	p1 =	slt.u32 s21, $0x5E;
	s21 =	sadd.s32 $0x2, s21;
	[tilespmem:s17+$0xFFFFFFC0] =	vst v14;
	v9 =	vpack.i.f32.bf16 v9, v9  }
0xfc: {  	v14 =	vand.u32 $0xFFFFFFFE, v16;
	v16 =	vmov s10;
	v18 =	vld [tilespmem:s25+$0x60];
	[tilespmem:s17+$0xFFFFFFF0] =	vst v15;
	v3 =	vmul.bf16 v3, v9  }
0xfd: {  	v5 =	vmul.bf16 v5, v9;
	v14 =	vbroadcast v14, $0x0;
	v15 =	vld [tilespmem:s25+$0xFFFFFFB0];
	[tilespmem:s17+$0xFFFFFF90] =	vst v13  }
0xfe: {  	v8 =	vmul.bf16 v8, v9;
	v19 =	vld [tilespmem:s25+$0xFFFFFFF0];
	v12 =	vmul.bf16 v12, v9;
	[tilespmem:s17+$0x30] =	vst v3  }
0xff: {  	v3 =	vld [tilespmem:s25+$0x30];
	[tilespmem:s17+$0xFFFFFFE0] =	vst v7  }
0x100: {  	v9 =	vpack.i.f32.bf16 v10, v10;
	v7 =	vld [tilespmem:s25+$0x50];
	[tilespmem:s17+$0xFFFFFFD0] =	vst v11  }
0x101: {  	v4 =	vmul.bf16 v4, v9;
	[tilespmem:s17+$0xFFFFFFA0] =	vst v6;
	v6 =	vmul.bf16 v1, v9;
	v1 =	vld [tilespmem:s25+$0x40]  }
0x102: {  	v10 =	vld [tilespmem:s25+$0xFFFFFF90];
	[tilespmem:s17+$0x10] =	vst v5;
	v5 =	vmul.bf16 v2, v9;
	v9 =	vmul.bf16 v0, v9;
	v0 =	vmov v18  }
0x103: {  	v11 =	vld.idx.msk [tilespmem:v14+s1+$0x0], $0xffff;
	[tilespmem:s17+$0x0] =	vst v12  }
0x104: {  	v12 =	vld.idx.msk [tilespmem:v14+s23+$0x0], $0xffff;
	[tilespmem:s17+$0x20] =	vst v8  }
0x105: {  	v8 =	vld [tilespmem:s25+$0xFFFFFF80];
	[tilespmem:s17+$0x40] =	vst v6;
	v2 =	vmov v7  }
0x106: {  	v6 =	vld [tilespmem:s25+$0xFFFFFFC0];
	[tilespmem:s17+$0x70] =	vst v4  }
0x107: {  	v7 =	vld [tilespmem:s25+$0xFFFFFFE0];
	[tilespmem:s17+$0x50] =	vst v5  }
0x108: {  	v18 =	vld [tilespmem:s25+$0xFFFFFFA0];
	[tilespmem:s17+$0x60] =	vst v9;
	s17 =	smov.u32 s25  }
0x109: {  	v9 =	vld.idx.msk [tilespmem:v16+s23+$0x0], $0xffff  }
.Ltmp0:
0x10a: {  	v20 =	vpack.i.f32.bf16 v11, v11;
	v12 =	vpack.i.f32.bf16 v12, v12;
	v5 =	vld [tilespmem:s25+$0x10];
	(pc) =	sbr.rel @p1 .LBB2_3-.Ltmp0, $4  }
0x10b: {  	v11 =	vmul.bf16 v8, v12;
	v14 =	vmul.bf16 v6, v20;
	v4 =	vld [tilespmem:s25+$0x70]  }
0x10c: {  	v15 =	vmul.bf16 v15, v12;
	v7 =	vmul.bf16 v7, v20;
	v8 =	vld [tilespmem:s25+$0x20]  }
0x10d: {  	v13 =	vmul.bf16 v10, v12;
	[tilespmem:s25+$0xFFFFFF80] =	vst v11;
	v6 =	vmul.bf16 v18, v12;
	v12 =	vld [tilespmem:s25+$0x0]  }
0x10e: {  	v11 =	vmul.bf16 v17, v20;
	s25 =	sadd.s32 $0x100, s25;
	[tilespmem:s17+$0xFFFFFFB0] =	vst v15;
	v15 =	vmul.bf16 v19, v20;
	v10 =	vld.idx.msk [tilespmem:v16+s1+$0x0], $0xffff  }
0x10f: {  	[tilespmem:s17+$0xFFFFFFC0] =	vst v14  }
0x110: {  	[tilespmem:s17+$0xFFFFFF90] =	vst v13  }
0x111: {  	[tilespmem:s17+$0xFFFFFFE0] =	vst v7  }
0x112: {  	v9 =	vpack.i.f32.bf16 v9, v9;
	[tilespmem:s17+$0xFFFFFFA0] =	vst v6  }
0x113: {  	[tilespmem:s17+$0xFFFFFFF0] =	vst v15;
	v3 =	vmul.bf16 v3, v9  }
0x114: {  	[tilespmem:s17+$0xFFFFFFD0] =	vst v11;
	v6 =	vmul.bf16 v8, v9  }
0x115: {  	[tilespmem:s17+$0x30] =	vst v3;
	v3 =	vmul.bf16 v5, v9  }
0x116: {  	v5 =	vmul.bf16 v12, v9;
	v7 =	vpack.i.f32.bf16 v10, v10;
	[tilespmem:s17+$0x20] =	vst v6  }
0x117: {  	[tilespmem:s17+$0x10] =	vst v3;
	v1 =	vmul.bf16 v1, v7  }
0x118: {  	[tilespmem:s17+$0x0] =	vst v5;
	v3 =	vmul.bf16 v4, v7  }
0x119: {  	s10 =	smul.u32 $0x300, s6;
	v2 =	vmul.bf16 v2, v7;
	[tilespmem:s17+$0x40] =	vst v1  }
0x11a: {  	v0 =	vmul.bf16 v0, v7;
	[tilespmem:s17+$0x70] =	vst v3  }
0x11b: {  	s10 =	sshra.s32 s10, $0x2;
	[tilespmem:s17+$0x50] =	vst v2  }
0x11c: {  	s25 =	simm.s32 $0x19740;
	s10 =	sadd.s32 $0x16F80, s10;
	[tilespmem:s17+$0x60] =	vst v0  }
0x11d: {  	[spmem:s20] =	stream.indirect.scatter.add.bf16 [tilespmem:s25], [sflag:$0x7], $0x80, s10, s9, $0xb8;
	[tilespmem:$0x1FBC0] =	vst v63  }
0x11e: {  	_ = 	snop  }
0x11f: {  	[spmem:s22] =	stream.indirect.scatter.add.f32 [tilespmem:s23], [sflag:$0x9], $0x1, s10, s9, $0xb8;
	[tilespmem:$0x1FBC0] =	vst v63  }
0x120: {  	_ = 	snop  }
0x121: {  	[spmem:s24] =	stream.indirect.scatter.add.f32 [tilespmem:s1], [sflag:$0x9], $0x1, s10, s9, $0xb8;
	[tilespmem:$0x1FBC0] =	vst v63  }
0x122: {  	_ =	swait.ge [sflag:s5], $0x60  }
0x123: {  	[sflag:s5] =	ssyncset.done $0x0  }
0x124: {  	[sflag:s5] =	ssyncadd.s32 $0xFFFFFFA0  }
0x125: {  	_ =	swait.ge [sflag:s5], $0x60  }
0x126: {  	[sflag:s5] =	ssyncset.done $0x0  }
0x127: {  	[sflag:s5] =	ssyncadd.s32 $0xFFFFFFA0  }
0x128: {  	_ =	swait.ge [sflag:s26], $0x60  }
0x129: {  	[sflag:s26] =	ssyncset.done $0x0  }
0x12a: {  	[sflag:s26] =	ssyncadd.s32 $0xFFFFFFA0  }
0x12b: {  	_ =	swait.ge [sflag:s26], $0x60  }
0x12c: {  	[sflag:s26] =	ssyncset.done $0x0  }
0x12d: {  	[sflag:s26] =	ssyncadd.s32 $0xFFFFFFA0  }
0x12e: {  	_ =	swait.ge [sflag:s4], $0x3000  }
0x12f: {  	[sflag:s4] =	ssyncset.done $0x0  }
0x130: {  	[sflag:s4] =	ssyncadd.s32 $0xFFFFD000  }
0x131: {  	_ =	swait.ge [sflag:s0], $0x3000  }
0x132: {  	[sflag:s0] =	ssyncset.done $0x0  }
0x133: {  	[sflag:s0] =	ssyncadd.s32 $0xFFFFD000  }
0x134: {  	_ =	swait.ge [sflag:s2], $0x60  }
0x135: {  	[sflag:s2] =	ssyncset.done $0x0  }
0x136: {  	[sflag:s2] =	ssyncadd.s32 $0xFFFFFFA0  }
0x137: {  	p1 =	seq.s32 s6, $0x34;
	_ =	swait.ge [sflag:s2], $0x60  }
0x138: {  	s21 =	simm.s32 @!p1 $0x1F740;
	[sflag:s2] =	ssyncset.done $0x0  }
0x139: {  	s17 =	simm.s32 @!p1 $0x60;
	s10 =	sadd.s32 @!p1 $0x14880, s15;
	[sflag:s2] =	ssyncadd.s32 $0xFFFFFFA0  }
0x13a: {  	[tilespmem:s21], [sflag:$0x3] =	stream.indirect.gather @!p1 [spmem:s14], $0x1, s10, s17, $0xb8;
	[tilespmem:$0x1FBC0] =	vst v63  }
0x13b: {  	s21 =	simm.s32 @!p1 $0x1F800  }
0x13c: {  	[tilespmem:s21], [sflag:$0x3] =	stream.indirect.gather @!p1 [spmem:s16], $0x1, s10, s17, $0xb8;
	[tilespmem:$0x1FBC0] =	vst v63  }
0x13d: {  	s15 =	sadd.s32 @!p1 $0x17040, s15;
	s21 =	simm.s32 @!p1 $0x1F8C0  }
0x13e: {  	[tilespmem:s21], [sflag:$0x5] =	stream.indirect.gather @!p1 [spmem:s18], $0x1, s15, s17, $0xb8;
	[tilespmem:$0x1FBC0] =	vst v63  }
0x13f: {  	s21 =	simm.s32 @!p1 $0x1F980  }
0x140: {  	[tilespmem:s21], [sflag:$0x5] =	stream.indirect.gather @!p1 [spmem:s19], $0x1, s15, s17, $0xb8;
	[tilespmem:$0x1FBC0] =	vst v63  }
0x141: {  	s15 =	simm.s32 @!p1 $0x19740  }
0x142: {  	[tilespmem:s15], [sflag:$0x1] =	stream.indirect.gather @!p1 [hbm4b:s28+s17], $0x80, s10, s17, $0xb8;
	[tilespmem:$0x1FBC0] =	vst v63  }
0x143: {  	v0 =	vld [tilespmem:$0x1F7A0]  }
0x144: {  	v1 =	vld [tilespmem:$0x1F920]  }
0x145: {  	v2 =	vld [tilespmem:$0x1F860]  }
0x146: {  	v3 =	vld [tilespmem:$0x1F9E0]  }
0x147: {  	v4 =	vld [tilespmem:$0x1F7B0]  }
0x148: {  	v5 =	vld [tilespmem:$0x1F930]  }
0x149: {  	v6 =	vld [tilespmem:$0x1F870]  }
0x14a: {  	v8 =	vld [tilespmem:$0x1F940];
	v0 =	vadd.f32 v1, v0  }
0x14b: {  	v1 =	vld [tilespmem:$0x1F9F0];
	v2 =	vadd.f32 v3, v2  }
0x14c: {  	v3 =	vld [tilespmem:$0x1F7C0];
	v7 =	vmul.f32 $2.000000030e-01, v0  }
0x14d: {  	v10 =	vld [tilespmem:$0x1F880];
	vm0 =	vge.f32 v0, $0.0e+00;
	v9 =	vmul.f32 $2.000000030e-01, v2  }
0x14e: {  	v4 =	vadd.f32 v5, v4;
	v5 =	vld [tilespmem:$0x1F7D0];
	vm5 =	vge.f32 v2, $0.0e+00;
	v0 =	vsel vm0, v0, v7  }
0x14f: {  	v7 =	vld [tilespmem:$0x1FA00];
	v2 =	vsel vm5, v2, v9;
	v0 =	vmul.f32 $1.442695020e+00, v0  }
0x150: {  	v9 =	vld [tilespmem:$0x1FA10];
	v2 =	vmul.f32 $1.442695020e+00, v2;
	v1 =	vadd.f32 v1, v6  }
0x151: {  	v6 =	vld [tilespmem:$0x1F950];
	v3 =	vadd.f32 v8, v3;
	(erf) = vpow2.f32 v0;
	v0 =	vmul.f32 $2.000000030e-01, v4  }
0x152: {  	vm6 =	vge.f32 v4, $0.0e+00;
	v8 =	vld [tilespmem:$0x1F890];
	(erf) = vpow2.f32 v2;
	v2 =	vmul.f32 $2.000000030e-01, v1  }
0x153: {  	v11 =	vld [tilespmem:$0x1F7E0];
	vm7 =	vge.f32 v1, $0.0e+00;
	v0 =	vsel vm6, v4, v0;
	v4 =	vmul.f32 $2.000000030e-01, v3  }
0x154: {  	vm8 =	vge.f32 v3, $0.0e+00;
	v0 =	vmul.f32 $1.442695020e+00, v0;
	v1 =	vsel vm7, v1, v2;
	v2 =	vld [tilespmem:$0x1F960]  }
0x155: {  	v1 =	vmul.f32 $1.442695020e+00, v1;
	v3 =	vsel vm8, v3, v4;
	v4 =	vadd.f32 v7, v10;
	v7 =	vld [tilespmem:$0x1F8A0]  }
0x156: {  	v10 =	vld [tilespmem:$0x1F8B0];
	(erf) = vpow2.f32 v0;
	v0 =	vmul.f32 $1.442695020e+00, v3;
	v3 =	vadd.f32 v6, v5  }
0x157: {  	v5 =	vld [tilespmem:$0x1FA20];
	v6 =	vadd.f32 v9, v8;
	(erf) = vpow2.f32 v1;
	v1 =	vmul.f32 $2.000000030e-01, v4  }
0x158: {  	v8 =	vld [tilespmem:$0x1F7F0];
	vm9 =	vge.f32 v4, $0.0e+00;
	(erf) = vpow2.f32 v0;
	v0 =	vmul.f32 $2.000000030e-01, v3  }
0x159: {  	v9 =	vld [tilespmem:$0x1F970];
	vm10 =	vge.f32 v3, $0.0e+00;
	v1 =	vsel vm9, v4, v1;
	v4 =	vmul.f32 $2.000000030e-01, v6  }
0x15a: {  	vm11 =	vge.f32 v6, $0.0e+00;
	v1 =	vmul.f32 $1.442695020e+00, v1;
	v0 =	vsel vm10, v3, v0;
	v3 =	vld [tilespmem:$0x1FA30]  }
0x15b: {  	v2 =	vadd.f32 v2, v11;
	v0 =	vmul.f32 $1.442695020e+00, v0;
	v4 =	vsel vm11, v6, v4  }
0x15c: {  	(erf) = vpow2.f32 v1;
	v1 =	vmul.f32 $1.442695020e+00, v4  }
0x15d: {  	v4 =	vadd.f32 v5, v7;
	(erf) = vpow2.f32 v0;
	v0 =	vmul.f32 $2.000000030e-01, v2  }
0x15e: {  	vm12 =	vge.f32 v2, $0.0e+00;
	(erf) = vpow2.f32 v1;
	v1 =	vadd.f32 v9, v8  }
0x15f: {  	v0 =	vsel vm12, v2, v0;
	v2 =	vmul.f32 $2.000000030e-01, v4;
	v3 =	vadd.f32 v3, v10  }
0x160: {  	vm13 =	vge.f32 v4, $0.0e+00;
	v0 =	vmul.f32 $1.442695020e+00, v0;
	v5 =	vmul.f32 $2.000000030e-01, v1  }
0x161: {  	vm14 =	vge.f32 v1, $0.0e+00;
	v2 =	vsel vm13, v4, v2;
	v4 =	vmul.f32 $2.000000030e-01, v3  }
0x162: {  	vm15 =	vge.f32 v3, $0.0e+00;
	v2 =	vmul.f32 $1.442695020e+00, v2;
	v1 =	vsel vm14, v1, v5  }
0x163: {  	(erf) = vpow2.f32 v0;
	v0 =	vmul.f32 $1.442695020e+00, v1;
	v1 =	vsel vm15, v3, v4  }
0x164: {  	v1 =	vmul.f32 $1.442695020e+00, v1  }
0x165: {  	v3 =	vpop (erf);
	(erf) = vpow2.f32 v2  }
0x166: {  	[tilespmem:$0x1FAA0] =	vst v3;
	v2 =	vpop (erf);
	(erf) = vpow2.f32 v0  }
0x167: {  	[tilespmem:$0x1FB60] =	vst v2;
	v0 =	vpop (erf);
	(erf) = vpow2.f32 v1  }
0x168: {  	v1 =	vpop (erf);
	[tilespmem:$0x1FAB0] =	vst v0  }
0x169: {  	v0 =	vpop (erf);
	[tilespmem:$0x1FB70] =	vst v1  }
0x16a: {  	v1 =	vpop (erf);
	[tilespmem:$0x1FAC0] =	vst v0  }
0x16b: {  	v0 =	vpop (erf);
	[tilespmem:$0x1FB80] =	vst v1  }
0x16c: {  	v1 =	vpop (erf);
	[tilespmem:$0x1FAD0] =	vst v0  }
0x16d: {  	v0 =	vpop (erf);
	[tilespmem:$0x1FB90] =	vst v1  }
0x16e: {  	v1 =	vpop (erf);
	[tilespmem:$0x1FAE0] =	vst v0  }
0x16f: {  	v0 =	vpop (erf);
	[tilespmem:$0x1FBA0] =	vst v1  }
0x170: {  	[tilespmem:$0x1FAF0] =	vst v0;
	v0 =	vpop (erf)  }
0x171: {  	s21 =	simm.s32 $0x0;
	s15 =	simm.s32 $0x1C7C0;
	[tilespmem:$0x1FBB0] =	vst v0  }
0x172: {  	v0 =	vmov s21;
	v10 =	vld [tilespmem:s15+$0xFFFFFFD0]  }
0x173: {  	v1 =	vand.u32 $0xFFFFFFFE, v0;
	v0 =	vld [tilespmem:s15+$0x60]  }
0x174: {  	v6 =	vld [tilespmem:s15+$0xFFFFFFB0]  }
0x175: {  	v15 =	vld [tilespmem:s15+$0xFFFFFFF0];
	v4 =	vbroadcast v1, $0x0  }
0x176: {  	v3 =	vld [tilespmem:s15+$0x30]  }
0x177: {  	v2 =	vld [tilespmem:s15+$0x50]  }
0x178: {  	v11 =	vld [tilespmem:s15+$0xFFFFFF90]  }
0x179: {  	s25 =	simm.s32 $0x1;
	v7 =	vld [tilespmem:s15+$0xFFFFFF80]  }
0x17a: {  	v16 =	vmov s25;
	v8 =	vld [tilespmem:s15+$0xFFFFFFC0]  }
0x17b: {  	v5 =	vld.idx.msk [tilespmem:v4+s8+$0x0], $0xffff  }
0x17c: {  	v4 =	vld.idx.msk [tilespmem:v4+s3+$0x0], $0xffff  }
0x17d: {  	v12 =	vld [tilespmem:s15+$0xFFFFFFE0]  }
0x17e: {  	v17 =	vld [tilespmem:s15+$0xFFFFFFA0]  }
0x17f: {  	v9 =	vld.idx.msk [tilespmem:v16+s3+$0x0], $0xffff  }
0x180: {  	v1 =	vld [tilespmem:s15+$0x40]  }
0x181: {  	v18 =	vpack.i.f32.bf16 v4, v4;
	v19 =	vpack.i.f32.bf16 v5, v5;
	v5 =	vld [tilespmem:s15+$0x10]  }
0x182: {  	v4 =	vld [tilespmem:s15+$0x70];
	v13 =	vmul.bf16 v7, v18;
	v14 =	vmul.bf16 v8, v19  }
0x183: {  	v20 =	vmul.bf16 v6, v18;
	v7 =	vmul.bf16 v12, v19;
	v8 =	vld [tilespmem:s15+$0x20]  }
0x184: {  	v6 =	vmul.bf16 v17, v18;
	v12 =	vld [tilespmem:s15+$0x0];
	v15 =	vmul.bf16 v15, v19;
	[tilespmem:s15+$0xFFFFFF80] =	vst v13  }
0x185: {  	s17 =	simm.s32 $0x2;
	s21 =	simm.s32 $0x1C8C0;
	v13 =	vmul.bf16 v11, v18;
	[tilespmem:s15+$0xFFFFFFB0] =	vst v20;
	v11 =	vmul.bf16 v10, v19;
	v10 =	vld.idx.msk [tilespmem:v16+s8+$0x0], $0xffff  }
.LBB2_5:
0x186: {  	v16 =	vmov s17;
	v17 =	vld [tilespmem:s21+$0xFFFFFFD0];
	s10 =	sadd.s32 $0x1, s17;
	p1 =	slt.u32 s17, $0x5E;
	s17 =	sadd.s32 $0x2, s17;
	[tilespmem:s15+$0xFFFFFFC0] =	vst v14;
	v9 =	vpack.i.f32.bf16 v9, v9  }
0x187: {  	v14 =	vand.u32 $0xFFFFFFFE, v16;
	v16 =	vmov s10;
	v18 =	vld [tilespmem:s21+$0x60];
	[tilespmem:s15+$0xFFFFFFF0] =	vst v15;
	v3 =	vmul.bf16 v3, v9  }
0x188: {  	v5 =	vmul.bf16 v5, v9;
	v14 =	vbroadcast v14, $0x0;
	v15 =	vld [tilespmem:s21+$0xFFFFFFB0];
	[tilespmem:s15+$0xFFFFFF90] =	vst v13  }
0x189: {  	v8 =	vmul.bf16 v8, v9;
	v19 =	vld [tilespmem:s21+$0xFFFFFFF0];
	v12 =	vmul.bf16 v12, v9;
	[tilespmem:s15+$0x30] =	vst v3  }
0x18a: {  	v3 =	vld [tilespmem:s21+$0x30];
	[tilespmem:s15+$0xFFFFFFE0] =	vst v7  }
0x18b: {  	v9 =	vpack.i.f32.bf16 v10, v10;
	v7 =	vld [tilespmem:s21+$0x50];
	[tilespmem:s15+$0xFFFFFFD0] =	vst v11  }
0x18c: {  	v4 =	vmul.bf16 v4, v9;
	[tilespmem:s15+$0xFFFFFFA0] =	vst v6;
	v6 =	vmul.bf16 v1, v9;
	v1 =	vld [tilespmem:s21+$0x40]  }
0x18d: {  	v10 =	vld [tilespmem:s21+$0xFFFFFF90];
	[tilespmem:s15+$0x10] =	vst v5;
	v5 =	vmul.bf16 v2, v9;
	v9 =	vmul.bf16 v0, v9;
	v0 =	vmov v18  }
0x18e: {  	v11 =	vld.idx.msk [tilespmem:v14+s8+$0x0], $0xffff;
	[tilespmem:s15+$0x0] =	vst v12  }
0x18f: {  	v12 =	vld.idx.msk [tilespmem:v14+s3+$0x0], $0xffff;
	[tilespmem:s15+$0x20] =	vst v8  }
0x190: {  	v8 =	vld [tilespmem:s21+$0xFFFFFF80];
	[tilespmem:s15+$0x40] =	vst v6;
	v2 =	vmov v7  }
0x191: {  	v6 =	vld [tilespmem:s21+$0xFFFFFFC0];
	[tilespmem:s15+$0x70] =	vst v4  }
0x192: {  	v7 =	vld [tilespmem:s21+$0xFFFFFFE0];
	[tilespmem:s15+$0x50] =	vst v5  }
0x193: {  	v18 =	vld [tilespmem:s21+$0xFFFFFFA0];
	[tilespmem:s15+$0x60] =	vst v9;
	s15 =	smov.u32 s21  }
0x194: {  	v9 =	vld.idx.msk [tilespmem:v16+s3+$0x0], $0xffff  }
.Ltmp1:
0x195: {  	v20 =	vpack.i.f32.bf16 v11, v11;
	v12 =	vpack.i.f32.bf16 v12, v12;
	v5 =	vld [tilespmem:s21+$0x10];
	(pc) =	sbr.rel @p1 .LBB2_5-.Ltmp1, $4  }
0x196: {  	v11 =	vmul.bf16 v8, v12;
	v14 =	vmul.bf16 v6, v20;
	v4 =	vld [tilespmem:s21+$0x70]  }
0x197: {  	v15 =	vmul.bf16 v15, v12;
	v7 =	vmul.bf16 v7, v20;
	v8 =	vld [tilespmem:s21+$0x20]  }
0x198: {  	v13 =	vmul.bf16 v10, v12;
	[tilespmem:s21+$0xFFFFFF80] =	vst v11;
	v6 =	vmul.bf16 v18, v12;
	v12 =	vld [tilespmem:s21+$0x0]  }
0x199: {  	v11 =	vmul.bf16 v17, v20;
	s21 =	sadd.s32 $0x100, s21;
	[tilespmem:s15+$0xFFFFFFB0] =	vst v15;
	v15 =	vmul.bf16 v19, v20;
	v10 =	vld.idx.msk [tilespmem:v16+s8+$0x0], $0xffff  }
0x19a: {  	[tilespmem:s15+$0xFFFFFFC0] =	vst v14  }
0x19b: {  	[tilespmem:s15+$0xFFFFFF90] =	vst v13  }
0x19c: {  	[tilespmem:s15+$0xFFFFFFE0] =	vst v7  }
0x19d: {  	v9 =	vpack.i.f32.bf16 v9, v9;
	[tilespmem:s15+$0xFFFFFFA0] =	vst v6  }
0x19e: {  	[tilespmem:s15+$0xFFFFFFF0] =	vst v15;
	v3 =	vmul.bf16 v3, v9  }
0x19f: {  	v59 =	vmul.bf16 v5, v9;
	[tilespmem:s15+$0xFFFFFFD0] =	vst v11  }
0x1a0: {  	v61 =	vmul.bf16 v8, v9;
	[tilespmem:s15+$0x30] =	vst v3  }
0x1a1: {  	v60 =	vmul.bf16 v12, v9;
	[tilespmem:s15+$0x10] =	vst v59;
	v62 =	vpack.i.f32.bf16 v10, v10  }
0x1a2: {  	[tilespmem:s15+$0x20] =	vst v61;
	v1 =	vmul.bf16 v1, v62  }
0x1a3: {  	[tilespmem:s15+$0x0] =	vst v60;
	v63 =	vmul.bf16 v4, v62  }
0x1a4: {  	v2 =	vmul.bf16 v2, v62;
	[tilespmem:s15+$0x40] =	vst v1  }
0x1a5: {  	v0 =	vmul.bf16 v0, v62;
	[tilespmem:s15+$0x70] =	vst v63  }
0x1a6: {  	s6 =	sadd.s32 $0x1, s6;
	[tilespmem:s15+$0x50] =	vst v2  }
0x1a7: {  	p1 =	sne.s32 s6, $0x35;
	[tilespmem:s15+$0x60] =	vst v0  }
0x1a8: {  	[spmem:s20] =	stream.indirect.scatter.add.bf16 [tilespmem:s31], [sflag:$0x8], $0x80, s29, s9, $0xb8;
	[tilespmem:$0x1FBC0] =	vst v63  }
.Ltmp2:
0x1a9: {  	_ = 	snop;
	(pc) =	sbr.rel @p1 .LBB2_2-.Ltmp2, $4  }
0x1aa: {  	_ = 	snop  }
0x1ab: {  	[spmem:s22] =	stream.indirect.scatter.add.f32 [tilespmem:s3], [sflag:$0xA], $0x1, s29, s9, $0xb8;
	[tilespmem:$0x1FBC0] =	vst v63  }
0x1ac: {  	_ = 	snop  }
0x1ad: {  	[spmem:s24] =	stream.indirect.scatter.add.f32 [tilespmem:s8], [sflag:$0xA], $0x1, s29, s9, $0xb8;
	[tilespmem:$0x1FBC0] =	vst v63  }
0x1ae: {  	s6 =	simm.s32 $0x8  }
0x1af: {  	_ =	swait.ge [sflag:s6], $0x3000  }
0x1b0: {  	[sflag:s6] =	ssyncset.done $0x0  }
0x1b1: {  	s15 =	simm.s32 $0xA;
	[sflag:s6] =	ssyncadd.s32 $0xFFFFD000  }
0x1b2: {  	_ =	swait.ge [sflag:s15], $0x60  }
0x1b3: {  	[sflag:s15] =	ssyncset.done $0x0  }
0x1b4: {  	[sflag:s15] =	ssyncadd.s32 $0xFFFFFFA0  }
0x1b5: {  	_ =	swait.ge [sflag:s15], $0x60  }
0x1b6: {  	[sflag:s15] =	ssyncset.done $0x0  }
0x1b7: {  	[sflag:s15] =	ssyncadd.s32 $0xFFFFFFA0  }
0x1b8: {  	[bflag:$0x0] =	sbarrier.arrive $0xFFFF  }
0x1b9: {  	s21 =	sld [smem:$0x7E5];
	_ =	sdelay $0x1  }
0x1ba: {  	s17 =	rddreg [dreg:$0xe]  }
0x1bb: {  	[hbm:s17], [sflag:s30] =	dma.local [spmem:s21], $0x7D0  }
0x1bc: {  	_ =	swait.ge [sflag:s7], $0x7D0  }
0x1bd: {  	s25 =	sld [smem:$0x7E6]  }
0x1be: {  	[sflag:s7] =	ssyncset.done $0x0  }
0x1bf: {  	s20 =	rddreg [dreg:$0xf];
	[sflag:s7] =	ssyncadd.s32 $0xFFFFF830  }
0x1c0: {  	[hbm:s20], [sflag:s30] =	dma.local [spmem:s25], $0x7D0  }
0x1c1: {  	_ =	swait.ge [sflag:s7], $0x7D0  }
0x1c2: {  	s29 =	sld [smem:$0x7E7]  }
0x1c3: {  	[sflag:s7] =	ssyncset.done $0x0  }
0x1c4: {  	s10 =	rddreg [dreg:$0x10];
	[sflag:s7] =	ssyncadd.s32 $0xFFFFF830  }
0x1c5: {  	[hbm:s10], [sflag:s30] =	dma.local [spmem:s29], $0x7D0  }
0x1c6: {  	_ =	swait.ge [sflag:s7], $0x7D0  }
0x1c7: {  	s17 =	sld [smem:$0x7E8]  }
0x1c8: {  	[sflag:s7] =	ssyncset.done $0x0  }
0x1c9: {  	s20 =	simm.s32 $0xB;
	s15 =	rddreg [dreg:$0x11];
	[sflag:s7] =	ssyncadd.s32 $0xFFFFF830  }
0x1ca: {  	[hbm:s15], [sflag:s30] =	dma.local [spmem:s17], $0x7D0  }
0x1cb: {  	_ =	swait.ge [sflag:s20], $0x7D0  }
0x1cc: {  	s15 =	sld [smem:$0x7E9]  }
0x1cd: {  	[sflag:s20] =	ssyncset.done $0x0  }
0x1ce: {  	s7 =	rddreg [dreg:$0x12];
	[sflag:s20] =	ssyncadd.s32 $0xFFFFF830  }
0x1cf: {  	[hbm:s7], [sflag:s30] =	dma.local [spmem:s15], $0x7D0  }
0x1d0: {  	_ =	swait.ge [sflag:s20], $0x7D0  }
0x1d1: {  	s17 =	sld [smem:$0x7EA]  }
0x1d2: {  	[sflag:s20] =	ssyncset.done $0x0  }
0x1d3: {  	s10 =	rddreg [dreg:$0x18];
	[sflag:s20] =	ssyncadd.s32 $0xFFFFF830  }
0x1d4: {  	[hbm:s10], [sflag:s30] =	dma.local [spmem:s17], $0x50  }
0x1d5: {  	_ =	swait.ge [sflag:s20], $0x50  }
0x1d6: {  	s10 =	sld [smem:$0x7EB]  }
0x1d7: {  	[sflag:s20] =	ssyncset.done $0x0  }
0x1d8: {  	s7 =	rddreg [dreg:$0x19];
	[sflag:s20] =	ssyncadd.s32 $0xFFFFFFB0  }
0x1d9: {  	[hbm:s7], [sflag:s30] =	dma.local [spmem:s10], $0x50  }
0x1da: {  	_ =	swait.ge [sflag:s20], $0x50  }
0x1db: {  	s6 =	simm.s32 $0x0;
	[sflag:s20] =	ssyncset.done $0x0  }
0x1dc: {  	s7 =	simm.s32 $0x147C0;
	s10 =	rddreg [dreg:$0xb];
	[sflag:s20] =	ssyncadd.s32 $0xFFFFFFB0  }
0x1dd: {  	[tilespmem:s7], [sflag:$0xB] =	stream.linear.gather [hbm4b:s10+s6], $0x27C0, $0x38;
	[tilespmem:$0x1FBC0] =	vst v63  }
0x1de: {  	_ =	swait.ge [sflag:s20], $0x27C0  }
0x1df: {  	[sflag:s20] =	ssyncset.done $0x0  }
0x1e0: {  	s7 =	simm.s32 $0x16F80;
	s10 =	rddreg [dreg:$0xa];
	[sflag:s20] =	ssyncadd.s32 $0xFFFFD840  }
0x1e1: {  	[tilespmem:s7], [sflag:$0xB] =	stream.linear.gather [hbm4b:s10+s6], $0x27C0, $0x38;
	[tilespmem:$0x1FBC0] =	vst v63  }
0x1e2: {  	_ =	swait.ge [sflag:s20], $0x27C0  }
0x1e3: {  	s10 =	sld [smem:$0x7F9]  }
0x1e4: {  	s7 =	sld [smem:$0x7E1]  }
0x1e5: {  	[sflag:s20] =	ssyncset.done $0x0  }
0x1e6: {  	[sflag:s20] =	ssyncadd.s32 $0xFFFFD840  }
0x1e7: {  	[spmem:s7], [sflag:s30] =	dma.local [hbm:s10], $0x50  }
0x1e8: {  	_ =	swait.ge [sflag:s20], $0x50  }
0x1e9: {  	s10 =	sld [smem:$0x7FA]  }
0x1ea: {  	s7 =	sld [smem:$0x7E2]  }
0x1eb: {  	[sflag:s20] =	ssyncset.done $0x0  }
0x1ec: {  	[sflag:s20] =	ssyncadd.s32 $0xFFFFFFB0  }
0x1ed: {  	[spmem:s7], [sflag:s30] =	dma.local [hbm:s10], $0x50  }
0x1ee: {  	_ =	swait.ge [sflag:s20], $0x50  }
0x1ef: {  	s10 =	sld [smem:$0x7FB]  }
0x1f0: {  	s7 =	sld [smem:$0x7E3]  }
0x1f1: {  	[sflag:s20] =	ssyncset.done $0x0  }
0x1f2: {  	[sflag:s20] =	ssyncadd.s32 $0xFFFFFFB0  }
0x1f3: {  	[spmem:s7], [sflag:s30] =	dma.local [hbm:s10], $0x50  }
0x1f4: {  	_ =	swait.ge [sflag:s20], $0x50  }
0x1f5: {  	s10 =	sld [smem:$0x7FC]  }
0x1f6: {  	s7 =	sld [smem:$0x7E4]  }
0x1f7: {  	[sflag:s20] =	ssyncset.done $0x0  }
0x1f8: {  	[sflag:s20] =	ssyncadd.s32 $0xFFFFFFB0  }
0x1f9: {  	[spmem:s7], [sflag:s30] =	dma.local [hbm:s10], $0x50  }
0x1fa: {  	_ =	swait.ge [sflag:s20], $0x50  }
0x1fb: {  	[sflag:s20] =	ssyncset.done $0x0  }
0x1fc: {  	s6 =	rddreg [dreg:$0x1b];
	[sflag:s20] =	ssyncadd.s32 $0xFFFFFFB0  }
0x1fd: {  	[spmem:s21], [sflag:s30] =	dma.local [hbm:s6], $0x7D0  }
0x1fe: {  	_ =	swait.ge [sflag:s20], $0x7D0  }
0x1ff: {  	[sflag:s20] =	ssyncset.done $0x0  }
0x200: {  	[sflag:s20] =	ssyncadd.s32 $0xFFFFF830  }
0x201: {  	[spmem:s25], [sflag:s30] =	dma.local [hbm:s6], $0x7D0  }
0x202: {  	_ =	swait.ge [sflag:s20], $0x7D0  }
0x203: {  	[sflag:s20] =	ssyncset.done $0x0  }
0x204: {  	[sflag:s20] =	ssyncadd.s32 $0xFFFFF830  }
0x205: {  	[spmem:s29], [sflag:s30] =	dma.local [hbm:s6], $0x7D0  }
0x206: {  	_ =	swait.ge [sflag:s20], $0x7D0  }
0x207: {  	[sflag:s20] =	ssyncset.done $0x0;
	s10 =	sld [smem:$0x7E8]  }
0x208: {  	[sflag:s20] =	ssyncadd.s32 $0xFFFFF830  }
0x209: {  	s7 =	simm.s32 $0xB;
	s20 =	rddreg [dreg:$0x6]  }
0x20a: {  	[spmem:s10], [sflag:s30] =	dma.local [hbm:s6], $0x7D0  }
0x20b: {  	_ =	swait.ge [sflag:s7], $0x7D0  }
0x20c: {  	[sflag:s7] =	ssyncset.done $0x0  }
0x20d: {  	[sflag:s7] =	ssyncadd.s32 $0xFFFFF830  }
0x20e: {  	[spmem:s15], [sflag:s30] =	dma.local [hbm:s6], $0x7D0  }
0x20f: {  	_ =	swait.ge [sflag:s7], $0x7D0  }
0x210: {  	[sflag:s7] =	ssyncset.done $0x0  }
0x211: {  	s21 =	rddreg [dreg:$0x1c];
	[sflag:s7] =	ssyncadd.s32 $0xFFFFF830  }
0x212: {  	[spmem:s17], [sflag:s30] =	dma.local [hbm:s21], $0x50  }
0x213: {  	_ =	swait.ge [sflag:s7], $0x50  }
0x214: {  	s25 =	sld [smem:$0x7EB]  }
0x215: {  	[sflag:s7] =	ssyncset.done $0x0  }
0x216: {  	[sflag:s7] =	ssyncadd.s32 $0xFFFFFFB0  }
0x217: {  	[spmem:s25], [sflag:s30] =	dma.local [hbm:s21], $0x50  }
0x218: {  	_ =	swait.ge [sflag:s7], $0x50  }
0x219: {  	s10 =	sld [smem:$0x7EC]  }
0x21a: {  	[sflag:s7] =	ssyncset.done $0x0  }
0x21b: {  	[sflag:s7] =	ssyncadd.s32 $0xFFFFFFB0  }
0x21c: {  	[spmem:s10], [sflag:s30] =	dma.local @!p0 [hbm:s6], $0x80  }
0x21d: {  	s6 =	simm.s32 @!p0 $0xB  }
0x21e: {  	_ =	swait.ge @!p0 [sflag:s6], $0x80  }
0x21f: {  	[sflag:s6] =	ssyncset.done @!p0 $0x0  }
0x220: {  	[sflag:s6] =	ssyncadd.s32 @!p0 $0xFFFFFF80  }
0x221: {  	s17 =	simm.s32 $0x1F740;
	s21 =	simm.s32 $0x147C0;
	[bflag:$0x0] =	sbarrier.arrive $0xFFFF  }
0x222: {  	[tilespmem:s17], [sflag:$0x3] =	stream.indirect.gather [spmem:s14], $0x1, s21, s9, $0xb8;
	[tilespmem:$0x1FBC0] =	vst v63  }
0x223: {  	s25 =	simm.s32 $0x1F800  }
0x224: {  	[tilespmem:s25], [sflag:$0x3] =	stream.indirect.gather [spmem:s16], $0x1, s21, s9, $0xb8;
	[tilespmem:$0x1FBC0] =	vst v63  }
0x225: {  	s15 =	simm.s32 $0x1F8C0;
	s17 =	simm.s32 $0x16F80  }
0x226: {  	[tilespmem:s15], [sflag:$0x5] =	stream.indirect.gather [spmem:s18], $0x1, s17, s9, $0xb8;
	[tilespmem:$0x1FBC0] =	vst v63  }
0x227: {  	s21 =	simm.s32 $0x1F980  }
0x228: {  	[tilespmem:s21], [sflag:$0x5] =	stream.indirect.gather [spmem:s19], $0x1, s17, s9, $0xb8;
	[tilespmem:$0x1FBC0] =	vst v63  }
0x229: {  	s29 =	simm.s32 $0x0;
	s10 =	simm.s32 $0x147C0;
	s25 =	simm.s32 $0x19740  }
0x22a: {  	[tilespmem:s25], [sflag:$0x1] =	stream.indirect.gather [hbm4b:s28+s9], $0x80, s10, s9, $0xb8;
	[tilespmem:$0x1FBC0] =	vst v63  }
.LBB2_8:
0x22b: {  	_ =	swait.ge [sflag:s11], $0x60  }
0x22c: {  	[sflag:s11] =	ssyncset.done $0x0  }
0x22d: {  	[sflag:s11] =	ssyncadd.s32 $0xFFFFFFA0  }
0x22e: {  	_ =	swait.ge [sflag:s11], $0x60  }
0x22f: {  	[sflag:s11] =	ssyncset.done $0x0  }
0x230: {  	[sflag:s11] =	ssyncadd.s32 $0xFFFFFFA0  }
0x231: {  	_ =	swait.ge [sflag:s12], $0x60  }
0x232: {  	[sflag:s12] =	ssyncset.done $0x0  }
0x233: {  	[sflag:s12] =	ssyncadd.s32 $0xFFFFFFA0  }
0x234: {  	_ =	swait.ge [sflag:s12], $0x60  }
0x235: {  	[sflag:s12] =	ssyncset.done $0x0  }
0x236: {  	[sflag:s12] =	ssyncadd.s32 $0xFFFFFFA0  }
0x237: {  	_ =	swait.ge [sflag:s13], $0x3000  }
0x238: {  	p1 =	seq.s32 s29, $0x0;
	[sflag:s13] =	ssyncset.done $0x0  }
0x239: {  	s10 =	simm.s32 @!p1 $0x8;
	[sflag:s13] =	ssyncadd.s32 $0xFFFFD000  }
0x23a: {  	_ =	swait.ge @!p1 [sflag:s10], $0x3000  }
0x23b: {  	[sflag:s10] =	ssyncset.done @!p1 $0x0  }
0x23c: {  	[sflag:s10] =	ssyncadd.s32 @!p1 $0xFFFFD000;
	s10 =	simm.s32 @!p1 $0xA  }
0x23d: {  	_ =	swait.ge @!p1 [sflag:s10], $0x60  }
0x23e: {  	[sflag:s10] =	ssyncset.done @!p1 $0x0  }
0x23f: {  	[sflag:s10] =	ssyncadd.s32 @!p1 $0xFFFFFFA0  }
0x240: {  	s17 =	smul.u32 $0xC0, s29;
	_ =	swait.ge @!p1 [sflag:s10], $0x60  }
0x241: {  	[sflag:s10] =	ssyncset.done @!p1 $0x0  }
0x242: {  	s6 =	simm.s32 $0x1F7A0;
	[sflag:s10] =	ssyncadd.s32 @!p1 $0xFFFFFFA0;
	s10 =	sadd.s32 $0x14820, s17  }
0x243: {  	[tilespmem:s6], [sflag:$0x4] =	stream.indirect.gather [spmem:s14], $0x1, s10, s9, $0xb8;
	[tilespmem:$0x1FBC0] =	vst v63  }
0x244: {  	s15 =	simm.s32 $0x1F860  }
0x245: {  	[tilespmem:s15], [sflag:$0x4] =	stream.indirect.gather [spmem:s16], $0x1, s10, s9, $0xb8;
	[tilespmem:$0x1FBC0] =	vst v63  }
0x246: {  	s21 =	simm.s32 $0x1F920;
	s15 =	sadd.s32 $0x16FE0, s17  }
0x247: {  	[tilespmem:s21], [sflag:$0x6] =	stream.indirect.gather [spmem:s18], $0x1, s15, s9, $0xb8;
	[tilespmem:$0x1FBC0] =	vst v63  }
0x248: {  	s25 =	simm.s32 $0x1F9E0  }
0x249: {  	[tilespmem:s25], [sflag:$0x6] =	stream.indirect.gather [spmem:s19], $0x1, s15, s9, $0xb8;
	[tilespmem:$0x1FBC0] =	vst v63  }
0x24a: {  	_ = 	snop  }
0x24b: {  	[tilespmem:s31], [sflag:$0x2] =	stream.indirect.gather [hbm4b:s28+s9], $0x80, s10, s9, $0xb8;
	[tilespmem:$0x1FBC0] =	vst v63  }
0x24c: {  	v0 =	vld [tilespmem:$0x1F740]  }
0x24d: {  	v1 =	vld [tilespmem:$0x1F8C0]  }
0x24e: {  	v2 =	vld [tilespmem:$0x1F800]  }
0x24f: {  	v3 =	vld [tilespmem:$0x1F980]  }
0x250: {  	v4 =	vld [tilespmem:$0x1F750]  }
0x251: {  	v5 =	vld [tilespmem:$0x1F8D0]  }
0x252: {  	v6 =	vld [tilespmem:$0x1F810]  }
0x253: {  	v8 =	vld [tilespmem:$0x1F8E0];
	v0 =	vadd.f32 v1, v0  }
0x254: {  	v1 =	vld [tilespmem:$0x1F990];
	v2 =	vadd.f32 v3, v2  }
0x255: {  	v3 =	vld [tilespmem:$0x1F760];
	v7 =	vmul.f32 $2.000000030e-01, v0  }
0x256: {  	v10 =	vld [tilespmem:$0x1F820];
	vm0 =	vge.f32 v0, $0.0e+00;
	v9 =	vmul.f32 $2.000000030e-01, v2  }
0x257: {  	v4 =	vadd.f32 v5, v4;
	v5 =	vld [tilespmem:$0x1F770];
	vm5 =	vge.f32 v2, $0.0e+00;
	v0 =	vsel vm0, v0, v7  }
0x258: {  	v7 =	vld [tilespmem:$0x1F9A0];
	v2 =	vsel vm5, v2, v9;
	v0 =	vmul.f32 $1.442695020e+00, v0  }
0x259: {  	v9 =	vld [tilespmem:$0x1F9B0];
	v2 =	vmul.f32 $1.442695020e+00, v2;
	v1 =	vadd.f32 v1, v6  }
0x25a: {  	v6 =	vld [tilespmem:$0x1F8F0];
	v3 =	vadd.f32 v8, v3;
	(erf) = vpow2.f32 v0;
	v0 =	vmul.f32 $2.000000030e-01, v4  }
0x25b: {  	vm6 =	vge.f32 v4, $0.0e+00;
	v8 =	vld [tilespmem:$0x1F830];
	(erf) = vpow2.f32 v2;
	v2 =	vmul.f32 $2.000000030e-01, v1  }
0x25c: {  	v11 =	vld [tilespmem:$0x1F780];
	vm7 =	vge.f32 v1, $0.0e+00;
	v0 =	vsel vm6, v4, v0;
	v4 =	vmul.f32 $2.000000030e-01, v3  }
0x25d: {  	vm8 =	vge.f32 v3, $0.0e+00;
	v0 =	vmul.f32 $1.442695020e+00, v0;
	v1 =	vsel vm7, v1, v2;
	v2 =	vld [tilespmem:$0x1F900]  }
0x25e: {  	v1 =	vmul.f32 $1.442695020e+00, v1;
	v3 =	vsel vm8, v3, v4;
	v4 =	vadd.f32 v7, v10;
	v7 =	vld [tilespmem:$0x1F840]  }
0x25f: {  	v10 =	vld [tilespmem:$0x1F850];
	(erf) = vpow2.f32 v0;
	v0 =	vmul.f32 $1.442695020e+00, v3;
	v3 =	vadd.f32 v6, v5  }
0x260: {  	v5 =	vld [tilespmem:$0x1F9C0];
	v6 =	vadd.f32 v9, v8;
	(erf) = vpow2.f32 v1;
	v1 =	vmul.f32 $2.000000030e-01, v4  }
0x261: {  	v8 =	vld [tilespmem:$0x1F790];
	vm9 =	vge.f32 v4, $0.0e+00;
	(erf) = vpow2.f32 v0;
	v0 =	vmul.f32 $2.000000030e-01, v3  }
0x262: {  	v9 =	vld [tilespmem:$0x1F910];
	vm10 =	vge.f32 v3, $0.0e+00;
	v1 =	vsel vm9, v4, v1;
	v4 =	vmul.f32 $2.000000030e-01, v6  }
0x263: {  	vm11 =	vge.f32 v6, $0.0e+00;
	v1 =	vmul.f32 $1.442695020e+00, v1;
	v0 =	vsel vm10, v3, v0;
	v3 =	vld [tilespmem:$0x1F9D0]  }
0x264: {  	v2 =	vadd.f32 v2, v11;
	v0 =	vmul.f32 $1.442695020e+00, v0;
	v4 =	vsel vm11, v6, v4  }
0x265: {  	(erf) = vpow2.f32 v1;
	v1 =	vmul.f32 $1.442695020e+00, v4  }
0x266: {  	v4 =	vadd.f32 v5, v7;
	(erf) = vpow2.f32 v0;
	v0 =	vmul.f32 $2.000000030e-01, v2  }
0x267: {  	vm12 =	vge.f32 v2, $0.0e+00;
	(erf) = vpow2.f32 v1;
	v1 =	vadd.f32 v9, v8  }
0x268: {  	v0 =	vsel vm12, v2, v0;
	v2 =	vmul.f32 $2.000000030e-01, v4;
	v3 =	vadd.f32 v3, v10  }
0x269: {  	vm13 =	vge.f32 v4, $0.0e+00;
	v0 =	vmul.f32 $1.442695020e+00, v0;
	v5 =	vmul.f32 $2.000000030e-01, v1  }
0x26a: {  	vm14 =	vge.f32 v1, $0.0e+00;
	v2 =	vsel vm13, v4, v2;
	v4 =	vmul.f32 $2.000000030e-01, v3  }
0x26b: {  	vm15 =	vge.f32 v3, $0.0e+00;
	v2 =	vmul.f32 $1.442695020e+00, v2;
	v1 =	vsel vm14, v1, v5  }
0x26c: {  	(erf) = vpow2.f32 v0;
	v0 =	vmul.f32 $1.442695020e+00, v1;
	v1 =	vsel vm15, v3, v4  }
0x26d: {  	v1 =	vmul.f32 $1.442695020e+00, v1  }
0x26e: {  	v3 =	vpop (erf);
	(erf) = vpow2.f32 v2  }
0x26f: {  	[tilespmem:$0x1FA40] =	vst v3;
	v2 =	vpop (erf);
	(erf) = vpow2.f32 v0  }
0x270: {  	[tilespmem:$0x1FB00] =	vst v2;
	v0 =	vpop (erf);
	(erf) = vpow2.f32 v1  }
0x271: {  	v1 =	vpop (erf);
	[tilespmem:$0x1FA50] =	vst v0  }
0x272: {  	v0 =	vpop (erf);
	[tilespmem:$0x1FB10] =	vst v1  }
0x273: {  	v1 =	vpop (erf);
	[tilespmem:$0x1FA60] =	vst v0  }
0x274: {  	v0 =	vpop (erf);
	[tilespmem:$0x1FB20] =	vst v1  }
0x275: {  	v1 =	vpop (erf);
	[tilespmem:$0x1FA70] =	vst v0  }
0x276: {  	v0 =	vpop (erf);
	[tilespmem:$0x1FB30] =	vst v1  }
0x277: {  	v1 =	vpop (erf);
	[tilespmem:$0x1FA80] =	vst v0  }
0x278: {  	v0 =	vpop (erf);
	[tilespmem:$0x1FB40] =	vst v1  }
0x279: {  	[tilespmem:$0x1FA90] =	vst v0;
	v0 =	vpop (erf)  }
0x27a: {  	s21 =	simm.s32 $0x197C0;
	s10 =	simm.s32 $0x0;
	[tilespmem:$0x1FB50] =	vst v0  }
0x27b: {  	v0 =	vmov s10;
	v10 =	vld [tilespmem:s21+$0xFFFFFFD0]  }
0x27c: {  	v1 =	vand.u32 $0xFFFFFFFE, v0;
	v0 =	vld [tilespmem:s21+$0x60]  }
0x27d: {  	v6 =	vld [tilespmem:s21+$0xFFFFFFB0]  }
0x27e: {  	v15 =	vld [tilespmem:s21+$0xFFFFFFF0];
	v4 =	vbroadcast v1, $0x0  }
0x27f: {  	v3 =	vld [tilespmem:s21+$0x30]  }
0x280: {  	v2 =	vld [tilespmem:s21+$0x50]  }
0x281: {  	v11 =	vld [tilespmem:s21+$0xFFFFFF90]  }
0x282: {  	s25 =	simm.s32 $0x1;
	v7 =	vld [tilespmem:s21+$0xFFFFFF80]  }
0x283: {  	v16 =	vmov s25;
	v8 =	vld [tilespmem:s21+$0xFFFFFFC0]  }
0x284: {  	v5 =	vld.idx.msk [tilespmem:v4+s1+$0x0], $0xffff  }
0x285: {  	v4 =	vld.idx.msk [tilespmem:v4+s23+$0x0], $0xffff  }
0x286: {  	v12 =	vld [tilespmem:s21+$0xFFFFFFE0]  }
0x287: {  	v17 =	vld [tilespmem:s21+$0xFFFFFFA0]  }
0x288: {  	v9 =	vld.idx.msk [tilespmem:v16+s23+$0x0], $0xffff  }
0x289: {  	v1 =	vld [tilespmem:s21+$0x40]  }
0x28a: {  	v18 =	vpack.i.f32.bf16 v4, v4;
	v19 =	vpack.i.f32.bf16 v5, v5;
	v5 =	vld [tilespmem:s21+$0x10]  }
0x28b: {  	v4 =	vld [tilespmem:s21+$0x70];
	v13 =	vmul.bf16 v7, v18;
	v14 =	vmul.bf16 v8, v19  }
0x28c: {  	v20 =	vmul.bf16 v6, v18;
	v7 =	vmul.bf16 v12, v19;
	v8 =	vld [tilespmem:s21+$0x20]  }
0x28d: {  	v6 =	vmul.bf16 v17, v18;
	v12 =	vld [tilespmem:s21+$0x0];
	v15 =	vmul.bf16 v15, v19;
	[tilespmem:s21+$0xFFFFFF80] =	vst v13  }
0x28e: {  	s25 =	simm.s32 $0x2;
	s10 =	simm.s32 $0x198C0;
	v13 =	vmul.bf16 v11, v18;
	[tilespmem:s21+$0xFFFFFFB0] =	vst v20;
	v11 =	vmul.bf16 v10, v19;
	v10 =	vld.idx.msk [tilespmem:v16+s1+$0x0], $0xffff  }
.LBB2_9:
0x28f: {  	v16 =	vmov s25;
	v17 =	vld [tilespmem:s10+$0xFFFFFFD0];
	s6 =	sadd.s32 $0x1, s25;
	p1 =	slt.u32 s25, $0x5E;
	s25 =	sadd.s32 $0x2, s25;
	[tilespmem:s21+$0xFFFFFFC0] =	vst v14;
	v9 =	vpack.i.f32.bf16 v9, v9  }
0x290: {  	v14 =	vand.u32 $0xFFFFFFFE, v16;
	v16 =	vmov s6;
	v18 =	vld [tilespmem:s10+$0x60];
	[tilespmem:s21+$0xFFFFFFF0] =	vst v15;
	v3 =	vmul.bf16 v3, v9  }
0x291: {  	v5 =	vmul.bf16 v5, v9;
	v14 =	vbroadcast v14, $0x0;
	v15 =	vld [tilespmem:s10+$0xFFFFFFB0];
	[tilespmem:s21+$0xFFFFFF90] =	vst v13  }
0x292: {  	v8 =	vmul.bf16 v8, v9;
	v19 =	vld [tilespmem:s10+$0xFFFFFFF0];
	v12 =	vmul.bf16 v12, v9;
	[tilespmem:s21+$0x30] =	vst v3  }
0x293: {  	v3 =	vld [tilespmem:s10+$0x30];
	[tilespmem:s21+$0xFFFFFFE0] =	vst v7  }
0x294: {  	v9 =	vpack.i.f32.bf16 v10, v10;
	v7 =	vld [tilespmem:s10+$0x50];
	[tilespmem:s21+$0xFFFFFFD0] =	vst v11  }
0x295: {  	v4 =	vmul.bf16 v4, v9;
	[tilespmem:s21+$0xFFFFFFA0] =	vst v6;
	v6 =	vmul.bf16 v1, v9;
	v1 =	vld [tilespmem:s10+$0x40]  }
0x296: {  	v10 =	vld [tilespmem:s10+$0xFFFFFF90];
	[tilespmem:s21+$0x10] =	vst v5;
	v5 =	vmul.bf16 v2, v9;
	v9 =	vmul.bf16 v0, v9;
	v0 =	vmov v18  }
0x297: {  	v11 =	vld.idx.msk [tilespmem:v14+s1+$0x0], $0xffff;
	[tilespmem:s21+$0x0] =	vst v12  }
0x298: {  	v12 =	vld.idx.msk [tilespmem:v14+s23+$0x0], $0xffff;
	[tilespmem:s21+$0x20] =	vst v8  }
0x299: {  	v8 =	vld [tilespmem:s10+$0xFFFFFF80];
	[tilespmem:s21+$0x40] =	vst v6;
	v2 =	vmov v7  }
0x29a: {  	v6 =	vld [tilespmem:s10+$0xFFFFFFC0];
	[tilespmem:s21+$0x70] =	vst v4  }
0x29b: {  	v7 =	vld [tilespmem:s10+$0xFFFFFFE0];
	[tilespmem:s21+$0x50] =	vst v5  }
0x29c: {  	v18 =	vld [tilespmem:s10+$0xFFFFFFA0];
	[tilespmem:s21+$0x60] =	vst v9;
	s21 =	smov.u32 s10  }
0x29d: {  	v9 =	vld.idx.msk [tilespmem:v16+s23+$0x0], $0xffff  }
.Ltmp3:
0x29e: {  	v20 =	vpack.i.f32.bf16 v11, v11;
	v12 =	vpack.i.f32.bf16 v12, v12;
	v5 =	vld [tilespmem:s10+$0x10];
	(pc) =	sbr.rel @p1 .LBB2_9-.Ltmp3, $4  }
0x29f: {  	v11 =	vmul.bf16 v8, v12;
	v14 =	vmul.bf16 v6, v20;
	v4 =	vld [tilespmem:s10+$0x70]  }
0x2a0: {  	v15 =	vmul.bf16 v15, v12;
	v7 =	vmul.bf16 v7, v20;
	v8 =	vld [tilespmem:s10+$0x20]  }
0x2a1: {  	v13 =	vmul.bf16 v10, v12;
	[tilespmem:s10+$0xFFFFFF80] =	vst v11;
	v6 =	vmul.bf16 v18, v12;
	v12 =	vld [tilespmem:s10+$0x0]  }
0x2a2: {  	v11 =	vmul.bf16 v17, v20;
	s10 =	sadd.s32 $0x100, s10;
	[tilespmem:s21+$0xFFFFFFB0] =	vst v15;
	v15 =	vmul.bf16 v19, v20;
	v10 =	vld.idx.msk [tilespmem:v16+s1+$0x0], $0xffff  }
0x2a3: {  	[tilespmem:s21+$0xFFFFFFC0] =	vst v14  }
0x2a4: {  	[tilespmem:s21+$0xFFFFFF90] =	vst v13  }
0x2a5: {  	[tilespmem:s21+$0xFFFFFFE0] =	vst v7  }
0x2a6: {  	v9 =	vpack.i.f32.bf16 v9, v9;
	[tilespmem:s21+$0xFFFFFFA0] =	vst v6  }
0x2a7: {  	[tilespmem:s21+$0xFFFFFFF0] =	vst v15;
	v3 =	vmul.bf16 v3, v9  }
0x2a8: {  	[tilespmem:s21+$0xFFFFFFD0] =	vst v11;
	v6 =	vmul.bf16 v8, v9  }
0x2a9: {  	[tilespmem:s21+$0x30] =	vst v3;
	v3 =	vmul.bf16 v5, v9  }
0x2aa: {  	v5 =	vmul.bf16 v12, v9;
	v7 =	vpack.i.f32.bf16 v10, v10;
	[tilespmem:s21+$0x20] =	vst v6  }
0x2ab: {  	[tilespmem:s21+$0x10] =	vst v3;
	v1 =	vmul.bf16 v1, v7  }
0x2ac: {  	[tilespmem:s21+$0x0] =	vst v5;
	v3 =	vmul.bf16 v4, v7  }
0x2ad: {  	s6 =	smul.u32 $0x300, s29;
	v2 =	vmul.bf16 v2, v7;
	[tilespmem:s21+$0x40] =	vst v1  }
0x2ae: {  	v0 =	vmul.bf16 v0, v7;
	[tilespmem:s21+$0x70] =	vst v3  }
0x2af: {  	s6 =	sshra.s32 s6, $0x2;
	[tilespmem:s21+$0x50] =	vst v2  }
0x2b0: {  	s10 =	simm.s32 $0x19740;
	s6 =	sadd.s32 $0x16F80, s6;
	[tilespmem:s21+$0x60] =	vst v0  }
0x2b1: {  	[spmem:s20] =	stream.indirect.scatter.add.bf16 [tilespmem:s10], [sflag:$0x7], $0x80, s6, s9, $0xb8;
	[tilespmem:$0x1FBC0] =	vst v63  }
0x2b2: {  	_ = 	snop  }
0x2b3: {  	[spmem:s22] =	stream.indirect.scatter.add.f32 [tilespmem:s23], [sflag:$0x9], $0x1, s6, s9, $0xb8;
	[tilespmem:$0x1FBC0] =	vst v63  }
0x2b4: {  	_ = 	snop  }
0x2b5: {  	[spmem:s24] =	stream.indirect.scatter.add.f32 [tilespmem:s1], [sflag:$0x9], $0x1, s6, s9, $0xb8;
	[tilespmem:$0x1FBC0] =	vst v63  }
0x2b6: {  	_ =	swait.ge [sflag:s5], $0x60  }
0x2b7: {  	[sflag:s5] =	ssyncset.done $0x0  }
0x2b8: {  	[sflag:s5] =	ssyncadd.s32 $0xFFFFFFA0  }
0x2b9: {  	_ =	swait.ge [sflag:s5], $0x60  }
0x2ba: {  	[sflag:s5] =	ssyncset.done $0x0  }
0x2bb: {  	[sflag:s5] =	ssyncadd.s32 $0xFFFFFFA0  }
0x2bc: {  	_ =	swait.ge [sflag:s26], $0x60  }
0x2bd: {  	[sflag:s26] =	ssyncset.done $0x0  }
0x2be: {  	[sflag:s26] =	ssyncadd.s32 $0xFFFFFFA0  }
0x2bf: {  	_ =	swait.ge [sflag:s26], $0x60  }
0x2c0: {  	[sflag:s26] =	ssyncset.done $0x0  }
0x2c1: {  	[sflag:s26] =	ssyncadd.s32 $0xFFFFFFA0  }
0x2c2: {  	_ =	swait.ge [sflag:s4], $0x3000  }
0x2c3: {  	[sflag:s4] =	ssyncset.done $0x0  }
0x2c4: {  	[sflag:s4] =	ssyncadd.s32 $0xFFFFD000  }
0x2c5: {  	_ =	swait.ge [sflag:s0], $0x3000  }
0x2c6: {  	[sflag:s0] =	ssyncset.done $0x0  }
0x2c7: {  	[sflag:s0] =	ssyncadd.s32 $0xFFFFD000  }
0x2c8: {  	_ =	swait.ge [sflag:s2], $0x60  }
0x2c9: {  	[sflag:s2] =	ssyncset.done $0x0  }
0x2ca: {  	[sflag:s2] =	ssyncadd.s32 $0xFFFFFFA0  }
0x2cb: {  	p1 =	seq.s32 s29, $0x34;
	_ =	swait.ge [sflag:s2], $0x60  }
0x2cc: {  	s21 =	simm.s32 @!p1 $0x1F740;
	[sflag:s2] =	ssyncset.done $0x0  }
0x2cd: {  	s10 =	simm.s32 @!p1 $0x60;
	s6 =	sadd.s32 @!p1 $0x14880, s17;
	[sflag:s2] =	ssyncadd.s32 $0xFFFFFFA0  }
0x2ce: {  	[tilespmem:s21], [sflag:$0x3] =	stream.indirect.gather @!p1 [spmem:s14], $0x1, s6, s10, $0xb8;
	[tilespmem:$0x1FBC0] =	vst v63  }
0x2cf: {  	s21 =	simm.s32 @!p1 $0x1F800  }
0x2d0: {  	[tilespmem:s21], [sflag:$0x3] =	stream.indirect.gather @!p1 [spmem:s16], $0x1, s6, s10, $0xb8;
	[tilespmem:$0x1FBC0] =	vst v63  }
0x2d1: {  	s17 =	sadd.s32 @!p1 $0x17040, s17;
	s21 =	simm.s32 @!p1 $0x1F8C0  }
0x2d2: {  	[tilespmem:s21], [sflag:$0x5] =	stream.indirect.gather @!p1 [spmem:s18], $0x1, s17, s10, $0xb8;
	[tilespmem:$0x1FBC0] =	vst v63  }
0x2d3: {  	s21 =	simm.s32 @!p1 $0x1F980  }
0x2d4: {  	[tilespmem:s21], [sflag:$0x5] =	stream.indirect.gather @!p1 [spmem:s19], $0x1, s17, s10, $0xb8;
	[tilespmem:$0x1FBC0] =	vst v63  }
0x2d5: {  	s17 =	simm.s32 @!p1 $0x19740  }
0x2d6: {  	[tilespmem:s17], [sflag:$0x1] =	stream.indirect.gather @!p1 [hbm4b:s28+s10], $0x80, s6, s10, $0xb8;
	[tilespmem:$0x1FBC0] =	vst v63  }
0x2d7: {  	v0 =	vld [tilespmem:$0x1F7A0]  }
0x2d8: {  	v1 =	vld [tilespmem:$0x1F920]  }
0x2d9: {  	v2 =	vld [tilespmem:$0x1F860]  }
0x2da: {  	v3 =	vld [tilespmem:$0x1F9E0]  }
0x2db: {  	v4 =	vld [tilespmem:$0x1F7B0]  }
0x2dc: {  	v5 =	vld [tilespmem:$0x1F930]  }
0x2dd: {  	v6 =	vld [tilespmem:$0x1F870]  }
0x2de: {  	v8 =	vld [tilespmem:$0x1F940];
	v0 =	vadd.f32 v1, v0  }
0x2df: {  	v1 =	vld [tilespmem:$0x1F9F0];
	v2 =	vadd.f32 v3, v2  }
0x2e0: {  	v3 =	vld [tilespmem:$0x1F7C0];
	v7 =	vmul.f32 $2.000000030e-01, v0  }
0x2e1: {  	v10 =	vld [tilespmem:$0x1F880];
	vm0 =	vge.f32 v0, $0.0e+00;
	v9 =	vmul.f32 $2.000000030e-01, v2  }
0x2e2: {  	v4 =	vadd.f32 v5, v4;
	v5 =	vld [tilespmem:$0x1F7D0];
	vm5 =	vge.f32 v2, $0.0e+00;
	v0 =	vsel vm0, v0, v7  }
0x2e3: {  	v7 =	vld [tilespmem:$0x1FA00];
	v2 =	vsel vm5, v2, v9;
	v0 =	vmul.f32 $1.442695020e+00, v0  }
0x2e4: {  	v9 =	vld [tilespmem:$0x1FA10];
	v2 =	vmul.f32 $1.442695020e+00, v2;
	v1 =	vadd.f32 v1, v6  }
0x2e5: {  	v6 =	vld [tilespmem:$0x1F950];
	v3 =	vadd.f32 v8, v3;
	(erf) = vpow2.f32 v0;
	v0 =	vmul.f32 $2.000000030e-01, v4  }
0x2e6: {  	vm6 =	vge.f32 v4, $0.0e+00;
	v8 =	vld [tilespmem:$0x1F890];
	(erf) = vpow2.f32 v2;
	v2 =	vmul.f32 $2.000000030e-01, v1  }
0x2e7: {  	v11 =	vld [tilespmem:$0x1F7E0];
	vm7 =	vge.f32 v1, $0.0e+00;
	v0 =	vsel vm6, v4, v0;
	v4 =	vmul.f32 $2.000000030e-01, v3  }
0x2e8: {  	vm8 =	vge.f32 v3, $0.0e+00;
	v0 =	vmul.f32 $1.442695020e+00, v0;
	v1 =	vsel vm7, v1, v2;
	v2 =	vld [tilespmem:$0x1F960]  }
0x2e9: {  	v1 =	vmul.f32 $1.442695020e+00, v1;
	v3 =	vsel vm8, v3, v4;
	v4 =	vadd.f32 v7, v10;
	v7 =	vld [tilespmem:$0x1F8A0]  }
0x2ea: {  	v10 =	vld [tilespmem:$0x1F8B0];
	(erf) = vpow2.f32 v0;
	v0 =	vmul.f32 $1.442695020e+00, v3;
	v3 =	vadd.f32 v6, v5  }
0x2eb: {  	v5 =	vld [tilespmem:$0x1FA20];
	v6 =	vadd.f32 v9, v8;
	(erf) = vpow2.f32 v1;
	v1 =	vmul.f32 $2.000000030e-01, v4  }
0x2ec: {  	v8 =	vld [tilespmem:$0x1F7F0];
	vm9 =	vge.f32 v4, $0.0e+00;
	(erf) = vpow2.f32 v0;
	v0 =	vmul.f32 $2.000000030e-01, v3  }
0x2ed: {  	v9 =	vld [tilespmem:$0x1F970];
	vm10 =	vge.f32 v3, $0.0e+00;
	v1 =	vsel vm9, v4, v1;
	v4 =	vmul.f32 $2.000000030e-01, v6  }
0x2ee: {  	vm11 =	vge.f32 v6, $0.0e+00;
	v1 =	vmul.f32 $1.442695020e+00, v1;
	v0 =	vsel vm10, v3, v0;
	v3 =	vld [tilespmem:$0x1FA30]  }
0x2ef: {  	v2 =	vadd.f32 v2, v11;
	v0 =	vmul.f32 $1.442695020e+00, v0;
	v4 =	vsel vm11, v6, v4  }
0x2f0: {  	(erf) = vpow2.f32 v1;
	v1 =	vmul.f32 $1.442695020e+00, v4  }
0x2f1: {  	v4 =	vadd.f32 v5, v7;
	(erf) = vpow2.f32 v0;
	v0 =	vmul.f32 $2.000000030e-01, v2  }
0x2f2: {  	vm12 =	vge.f32 v2, $0.0e+00;
	(erf) = vpow2.f32 v1;
	v1 =	vadd.f32 v9, v8  }
0x2f3: {  	v0 =	vsel vm12, v2, v0;
	v2 =	vmul.f32 $2.000000030e-01, v4;
	v3 =	vadd.f32 v3, v10  }
0x2f4: {  	vm13 =	vge.f32 v4, $0.0e+00;
	v0 =	vmul.f32 $1.442695020e+00, v0;
	v5 =	vmul.f32 $2.000000030e-01, v1  }
0x2f5: {  	vm14 =	vge.f32 v1, $0.0e+00;
	v2 =	vsel vm13, v4, v2;
	v4 =	vmul.f32 $2.000000030e-01, v3  }
0x2f6: {  	vm15 =	vge.f32 v3, $0.0e+00;
	v2 =	vmul.f32 $1.442695020e+00, v2;
	v1 =	vsel vm14, v1, v5  }
0x2f7: {  	(erf) = vpow2.f32 v0;
	v0 =	vmul.f32 $1.442695020e+00, v1;
	v1 =	vsel vm15, v3, v4  }
0x2f8: {  	v1 =	vmul.f32 $1.442695020e+00, v1  }
0x2f9: {  	v3 =	vpop (erf);
	(erf) = vpow2.f32 v2  }
0x2fa: {  	[tilespmem:$0x1FAA0] =	vst v3;
	v2 =	vpop (erf);
	(erf) = vpow2.f32 v0  }
0x2fb: {  	[tilespmem:$0x1FB60] =	vst v2;
	v0 =	vpop (erf);
	(erf) = vpow2.f32 v1  }
0x2fc: {  	v1 =	vpop (erf);
	[tilespmem:$0x1FAB0] =	vst v0  }
0x2fd: {  	v0 =	vpop (erf);
	[tilespmem:$0x1FB70] =	vst v1  }
0x2fe: {  	v1 =	vpop (erf);
	[tilespmem:$0x1FAC0] =	vst v0  }
0x2ff: {  	v0 =	vpop (erf);
	[tilespmem:$0x1FB80] =	vst v1  }
0x300: {  	v1 =	vpop (erf);
	[tilespmem:$0x1FAD0] =	vst v0  }
0x301: {  	v0 =	vpop (erf);
	[tilespmem:$0x1FB90] =	vst v1  }
0x302: {  	v1 =	vpop (erf);
	[tilespmem:$0x1FAE0] =	vst v0  }
0x303: {  	v0 =	vpop (erf);
	[tilespmem:$0x1FBA0] =	vst v1  }
0x304: {  	[tilespmem:$0x1FAF0] =	vst v0;
	v0 =	vpop (erf)  }
0x305: {  	s21 =	simm.s32 $0x0;
	s17 =	simm.s32 $0x1C7C0;
	[tilespmem:$0x1FBB0] =	vst v0  }
0x306: {  	v0 =	vmov s21;
	v10 =	vld [tilespmem:s17+$0xFFFFFFD0]  }
0x307: {  	v1 =	vand.u32 $0xFFFFFFFE, v0;
	v0 =	vld [tilespmem:s17+$0x60]  }
0x308: {  	v6 =	vld [tilespmem:s17+$0xFFFFFFB0]  }
0x309: {  	v15 =	vld [tilespmem:s17+$0xFFFFFFF0];
	v4 =	vbroadcast v1, $0x0  }
0x30a: {  	v3 =	vld [tilespmem:s17+$0x30]  }
0x30b: {  	v2 =	vld [tilespmem:s17+$0x50]  }
0x30c: {  	v11 =	vld [tilespmem:s17+$0xFFFFFF90]  }
0x30d: {  	s25 =	simm.s32 $0x1;
	v7 =	vld [tilespmem:s17+$0xFFFFFF80]  }
0x30e: {  	v16 =	vmov s25;
	v8 =	vld [tilespmem:s17+$0xFFFFFFC0]  }
0x30f: {  	v5 =	vld.idx.msk [tilespmem:v4+s8+$0x0], $0xffff  }
0x310: {  	v4 =	vld.idx.msk [tilespmem:v4+s3+$0x0], $0xffff  }
0x311: {  	v12 =	vld [tilespmem:s17+$0xFFFFFFE0]  }
0x312: {  	v17 =	vld [tilespmem:s17+$0xFFFFFFA0]  }
0x313: {  	v9 =	vld.idx.msk [tilespmem:v16+s3+$0x0], $0xffff  }
0x314: {  	v1 =	vld [tilespmem:s17+$0x40]  }
0x315: {  	v18 =	vpack.i.f32.bf16 v4, v4;
	v19 =	vpack.i.f32.bf16 v5, v5;
	v5 =	vld [tilespmem:s17+$0x10]  }
0x316: {  	v4 =	vld [tilespmem:s17+$0x70];
	v13 =	vmul.bf16 v7, v18;
	v14 =	vmul.bf16 v8, v19  }
0x317: {  	v20 =	vmul.bf16 v6, v18;
	v7 =	vmul.bf16 v12, v19;
	v8 =	vld [tilespmem:s17+$0x20]  }
0x318: {  	v6 =	vmul.bf16 v17, v18;
	v12 =	vld [tilespmem:s17+$0x0];
	v15 =	vmul.bf16 v15, v19;
	[tilespmem:s17+$0xFFFFFF80] =	vst v13  }
0x319: {  	s10 =	simm.s32 $0x1C8C0;
	s21 =	simm.s32 $0x2;
	v13 =	vmul.bf16 v11, v18;
	[tilespmem:s17+$0xFFFFFFB0] =	vst v20;
	v11 =	vmul.bf16 v10, v19;
	v10 =	vld.idx.msk [tilespmem:v16+s8+$0x0], $0xffff  }
.LBB2_11:
0x31a: {  	v16 =	vmov s21;
	v17 =	vld [tilespmem:s10+$0xFFFFFFD0];
	s6 =	sadd.s32 $0x1, s21;
	p1 =	slt.u32 s21, $0x5E;
	s21 =	sadd.s32 $0x2, s21;
	[tilespmem:s17+$0xFFFFFFC0] =	vst v14;
	v9 =	vpack.i.f32.bf16 v9, v9  }
0x31b: {  	v14 =	vand.u32 $0xFFFFFFFE, v16;
	v16 =	vmov s6;
	v18 =	vld [tilespmem:s10+$0x60];
	[tilespmem:s17+$0xFFFFFFF0] =	vst v15;
	v3 =	vmul.bf16 v3, v9  }
0x31c: {  	v5 =	vmul.bf16 v5, v9;
	v14 =	vbroadcast v14, $0x0;
	v15 =	vld [tilespmem:s10+$0xFFFFFFB0];
	[tilespmem:s17+$0xFFFFFF90] =	vst v13  }
0x31d: {  	v8 =	vmul.bf16 v8, v9;
	v19 =	vld [tilespmem:s10+$0xFFFFFFF0];
	v12 =	vmul.bf16 v12, v9;
	[tilespmem:s17+$0x30] =	vst v3  }
0x31e: {  	v3 =	vld [tilespmem:s10+$0x30];
	[tilespmem:s17+$0xFFFFFFE0] =	vst v7  }
0x31f: {  	v9 =	vpack.i.f32.bf16 v10, v10;
	v7 =	vld [tilespmem:s10+$0x50];
	[tilespmem:s17+$0xFFFFFFD0] =	vst v11  }
0x320: {  	v4 =	vmul.bf16 v4, v9;
	[tilespmem:s17+$0xFFFFFFA0] =	vst v6;
	v6 =	vmul.bf16 v1, v9;
	v1 =	vld [tilespmem:s10+$0x40]  }
0x321: {  	v10 =	vld [tilespmem:s10+$0xFFFFFF90];
	[tilespmem:s17+$0x10] =	vst v5;
	v5 =	vmul.bf16 v2, v9;
	v9 =	vmul.bf16 v0, v9;
	v0 =	vmov v18  }
0x322: {  	v11 =	vld.idx.msk [tilespmem:v14+s8+$0x0], $0xffff;
	[tilespmem:s17+$0x0] =	vst v12  }
0x323: {  	v12 =	vld.idx.msk [tilespmem:v14+s3+$0x0], $0xffff;
	[tilespmem:s17+$0x20] =	vst v8  }
0x324: {  	v8 =	vld [tilespmem:s10+$0xFFFFFF80];
	[tilespmem:s17+$0x40] =	vst v6;
	v2 =	vmov v7  }
0x325: {  	v6 =	vld [tilespmem:s10+$0xFFFFFFC0];
	[tilespmem:s17+$0x70] =	vst v4  }
0x326: {  	v7 =	vld [tilespmem:s10+$0xFFFFFFE0];
	[tilespmem:s17+$0x50] =	vst v5  }
0x327: {  	v18 =	vld [tilespmem:s10+$0xFFFFFFA0];
	[tilespmem:s17+$0x60] =	vst v9;
	s17 =	smov.u32 s10  }
0x328: {  	v9 =	vld.idx.msk [tilespmem:v16+s3+$0x0], $0xffff  }
.Ltmp4:
0x329: {  	v20 =	vpack.i.f32.bf16 v11, v11;
	v12 =	vpack.i.f32.bf16 v12, v12;
	v5 =	vld [tilespmem:s10+$0x10];
	(pc) =	sbr.rel @p1 .LBB2_11-.Ltmp4, $4  }
0x32a: {  	v11 =	vmul.bf16 v8, v12;
	v14 =	vmul.bf16 v6, v20;
	v4 =	vld [tilespmem:s10+$0x70]  }
0x32b: {  	v15 =	vmul.bf16 v15, v12;
	v7 =	vmul.bf16 v7, v20;
	v8 =	vld [tilespmem:s10+$0x20]  }
0x32c: {  	v13 =	vmul.bf16 v10, v12;
	[tilespmem:s10+$0xFFFFFF80] =	vst v11;
	v6 =	vmul.bf16 v18, v12;
	v12 =	vld [tilespmem:s10+$0x0]  }
0x32d: {  	v11 =	vmul.bf16 v17, v20;
	s10 =	sadd.s32 $0x100, s10;
	[tilespmem:s17+$0xFFFFFFB0] =	vst v15;
	v15 =	vmul.bf16 v19, v20;
	v10 =	vld.idx.msk [tilespmem:v16+s8+$0x0], $0xffff  }
0x32e: {  	[tilespmem:s17+$0xFFFFFFC0] =	vst v14  }
0x32f: {  	[tilespmem:s17+$0xFFFFFF90] =	vst v13  }
0x330: {  	[tilespmem:s17+$0xFFFFFFE0] =	vst v7  }
0x331: {  	v9 =	vpack.i.f32.bf16 v9, v9;
	[tilespmem:s17+$0xFFFFFFA0] =	vst v6  }
0x332: {  	[tilespmem:s17+$0xFFFFFFF0] =	vst v15;
	v3 =	vmul.bf16 v3, v9  }
0x333: {  	v59 =	vmul.bf16 v5, v9;
	[tilespmem:s17+$0xFFFFFFD0] =	vst v11  }
0x334: {  	v61 =	vmul.bf16 v8, v9;
	[tilespmem:s17+$0x30] =	vst v3  }
0x335: {  	v60 =	vmul.bf16 v12, v9;
	[tilespmem:s17+$0x10] =	vst v59;
	v62 =	vpack.i.f32.bf16 v10, v10  }
0x336: {  	[tilespmem:s17+$0x20] =	vst v61;
	v1 =	vmul.bf16 v1, v62  }
0x337: {  	[tilespmem:s17+$0x0] =	vst v60;
	v63 =	vmul.bf16 v4, v62  }
0x338: {  	v2 =	vmul.bf16 v2, v62;
	[tilespmem:s17+$0x40] =	vst v1  }
0x339: {  	v0 =	vmul.bf16 v0, v62;
	[tilespmem:s17+$0x70] =	vst v63  }
0x33a: {  	s29 =	sadd.s32 $0x1, s29;
	[tilespmem:s17+$0x50] =	vst v2  }
0x33b: {  	p1 =	sne.s32 s29, $0x35;
	[tilespmem:s17+$0x60] =	vst v0  }
0x33c: {  	[spmem:s20] =	stream.indirect.scatter.add.bf16 [tilespmem:s31], [sflag:$0x8], $0x80, s15, s9, $0xb8;
	[tilespmem:$0x1FBC0] =	vst v63  }
.Ltmp5:
0x33d: {  	_ = 	snop;
	(pc) =	sbr.rel @p1 .LBB2_8-.Ltmp5, $4  }
0x33e: {  	_ = 	snop  }
0x33f: {  	[spmem:s22] =	stream.indirect.scatter.add.f32 [tilespmem:s3], [sflag:$0xA], $0x1, s15, s9, $0xb8;
	[tilespmem:$0x1FBC0] =	vst v63  }
0x340: {  	_ = 	snop  }
0x341: {  	[spmem:s24] =	stream.indirect.scatter.add.f32 [tilespmem:s8], [sflag:$0xA], $0x1, s15, s9, $0xb8;
	[tilespmem:$0x1FBC0] =	vst v63  }
0x342: {  	s6 =	simm.s32 $0x8  }
0x343: {  	_ =	swait.ge [sflag:s6], $0x3000  }
0x344: {  	[sflag:s6] =	ssyncset.done $0x0  }
0x345: {  	s17 =	simm.s32 $0xA;
	[sflag:s6] =	ssyncadd.s32 $0xFFFFD000  }
0x346: {  	_ =	swait.ge [sflag:s17], $0x60  }
0x347: {  	[sflag:s17] =	ssyncset.done $0x0  }
0x348: {  	[sflag:s17] =	ssyncadd.s32 $0xFFFFFFA0  }
0x349: {  	_ =	swait.ge [sflag:s17], $0x60  }
0x34a: {  	[sflag:s17] =	ssyncset.done $0x0  }
0x34b: {  	[sflag:s17] =	ssyncadd.s32 $0xFFFFFFA0  }
0x34c: {  	[bflag:$0x0] =	sbarrier.arrive $0xFFFF  }
0x34d: {  	s10 =	sld [smem:$0x7E5];
	_ =	sdelay $0x1  }
0x34e: {  	s21 =	rddreg [dreg:$0x13]  }
0x34f: {  	[hbm:s21], [sflag:s30] =	dma.local [spmem:s10], $0x7D0  }
0x350: {  	_ =	swait.ge [sflag:s7], $0x7D0  }
0x351: {  	s29 =	sld [smem:$0x7E6]  }
0x352: {  	[sflag:s7] =	ssyncset.done $0x0  }
0x353: {  	s25 =	rddreg [dreg:$0x14];
	[sflag:s7] =	ssyncadd.s32 $0xFFFFF830  }
0x354: {  	[hbm:s25], [sflag:s30] =	dma.local [spmem:s29], $0x7D0  }
0x355: {  	_ =	swait.ge [sflag:s7], $0x7D0  }
0x356: {  	s15 =	sld [smem:$0x7E7]  }
0x357: {  	[sflag:s7] =	ssyncset.done $0x0  }
0x358: {  	s10 =	rddreg [dreg:$0x15];
	[sflag:s7] =	ssyncadd.s32 $0xFFFFF830  }
0x359: {  	[hbm:s10], [sflag:s30] =	dma.local [spmem:s15], $0x7D0  }
0x35a: {  	_ =	swait.ge [sflag:s7], $0x7D0  }
0x35b: {  	s21 =	sld [smem:$0x7E8]  }
0x35c: {  	[sflag:s7] =	ssyncset.done $0x0  }
0x35d: {  	s17 =	rddreg [dreg:$0x16];
	[sflag:s7] =	ssyncadd.s32 $0xFFFFF830  }
0x35e: {  	[hbm:s17], [sflag:s30] =	dma.local [spmem:s21], $0x7D0  }
0x35f: {  	_ =	swait.ge [sflag:s7], $0x7D0  }
0x360: {  	s29 =	sld [smem:$0x7E9]  }
0x361: {  	[sflag:s7] =	ssyncset.done $0x0  }
0x362: {  	s25 =	rddreg [dreg:$0x17];
	[sflag:s7] =	ssyncadd.s32 $0xFFFFF830  }
0x363: {  	[hbm:s25], [sflag:s30] =	dma.local [spmem:s29], $0x7D0  }
0x364: {  	_ =	swait.ge [sflag:s7], $0x7D0  }
0x365: {  	s17 =	sld [smem:$0x7EA]  }
0x366: {  	[sflag:s7] =	ssyncset.done $0x0  }
0x367: {  	s15 =	rddreg [dreg:$0x1a];
	[sflag:s7] =	ssyncadd.s32 $0xFFFFF830  }
0x368: {  	[hbm:s15], [sflag:s30] =	dma.local [spmem:s17], $0x50  }
0x369: {  	_ =	swait.ge [sflag:s7], $0x50  }
0x36a: {  	s21 =	sld [smem:$0x7FD]  }
0x36b: {  	s25 =	sld [smem:$0x7EB]  }
0x36c: {  	[sflag:s7] =	ssyncset.done $0x0  }
0x36d: {  	[sflag:s7] =	ssyncadd.s32 $0xFFFFFFB0  }
0x36e: {  	[hbm:s21], [sflag:s30] =	dma.local [spmem:s25], $0x50  }
0x36f: {  	_ =	swait.ge [sflag:s7], $0x50  }
0x370: {  	s29 =	sld [smem:$0x7E0]  }
0x371: {  	s30 =	sld [smem:$0x7F5];
	_ =	sdelay $0x1  }
0x372: {  	s10 =	sadd.s32 $0x1, s29  }
0x373: {  	p1 =	sne.s32 s10, s30  }
.Ltmp6:
0x374: {  	_ = 	snop;
	(pc) =	sbr.rel @p1 .LBB2_1-.Ltmp6, $3  }
0x375: {  	_ =	sdelay $0x1  }
0x376: {  	[sflag:s7] =	ssyncset.done $0x0  }
0x377: {  	[sflag:s7] =	ssyncadd.s32 $0xFFFFFFB0  }
0x378: {  	_ =	sfence.sel $0x180000  }
0x379: {  	[bflag:$0x0] =	sbarrier.arrive $0xFFFF  }
0x37a: {  	_ =	strace $0x90000047  }
0x37b: {  	[bflag:$0x2] =	sbarrier.arrive $0xFFFF  }
0x37c: {  	s0 =	rddreg [dreg:$0x9]  }
0x37d: {  	s0 =	sadd.s32 @!p0 $0x100000, s0  }
0x37e: {  	[sflag:s0] =	ssyncadd.tile.s32 @!p0 $0x1;
	_ =	shalt  }
.Lfunc_end2:
_tile_overlayer_lowered:
.L_overlay_start_2:
0x37f: {  	(tag) =	ssettag $0x2  }
0x380: {  	s0 =	rddreg [dreg:$0x0];
	s2 =	stileid.u32  }
0x381: {  	s1 =	rddreg [dreg:$0x1];
	p0 =	sne.s32 s2, $0x0  }
0x382: {  	s3 =	rddreg [dreg:$0x2];
	[bflag:$0x3] =	sbarrier.arrive $0xFFFF;
	s2 =	simm.s32 @!p0 $0x1C0B  }
0x383: {  	[timem:s3], [sflag:s2] =	dma.local @!p0 [hbm:s0], s1  }
0x384: {  	s0 =	simm.s32 @!p0 $0xB  }
0x385: {  	_ =	swait.ge @!p0 [sflag:s0], s1  }
0x386: {  	s1 =	ssub.s32 @!p0 $0x0, s1;
	[sflag:s0] =	ssyncset.done @!p0 $0x0  }
0x387: {  	[sflag:s0] =	ssyncadd.s32 @!p0 s1  }
0x388: {  	[bflag:$0x3] =	sbarrier.arrive $0xFFFF  }
0x389: {  	_ =	shalt  }

</sc_bundles>
